<compile_context>
chip_gen: v7x
topology: tpu7x:2x2x1
jax: 0.10.2.dev20260603
libtpu: 0.0.44.dev20260713+nightly
codegen_flags: <defaults>
</compile_context>

<pallas_src>
import functools

import jax
import jax.numpy as jnp
from jax import lax
from jax.experimental import pallas as pl
from jax.experimental.pallas import tpu as pltpu
from jax.experimental.pallas import tpu_sc as plsc

R = 128
VMIN = -3.0
VMAX = 3.0

NC, NS, L = 2, 16, 16
NW = NC * NS
V = R * R * R
TW = 16
CS = 2048
C = 2048

_SC_PARAMS = pltpu.CompilerParams(needs_layout_passes=False,
                                  use_tc_tiling_on_sc=False)


def _wid():
    return lax.axis_index("s") * NC + lax.axis_index("c")


_SLAB = CS + 136


def _build_body(src_hbm, tab_hbm, src_v, dst_v, sin, sout):
    rpw = V // NW
    base = _wid() * rpw
    nchunk = rpw // CS
    lanes = lax.iota(jnp.int32, L)

    def slab_start(a, dx, c):
        x = a // (R * R)
        yb = (a - x * R * R) // R
        xs = jnp.minimum(x + dx, R - 1)
        return pl.multiple_of(xs * (R * R * 3) + c * (R * R) + yb * R, 128)

    def stage(ci, sl):
        a = base + ci * CS
        for dx in (0, 1):
            for c in range(3):
                pltpu.async_copy(
                    src_hbm.at[pl.ds(slab_start(a, dx, c), _SLAB)],
                    src_v.at[sl, dx * 3 + c], sin.at[sl])

    def wait_stage(ci, sl):
        a = base + ci * CS
        for dx in (0, 1):
            for c in range(3):
                pltpu.make_async_copy(
                    src_hbm.at[pl.ds(slab_start(a, dx, c), _SLAB)],
                    src_v.at[sl, dx * 3 + c], sin.at[sl]).wait()

    def compute(ci, sl):
        a = base + ci * CS

        slv = jnp.full((L,), sl, jnp.int32)

        def yline(yl, _):
            for zg in range(8):
                zb = zg * L
                rows = (yl * 8 + zg) * L + lanes
                for dx in (0, 1):
                    for c in range(3):
                        s = dx * 3 + c
                        colw = jnp.full((L,), dx * 6 + c, jnp.int32)
                        for dy in (0, 1):
                            off = (yl + dy) * R + zb
                            v0 = src_v[sl, s, pl.ds(off, L)]
                            v1 = src_v[sl, s, pl.ds(off + 1, L)]
                            pair = plsc.bitcast(
                                plsc.pack(v0, v1,
                                          format=plsc.PackFormat.INTERLEAVED),
                                jnp.float32)
                            plsc.store_scatter(dst_v,
                                               [slv, rows, colw + 3 * dy],
                                               pair)
            return 0

        lax.fori_loop(0, CS // L // 8, yline, 0)
        pltpu.async_copy(dst_v.at[sl], tab_hbm.at[pl.ds(a, CS)], sout.at[sl])

    def wait_out(ci, sl):
        a = base + ci * CS
        pltpu.make_async_copy(dst_v.at[sl], tab_hbm.at[pl.ds(a, CS)],
                              sout.at[sl]).wait()

    stage(0, 0)

    def pipe_step(ci, _):
        sl = lax.rem(ci, 2)
        nsl = lax.rem(ci + 1, 2)

        @pl.when(ci + 1 < nchunk)
        def _():
            stage(ci + 1, nsl)

        wait_stage(ci, sl)

        @pl.when(ci >= 2)
        def _():
            wait_out(ci - 2, sl)

        compute(ci, sl)
        return 0

    lax.fori_loop(0, nchunk, pipe_step, 0)
    wait_out(nchunk - 2, lax.rem(nchunk - 2, 2))
    wait_out(nchunk - 1, lax.rem(nchunk - 1, 2))


def _sample_body(idx_hbm, fx_hbm, fy_hbm, fz_hbm, tab_hbm,
                 r_hbm, g_hbm, b_hbm,
                 idx_v, f_v, rows_v, out_v, sems, fsems, osems, isems, *, bpw):
    wbase = _wid() * bpw
    nchunk = bpw // C
    lanes = lax.iota(jnp.int32, L)

    def prefetch_idx(ci, sl):
        base = wbase + ci * C
        pltpu.async_copy(idx_hbm.at[pl.ds(base, C)], idx_v.at[sl],
                         isems.at[sl])

    def fire_gather(ci, sl):
        base = wbase + ci * C
        pltpu.make_async_copy(idx_hbm.at[pl.ds(base, C)], idx_v.at[sl],
                              isems.at[sl]).wait()
        pltpu.async_copy(tab_hbm.at[idx_v.at[sl]], rows_v.at[sl],
                         sems.at[sl])

    def stage_f(ci, sl):
        base = wbase + ci * C
        for ch, hbm in enumerate((fx_hbm, fy_hbm, fz_hbm)):
            pltpu.async_copy(hbm.at[pl.ds(base, C)], f_v.at[sl, ch],
                             fsems.at[sl])

    def wait_gathers(ci, sl):
        base = wbase + ci * C
        pltpu.make_async_copy(tab_hbm.at[idx_v.at[sl]],
                              rows_v.at[sl], sems.at[sl]).wait()
        for ch, hbm in enumerate((fx_hbm, fy_hbm, fz_hbm)):
            pltpu.make_async_copy(hbm.at[pl.ds(base, C)], f_v.at[sl, ch],
                                  fsems.at[sl]).wait()

    def blend_write(ci, sl):
        base = wbase + ci * C
        slv = jnp.full((L,), sl, jnp.int32)

        def blend_group(g, _):
            o = g * L
            rows = o + lanes
            fx = f_v[sl, 0, pl.ds(o, L)]
            fy = f_v[sl, 1, pl.ds(o, L)]
            fz = f_v[sl, 2, pl.ds(o, L)]
            gz = 1 - fz
            gy = 1 - fy
            gx = 1 - fx
            for c in range(3):

                def zlerp(dx, dy):
                    word = plsc.load_gather(
                        rows_v, [slv, rows,
                                 jnp.full((L,), dx * 6 + dy * 3 + c,
                                          jnp.int32)])
                    z0, z1 = plsc.unpack(
                        plsc.bitcast(word, jnp.bfloat16),
                        format=plsc.PackFormat.INTERLEAVED)
                    return z0 * gz + z1 * fz

                c0 = zlerp(0, 0) * gy + zlerp(0, 1) * fy
                c1 = zlerp(1, 0) * gy + zlerp(1, 1) * fy
                out_v[sl, c, pl.ds(o, L)] = c0 * gx + c1 * fx
            return 0

        lax.fori_loop(0, C // L, blend_group, 0)
        for ch, hbm in enumerate((r_hbm, g_hbm, b_hbm)):
            pltpu.async_copy(out_v.at[sl, ch], hbm.at[pl.ds(base, C)],
                             osems.at[sl])

    def wait_out(ci, sl):
        base = wbase + ci * C
        for ch, hbm in enumerate((r_hbm, g_hbm, b_hbm)):
            pltpu.make_async_copy(out_v.at[sl, ch], hbm.at[pl.ds(base, C)],
                                  osems.at[sl]).wait()

    prefetch_idx(0, 0)
    prefetch_idx(1, 1)
    fire_gather(0, 0)
    stage_f(0, 0)

    def pipe_step(ci, _):
        sl = lax.rem(ci, 2)
        nsl = lax.rem(ci + 1, 2)

        wait_gathers(ci, sl)

        @pl.when(ci + 1 < nchunk)
        def _():
            fire_gather(ci + 1, nsl)
            stage_f(ci + 1, nsl)

        @pl.when(ci + 2 < nchunk)
        def _():
            prefetch_idx(ci + 2, sl)

        @pl.when(ci >= 2)
        def _():
            wait_out(ci - 2, sl)

        blend_write(ci, sl)
        return 0

    lax.fori_loop(0, nchunk, pipe_step, 0)
    wait_out(nchunk - 2, lax.rem(nchunk - 2, 2))
    wait_out(nchunk - 1, lax.rem(nchunk - 1, 2))


def kernel(position, grid):
    b = position.shape[0]
    assert b % (NW * C) == 0
    bpw = b // NW
    mesh = plsc.VectorSubcoreMesh(core_axis_name="c", subcore_axis_name="s",
                                  num_cores=NC, num_subcores=NS)

    t = (position - VMIN) / (VMAX - VMIN) * (R - 1)
    t = jnp.clip(t, 0.0, R - 1 - 1e-6)
    i0 = jnp.floor(t).astype(jnp.int32)
    f = t - i0.astype(jnp.float32)
    cbase = (i0[:, 0] * R + i0[:, 1]) * R + i0[:, 2]
    fx, fy, fz = f[:, 0], f[:, 1], f[:, 2]

    gwords = jnp.concatenate(
        [jnp.transpose(grid, (0, 3, 1, 2)).reshape(-1),
         jnp.zeros((512,), jnp.float32)])

    table = pl.kernel(
        _build_body,
        out_type=jax.ShapeDtypeStruct((V, TW), jnp.float32),
        mesh=mesh,
        scratch_types=[
            pltpu.VMEM((2, 6, _SLAB), jnp.float32),
            pltpu.VMEM((2, CS, TW), jnp.float32),
            pltpu.SemaphoreType.DMA((2,)),
            pltpu.SemaphoreType.DMA((2,)),
        ],
        compiler_params=_SC_PARAMS,
    )(gwords)

    rgb = pl.kernel(
        functools.partial(_sample_body, bpw=bpw),
        out_type=[jax.ShapeDtypeStruct((b,), jnp.float32)] * 3,
        mesh=mesh,
        scratch_types=[
            pltpu.VMEM((2, C), jnp.int32),
            pltpu.VMEM((2, 3, C), jnp.float32),
            pltpu.VMEM((2, C, TW), jnp.float32),
            pltpu.VMEM((2, 3, C), jnp.float32),
            pltpu.SemaphoreType.DMA((2,)),
            pltpu.SemaphoreType.DMA((2,)),
            pltpu.SemaphoreType.DMA((2,)),
            pltpu.SemaphoreType.DMA((2,)),
        ],
        compiler_params=_SC_PARAMS,
    )(cbase, fx, fy, fz, table)

    return jnp.stack(rgb, axis=1)

# --- scband reference (transcript-rebuilt; emitter-appended) ---
"""Pipeline reference for scband-slfemitter-53455162966343 (READ-ONLY COPY).

The authoritative reference and input builder live on the scoring server;
editing this copy changes nothing except your own understanding.
"""

import jax, jax.numpy as jnp
import numpy as np

B = 2097152
R = 128
VMIN = -3.0
VMAX = 3.0


def setup_inputs(seed: int = 0) -> dict:
    key = jax.random.key(seed)
    k1, k2 = jax.random.split(key)
    position = jax.random.normal(k1, (B, 3), dtype=jnp.float32)
    # learned voxel SLF: dense 128^3 grid of diffuse rgb radiance (VoxelSLF weight)
    grid = jax.random.uniform(k2, (R, R, R, 3), dtype=jnp.float32)
    return {"position": position, "grid": grid}


def _trilinear_slf(grid, position):
    # map world position into voxel coordinates
    t = (position - VMIN) / (VMAX - VMIN) * (R - 1)
    t = jnp.clip(t, 0.0, R - 1 - 1e-6)
    i0 = jnp.floor(t).astype(jnp.int32)
    i1 = jnp.minimum(i0 + 1, R - 1)
    f = t - i0.astype(jnp.float32)
    flat = grid.reshape(R * R * R, 3)

    def g(ix, iy, iz):
        idx = (ix * R + iy) * R + iz
        return jnp.take(flat, idx, axis=0)

    x0, y0, z0 = i0[:, 0], i0[:, 1], i0[:, 2]
    x1, y1, z1 = i1[:, 0], i1[:, 1], i1[:, 2]
    fx, fy, fz = f[:, 0:1], f[:, 1:2], f[:, 2:3]

    c000 = g(x0, y0, z0)
    c001 = g(x0, y0, z1)
    c010 = g(x0, y1, z0)
    c011 = g(x0, y1, z1)
    c100 = g(x1, y0, z0)
    c101 = g(x1, y0, z1)
    c110 = g(x1, y1, z0)
    c111 = g(x1, y1, z1)

    c00 = c000 * (1 - fz) + c001 * fz
    c01 = c010 * (1 - fz) + c011 * fz
    c10 = c100 * (1 - fz) + c101 * fz
    c11 = c110 * (1 - fz) + c111 * fz
    c0 = c00 * (1 - fy) + c01 * fy
    c1 = c10 * (1 - fy) + c11 * fy
    rgb = c0 * (1 - fx) + c1 * fx
    return rgb


def reference(position, grid):
    # forward(position): Le = self.slf(position)['rgb']
    # VoxelSLF modeled as trilinearly-interpolated dense voxel rgb radiance cache.
    Le = _trilinear_slf(grid, position)
    return Le

if __name__ == "__main__":
    import jax
    _d = setup_inputs()
    print(jax.jit(kernel)(*tuple(_d.values())))

</pallas_src>

<mosaic_0001>
#map = affine_map<(d0, d1) -> (0)>
#map1 = affine_map<(d0, d1) -> (0, 0)>
module attributes {stable_mosaic.version = 14 : i64} {
  func.func @_build_body(%arg0: i32, %arg1: i32, %arg2: memref<6291968xf32, #tpu.memory_space<hbm>>, %arg3: memref<2097152x16xf32, #tpu.memory_space<hbm>>, %arg4: memref<2x6x2184xf32, #tpu.memory_space<vmem>>, %arg5: memref<2x2048x16xf32, #tpu.memory_space<vmem>>, %arg6: memref<2x!tpu.dma_semaphore, #tpu.memory_space<semaphore_mem>>, %arg7: memref<2x!tpu.dma_semaphore, #tpu.memory_space<semaphore_mem>>) attributes {dimension_semantics = [#tpu.dimension_semantics<core_parallel>, #tpu.dimension_semantics<subcore_parallel>], iteration_bounds = array<i64: 2, 16>, scalar_prefetch = 0 : i64, scratch_operands = 4 : i64, tpu.core_type = #tpu.core_type<sc_vector_subcore>, window_params = [{transform_indices = #map}, {transform_indices = #map1}]} {
    %mul3A = arith.constant 2 : i32
    %mul3A_0 = arith.muli %arg1, %mul3A : i32
    %add3A = arith.addi %mul3A_0, %arg0 : i32
    %mul3A_1 = arith.constant 65536 : i32
    %mul3A_2 = arith.muli %add3A, %mul3A_1 : i32
    %iota3A = tpu.iota {dimensions = array<i32: 0>} : vector<16xi32>
    %add3A_3 = arith.constant 0 : i32
    %add3A_4 = arith.addi %mul3A_2, %add3A_3 : i32
    %jit3A = arith.constant 16384 : i32
    %div3A = arith.divsi %add3A_4, %jit3A : i32
    %sign3A = arith.constant 0 : i32
    %sign3A_5 = arith.cmpi sgt, %add3A_4, %sign3A : i32
    %sign3A_6 = arith.extui %sign3A_5 : i1 to i32
    %sign3A_7 = arith.constant 0 : i32
    %sign3A_8 = arith.cmpi slt, %add3A_4, %sign3A_7 : i32
    %sign3A_9 = arith.extui %sign3A_8 : i1 to i32
    %sign3A_10 = arith.subi %sign3A_6, %sign3A_9 : i32
    %sign3A_11 = arith.constant 0 : i32
    %sign3A_12 = arith.cmpi sgt, %jit3A, %sign3A_11 : i32
    %sign3A_13 = arith.extui %sign3A_12 : i1 to i32
    %sign3A_14 = arith.constant 0 : i32
    %sign3A_15 = arith.cmpi slt, %jit3A, %sign3A_14 : i32
    %sign3A_16 = arith.extui %sign3A_15 : i1 to i32
    %sign3A_17 = arith.subi %sign3A_13, %sign3A_16 : i32
    %ne3A = arith.cmpi ne, %sign3A_10, %sign3A_17 : i32
    %rem3A = arith.remsi %add3A_4, %jit3A : i32
    %ne3A_18 = arith.constant 0 : i32
    %ne3A_19 = arith.cmpi ne, %rem3A, %ne3A_18 : i32
    %and3A = arith.andi %ne3A, %ne3A_19 : i1
    %sub3A = arith.constant 1 : i32
    %sub3A_20 = arith.subi %div3A, %sub3A : i32
    %select_n3A = arith.select %and3A, %sub3A_20, %div3A : i32
    %mul3A_21 = arith.constant 128 : i32
    %mul3A_22 = arith.muli %select_n3A, %mul3A_21 : i32
    %mul3A_23 = arith.constant 128 : i32
    %mul3A_24 = arith.muli %mul3A_22, %mul3A_23 : i32
    %sub3A_25 = arith.subi %add3A_4, %mul3A_24 : i32
    %jit3A_26 = arith.constant 128 : i32
    %div3A_27 = arith.divsi %sub3A_25, %jit3A_26 : i32
    %sign3A_28 = arith.constant 0 : i32
    %sign3A_29 = arith.cmpi sgt, %sub3A_25, %sign3A_28 : i32
    %sign3A_30 = arith.extui %sign3A_29 : i1 to i32
    %sign3A_31 = arith.constant 0 : i32
    %sign3A_32 = arith.cmpi slt, %sub3A_25, %sign3A_31 : i32
    %sign3A_33 = arith.extui %sign3A_32 : i1 to i32
    %sign3A_34 = arith.subi %sign3A_30, %sign3A_33 : i32
    %sign3A_35 = arith.constant 0 : i32
    %sign3A_36 = arith.cmpi sgt, %jit3A_26, %sign3A_35 : i32
    %sign3A_37 = arith.extui %sign3A_36 : i1 to i32
    %sign3A_38 = arith.constant 0 : i32
    %sign3A_39 = arith.cmpi slt, %jit3A_26, %sign3A_38 : i32
    %sign3A_40 = arith.extui %sign3A_39 : i1 to i32
    %sign3A_41 = arith.subi %sign3A_37, %sign3A_40 : i32
    %ne3A_42 = arith.cmpi ne, %sign3A_34, %sign3A_41 : i32
    %rem3A_43 = arith.remsi %sub3A_25, %jit3A_26 : i32
    %ne3A_44 = arith.constant 0 : i32
    %ne3A_45 = arith.cmpi ne, %rem3A_43, %ne3A_44 : i32
    %and3A_46 = arith.andi %ne3A_42, %ne3A_45 : i1
    %sub3A_47 = arith.constant 1 : i32
    %sub3A_48 = arith.subi %div3A_27, %sub3A_47 : i32
    %select_n3A_49 = arith.select %and3A_46, %sub3A_48, %div3A_27 : i32
    %add3A_50 = arith.constant 0 : i32
    %add3A_51 = arith.addi %select_n3A, %add3A_50 : i32
    %min3A = arith.constant 127 : i32
    %min3A_52 = arith.minsi %add3A_51, %min3A : i32
    %mul3A_53 = arith.constant 49152 : i32
    %mul3A_54 = arith.muli %min3A_52, %mul3A_53 : i32
    %add3A_55 = arith.constant 0 : i32
    %add3A_56 = arith.addi %mul3A_54, %add3A_55 : i32
    %mul3A_57 = arith.constant 128 : i32
    %mul3A_58 = arith.muli %select_n3A_49, %mul3A_57 : i32
    %add3A_59 = arith.addi %add3A_56, %mul3A_58 : i32
    %multiple_of3A = tpu.assume_multiple %add3A_59, 128 : i32
    %dma_start3A = arith.constant 0 : i32
    %dma_start3A_60 = arith.constant 0 : i32
    %dma_start3A_61 = arith.constant 0 : i32
    %dma_start3A_62 = arith.constant 0 : i32
    %dma_start3A_63 = tpu.memref_slice %arg4[%dma_start3A, %dma_start3A_60, %dma_start3A_62] : memref<2x6x2184xf32, #tpu.memory_space<vmem>> -> memref<1x1x2184xf32, #tpu.memory_space<vmem>>
    %dma_start3A_64 = tpu.memref_squeeze %dma_start3A_63 : memref<1x1x2184xf32, #tpu.memory_space<vmem>> -> memref<2184xf32, #tpu.memory_space<vmem>>
    %dma_start3A_65 = tpu.memref_slice %arg2[%multiple_of3A] : memref<6291968xf32, #tpu.memory_space<hbm>> -> memref<2184xf32, #tpu.memory_space<hbm>>
    %dma_start3A_66 = tpu.memref_slice %arg6[%dma_start3A_61] : memref<2x!tpu.dma_semaphore, #tpu.memory_space<semaphore_mem>> -> memref<1x!tpu.dma_semaphore, #tpu.memory_space<semaphore_mem>>
    %dma_start3A_67 = tpu.memref_squeeze %dma_start3A_66 : memref<1x!tpu.dma_semaphore, #tpu.memory_space<semaphore_mem>> -> memref<!tpu.dma_semaphore, #tpu.memory_space<semaphore_mem>>
    %dma_start3A_68 = arith.constant 0 : i32
    %dma_start3A_69 = tpu.memref_slice %arg4[%dma_start3A, %dma_start3A_60, %dma_start3A_68] : memref<2x6x2184xf32, #tpu.memory_space<vmem>> -> memref<1x1x2184xf32, #tpu.memory_space<vmem>>
    %dma_start3A_70 = tpu.memref_squeeze %dma_start3A_69 : memref<1x1x2184xf32, #tpu.memory_space<vmem>> -> memref<2184xf32, #tpu.memory_space<vmem>>
    %dma_start3A_71 = tpu.memref_slice %arg2[%multiple_of3A] : memref<6291968xf32, #tpu.memory_space<hbm>> -> memref<2184xf32, #tpu.memory_space<hbm>>
    tpu.enqueue_dma source(%dma_start3A_71 : memref<2184xf32, #tpu.memory_space<hbm>>) target(%dma_start3A_70 : memref<2184xf32, #tpu.memory_space<vmem>>) target_semaphore(%dma_start3A_67 : memref<!tpu.dma_semaphore, #tpu.memory_space<semaphore_mem>>)
    %jit3A_72 = arith.constant 16384 : i32
    %div3A_73 = arith.divsi %add3A_4, %jit3A_72 : i32
    %sign3A_74 = arith.constant 0 : i32
    %sign3A_75 = arith.cmpi sgt, %add3A_4, %sign3A_74 : i32
    %sign3A_76 = arith.extui %sign3A_75 : i1 to i32
    %sign3A_77 = arith.constant 0 : i32
    %sign3A_78 = arith.cmpi slt, %add3A_4, %sign3A_77 : i32
    %sign3A_79 = arith.extui %sign3A_78 : i1 to i32
    %sign3A_80 = arith.subi %sign3A_76, %sign3A_79 : i32
    %sign3A_81 = arith.constant 0 : i32
    %sign3A_82 = arith.cmpi sgt, %jit3A_72, %sign3A_81 : i32
    %sign3A_83 = arith.extui %sign3A_82 : i1 to i32
    %sign3A_84 = arith.constant 0 : i32
    %sign3A_85 = arith.cmpi slt, %jit3A_72, %sign3A_84 : i32
    %sign3A_86 = arith.extui %sign3A_85 : i1 to i32
    %sign3A_87 = arith.subi %sign3A_83, %sign3A_86 : i32
    %ne3A_88 = arith.cmpi ne, %sign3A_80, %sign3A_87 : i32
    %rem3A_89 = arith.remsi %add3A_4, %jit3A_72 : i32
    %ne3A_90 = arith.constant 0 : i32
    %ne3A_91 = arith.cmpi ne, %rem3A_89, %ne3A_90 : i32
    %and3A_92 = arith.andi %ne3A_88, %ne3A_91 : i1
    %sub3A_93 = arith.constant 1 : i32
    %sub3A_94 = arith.subi %div3A_73, %sub3A_93 : i32
    %select_n3A_95 = arith.select %and3A_92, %sub3A_94, %div3A_73 : i32
    %mul3A_96 = arith.constant 128 : i32
    %mul3A_97 = arith.muli %select_n3A_95, %mul3A_96 : i32
    %mul3A_98 = arith.constant 128 : i32
    %mul3A_99 = arith.muli %mul3A_97, %mul3A_98 : i32
    %sub3A_100 = arith.subi %add3A_4, %mul3A_99 : i32
    %jit3A_101 = arith.constant 128 : i32
    %div3A_102 = arith.divsi %sub3A_100, %jit3A_101 : i32
    %sign3A_103 = arith.constant 0 : i32
    %sign3A_104 = arith.cmpi sgt, %sub3A_100, %sign3A_103 : i32
    %sign3A_105 = arith.extui %sign3A_104 : i1 to i32
    %sign3A_106 = arith.constant 0 : i32
    %sign3A_107 = arith.cmpi slt, %sub3A_100, %sign3A_106 : i32
    %sign3A_108 = arith.extui %sign3A_107 : i1 to i32
    %sign3A_109 = arith.subi %sign3A_105, %sign3A_108 : i32
    %sign3A_110 = arith.constant 0 : i32
    %sign3A_111 = arith.cmpi sgt, %jit3A_101, %sign3A_110 : i32
    %sign3A_112 = arith.extui %sign3A_111 : i1 to i32
    %sign3A_113 = arith.constant 0 : i32
    %sign3A_114 = arith.cmpi slt, %jit3A_101, %sign3A_113 : i32
    %sign3A_115 = arith.extui %sign3A_114 : i1 to i32
    %sign3A_116 = arith.subi %sign3A_112, %sign3A_115 : i32
    %ne3A_117 = arith.cmpi ne, %sign3A_109, %sign3A_116 : i32
    %rem3A_118 = arith.remsi %sub3A_100, %jit3A_101 : i32
    %ne3A_119 = arith.constant 0 : i32
    %ne3A_120 = arith.cmpi ne, %rem3A_118, %ne3A_119 : i32
    %and3A_121 = arith.andi %ne3A_117, %ne3A_120 : i1
    %sub3A_122 = arith.constant 1 : i32
    %sub3A_123 = arith.subi %div3A_102, %sub3A_122 : i32
    %select_n3A_124 = arith.select %and3A_121, %sub3A_123, %div3A_102 : i32
    %add3A_125 = arith.constant 0 : i32
    %add3A_126 = arith.addi %select_n3A_95, %add3A_125 : i32
    %min3A_127 = arith.constant 127 : i32
    %min3A_128 = arith.minsi %add3A_126, %min3A_127 : i32
    %mul3A_129 = arith.constant 49152 : i32
    %mul3A_130 = arith.muli %min3A_128, %mul3A_129 : i32
    %add3A_131 = arith.constant 16384 : i32
    %add3A_132 = arith.addi %mul3A_130, %add3A_131 : i32
    %mul3A_133 = arith.constant 128 : i32
    %mul3A_134 = arith.muli %select_n3A_124, %mul3A_133 : i32
    %add3A_135 = arith.addi %add3A_132, %mul3A_134 : i32
    %multiple_of3A_136 = tpu.assume_multiple %add3A_135, 128 : i32
    %dma_start3A_137 = arith.constant 0 : i32
    %dma_start3A_138 = arith.constant 1 : i32
    %dma_start3A_139 = arith.constant 0 : i32
    %dma_start3A_140 = arith.constant 0 : i32
    %dma_start3A_141 = tpu.memref_slice %arg4[%dma_start3A_137, %dma_start3A_138, %dma_start3A_140] : memref<2x6x2184xf32, #tpu.memory_space<vmem>> -> memref<1x1x2184xf32, #tpu.memory_space<vmem>>
    %dma_start3A_142 = tpu.memref_squeeze %dma_start3A_141 : memref<1x1x2184xf32, #tpu.memory_space<vmem>> -> memref<2184xf32, #tpu.memory_space<vmem>>
    %dma_start3A_143 = tpu.memref_slice %arg2[%multiple_of3A_136] : memref<6291968xf32, #tpu.memory_space<hbm>> -> memref<2184xf32, #tpu.memory_space<hbm>>
    %dma_start3A_144 = tpu.memref_slice %arg6[%dma_start3A_139] : memref<2x!tpu.dma_semaphore, #tpu.memory_space<semaphore_mem>> -> memref<1x!tpu.dma_semaphore, #tpu.memory_space<semaphore_mem>>
    %dma_start3A_145 = tpu.memref_squeeze %dma_start3A_144 : memref<1x!tpu.dma_semaphore, #tpu.memory_space<semaphore_mem>> -> memref<!tpu.dma_semaphore, #tpu.memory_space<semaphore_mem>>
    %dma_start3A_146 = arith.constant 0 : i32
    %dma_start3A_147 = tpu.memref_slice %arg4[%dma_start3A_137, %dma_start3A_138, %dma_start3A_146] : memref<2x6x2184xf32, #tpu.memory_space<vmem>> -> memref<1x1x2184xf32, #tpu.memory_space<vmem>>
    %dma_start3A_148 = tpu.memref_squeeze %dma_start3A_147 : memref<1x1x2184xf32, #tpu.memory_space<vmem>> -> memref<2184xf32, #tpu.memory_space<vmem>>
    %dma_start3A_149 = tpu.memref_slice %arg2[%multiple_of3A_136] : memref<6291968xf32, #tpu.memory_space<hbm>> -> memref<2184xf32, #tpu.memory_space<hbm>>
    tpu.enqueue_dma source(%dma_start3A_149 : memref<2184xf32, #tpu.memory_space<hbm>>) target(%dma_start3A_148 : memref<2184xf32, #tpu.memory_space<vmem>>) target_semaphore(%dma_start3A_145 : memref<!tpu.dma_semaphore, #tpu.memory_space<semaphore_mem>>)
    %jit3A_150 = arith.constant 16384 : i32
    %div3A_151 = arith.divsi %add3A_4, %jit3A_150 : i32
    %sign3A_152 = arith.constant 0 : i32
    %sign3A_153 = arith.cmpi sgt, %add3A_4, %sign3A_152 : i32
    %sign3A_154 = arith.extui %sign3A_153 : i1 to i32
    %sign3A_155 = arith.constant 0 : i32
    %sign3A_156 = arith.cmpi slt, %add3A_4, %sign3A_155 : i32
    %sign3A_157 = arith.extui %sign3A_156 : i1 to i32
    %sign3A_158 = arith.subi %sign3A_154, %sign3A_157 : i32
    %sign3A_159 = arith.constant 0 : i32
    %sign3A_160 = arith.cmpi sgt, %jit3A_150, %sign3A_159 : i32
    %sign3A_161 = arith.extui %sign3A_160 : i1 to i32
    %sign3A_162 = arith.constant 0 : i32
    %sign3A_163 = arith.cmpi slt, %jit3A_150, %sign3A_162 : i32
    %sign3A_164 = arith.extui %sign3A_163 : i1 to i32
    %sign3A_165 = arith.subi %sign3A_161, %sign3A_164 : i32
    %ne3A_166 = arith.cmpi ne, %sign3A_158, %sign3A_165 : i32
    %rem3A_167 = arith.remsi %add3A_4, %jit3A_150 : i32
    %ne3A_168 = arith.constant 0 : i32
    %ne3A_169 = arith.cmpi ne, %rem3A_167, %ne3A_168 : i32
    %and3A_170 = arith.andi %ne3A_166, %ne3A_169 : i1
    %sub3A_171 = arith.constant 1 : i32
    %sub3A_172 = arith.subi %div3A_151, %sub3A_171 : i32
    %select_n3A_173 = arith.select %and3A_170, %sub3A_172, %div3A_151 : i32
    %mul3A_174 = arith.constant 128 : i32
    %mul3A_175 = arith.muli %select_n3A_173, %mul3A_174 : i32
    %mul3A_176 = arith.constant 128 : i32
    %mul3A_177 = arith.muli %mul3A_175, %mul3A_176 : i32
    %sub3A_178 = arith.subi %add3A_4, %mul3A_177 : i32
    %jit3A_179 = arith.constant 128 : i32
    %div3A_180 = arith.divsi %sub3A_178, %jit3A_179 : i32
    %sign3A_181 = arith.constant 0 : i32
    %sign3A_182 = arith.cmpi sgt, %sub3A_178, %sign3A_181 : i32
    %sign3A_183 = arith.extui %sign3A_182 : i1 to i32
    %sign3A_184 = arith.constant 0 : i32
    %sign3A_185 = arith.cmpi slt, %sub3A_178, %sign3A_184 : i32
    %sign3A_186 = arith.extui %sign3A_185 : i1 to i32
    %sign3A_187 = arith.subi %sign3A_183, %sign3A_186 : i32
    %sign3A_188 = arith.constant 0 : i32
    %sign3A_189 = arith.cmpi sgt, %jit3A_179, %sign3A_188 : i32
    %sign3A_190 = arith.extui %sign3A_189 : i1 to i32
    %sign3A_191 = arith.constant 0 : i32
    %sign3A_192 = arith.cmpi slt, %jit3A_179, %sign3A_191 : i32
    %sign3A_193 = arith.extui %sign3A_192 : i1 to i32
    %sign3A_194 = arith.subi %sign3A_190, %sign3A_193 : i32
    %ne3A_195 = arith.cmpi ne, %sign3A_187, %sign3A_194 : i32
    %rem3A_196 = arith.remsi %sub3A_178, %jit3A_179 : i32
    %ne3A_197 = arith.constant 0 : i32
    %ne3A_198 = arith.cmpi ne, %rem3A_196, %ne3A_197 : i32
    %and3A_199 = arith.andi %ne3A_195, %ne3A_198 : i1
    %sub3A_200 = arith.constant 1 : i32
    %sub3A_201 = arith.subi %div3A_180, %sub3A_200 : i32
    %select_n3A_202 = arith.select %and3A_199, %sub3A_201, %div3A_180 : i32
    %add3A_203 = arith.constant 0 : i32
    %add3A_204 = arith.addi %select_n3A_173, %add3A_203 : i32
    %min3A_205 = arith.constant 127 : i32
    %min3A_206 = arith.minsi %add3A_204, %min3A_205 : i32
    %mul3A_207 = arith.constant 49152 : i32
    %mul3A_208 = arith.muli %min3A_206, %mul3A_207 : i32
    %add3A_209 = arith.constant 32768 : i32
    %add3A_210 = arith.addi %mul3A_208, %add3A_209 : i32
    %mul3A_211 = arith.constant 128 : i32
    %mul3A_212 = arith.muli %select_n3A_202, %mul3A_211 : i32
    %add3A_213 = arith.addi %add3A_210, %mul3A_212 : i32
    %multiple_of3A_214 = tpu.assume_multiple %add3A_213, 128 : i32
    %dma_start3A_215 = arith.constant 0 : i32
    %dma_start3A_216 = arith.constant 2 : i32
    %dma_start3A_217 = arith.constant 0 : i32
    %dma_start3A_218 = arith.constant 0 : i32
    %dma_start3A_219 = tpu.memref_slice %arg4[%dma_start3A_215, %dma_start3A_216, %dma_start3A_218] : memref<2x6x2184xf32, #tpu.memory_space<vmem>> -> memref<1x1x2184xf32, #tpu.memory_space<vmem>>
    %dma_start3A_220 = tpu.memref_squeeze %dma_start3A_219 : memref<1x1x2184xf32, #tpu.memory_space<vmem>> -> memref<2184xf32, #tpu.memory_space<vmem>>
    %dma_start3A_221 = tpu.memref_slice %arg2[%multiple_of3A_214] : memref<6291968xf32, #tpu.memory_space<hbm>> -> memref<2184xf32, #tpu.memory_space<hbm>>
    %dma_start3A_222 = tpu.memref_slice %arg6[%dma_start3A_217] : memref<2x!tpu.dma_semaphore, #tpu.memory_space<semaphore_mem>> -> memref<1x!tpu.dma_semaphore, #tpu.memory_space<semaphore_mem>>
    %dma_start3A_223 = tpu.memref_squeeze %dma_start3A_222 : memref<1x!tpu.dma_semaphore, #tpu.memory_space<semaphore_mem>> -> memref<!tpu.dma_semaphore, #tpu.memory_space<semaphore_mem>>
    %dma_start3A_224 = arith.constant 0 : i32
    %dma_start3A_225 = tpu.memref_slice %arg4[%dma_start3A_215, %dma_start3A_216, %dma_start3A_224] : memref<2x6x2184xf32, #tpu.memory_space<vmem>> -> memref<1x1x2184xf32, #tpu.memory_space<vmem>>
    %dma_start3A_226 = tpu.memref_squeeze %dma_start3A_225 : memref<1x1x2184xf32, #tpu.memory_space<vmem>> -> memref<2184xf32, #tpu.memory_space<vmem>>
    %dma_start3A_227 = tpu.memref_slice %arg2[%multiple_of3A_214] : memref<6291968xf32, #tpu.memory_space<hbm>> -> memref<2184xf32, #tpu.memory_space<hbm>>
    tpu.enqueue_dma source(%dma_start3A_227 : memref<2184xf32, #tpu.memory_space<hbm>>) target(%dma_start3A_226 : memref<2184xf32, #tpu.memory_space<vmem>>) target_semaphore(%dma_start3A_223 : memref<!tpu.dma_semaphore, #tpu.memory_space<semaphore_mem>>)
    %jit3A_228 = arith.constant 16384 : i32
    %div3A_229 = arith.divsi %add3A_4, %jit3A_228 : i32
    %sign3A_230 = arith.constant 0 : i32
    %sign3A_231 = arith.cmpi sgt, %add3A_4, %sign3A_230 : i32
    %sign3A_232 = arith.extui %sign3A_231 : i1 to i32
    %sign3A_233 = arith.constant 0 : i32
    %sign3A_234 = arith.cmpi slt, %add3A_4, %sign3A_233 : i32
    %sign3A_235 = arith.extui %sign3A_234 : i1 to i32
    %sign3A_236 = arith.subi %sign3A_232, %sign3A_235 : i32
    %sign3A_237 = arith.constant 0 : i32
    %sign3A_238 = arith.cmpi sgt, %jit3A_228, %sign3A_237 : i32
    %sign3A_239 = arith.extui %sign3A_238 : i1 to i32
    %sign3A_240 = arith.constant 0 : i32
    %sign3A_241 = arith.cmpi slt, %jit3A_228, %sign3A_240 : i32
    %sign3A_242 = arith.extui %sign3A_241 : i1 to i32
    %sign3A_243 = arith.subi %sign3A_239, %sign3A_242 : i32
    %ne3A_244 = arith.cmpi ne, %sign3A_236, %sign3A_243 : i32
    %rem3A_245 = arith.remsi %add3A_4, %jit3A_228 : i32
    %ne3A_246 = arith.constant 0 : i32
    %ne3A_247 = arith.cmpi ne, %rem3A_245, %ne3A_246 : i32
    %and3A_248 = arith.andi %ne3A_244, %ne3A_247 : i1
    %sub3A_249 = arith.constant 1 : i32
    %sub3A_250 = arith.subi %div3A_229, %sub3A_249 : i32
    %select_n3A_251 = arith.select %and3A_248, %sub3A_250, %div3A_229 : i32
    %mul3A_252 = arith.constant 128 : i32
    %mul3A_253 = arith.muli %select_n3A_251, %mul3A_252 : i32
    %mul3A_254 = arith.constant 128 : i32
    %mul3A_255 = arith.muli %mul3A_253, %mul3A_254 : i32
    %sub3A_256 = arith.subi %add3A_4, %mul3A_255 : i32
    %jit3A_257 = arith.constant 128 : i32
    %div3A_258 = arith.divsi %sub3A_256, %jit3A_257 : i32
    %sign3A_259 = arith.constant 0 : i32
    %sign3A_260 = arith.cmpi sgt, %sub3A_256, %sign3A_259 : i32
    %sign3A_261 = arith.extui %sign3A_260 : i1 to i32
    %sign3A_262 = arith.constant 0 : i32
    %sign3A_263 = arith.cmpi slt, %sub3A_256, %sign3A_262 : i32
    %sign3A_264 = arith.extui %sign3A_263 : i1 to i32
    %sign3A_265 = arith.subi %sign3A_261, %sign3A_264 : i32
    %sign3A_266 = arith.constant 0 : i32
    %sign3A_267 = arith.cmpi sgt, %jit3A_257, %sign3A_266 : i32
    %sign3A_268 = arith.extui %sign3A_267 : i1 to i32
    %sign3A_269 = arith.constant 0 : i32
    %sign3A_270 = arith.cmpi slt, %jit3A_257, %sign3A_269 : i32
    %sign3A_271 = arith.extui %sign3A_270 : i1 to i32
    %sign3A_272 = arith.subi %sign3A_268, %sign3A_271 : i32
    %ne3A_273 = arith.cmpi ne, %sign3A_265, %sign3A_272 : i32
    %rem3A_274 = arith.remsi %sub3A_256, %jit3A_257 : i32
    %ne3A_275 = arith.constant 0 : i32
    %ne3A_276 = arith.cmpi ne, %rem3A_274, %ne3A_275 : i32
    %and3A_277 = arith.andi %ne3A_273, %ne3A_276 : i1
    %sub3A_278 = arith.constant 1 : i32
    %sub3A_279 = arith.subi %div3A_258, %sub3A_278 : i32
    %select_n3A_280 = arith.select %and3A_277, %sub3A_279, %div3A_258 : i32
    %add3A_281 = arith.constant 1 : i32
    %add3A_282 = arith.addi %select_n3A_251, %add3A_281 : i32
    %min3A_283 = arith.constant 127 : i32
    %min3A_284 = arith.minsi %add3A_282, %min3A_283 : i32
    %mul3A_285 = arith.constant 49152 : i32
    %mul3A_286 = arith.muli %min3A_284, %mul3A_285 : i32
    %add3A_287 = arith.constant 0 : i32
    %add3A_288 = arith.addi %mul3A_286, %add3A_287 : i32
    %mul3A_289 = arith.constant 128 : i32
    %mul3A_290 = arith.muli %select_n3A_280, %mul3A_289 : i32
    %add3A_291 = arith.addi %add3A_288, %mul3A_290 : i32
    %multiple_of3A_292 = tpu.assume_multiple %add3A_291, 128 : i32
    %dma_start3A_293 = arith.constant 0 : i32
    %dma_start3A_294 = arith.constant 3 : i32
    %dma_start3A_295 = arith.constant 0 : i32
    %dma_start3A_296 = arith.constant 0 : i32
    %dma_start3A_297 = tpu.memref_slice %arg4[%dma_start3A_293, %dma_start3A_294, %dma_start3A_296] : memref<2x6x2184xf32, #tpu.memory_space<vmem>> -> memref<1x1x2184xf32, #tpu.memory_space<vmem>>
    %dma_start3A_298 = tpu.memref_squeeze %dma_start3A_297 : memref<1x1x2184xf32, #tpu.memory_space<vmem>> -> memref<2184xf32, #tpu.memory_space<vmem>>
    %dma_start3A_299 = tpu.memref_slice %arg2[%multiple_of3A_292] : memref<6291968xf32, #tpu.memory_space<hbm>> -> memref<2184xf32, #tpu.memory_space<hbm>>
    %dma_start3A_300 = tpu.memref_slice %arg6[%dma_start3A_295] : memref<2x!tpu.dma_semaphore, #tpu.memory_space<semaphore_mem>> -> memref<1x!tpu.dma_semaphore, #tpu.memory_space<semaphore_mem>>
    %dma_start3A_301 = tpu.memref_squeeze %dma_start3A_300 : memref<1x!tpu.dma_semaphore, #tpu.memory_space<semaphore_mem>> -> memref<!tpu.dma_semaphore, #tpu.memory_space<semaphore_mem>>
    %dma_start3A_302 = arith.constant 0 : i32
    %dma_start3A_303 = tpu.memref_slice %arg4[%dma_start3A_293, %dma_start3A_294, %dma_start3A_302] : memref<2x6x2184xf32, #tpu.memory_space<vmem>> -> memref<1x1x2184xf32, #tpu.memory_space<vmem>>
    %dma_start3A_304 = tpu.memref_squeeze %dma_start3A_303 : memref<1x1x2184xf32, #tpu.memory_space<vmem>> -> memref<2184xf32, #tpu.memory_space<vmem>>
    %dma_start3A_305 = tpu.memref_slice %arg2[%multiple_of3A_292] : memref<6291968xf32, #tpu.memory_space<hbm>> -> memref<2184xf32, #tpu.memory_space<hbm>>
    tpu.enqueue_dma source(%dma_start3A_305 : memref<2184xf32, #tpu.memory_space<hbm>>) target(%dma_start3A_304 : memref<2184xf32, #tpu.memory_space<vmem>>) target_semaphore(%dma_start3A_301 : memref<!tpu.dma_semaphore, #tpu.memory_space<semaphore_mem>>)
    %jit3A_306 = arith.constant 16384 : i32
    %div3A_307 = arith.divsi %add3A_4, %jit3A_306 : i32
    %sign3A_308 = arith.constant 0 : i32
    %sign3A_309 = arith.cmpi sgt, %add3A_4, %sign3A_308 : i32
    %sign3A_310 = arith.extui %sign3A_309 : i1 to i32
    %sign3A_311 = arith.constant 0 : i32
    %sign3A_312 = arith.cmpi slt, %add3A_4, %sign3A_311 : i32
    %sign3A_313 = arith.extui %sign3A_312 : i1 to i32
    %sign3A_314 = arith.subi %sign3A_310, %sign3A_313 : i32
    %sign3A_315 = arith.constant 0 : i32
    %sign3A_316 = arith.cmpi sgt, %jit3A_306, %sign3A_315 : i32
    %sign3A_317 = arith.extui %sign3A_316 : i1 to i32
    %sign3A_318 = arith.constant 0 : i32
    %sign3A_319 = arith.cmpi slt, %jit3A_306, %sign3A_318 : i32
    %sign3A_320 = arith.extui %sign3A_319 : i1 to i32
    %sign3A_321 = arith.subi %sign3A_317, %sign3A_320 : i32
    %ne3A_322 = arith.cmpi ne, %sign3A_314, %sign3A_321 : i32
    %rem3A_323 = arith.remsi %add3A_4, %jit3A_306 : i32
    %ne3A_324 = arith.constant 0 : i32
    %ne3A_325 = arith.cmpi ne, %rem3A_323, %ne3A_324 : i32
    %and3A_326 = arith.andi %ne3A_322, %ne3A_325 : i1
    %sub3A_327 = arith.constant 1 : i32
    %sub3A_328 = arith.subi %div3A_307, %sub3A_327 : i32
    %select_n3A_329 = arith.select %and3A_326, %sub3A_328, %div3A_307 : i32
    %mul3A_330 = arith.constant 128 : i32
    %mul3A_331 = arith.muli %select_n3A_329, %mul3A_330 : i32
    %mul3A_332 = arith.constant 128 : i32
    %mul3A_333 = arith.muli %mul3A_331, %mul3A_332 : i32
    %sub3A_334 = arith.subi %add3A_4, %mul3A_333 : i32
    %jit3A_335 = arith.constant 128 : i32
    %div3A_336 = arith.divsi %sub3A_334, %jit3A_335 : i32
    %sign3A_337 = arith.constant 0 : i32
    %sign3A_338 = arith.cmpi sgt, %sub3A_334, %sign3A_337 : i32
    %sign3A_339 = arith.extui %sign3A_338 : i1 to i32
    %sign3A_340 = arith.constant 0 : i32
    %sign3A_341 = arith.cmpi slt, %sub3A_334, %sign3A_340 : i32
    %sign3A_342 = arith.extui %sign3A_341 : i1 to i32
    %sign3A_343 = arith.subi %sign3A_339, %sign3A_342 : i32
    %sign3A_344 = arith.constant 0 : i32
    %sign3A_345 = arith.cmpi sgt, %jit3A_335, %sign3A_344 : i32
    %sign3A_346 = arith.extui %sign3A_345 : i1 to i32
    %sign3A_347 = arith.constant 0 : i32
    %sign3A_348 = arith.cmpi slt, %jit3A_335, %sign3A_347 : i32
    %sign3A_349 = arith.extui %sign3A_348 : i1 to i32
    %sign3A_350 = arith.subi %sign3A_346, %sign3A_349 : i32
    %ne3A_351 = arith.cmpi ne, %sign3A_343, %sign3A_350 : i32
    %rem3A_352 = arith.remsi %sub3A_334, %jit3A_335 : i32
    %ne3A_353 = arith.constant 0 : i32
    %ne3A_354 = arith.cmpi ne, %rem3A_352, %ne3A_353 : i32
    %and3A_355 = arith.andi %ne3A_351, %ne3A_354 : i1
    %sub3A_356 = arith.constant 1 : i32
    %sub3A_357 = arith.subi %div3A_336, %sub3A_356 : i32
    %select_n3A_358 = arith.select %and3A_355, %sub3A_357, %div3A_336 : i32
    %add3A_359 = arith.constant 1 : i32
    %add3A_360 = arith.addi %select_n3A_329, %add3A_359 : i32
    %min3A_361 = arith.constant 127 : i32
    %min3A_362 = arith.minsi %add3A_360, %min3A_361 : i32
    %mul3A_363 = arith.constant 49152 : i32
    %mul3A_364 = arith.muli %min3A_362, %mul3A_363 : i32
    %add3A_365 = arith.constant 16384 : i32
    %add3A_366 = arith.addi %mul3A_364, %add3A_365 : i32
    %mul3A_367 = arith.constant 128 : i32
    %mul3A_368 = arith.muli %select_n3A_358, %mul3A_367 : i32
    %add3A_369 = arith.addi %add3A_366, %mul3A_368 : i32
    %multiple_of3A_370 = tpu.assume_multiple %add3A_369, 128 : i32
    %dma_start3A_371 = arith.constant 0 : i32
    %dma_start3A_372 = arith.constant 4 : i32
    %dma_start3A_373 = arith.constant 0 : i32
    %dma_start3A_374 = arith.constant 0 : i32
    %dma_start3A_375 = tpu.memref_slice %arg4[%dma_start3A_371, %dma_start3A_372, %dma_start3A_374] : memref<2x6x2184xf32, #tpu.memory_space<vmem>> -> memref<1x1x2184xf32, #tpu.memory_space<vmem>>
    %dma_start3A_376 = tpu.memref_squeeze %dma_start3A_375 : memref<1x1x2184xf32, #tpu.memory_space<vmem>> -> memref<2184xf32, #tpu.memory_space<vmem>>
    %dma_start3A_377 = tpu.memref_slice %arg2[%multiple_of3A_370] : memref<6291968xf32, #tpu.memory_space<hbm>> -> memref<2184xf32, #tpu.memory_space<hbm>>
    %dma_start3A_378 = tpu.memref_slice %arg6[%dma_start3A_373] : memref<2x!tpu.dma_semaphore, #tpu.memory_space<semaphore_mem>> -> memref<1x!tpu.dma_semaphore, #tpu.memory_space<semaphore_mem>>
    %dma_start3A_379 = tpu.memref_squeeze %dma_start3A_378 : memref<1x!tpu.dma_semaphore, #tpu.memory_space<semaphore_mem>> -> memref<!tpu.dma_semaphore, #tpu.memory_space<semaphore_mem>>
    %dma_start3A_380 = arith.constant 0 : i32
    %dma_start3A_381 = tpu.memref_slice %arg4[%dma_start3A_371, %dma_start3A_372, %dma_start3A_380] : memref<2x6x2184xf32, #tpu.memory_space<vmem>> -> memref<1x1x2184xf32, #tpu.memory_space<vmem>>
    %dma_start3A_382 = tpu.memref_squeeze %dma_start3A_381 : memref<1x1x2184xf32, #tpu.memory_space<vmem>> -> memref<2184xf32, #tpu.memory_space<vmem>>
    %dma_start3A_383 = tpu.memref_slice %arg2[%multiple_of3A_370] : memref<6291968xf32, #tpu.memory_space<hbm>> -> memref<2184xf32, #tpu.memory_space<hbm>>
    tpu.enqueue_dma source(%dma_start3A_383 : memref<2184xf32, #tpu.memory_space<hbm>>) target(%dma_start3A_382 : memref<2184xf32, #tpu.memory_space<vmem>>) target_semaphore(%dma_start3A_379 : memref<!tpu.dma_semaphore, #tpu.memory_space<semaphore_mem>>)
    %jit3A_384 = arith.constant 16384 : i32
    %div3A_385 = arith.divsi %add3A_4, %jit3A_384 : i32
    %sign3A_386 = arith.constant 0 : i32
    %sign3A_387 = arith.cmpi sgt, %add3A_4, %sign3A_386 : i32
    %sign3A_388 = arith.extui %sign3A_387 : i1 to i32
    %sign3A_389 = arith.constant 0 : i32
    %sign3A_390 = arith.cmpi slt, %add3A_4, %sign3A_389 : i32
    %sign3A_391 = arith.extui %sign3A_390 : i1 to i32
    %sign3A_392 = arith.subi %sign3A_388, %sign3A_391 : i32
    %sign3A_393 = arith.constant 0 : i32
    %sign3A_394 = arith.cmpi sgt, %jit3A_384, %sign3A_393 : i32
    %sign3A_395 = arith.extui %sign3A_394 : i1 to i32
    %sign3A_396 = arith.constant 0 : i32
    %sign3A_397 = arith.cmpi slt, %jit3A_384, %sign3A_396 : i32
    %sign3A_398 = arith.extui %sign3A_397 : i1 to i32
    %sign3A_399 = arith.subi %sign3A_395, %sign3A_398 : i32
    %ne3A_400 = arith.cmpi ne, %sign3A_392, %sign3A_399 : i32
    %rem3A_401 = arith.remsi %add3A_4, %jit3A_384 : i32
    %ne3A_402 = arith.constant 0 : i32
    %ne3A_403 = arith.cmpi ne, %rem3A_401, %ne3A_402 : i32
    %and3A_404 = arith.andi %ne3A_400, %ne3A_403 : i1
    %sub3A_405 = arith.constant 1 : i32
    %sub3A_406 = arith.subi %div3A_385, %sub3A_405 : i32
    %select_n3A_407 = arith.select %and3A_404, %sub3A_406, %div3A_385 : i32
    %mul3A_408 = arith.constant 128 : i32
    %mul3A_409 = arith.muli %select_n3A_407, %mul3A_408 : i32
    %mul3A_410 = arith.constant 128 : i32
    %mul3A_411 = arith.muli %mul3A_409, %mul3A_410 : i32
    %sub3A_412 = arith.subi %add3A_4, %mul3A_411 : i32
    %jit3A_413 = arith.constant 128 : i32
    %div3A_414 = arith.divsi %sub3A_412, %jit3A_413 : i32
    %sign3A_415 = arith.constant 0 : i32
    %sign3A_416 = arith.cmpi sgt, %sub3A_412, %sign3A_415 : i32
    %sign3A_417 = arith.extui %sign3A_416 : i1 to i32
    %sign3A_418 = arith.constant 0 : i32
    %sign3A_419 = arith.cmpi slt, %sub3A_412, %sign3A_418 : i32
    %sign3A_420 = arith.extui %sign3A_419 : i1 to i32
    %sign3A_421 = arith.subi %sign3A_417, %sign3A_420 : i32
    %sign3A_422 = arith.constant 0 : i32
    %sign3A_423 = arith.cmpi sgt, %jit3A_413, %sign3A_422 : i32
    %sign3A_424 = arith.extui %sign3A_423 : i1 to i32
    %sign3A_425 = arith.constant 0 : i32
    %sign3A_426 = arith.cmpi slt, %jit3A_413, %sign3A_425 : i32
    %sign3A_427 = arith.extui %sign3A_426 : i1 to i32
    %sign3A_428 = arith.subi %sign3A_424, %sign3A_427 : i32
    %ne3A_429 = arith.cmpi ne, %sign3A_421, %sign3A_428 : i32
    %rem3A_430 = arith.remsi %sub3A_412, %jit3A_413 : i32
    %ne3A_431 = arith.constant 0 : i32
    %ne3A_432 = arith.cmpi ne, %rem3A_430, %ne3A_431 : i32
    %and3A_433 = arith.andi %ne3A_429, %ne3A_432 : i1
    %sub3A_434 = arith.constant 1 : i32
    %sub3A_435 = arith.subi %div3A_414, %sub3A_434 : i32
    %select_n3A_436 = arith.select %and3A_433, %sub3A_435, %div3A_414 : i32
    %add3A_437 = arith.constant 1 : i32
    %add3A_438 = arith.addi %select_n3A_407, %add3A_437 : i32
    %min3A_439 = arith.constant 127 : i32
    %min3A_440 = arith.minsi %add3A_438, %min3A_439 : i32
    %mul3A_441 = arith.constant 49152 : i32
    %mul3A_442 = arith.muli %min3A_440, %mul3A_441 : i32
    %add3A_443 = arith.constant 32768 : i32
    %add3A_444 = arith.addi %mul3A_442, %add3A_443 : i32
    %mul3A_445 = arith.constant 128 : i32
    %mul3A_446 = arith.muli %select_n3A_436, %mul3A_445 : i32
    %add3A_447 = arith.addi %add3A_444, %mul3A_446 : i32
    %multiple_of3A_448 = tpu.assume_multiple %add3A_447, 128 : i32
    %dma_start3A_449 = arith.constant 0 : i32
    %dma_start3A_450 = arith.constant 5 : i32
    %dma_start3A_451 = arith.constant 0 : i32
    %dma_start3A_452 = arith.constant 0 : i32
    %dma_start3A_453 = tpu.memref_slice %arg4[%dma_start3A_449, %dma_start3A_450, %dma_start3A_452] : memref<2x6x2184xf32, #tpu.memory_space<vmem>> -> memref<1x1x2184xf32, #tpu.memory_space<vmem>>
    %dma_start3A_454 = tpu.memref_squeeze %dma_start3A_453 : memref<1x1x2184xf32, #tpu.memory_space<vmem>> -> memref<2184xf32, #tpu.memory_space<vmem>>
    %dma_start3A_455 = tpu.memref_slice %arg2[%multiple_of3A_448] : memref<6291968xf32, #tpu.memory_space<hbm>> -> memref<2184xf32, #tpu.memory_space<hbm>>
    %dma_start3A_456 = tpu.memref_slice %arg6[%dma_start3A_451] : memref<2x!tpu.dma_semaphore, #tpu.memory_space<semaphore_mem>> -> memref<1x!tpu.dma_semaphore, #tpu.memory_space<semaphore_mem>>
    %dma_start3A_457 = tpu.memref_squeeze %dma_start3A_456 : memref<1x!tpu.dma_semaphore, #tpu.memory_space<semaphore_mem>> -> memref<!tpu.dma_semaphore, #tpu.memory_space<semaphore_mem>>
    %dma_start3A_458 = arith.constant 0 : i32
    %dma_start3A_459 = tpu.memref_slice %arg4[%dma_start3A_449, %dma_start3A_450, %dma_start3A_458] : memref<2x6x2184xf32, #tpu.memory_space<vmem>> -> memref<1x1x2184xf32, #tpu.memory_space<vmem>>
    %dma_start3A_460 = tpu.memref_squeeze %dma_start3A_459 : memref<1x1x2184xf32, #tpu.memory_space<vmem>> -> memref<2184xf32, #tpu.memory_space<vmem>>
    %dma_start3A_461 = tpu.memref_slice %arg2[%multiple_of3A_448] : memref<6291968xf32, #tpu.memory_space<hbm>> -> memref<2184xf32, #tpu.memory_space<hbm>>
    tpu.enqueue_dma source(%dma_start3A_461 : memref<2184xf32, #tpu.memory_space<hbm>>) target(%dma_start3A_460 : memref<2184xf32, #tpu.memory_space<vmem>>) target_semaphore(%dma_start3A_457 : memref<!tpu.dma_semaphore, #tpu.memory_space<semaphore_mem>>)
    %scan3A = arith.constant 0 : i32
    %scan3A_462 = arith.constant 0 : i32
    %scan3A_463 = arith.constant 32 : i32
    %scan3A_464 = arith.addi %scan3A_462, %scan3A_463 : i32
    %scan3A_465 = arith.constant 1 : i32
    %scan3A_466 = scf.for %scan3A_505 = %scan3A_462 to %scan3A_464 step %scan3A_465 iter_args(%scan3A_506 = %scan3A) -> (i32)  : i32 {
      %rem3A_507 = arith.constant 2 : i32
      %rem3A_508 = arith.remsi %scan3A_505, %rem3A_507 : i32
      %add3A_509 = arith.constant 1 : i32
      %add3A_510 = arith.addi %scan3A_505, %add3A_509 : i32
      %rem3A_511 = arith.constant 2 : i32
      %rem3A_512 = arith.remsi %add3A_510, %rem3A_511 : i32
      %add3A_513 = arith.constant 1 : i32
      %add3A_514 = arith.addi %scan3A_505, %add3A_513 : i32
      %lt3A = arith.constant 32 : i32
      %lt3A_515 = arith.cmpi slt, %add3A_514, %lt3A : i32
      %convert_element_type3A = arith.extui %lt3A_515 : i1 to i32
      %cond3A = arith.constant 0 : i32
      %cond3A_516 = arith.cmpi ne, %convert_element_type3A, %cond3A : i32
      scf.if %cond3A_516 {
        %add3A_1005 = arith.constant 1 : i32
        %add3A_1006 = arith.addi %scan3A_505, %add3A_1005 : i32
        %mul3A_1007 = arith.constant 2048 : i32
        %mul3A_1008 = arith.muli %add3A_1006, %mul3A_1007 : i32
        %add3A_1009 = arith.addi %mul3A_2, %mul3A_1008 : i32
        %jit3A_1010 = arith.constant 16384 : i32
        %div3A_1011 = arith.divsi %add3A_1009, %jit3A_1010 : i32
        %sign3A_1012 = arith.constant 0 : i32
        %sign3A_1013 = arith.cmpi sgt, %add3A_1009, %sign3A_1012 : i32
        %sign3A_1014 = arith.extui %sign3A_1013 : i1 to i32
        %sign3A_1015 = arith.constant 0 : i32
        %sign3A_1016 = arith.cmpi slt, %add3A_1009, %sign3A_1015 : i32
        %sign3A_1017 = arith.extui %sign3A_1016 : i1 to i32
        %sign3A_1018 = arith.subi %sign3A_1014, %sign3A_1017 : i32
        %sign3A_1019 = arith.constant 0 : i32
        %sign3A_1020 = arith.cmpi sgt, %jit3A_1010, %sign3A_1019 : i32
        %sign3A_1021 = arith.extui %sign3A_1020 : i1 to i32
        %sign3A_1022 = arith.constant 0 : i32
        %sign3A_1023 = arith.cmpi slt, %jit3A_1010, %sign3A_1022 : i32
        %sign3A_1024 = arith.extui %sign3A_1023 : i1 to i32
        %sign3A_1025 = arith.subi %sign3A_1021, %sign3A_1024 : i32
        %ne3A_1026 = arith.cmpi ne, %sign3A_1018, %sign3A_1025 : i32
        %rem3A_1027 = arith.remsi %add3A_1009, %jit3A_1010 : i32
        %ne3A_1028 = arith.constant 0 : i32
        %ne3A_1029 = arith.cmpi ne, %rem3A_1027, %ne3A_1028 : i32
        %and3A_1030 = arith.andi %ne3A_1026, %ne3A_1029 : i1
        %sub3A_1031 = arith.constant 1 : i32
        %sub3A_1032 = arith.subi %div3A_1011, %sub3A_1031 : i32
        %select_n3A_1033 = arith.select %and3A_1030, %sub3A_1032, %div3A_1011 : i32
        %mul3A_1034 = arith.constant 128 : i32
        %mul3A_1035 = arith.muli %select_n3A_1033, %mul3A_1034 : i32
        %mul3A_1036 = arith.constant 128 : i32
        %mul3A_1037 = arith.muli %mul3A_1035, %mul3A_1036 : i32
        %sub3A_1038 = arith.subi %add3A_1009, %mul3A_1037 : i32
        %jit3A_1039 = arith.constant 128 : i32
        %div3A_1040 = arith.divsi %sub3A_1038, %jit3A_1039 : i32
        %sign3A_1041 = arith.constant 0 : i32
        %sign3A_1042 = arith.cmpi sgt, %sub3A_1038, %sign3A_1041 : i32
        %sign3A_1043 = arith.extui %sign3A_1042 : i1 to i32
        %sign3A_1044 = arith.constant 0 : i32
        %sign3A_1045 = arith.cmpi slt, %sub3A_1038, %sign3A_1044 : i32
        %sign3A_1046 = arith.extui %sign3A_1045 : i1 to i32
        %sign3A_1047 = arith.subi %sign3A_1043, %sign3A_1046 : i32
        %sign3A_1048 = arith.constant 0 : i32
        %sign3A_1049 = arith.cmpi sgt, %jit3A_1039, %sign3A_1048 : i32
        %sign3A_1050 = arith.extui %sign3A_1049 : i1 to i32
        %sign3A_1051 = arith.constant 0 : i32
        %sign3A_1052 = arith.cmpi slt, %jit3A_1039, %sign3A_1051 : i32
        %sign3A_1053 = arith.extui %sign3A_1052 : i1 to i32
        %sign3A_1054 = arith.subi %sign3A_1050, %sign3A_1053 : i32
        %ne3A_1055 = arith.cmpi ne, %sign3A_1047, %sign3A_1054 : i32
        %rem3A_1056 = arith.remsi %sub3A_1038, %jit3A_1039 : i32
        %ne3A_1057 = arith.constant 0 : i32
        %ne3A_1058 = arith.cmpi ne, %rem3A_1056, %ne3A_1057 : i32
        %and3A_1059 = arith.andi %ne3A_1055, %ne3A_1058 : i1
        %sub3A_1060 = arith.constant 1 : i32
        %sub3A_1061 = arith.subi %div3A_1040, %sub3A_1060 : i32
        %select_n3A_1062 = arith.select %and3A_1059, %sub3A_1061, %div3A_1040 : i32
        %add3A_1063 = arith.constant 0 : i32
        %add3A_1064 = arith.addi %select_n3A_1033, %add3A_1063 : i32
        %min3A_1065 = arith.constant 127 : i32
        %min3A_1066 = arith.minsi %add3A_1064, %min3A_1065 : i32
        %mul3A_1067 = arith.constant 49152 : i32
        %mul3A_1068 = arith.muli %min3A_1066, %mul3A_1067 : i32
        %add3A_1069 = arith.constant 0 : i32
        %add3A_1070 = arith.addi %mul3A_1068, %add3A_1069 : i32
        %mul3A_1071 = arith.constant 128 : i32
        %mul3A_1072 = arith.muli %select_n3A_1062, %mul3A_1071 : i32
        %add3A_1073 = arith.addi %add3A_1070, %mul3A_1072 : i32
        %multiple_of3A_1074 = tpu.assume_multiple %add3A_1073, 128 : i32
        %dma_start3A_1075 = arith.constant 0 : i32
        %dma_start3A_1076 = arith.constant 0 : i32
        %dma_start3A_1077 = tpu.memref_slice %arg4[%rem3A_512, %dma_start3A_1075, %dma_start3A_1076] : memref<2x6x2184xf32, #tpu.memory_space<vmem>> -> memref<1x1x2184xf32, #tpu.memory_space<vmem>>
        %dma_start3A_1078 = tpu.memref_squeeze %dma_start3A_1077 : memref<1x1x2184xf32, #tpu.memory_space<vmem>> -> memref<2184xf32, #tpu.memory_space<vmem>>
        %dma_start3A_1079 = tpu.memref_slice %arg2[%multiple_of3A_1074] : memref<6291968xf32, #tpu.memory_space<hbm>> -> memref<2184xf32, #tpu.memory_space<hbm>>
        %dma_start3A_1080 = tpu.memref_slice %arg6[%rem3A_512] : memref<2x!tpu.dma_semaphore, #tpu.memory_space<semaphore_mem>> -> memref<1x!tpu.dma_semaphore, #tpu.memory_space<semaphore_mem>>
        %dma_start3A_1081 = tpu.memref_squeeze %dma_start3A_1080 : memref<1x!tpu.dma_semaphore, #tpu.memory_space<semaphore_mem>> -> memref<!tpu.dma_semaphore, #tpu.memory_space<semaphore_mem>>
        %dma_start3A_1082 = arith.constant 0 : i32
        %dma_start3A_1083 = tpu.memref_slice %arg4[%rem3A_512, %dma_start3A_1075, %dma_start3A_1082] : memref<2x6x2184xf32, #tpu.memory_space<vmem>> -> memref<1x1x2184xf32, #tpu.memory_space<vmem>>
        %dma_start3A_1084 = tpu.memref_squeeze %dma_start3A_1083 : memref<1x1x2184xf32, #tpu.memory_space<vmem>> -> memref<2184xf32, #tpu.memory_space<vmem>>
        %dma_start3A_1085 = tpu.memref_slice %arg2[%multiple_of3A_1074] : memref<6291968xf32, #tpu.memory_space<hbm>> -> memref<2184xf32, #tpu.memory_space<hbm>>
        tpu.enqueue_dma source(%dma_start3A_1085 : memref<2184xf32, #tpu.memory_space<hbm>>) target(%dma_start3A_1084 : memref<2184xf32, #tpu.memory_space<vmem>>) target_semaphore(%dma_start3A_1081 : memref<!tpu.dma_semaphore, #tpu.memory_space<semaphore_mem>>)
        %jit3A_1086 = arith.constant 16384 : i32
        %div3A_1087 = arith.divsi %add3A_1009, %jit3A_1086 : i32
        %sign3A_1088 = arith.constant 0 : i32
        %sign3A_1089 = arith.cmpi sgt, %add3A_1009, %sign3A_1088 : i32
        %sign3A_1090 = arith.extui %sign3A_1089 : i1 to i32
        %sign3A_1091 = arith.constant 0 : i32
        %sign3A_1092 = arith.cmpi slt, %add3A_1009, %sign3A_1091 : i32
        %sign3A_1093 = arith.extui %sign3A_1092 : i1 to i32
        %sign3A_1094 = arith.subi %sign3A_1090, %sign3A_1093 : i32
        %sign3A_1095 = arith.constant 0 : i32
        %sign3A_1096 = arith.cmpi sgt, %jit3A_1086, %sign3A_1095 : i32
        %sign3A_1097 = arith.extui %sign3A_1096 : i1 to i32
        %sign3A_1098 = arith.constant 0 : i32
        %sign3A_1099 = arith.cmpi slt, %jit3A_1086, %sign3A_1098 : i32
        %sign3A_1100 = arith.extui %sign3A_1099 : i1 to i32
        %sign3A_1101 = arith.subi %sign3A_1097, %sign3A_1100 : i32
        %ne3A_1102 = arith.cmpi ne, %sign3A_1094, %sign3A_1101 : i32
        %rem3A_1103 = arith.remsi %add3A_1009, %jit3A_1086 : i32
        %ne3A_1104 = arith.constant 0 : i32
        %ne3A_1105 = arith.cmpi ne, %rem3A_1103, %ne3A_1104 : i32
        %and3A_1106 = arith.andi %ne3A_1102, %ne3A_1105 : i1
        %sub3A_1107 = arith.constant 1 : i32
        %sub3A_1108 = arith.subi %div3A_1087, %sub3A_1107 : i32
        %select_n3A_1109 = arith.select %and3A_1106, %sub3A_1108, %div3A_1087 : i32
        %mul3A_1110 = arith.constant 128 : i32
        %mul3A_1111 = arith.muli %select_n3A_1109, %mul3A_1110 : i32
        %mul3A_1112 = arith.constant 128 : i32
        %mul3A_1113 = arith.muli %mul3A_1111, %mul3A_1112 : i32
        %sub3A_1114 = arith.subi %add3A_1009, %mul3A_1113 : i32
        %jit3A_1115 = arith.constant 128 : i32
        %div3A_1116 = arith.divsi %sub3A_1114, %jit3A_1115 : i32
        %sign3A_1117 = arith.constant 0 : i32
        %sign3A_1118 = arith.cmpi sgt, %sub3A_1114, %sign3A_1117 : i32
        %sign3A_1119 = arith.extui %sign3A_1118 : i1 to i32
        %sign3A_1120 = arith.constant 0 : i32
        %sign3A_1121 = arith.cmpi slt, %sub3A_1114, %sign3A_1120 : i32
        %sign3A_1122 = arith.extui %sign3A_1121 : i1 to i32
        %sign3A_1123 = arith.subi %sign3A_1119, %sign3A_1122 : i32
        %sign3A_1124 = arith.constant 0 : i32
        %sign3A_1125 = arith.cmpi sgt, %jit3A_1115, %sign3A_1124 : i32
        %sign3A_1126 = arith.extui %sign3A_1125 : i1 to i32
        %sign3A_1127 = arith.constant 0 : i32
        %sign3A_1128 = arith.cmpi slt, %jit3A_1115, %sign3A_1127 : i32
        %sign3A_1129 = arith.extui %sign3A_1128 : i1 to i32
        %sign3A_1130 = arith.subi %sign3A_1126, %sign3A_1129 : i32
        %ne3A_1131 = arith.cmpi ne, %sign3A_1123, %sign3A_1130 : i32
        %rem3A_1132 = arith.remsi %sub3A_1114, %jit3A_1115 : i32
        %ne3A_1133 = arith.constant 0 : i32
        %ne3A_1134 = arith.cmpi ne, %rem3A_1132, %ne3A_1133 : i32
        %and3A_1135 = arith.andi %ne3A_1131, %ne3A_1134 : i1
        %sub3A_1136 = arith.constant 1 : i32
        %sub3A_1137 = arith.subi %div3A_1116, %sub3A_1136 : i32
        %select_n3A_1138 = arith.select %and3A_1135, %sub3A_1137, %div3A_1116 : i32
        %add3A_1139 = arith.constant 0 : i32
        %add3A_1140 = arith.addi %select_n3A_1109, %add3A_1139 : i32
        %min3A_1141 = arith.constant 127 : i32
        %min3A_1142 = arith.minsi %add3A_1140, %min3A_1141 : i32
        %mul3A_1143 = arith.constant 49152 : i32
        %mul3A_1144 = arith.muli %min3A_1142, %mul3A_1143 : i32
        %add3A_1145 = arith.constant 16384 : i32
        %add3A_1146 = arith.addi %mul3A_1144, %add3A_1145 : i32
        %mul3A_1147 = arith.constant 128 : i32
        %mul3A_1148 = arith.muli %select_n3A_1138, %mul3A_1147 : i32
        %add3A_1149 = arith.addi %add3A_1146, %mul3A_1148 : i32
        %multiple_of3A_1150 = tpu.assume_multiple %add3A_1149, 128 : i32
        %dma_start3A_1151 = arith.constant 1 : i32
        %dma_start3A_1152 = arith.constant 0 : i32
        %dma_start3A_1153 = tpu.memref_slice %arg4[%rem3A_512, %dma_start3A_1151, %dma_start3A_1152] : memref<2x6x2184xf32, #tpu.memory_space<vmem>> -> memref<1x1x2184xf32, #tpu.memory_space<vmem>>
        %dma_start3A_1154 = tpu.memref_squeeze %dma_start3A_1153 : memref<1x1x2184xf32, #tpu.memory_space<vmem>> -> memref<2184xf32, #tpu.memory_space<vmem>>
        %dma_start3A_1155 = tpu.memref_slice %arg2[%multiple_of3A_1150] : memref<6291968xf32, #tpu.memory_space<hbm>> -> memref<2184xf32, #tpu.memory_space<hbm>>
        %dma_start3A_1156 = tpu.memref_slice %arg6[%rem3A_512] : memref<2x!tpu.dma_semaphore, #tpu.memory_space<semaphore_mem>> -> memref<1x!tpu.dma_semaphore, #tpu.memory_space<semaphore_mem>>
        %dma_start3A_1157 = tpu.memref_squeeze %dma_start3A_1156 : memref<1x!tpu.dma_semaphore, #tpu.memory_space<semaphore_mem>> -> memref<!tpu.dma_semaphore, #tpu.memory_space<semaphore_mem>>
        %dma_start3A_1158 = arith.constant 0 : i32
        %dma_start3A_1159 = tpu.memref_slice %arg4[%rem3A_512, %dma_start3A_1151, %dma_start3A_1158] : memref<2x6x2184xf32, #tpu.memory_space<vmem>> -> memref<1x1x2184xf32, #tpu.memory_space<vmem>>
        %dma_start3A_1160 = tpu.memref_squeeze %dma_start3A_1159 : memref<1x1x2184xf32, #tpu.memory_space<vmem>> -> memref<2184xf32, #tpu.memory_space<vmem>>
        %dma_start3A_1161 = tpu.memref_slice %arg2[%multiple_of3A_1150] : memref<6291968xf32, #tpu.memory_space<hbm>> -> memref<2184xf32, #tpu.memory_space<hbm>>
        tpu.enqueue_dma source(%dma_start3A_1161 : memref<2184xf32, #tpu.memory_space<hbm>>) target(%dma_start3A_1160 : memref<2184xf32, #tpu.memory_space<vmem>>) target_semaphore(%dma_start3A_1157 : memref<!tpu.dma_semaphore, #tpu.memory_space<semaphore_mem>>)
        %jit3A_1162 = arith.constant 16384 : i32
        %div3A_1163 = arith.divsi %add3A_1009, %jit3A_1162 : i32
        %sign3A_1164 = arith.constant 0 : i32
        %sign3A_1165 = arith.cmpi sgt, %add3A_1009, %sign3A_1164 : i32
        %sign3A_1166 = arith.extui %sign3A_1165 : i1 to i32
        %sign3A_1167 = arith.constant 0 : i32
        %sign3A_1168 = arith.cmpi slt, %add3A_1009, %sign3A_1167 : i32
        %sign3A_1169 = arith.extui %sign3A_1168 : i1 to i32
        %sign3A_1170 = arith.subi %sign3A_1166, %sign3A_1169 : i32
        %sign3A_1171 = arith.constant 0 : i32
        %sign3A_1172 = arith.cmpi sgt, %jit3A_1162, %sign3A_1171 : i32
        %sign3A_1173 = arith.extui %sign3A_1172 : i1 to i32
        %sign3A_1174 = arith.constant 0 : i32
        %sign3A_1175 = arith.cmpi slt, %jit3A_1162, %sign3A_1174 : i32
        %sign3A_1176 = arith.extui %sign3A_1175 : i1 to i32
        %sign3A_1177 = arith.subi %sign3A_1173, %sign3A_1176 : i32
        %ne3A_1178 = arith.cmpi ne, %sign3A_1170, %sign3A_1177 : i32
        %rem3A_1179 = arith.remsi %add3A_1009, %jit3A_1162 : i32
        %ne3A_1180 = arith.constant 0 : i32
        %ne3A_1181 = arith.cmpi ne, %rem3A_1179, %ne3A_1180 : i32
        %and3A_1182 = arith.andi %ne3A_1178, %ne3A_1181 : i1
        %sub3A_1183 = arith.constant 1 : i32
        %sub3A_1184 = arith.subi %div3A_1163, %sub3A_1183 : i32
        %select_n3A_1185 = arith.select %and3A_1182, %sub3A_1184, %div3A_1163 : i32
        %mul3A_1186 = arith.constant 128 : i32
        %mul3A_1187 = arith.muli %select_n3A_1185, %mul3A_1186 : i32
        %mul3A_1188 = arith.constant 128 : i32
        %mul3A_1189 = arith.muli %mul3A_1187, %mul3A_1188 : i32
        %sub3A_1190 = arith.subi %add3A_1009, %mul3A_1189 : i32
        %jit3A_1191 = arith.constant 128 : i32
        %div3A_1192 = arith.divsi %sub3A_1190, %jit3A_1191 : i32
        %sign3A_1193 = arith.constant 0 : i32
        %sign3A_1194 = arith.cmpi sgt, %sub3A_1190, %sign3A_1193 : i32
        %sign3A_1195 = arith.extui %sign3A_1194 : i1 to i32
        %sign3A_1196 = arith.constant 0 : i32
        %sign3A_1197 = arith.cmpi slt, %sub3A_1190, %sign3A_1196 : i32
        %sign3A_1198 = arith.extui %sign3A_1197 : i1 to i32
        %sign3A_1199 = arith.subi %sign3A_1195, %sign3A_1198 : i32
        %sign3A_1200 = arith.constant 0 : i32
        %sign3A_1201 = arith.cmpi sgt, %jit3A_1191, %sign3A_1200 : i32
        %sign3A_1202 = arith.extui %sign3A_1201 : i1 to i32
        %sign3A_1203 = arith.constant 0 : i32
        %sign3A_1204 = arith.cmpi slt, %jit3A_1191, %sign3A_1203 : i32
        %sign3A_1205 = arith.extui %sign3A_1204 : i1 to i32
        %sign3A_1206 = arith.subi %sign3A_1202, %sign3A_1205 : i32
        %ne3A_1207 = arith.cmpi ne, %sign3A_1199, %sign3A_1206 : i32
        %rem3A_1208 = arith.remsi %sub3A_1190, %jit3A_1191 : i32
        %ne3A_1209 = arith.constant 0 : i32
        %ne3A_1210 = arith.cmpi ne, %rem3A_1208, %ne3A_1209 : i32
        %and3A_1211 = arith.andi %ne3A_1207, %ne3A_1210 : i1
        %sub3A_1212 = arith.constant 1 : i32
        %sub3A_1213 = arith.subi %div3A_1192, %sub3A_1212 : i32
        %select_n3A_1214 = arith.select %and3A_1211, %sub3A_1213, %div3A_1192 : i32
        %add3A_1215 = arith.constant 0 : i32
        %add3A_1216 = arith.addi %select_n3A_1185, %add3A_1215 : i32
        %min3A_1217 = arith.constant 127 : i32
        %min3A_1218 = arith.minsi %add3A_1216, %min3A_1217 : i32
        %mul3A_1219 = arith.constant 49152 : i32
        %mul3A_1220 = arith.muli %min3A_1218, %mul3A_1219 : i32
        %add3A_1221 = arith.constant 32768 : i32
        %add3A_1222 = arith.addi %mul3A_1220, %add3A_1221 : i32
        %mul3A_1223 = arith.constant 128 : i32
        %mul3A_1224 = arith.muli %select_n3A_1214, %mul3A_1223 : i32
        %add3A_1225 = arith.addi %add3A_1222, %mul3A_1224 : i32
        %multiple_of3A_1226 = tpu.assume_multiple %add3A_1225, 128 : i32
        %dma_start3A_1227 = arith.constant 2 : i32
        %dma_start3A_1228 = arith.constant 0 : i32
        %dma_start3A_1229 = tpu.memref_slice %arg4[%rem3A_512, %dma_start3A_1227, %dma_start3A_1228] : memref<2x6x2184xf32, #tpu.memory_space<vmem>> -> memref<1x1x2184xf32, #tpu.memory_space<vmem>>
        %dma_start3A_1230 = tpu.memref_squeeze %dma_start3A_1229 : memref<1x1x2184xf32, #tpu.memory_space<vmem>> -> memref<2184xf32, #tpu.memory_space<vmem>>
        %dma_start3A_1231 = tpu.memref_slice %arg2[%multiple_of3A_1226] : memref<6291968xf32, #tpu.memory_space<hbm>> -> memref<2184xf32, #tpu.memory_space<hbm>>
        %dma_start3A_1232 = tpu.memref_slice %arg6[%rem3A_512] : memref<2x!tpu.dma_semaphore, #tpu.memory_space<semaphore_mem>> -> memref<1x!tpu.dma_semaphore, #tpu.memory_space<semaphore_mem>>
        %dma_start3A_1233 = tpu.memref_squeeze %dma_start3A_1232 : memref<1x!tpu.dma_semaphore, #tpu.memory_space<semaphore_mem>> -> memref<!tpu.dma_semaphore, #tpu.memory_space<semaphore_mem>>
        %dma_start3A_1234 = arith.constant 0 : i32
        %dma_start3A_1235 = tpu.memref_slice %arg4[%rem3A_512, %dma_start3A_1227, %dma_start3A_1234] : memref<2x6x2184xf32, #tpu.memory_space<vmem>> -> memref<1x1x2184xf32, #tpu.memory_space<vmem>>
        %dma_start3A_1236 = tpu.memref_squeeze %dma_start3A_1235 : memref<1x1x2184xf32, #tpu.memory_space<vmem>> -> memref<2184xf32, #tpu.memory_space<vmem>>
        %dma_start3A_1237 = tpu.memref_slice %arg2[%multiple_of3A_1226] : memref<6291968xf32, #tpu.memory_space<hbm>> -> memref<2184xf32, #tpu.memory_space<hbm>>
        tpu.enqueue_dma source(%dma_start3A_1237 : memref<2184xf32, #tpu.memory_space<hbm>>) target(%dma_start3A_1236 : memref<2184xf32, #tpu.memory_space<vmem>>) target_semaphore(%dma_start3A_1233 : memref<!tpu.dma_semaphore, #tpu.memory_space<semaphore_mem>>)
        %jit3A_1238 = arith.constant 16384 : i32
        %div3A_1239 = arith.divsi %add3A_1009, %jit3A_1238 : i32
        %sign3A_1240 = arith.constant 0 : i32
        %sign3A_1241 = arith.cmpi sgt, %add3A_1009, %sign3A_1240 : i32
        %sign3A_1242 = arith.extui %sign3A_1241 : i1 to i32
        %sign3A_1243 = arith.constant 0 : i32
        %sign3A_1244 = arith.cmpi slt, %add3A_1009, %sign3A_1243 : i32
        %sign3A_1245 = arith.extui %sign3A_1244 : i1 to i32
        %sign3A_1246 = arith.subi %sign3A_1242, %sign3A_1245 : i32
        %sign3A_1247 = arith.constant 0 : i32
        %sign3A_1248 = arith.cmpi sgt, %jit3A_1238, %sign3A_1247 : i32
        %sign3A_1249 = arith.extui %sign3A_1248 : i1 to i32
        %sign3A_1250 = arith.constant 0 : i32
        %sign3A_1251 = arith.cmpi slt, %jit3A_1238, %sign3A_1250 : i32
        %sign3A_1252 = arith.extui %sign3A_1251 : i1 to i32
        %sign3A_1253 = arith.subi %sign3A_1249, %sign3A_1252 : i32
        %ne3A_1254 = arith.cmpi ne, %sign3A_1246, %sign3A_1253 : i32
        %rem3A_1255 = arith.remsi %add3A_1009, %jit3A_1238 : i32
        %ne3A_1256 = arith.constant 0 : i32
        %ne3A_1257 = arith.cmpi ne, %rem3A_1255, %ne3A_1256 : i32
        %and3A_1258 = arith.andi %ne3A_1254, %ne3A_1257 : i1
        %sub3A_1259 = arith.constant 1 : i32
        %sub3A_1260 = arith.subi %div3A_1239, %sub3A_1259 : i32
        %select_n3A_1261 = arith.select %and3A_1258, %sub3A_1260, %div3A_1239 : i32
        %mul3A_1262 = arith.constant 128 : i32
        %mul3A_1263 = arith.muli %select_n3A_1261, %mul3A_1262 : i32
        %mul3A_1264 = arith.constant 128 : i32
        %mul3A_1265 = arith.muli %mul3A_1263, %mul3A_1264 : i32
        %sub3A_1266 = arith.subi %add3A_1009, %mul3A_1265 : i32
        %jit3A_1267 = arith.constant 128 : i32
        %div3A_1268 = arith.divsi %sub3A_1266, %jit3A_1267 : i32
        %sign3A_1269 = arith.constant 0 : i32
        %sign3A_1270 = arith.cmpi sgt, %sub3A_1266, %sign3A_1269 : i32
        %sign3A_1271 = arith.extui %sign3A_1270 : i1 to i32
        %sign3A_1272 = arith.constant 0 : i32
        %sign3A_1273 = arith.cmpi slt, %sub3A_1266, %sign3A_1272 : i32
        %sign3A_1274 = arith.extui %sign3A_1273 : i1 to i32
        %sign3A_1275 = arith.subi %sign3A_1271, %sign3A_1274 : i32
        %sign3A_1276 = arith.constant 0 : i32
        %sign3A_1277 = arith.cmpi sgt, %jit3A_1267, %sign3A_1276 : i32
        %sign3A_1278 = arith.extui %sign3A_1277 : i1 to i32
        %sign3A_1279 = arith.constant 0 : i32
        %sign3A_1280 = arith.cmpi slt, %jit3A_1267, %sign3A_1279 : i32
        %sign3A_1281 = arith.extui %sign3A_1280 : i1 to i32
        %sign3A_1282 = arith.subi %sign3A_1278, %sign3A_1281 : i32
        %ne3A_1283 = arith.cmpi ne, %sign3A_1275, %sign3A_1282 : i32
        %rem3A_1284 = arith.remsi %sub3A_1266, %jit3A_1267 : i32
        %ne3A_1285 = arith.constant 0 : i32
        %ne3A_1286 = arith.cmpi ne, %rem3A_1284, %ne3A_1285 : i32
        %and3A_1287 = arith.andi %ne3A_1283, %ne3A_1286 : i1
        %sub3A_1288 = arith.constant 1 : i32
        %sub3A_1289 = arith.subi %div3A_1268, %sub3A_1288 : i32
        %select_n3A_1290 = arith.select %and3A_1287, %sub3A_1289, %div3A_1268 : i32
        %add3A_1291 = arith.constant 1 : i32
        %add3A_1292 = arith.addi %select_n3A_1261, %add3A_1291 : i32
        %min3A_1293 = arith.constant 127 : i32
        %min3A_1294 = arith.minsi %add3A_1292, %min3A_1293 : i32
        %mul3A_1295 = arith.constant 49152 : i32
        %mul3A_1296 = arith.muli %min3A_1294, %mul3A_1295 : i32
        %add3A_1297 = arith.constant 0 : i32
        %add3A_1298 = arith.addi %mul3A_1296, %add3A_1297 : i32
        %mul3A_1299 = arith.constant 128 : i32
        %mul3A_1300 = arith.muli %select_n3A_1290, %mul3A_1299 : i32
        %add3A_1301 = arith.addi %add3A_1298, %mul3A_1300 : i32
        %multiple_of3A_1302 = tpu.assume_multiple %add3A_1301, 128 : i32
        %dma_start3A_1303 = arith.constant 3 : i32
        %dma_start3A_1304 = arith.constant 0 : i32
        %dma_start3A_1305 = tpu.memref_slice %arg4[%rem3A_512, %dma_start3A_1303, %dma_start3A_1304] : memref<2x6x2184xf32, #tpu.memory_space<vmem>> -> memref<1x1x2184xf32, #tpu.memory_space<vmem>>
        %dma_start3A_1306 = tpu.memref_squeeze %dma_start3A_1305 : memref<1x1x2184xf32, #tpu.memory_space<vmem>> -> memref<2184xf32, #tpu.memory_space<vmem>>
        %dma_start3A_1307 = tpu.memref_slice %arg2[%multiple_of3A_1302] : memref<6291968xf32, #tpu.memory_space<hbm>> -> memref<2184xf32, #tpu.memory_space<hbm>>
        %dma_start3A_1308 = tpu.memref_slice %arg6[%rem3A_512] : memref<2x!tpu.dma_semaphore, #tpu.memory_space<semaphore_mem>> -> memref<1x!tpu.dma_semaphore, #tpu.memory_space<semaphore_mem>>
        %dma_start3A_1309 = tpu.memref_squeeze %dma_start3A_1308 : memref<1x!tpu.dma_semaphore, #tpu.memory_space<semaphore_mem>> -> memref<!tpu.dma_semaphore, #tpu.memory_space<semaphore_mem>>
        %dma_start3A_1310 = arith.constant 0 : i32
        %dma_start3A_1311 = tpu.memref_slice %arg4[%rem3A_512, %dma_start3A_1303, %dma_start3A_1310] : memref<2x6x2184xf32, #tpu.memory_space<vmem>> -> memref<1x1x2184xf32, #tpu.memory_space<vmem>>
        %dma_start3A_1312 = tpu.memref_squeeze %dma_start3A_1311 : memref<1x1x2184xf32, #tpu.memory_space<vmem>> -> memref<2184xf32, #tpu.memory_space<vmem>>
        %dma_start3A_1313 = tpu.memref_slice %arg2[%multiple_of3A_1302] : memref<6291968xf32, #tpu.memory_space<hbm>> -> memref<2184xf32, #tpu.memory_space<hbm>>
        tpu.enqueue_dma source(%dma_start3A_1313 : memref<2184xf32, #tpu.memory_space<hbm>>) target(%dma_start3A_1312 : memref<2184xf32, #tpu.memory_space<vmem>>) target_semaphore(%dma_start3A_1309 : memref<!tpu.dma_semaphore, #tpu.memory_space<semaphore_mem>>)
        %jit3A_1314 = arith.constant 16384 : i32
        %div3A_1315 = arith.divsi %add3A_1009, %jit3A_1314 : i32
        %sign3A_1316 = arith.constant 0 : i32
        %sign3A_1317 = arith.cmpi sgt, %add3A_1009, %sign3A_1316 : i32
        %sign3A_1318 = arith.extui %sign3A_1317 : i1 to i32
        %sign3A_1319 = arith.constant 0 : i32
        %sign3A_1320 = arith.cmpi slt, %add3A_1009, %sign3A_1319 : i32
        %sign3A_1321 = arith.extui %sign3A_1320 : i1 to i32
        %sign3A_1322 = arith.subi %sign3A_1318, %sign3A_1321 : i32
        %sign3A_1323 = arith.constant 0 : i32
        %sign3A_1324 = arith.cmpi sgt, %jit3A_1314, %sign3A_1323 : i32
        %sign3A_1325 = arith.extui %sign3A_1324 : i1 to i32
        %sign3A_1326 = arith.constant 0 : i32
        %sign3A_1327 = arith.cmpi slt, %jit3A_1314, %sign3A_1326 : i32
        %sign3A_1328 = arith.extui %sign3A_1327 : i1 to i32
        %sign3A_1329 = arith.subi %sign3A_1325, %sign3A_1328 : i32
        %ne3A_1330 = arith.cmpi ne, %sign3A_1322, %sign3A_1329 : i32
        %rem3A_1331 = arith.remsi %add3A_1009, %jit3A_1314 : i32
        %ne3A_1332 = arith.constant 0 : i32
        %ne3A_1333 = arith.cmpi ne, %rem3A_1331, %ne3A_1332 : i32
        %and3A_1334 = arith.andi %ne3A_1330, %ne3A_1333 : i1
        %sub3A_1335 = arith.constant 1 : i32
        %sub3A_1336 = arith.subi %div3A_1315, %sub3A_1335 : i32
        %select_n3A_1337 = arith.select %and3A_1334, %sub3A_1336, %div3A_1315 : i32
        %mul3A_1338 = arith.constant 128 : i32
        %mul3A_1339 = arith.muli %select_n3A_1337, %mul3A_1338 : i32
        %mul3A_1340 = arith.constant 128 : i32
        %mul3A_1341 = arith.muli %mul3A_1339, %mul3A_1340 : i32
        %sub3A_1342 = arith.subi %add3A_1009, %mul3A_1341 : i32
        %jit3A_1343 = arith.constant 128 : i32
        %div3A_1344 = arith.divsi %sub3A_1342, %jit3A_1343 : i32
        %sign3A_1345 = arith.constant 0 : i32
        %sign3A_1346 = arith.cmpi sgt, %sub3A_1342, %sign3A_1345 : i32
        %sign3A_1347 = arith.extui %sign3A_1346 : i1 to i32
        %sign3A_1348 = arith.constant 0 : i32
        %sign3A_1349 = arith.cmpi slt, %sub3A_1342, %sign3A_1348 : i32
        %sign3A_1350 = arith.extui %sign3A_1349 : i1 to i32
        %sign3A_1351 = arith.subi %sign3A_1347, %sign3A_1350 : i32
        %sign3A_1352 = arith.constant 0 : i32
        %sign3A_1353 = arith.cmpi sgt, %jit3A_1343, %sign3A_1352 : i32
        %sign3A_1354 = arith.extui %sign3A_1353 : i1 to i32
        %sign3A_1355 = arith.constant 0 : i32
        %sign3A_1356 = arith.cmpi slt, %jit3A_1343, %sign3A_1355 : i32
        %sign3A_1357 = arith.extui %sign3A_1356 : i1 to i32
        %sign3A_1358 = arith.subi %sign3A_1354, %sign3A_1357 : i32
        %ne3A_1359 = arith.cmpi ne, %sign3A_1351, %sign3A_1358 : i32
        %rem3A_1360 = arith.remsi %sub3A_1342, %jit3A_1343 : i32
        %ne3A_1361 = arith.constant 0 : i32
        %ne3A_1362 = arith.cmpi ne, %rem3A_1360, %ne3A_1361 : i32
        %and3A_1363 = arith.andi %ne3A_1359, %ne3A_1362 : i1
        %sub3A_1364 = arith.constant 1 : i32
        %sub3A_1365 = arith.subi %div3A_1344, %sub3A_1364 : i32
        %select_n3A_1366 = arith.select %and3A_1363, %sub3A_1365, %div3A_1344 : i32
        %add3A_1367 = arith.constant 1 : i32
        %add3A_1368 = arith.addi %select_n3A_1337, %add3A_1367 : i32
        %min3A_1369 = arith.constant 127 : i32
        %min3A_1370 = arith.minsi %add3A_1368, %min3A_1369 : i32
        %mul3A_1371 = arith.constant 49152 : i32
        %mul3A_1372 = arith.muli %min3A_1370, %mul3A_1371 : i32
        %add3A_1373 = arith.constant 16384 : i32
        %add3A_1374 = arith.addi %mul3A_1372, %add3A_1373 : i32
        %mul3A_1375 = arith.constant 128 : i32
        %mul3A_1376 = arith.muli %select_n3A_1366, %mul3A_1375 : i32
        %add3A_1377 = arith.addi %add3A_1374, %mul3A_1376 : i32
        %multiple_of3A_1378 = tpu.assume_multiple %add3A_1377, 128 : i32
        %dma_start3A_1379 = arith.constant 4 : i32
        %dma_start3A_1380 = arith.constant 0 : i32
        %dma_start3A_1381 = tpu.memref_slice %arg4[%rem3A_512, %dma_start3A_1379, %dma_start3A_1380] : memref<2x6x2184xf32, #tpu.memory_space<vmem>> -> memref<1x1x2184xf32, #tpu.memory_space<vmem>>
        %dma_start3A_1382 = tpu.memref_squeeze %dma_start3A_1381 : memref<1x1x2184xf32, #tpu.memory_space<vmem>> -> memref<2184xf32, #tpu.memory_space<vmem>>
        %dma_start3A_1383 = tpu.memref_slice %arg2[%multiple_of3A_1378] : memref<6291968xf32, #tpu.memory_space<hbm>> -> memref<2184xf32, #tpu.memory_space<hbm>>
        %dma_start3A_1384 = tpu.memref_slice %arg6[%rem3A_512] : memref<2x!tpu.dma_semaphore, #tpu.memory_space<semaphore_mem>> -> memref<1x!tpu.dma_semaphore, #tpu.memory_space<semaphore_mem>>
        %dma_start3A_1385 = tpu.memref_squeeze %dma_start3A_1384 : memref<1x!tpu.dma_semaphore, #tpu.memory_space<semaphore_mem>> -> memref<!tpu.dma_semaphore, #tpu.memory_space<semaphore_mem>>
        %dma_start3A_1386 = arith.constant 0 : i32
        %dma_start3A_1387 = tpu.memref_slice %arg4[%rem3A_512, %dma_start3A_1379, %dma_start3A_1386] : memref<2x6x2184xf32, #tpu.memory_space<vmem>> -> memref<1x1x2184xf32, #tpu.memory_space<vmem>>
        %dma_start3A_1388 = tpu.memref_squeeze %dma_start3A_1387 : memref<1x1x2184xf32, #tpu.memory_space<vmem>> -> memref<2184xf32, #tpu.memory_space<vmem>>
        %dma_start3A_1389 = tpu.memref_slice %arg2[%multiple_of3A_1378] : memref<6291968xf32, #tpu.memory_space<hbm>> -> memref<2184xf32, #tpu.memory_space<hbm>>
        tpu.enqueue_dma source(%dma_start3A_1389 : memref<2184xf32, #tpu.memory_space<hbm>>) target(%dma_start3A_1388 : memref<2184xf32, #tpu.memory_space<vmem>>) target_semaphore(%dma_start3A_1385 : memref<!tpu.dma_semaphore, #tpu.memory_space<semaphore_mem>>)
        %jit3A_1390 = arith.constant 16384 : i32
        %div3A_1391 = arith.divsi %add3A_1009, %jit3A_1390 : i32
        %sign3A_1392 = arith.constant 0 : i32
        %sign3A_1393 = arith.cmpi sgt, %add3A_1009, %sign3A_1392 : i32
        %sign3A_1394 = arith.extui %sign3A_1393 : i1 to i32
        %sign3A_1395 = arith.constant 0 : i32
        %sign3A_1396 = arith.cmpi slt, %add3A_1009, %sign3A_1395 : i32
        %sign3A_1397 = arith.extui %sign3A_1396 : i1 to i32
        %sign3A_1398 = arith.subi %sign3A_1394, %sign3A_1397 : i32
        %sign3A_1399 = arith.constant 0 : i32
        %sign3A_1400 = arith.cmpi sgt, %jit3A_1390, %sign3A_1399 : i32
        %sign3A_1401 = arith.extui %sign3A_1400 : i1 to i32
        %sign3A_1402 = arith.constant 0 : i32
        %sign3A_1403 = arith.cmpi slt, %jit3A_1390, %sign3A_1402 : i32
        %sign3A_1404 = arith.extui %sign3A_1403 : i1 to i32
        %sign3A_1405 = arith.subi %sign3A_1401, %sign3A_1404 : i32
        %ne3A_1406 = arith.cmpi ne, %sign3A_1398, %sign3A_1405 : i32
        %rem3A_1407 = arith.remsi %add3A_1009, %jit3A_1390 : i32
        %ne3A_1408 = arith.constant 0 : i32
        %ne3A_1409 = arith.cmpi ne, %rem3A_1407, %ne3A_1408 : i32
        %and3A_1410 = arith.andi %ne3A_1406, %ne3A_1409 : i1
        %sub3A_1411 = arith.constant 1 : i32
        %sub3A_1412 = arith.subi %div3A_1391, %sub3A_1411 : i32
        %select_n3A_1413 = arith.select %and3A_1410, %sub3A_1412, %div3A_1391 : i32
        %mul3A_1414 = arith.constant 128 : i32
        %mul3A_1415 = arith.muli %select_n3A_1413, %mul3A_1414 : i32
        %mul3A_1416 = arith.constant 128 : i32
        %mul3A_1417 = arith.muli %mul3A_1415, %mul3A_1416 : i32
        %sub3A_1418 = arith.subi %add3A_1009, %mul3A_1417 : i32
        %jit3A_1419 = arith.constant 128 : i32
        %div3A_1420 = arith.divsi %sub3A_1418, %jit3A_1419 : i32
        %sign3A_1421 = arith.constant 0 : i32
        %sign3A_1422 = arith.cmpi sgt, %sub3A_1418, %sign3A_1421 : i32
        %sign3A_1423 = arith.extui %sign3A_1422 : i1 to i32
        %sign3A_1424 = arith.constant 0 : i32
        %sign3A_1425 = arith.cmpi slt, %sub3A_1418, %sign3A_1424 : i32
        %sign3A_1426 = arith.extui %sign3A_1425 : i1 to i32
        %sign3A_1427 = arith.subi %sign3A_1423, %sign3A_1426 : i32
        %sign3A_1428 = arith.constant 0 : i32
        %sign3A_1429 = arith.cmpi sgt, %jit3A_1419, %sign3A_1428 : i32
        %sign3A_1430 = arith.extui %sign3A_1429 : i1 to i32
        %sign3A_1431 = arith.constant 0 : i32
        %sign3A_1432 = arith.cmpi slt, %jit3A_1419, %sign3A_1431 : i32
        %sign3A_1433 = arith.extui %sign3A_1432 : i1 to i32
        %sign3A_1434 = arith.subi %sign3A_1430, %sign3A_1433 : i32
        %ne3A_1435 = arith.cmpi ne, %sign3A_1427, %sign3A_1434 : i32
        %rem3A_1436 = arith.remsi %sub3A_1418, %jit3A_1419 : i32
        %ne3A_1437 = arith.constant 0 : i32
        %ne3A_1438 = arith.cmpi ne, %rem3A_1436, %ne3A_1437 : i32
        %and3A_1439 = arith.andi %ne3A_1435, %ne3A_1438 : i1
        %sub3A_1440 = arith.constant 1 : i32
        %sub3A_1441 = arith.subi %div3A_1420, %sub3A_1440 : i32
        %select_n3A_1442 = arith.select %and3A_1439, %sub3A_1441, %div3A_1420 : i32
        %add3A_1443 = arith.constant 1 : i32
        %add3A_1444 = arith.addi %select_n3A_1413, %add3A_1443 : i32
        %min3A_1445 = arith.constant 127 : i32
        %min3A_1446 = arith.minsi %add3A_1444, %min3A_1445 : i32
        %mul3A_1447 = arith.constant 49152 : i32
        %mul3A_1448 = arith.muli %min3A_1446, %mul3A_1447 : i32
        %add3A_1449 = arith.constant 32768 : i32
        %add3A_1450 = arith.addi %mul3A_1448, %add3A_1449 : i32
        %mul3A_1451 = arith.constant 128 : i32
        %mul3A_1452 = arith.muli %select_n3A_1442, %mul3A_1451 : i32
        %add3A_1453 = arith.addi %add3A_1450, %mul3A_1452 : i32
        %multiple_of3A_1454 = tpu.assume_multiple %add3A_1453, 128 : i32
        %dma_start3A_1455 = arith.constant 5 : i32
        %dma_start3A_1456 = arith.constant 0 : i32
        %dma_start3A_1457 = tpu.memref_slice %arg4[%rem3A_512, %dma_start3A_1455, %dma_start3A_1456] : memref<2x6x2184xf32, #tpu.memory_space<vmem>> -> memref<1x1x2184xf32, #tpu.memory_space<vmem>>
        %dma_start3A_1458 = tpu.memref_squeeze %dma_start3A_1457 : memref<1x1x2184xf32, #tpu.memory_space<vmem>> -> memref<2184xf32, #tpu.memory_space<vmem>>
        %dma_start3A_1459 = tpu.memref_slice %arg2[%multiple_of3A_1454] : memref<6291968xf32, #tpu.memory_space<hbm>> -> memref<2184xf32, #tpu.memory_space<hbm>>
        %dma_start3A_1460 = tpu.memref_slice %arg6[%rem3A_512] : memref<2x!tpu.dma_semaphore, #tpu.memory_space<semaphore_mem>> -> memref<1x!tpu.dma_semaphore, #tpu.memory_space<semaphore_mem>>
        %dma_start3A_1461 = tpu.memref_squeeze %dma_start3A_1460 : memref<1x!tpu.dma_semaphore, #tpu.memory_space<semaphore_mem>> -> memref<!tpu.dma_semaphore, #tpu.memory_space<semaphore_mem>>
        %dma_start3A_1462 = arith.constant 0 : i32
        %dma_start3A_1463 = tpu.memref_slice %arg4[%rem3A_512, %dma_start3A_1455, %dma_start3A_1462] : memref<2x6x2184xf32, #tpu.memory_space<vmem>> -> memref<1x1x2184xf32, #tpu.memory_space<vmem>>
        %dma_start3A_1464 = tpu.memref_squeeze %dma_start3A_1463 : memref<1x1x2184xf32, #tpu.memory_space<vmem>> -> memref<2184xf32, #tpu.memory_space<vmem>>
        %dma_start3A_1465 = tpu.memref_slice %arg2[%multiple_of3A_1454] : memref<6291968xf32, #tpu.memory_space<hbm>> -> memref<2184xf32, #tpu.memory_space<hbm>>
        tpu.enqueue_dma source(%dma_start3A_1465 : memref<2184xf32, #tpu.memory_space<hbm>>) target(%dma_start3A_1464 : memref<2184xf32, #tpu.memory_space<vmem>>) target_semaphore(%dma_start3A_1461 : memref<!tpu.dma_semaphore, #tpu.memory_space<semaphore_mem>>)
      } else {
      }
      %mul3A_517 = arith.constant 2048 : i32
      %mul3A_518 = arith.muli %scan3A_505, %mul3A_517 : i32
      %add3A_519 = arith.addi %mul3A_2, %mul3A_518 : i32
      %jit3A_520 = arith.constant 16384 : i32
      %div3A_521 = arith.divsi %add3A_519, %jit3A_520 : i32
      %sign3A_522 = arith.constant 0 : i32
      %sign3A_523 = arith.cmpi sgt, %add3A_519, %sign3A_522 : i32
      %sign3A_524 = arith.extui %sign3A_523 : i1 to i32
      %sign3A_525 = arith.constant 0 : i32
      %sign3A_526 = arith.cmpi slt, %add3A_519, %sign3A_525 : i32
      %sign3A_527 = arith.extui %sign3A_526 : i1 to i32
      %sign3A_528 = arith.subi %sign3A_524, %sign3A_527 : i32
      %sign3A_529 = arith.constant 0 : i32
      %sign3A_530 = arith.cmpi sgt, %jit3A_520, %sign3A_529 : i32
      %sign3A_531 = arith.extui %sign3A_530 : i1 to i32
      %sign3A_532 = arith.constant 0 : i32
      %sign3A_533 = arith.cmpi slt, %jit3A_520, %sign3A_532 : i32
      %sign3A_534 = arith.extui %sign3A_533 : i1 to i32
      %sign3A_535 = arith.subi %sign3A_531, %sign3A_534 : i32
      %ne3A_536 = arith.cmpi ne, %sign3A_528, %sign3A_535 : i32
      %rem3A_537 = arith.remsi %add3A_519, %jit3A_520 : i32
      %ne3A_538 = arith.constant 0 : i32
      %ne3A_539 = arith.cmpi ne, %rem3A_537, %ne3A_538 : i32
      %and3A_540 = arith.andi %ne3A_536, %ne3A_539 : i1
      %sub3A_541 = arith.constant 1 : i32
      %sub3A_542 = arith.subi %div3A_521, %sub3A_541 : i32
      %select_n3A_543 = arith.select %and3A_540, %sub3A_542, %div3A_521 : i32
      %mul3A_544 = arith.constant 128 : i32
      %mul3A_545 = arith.muli %select_n3A_543, %mul3A_544 : i32
      %mul3A_546 = arith.constant 128 : i32
      %mul3A_547 = arith.muli %mul3A_545, %mul3A_546 : i32
      %sub3A_548 = arith.subi %add3A_519, %mul3A_547 : i32
      %jit3A_549 = arith.constant 128 : i32
      %div3A_550 = arith.divsi %sub3A_548, %jit3A_549 : i32
      %sign3A_551 = arith.constant 0 : i32
      %sign3A_552 = arith.cmpi sgt, %sub3A_548, %sign3A_551 : i32
      %sign3A_553 = arith.extui %sign3A_552 : i1 to i32
      %sign3A_554 = arith.constant 0 : i32
      %sign3A_555 = arith.cmpi slt, %sub3A_548, %sign3A_554 : i32
      %sign3A_556 = arith.extui %sign3A_555 : i1 to i32
      %sign3A_557 = arith.subi %sign3A_553, %sign3A_556 : i32
      %sign3A_558 = arith.constant 0 : i32
      %sign3A_559 = arith.cmpi sgt, %jit3A_549, %sign3A_558 : i32
      %sign3A_560 = arith.extui %sign3A_559 : i1 to i32
      %sign3A_561 = arith.constant 0 : i32
      %sign3A_562 = arith.cmpi slt, %jit3A_549, %sign3A_561 : i32
      %sign3A_563 = arith.extui %sign3A_562 : i1 to i32
      %sign3A_564 = arith.subi %sign3A_560, %sign3A_563 : i32
      %ne3A_565 = arith.cmpi ne, %sign3A_557, %sign3A_564 : i32
      %rem3A_566 = arith.remsi %sub3A_548, %jit3A_549 : i32
      %ne3A_567 = arith.constant 0 : i32
      %ne3A_568 = arith.cmpi ne, %rem3A_566, %ne3A_567 : i32
      %and3A_569 = arith.andi %ne3A_565, %ne3A_568 : i1
      %sub3A_570 = arith.constant 1 : i32
      %sub3A_571 = arith.subi %div3A_550, %sub3A_570 : i32
      %select_n3A_572 = arith.select %and3A_569, %sub3A_571, %div3A_550 : i32
      %add3A_573 = arith.constant 0 : i32
      %add3A_574 = arith.addi %select_n3A_543, %add3A_573 : i32
      %min3A_575 = arith.constant 127 : i32
      %min3A_576 = arith.minsi %add3A_574, %min3A_575 : i32
      %mul3A_577 = arith.constant 49152 : i32
      %mul3A_578 = arith.muli %min3A_576, %mul3A_577 : i32
      %add3A_579 = arith.constant 0 : i32
      %add3A_580 = arith.addi %mul3A_578, %add3A_579 : i32
      %mul3A_581 = arith.constant 128 : i32
      %mul3A_582 = arith.muli %select_n3A_572, %mul3A_581 : i32
      %add3A_583 = arith.addi %add3A_580, %mul3A_582 : i32
      %multiple_of3A_584 = tpu.assume_multiple %add3A_583, 128 : i32
      %dma_wait3A_585 = arith.constant 0 : i32
      %dma_wait3A_586 = arith.constant 0 : i32
      %dma_wait3A_587 = tpu.memref_slice %arg4[%rem3A_508, %dma_wait3A_585, %dma_wait3A_586] : memref<2x6x2184xf32, #tpu.memory_space<vmem>> -> memref<1x1x2184xf32, #tpu.memory_space<vmem>>
      %dma_wait3A_588 = tpu.memref_squeeze %dma_wait3A_587 : memref<1x1x2184xf32, #tpu.memory_space<vmem>> -> memref<2184xf32, #tpu.memory_space<vmem>>
      %dma_wait3A_589 = tpu.memref_slice %arg2[%multiple_of3A_584] : memref<6291968xf32, #tpu.memory_space<hbm>> -> memref<2184xf32, #tpu.memory_space<hbm>>
      %dma_wait3A_590 = tpu.memref_slice %arg6[%rem3A_508] : memref<2x!tpu.dma_semaphore, #tpu.memory_space<semaphore_mem>> -> memref<1x!tpu.dma_semaphore, #tpu.memory_space<semaphore_mem>>
      %dma_wait3A_591 = tpu.memref_squeeze %dma_wait3A_590 : memref<1x!tpu.dma_semaphore, #tpu.memory_space<semaphore_mem>> -> memref<!tpu.dma_semaphore, #tpu.memory_space<semaphore_mem>>
      %dma_wait3A_592 = arith.constant 0 : i32
      %dma_wait3A_593 = tpu.memref_slice %arg4[%rem3A_508, %dma_wait3A_585, %dma_wait3A_592] : memref<2x6x2184xf32, #tpu.memory_space<vmem>> -> memref<1x1x2184xf32, #tpu.memory_space<vmem>>
      %dma_wait3A_594 = tpu.memref_squeeze %dma_wait3A_593 : memref<1x1x2184xf32, #tpu.memory_space<vmem>> -> memref<2184xf32, #tpu.memory_space<vmem>>
      %dma_wait3A_595 = tpu.memref_slice %arg2[%multiple_of3A_584] : memref<6291968xf32, #tpu.memory_space<hbm>> -> memref<2184xf32, #tpu.memory_space<hbm>>
      tpu.wait_dma2 semaphore(%dma_wait3A_591 : memref<!tpu.dma_semaphore, #tpu.memory_space<semaphore_mem>>) src(%dma_wait3A_595 : memref<2184xf32, #tpu.memory_space<hbm>>) dst(%dma_wait3A_594 : memref<2184xf32, #tpu.memory_space<vmem>>)
      %jit3A_596 = arith.constant 16384 : i32
      %div3A_597 = arith.divsi %add3A_519, %jit3A_596 : i32
      %sign3A_598 = arith.constant 0 : i32
      %sign3A_599 = arith.cmpi sgt, %add3A_519, %sign3A_598 : i32
      %sign3A_600 = arith.extui %sign3A_599 : i1 to i32
      %sign3A_601 = arith.constant 0 : i32
      %sign3A_602 = arith.cmpi slt, %add3A_519, %sign3A_601 : i32
      %sign3A_603 = arith.extui %sign3A_602 : i1 to i32
      %sign3A_604 = arith.subi %sign3A_600, %sign3A_603 : i32
      %sign3A_605 = arith.constant 0 : i32
      %sign3A_606 = arith.cmpi sgt, %jit3A_596, %sign3A_605 : i32
      %sign3A_607 = arith.extui %sign3A_606 : i1 to i32
      %sign3A_608 = arith.constant 0 : i32
      %sign3A_609 = arith.cmpi slt, %jit3A_596, %sign3A_608 : i32
      %sign3A_610 = arith.extui %sign3A_609 : i1 to i32
      %sign3A_611 = arith.subi %sign3A_607, %sign3A_610 : i32
      %ne3A_612 = arith.cmpi ne, %sign3A_604, %sign3A_611 : i32
      %rem3A_613 = arith.remsi %add3A_519, %jit3A_596 : i32
      %ne3A_614 = arith.constant 0 : i32
      %ne3A_615 = arith.cmpi ne, %rem3A_613, %ne3A_614 : i32
      %and3A_616 = arith.andi %ne3A_612, %ne3A_615 : i1
      %sub3A_617 = arith.constant 1 : i32
      %sub3A_618 = arith.subi %div3A_597, %sub3A_617 : i32
      %select_n3A_619 = arith.select %and3A_616, %sub3A_618, %div3A_597 : i32
      %mul3A_620 = arith.constant 128 : i32
      %mul3A_621 = arith.muli %select_n3A_619, %mul3A_620 : i32
      %mul3A_622 = arith.constant 128 : i32
      %mul3A_623 = arith.muli %mul3A_621, %mul3A_622 : i32
      %sub3A_624 = arith.subi %add3A_519, %mul3A_623 : i32
      %jit3A_625 = arith.constant 128 : i32
      %div3A_626 = arith.divsi %sub3A_624, %jit3A_625 : i32
      %sign3A_627 = arith.constant 0 : i32
      %sign3A_628 = arith.cmpi sgt, %sub3A_624, %sign3A_627 : i32
      %sign3A_629 = arith.extui %sign3A_628 : i1 to i32
      %sign3A_630 = arith.constant 0 : i32
      %sign3A_631 = arith.cmpi slt, %sub3A_624, %sign3A_630 : i32
      %sign3A_632 = arith.extui %sign3A_631 : i1 to i32
      %sign3A_633 = arith.subi %sign3A_629, %sign3A_632 : i32
      %sign3A_634 = arith.constant 0 : i32
      %sign3A_635 = arith.cmpi sgt, %jit3A_625, %sign3A_634 : i32
      %sign3A_636 = arith.extui %sign3A_635 : i1 to i32
      %sign3A_637 = arith.constant 0 : i32
      %sign3A_638 = arith.cmpi slt, %jit3A_625, %sign3A_637 : i32
      %sign3A_639 = arith.extui %sign3A_638 : i1 to i32
      %sign3A_640 = arith.subi %sign3A_636, %sign3A_639 : i32
      %ne3A_641 = arith.cmpi ne, %sign3A_633, %sign3A_640 : i32
      %rem3A_642 = arith.remsi %sub3A_624, %jit3A_625 : i32
      %ne3A_643 = arith.constant 0 : i32
      %ne3A_644 = arith.cmpi ne, %rem3A_642, %ne3A_643 : i32
      %and3A_645 = arith.andi %ne3A_641, %ne3A_644 : i1
      %sub3A_646 = arith.constant 1 : i32
      %sub3A_647 = arith.subi %div3A_626, %sub3A_646 : i32
      %select_n3A_648 = arith.select %and3A_645, %sub3A_647, %div3A_626 : i32
      %add3A_649 = arith.constant 0 : i32
      %add3A_650 = arith.addi %select_n3A_619, %add3A_649 : i32
      %min3A_651 = arith.constant 127 : i32
      %min3A_652 = arith.minsi %add3A_650, %min3A_651 : i32
      %mul3A_653 = arith.constant 49152 : i32
      %mul3A_654 = arith.muli %min3A_652, %mul3A_653 : i32
      %add3A_655 = arith.constant 16384 : i32
      %add3A_656 = arith.addi %mul3A_654, %add3A_655 : i32
      %mul3A_657 = arith.constant 128 : i32
      %mul3A_658 = arith.muli %select_n3A_648, %mul3A_657 : i32
      %add3A_659 = arith.addi %add3A_656, %mul3A_658 : i32
      %multiple_of3A_660 = tpu.assume_multiple %add3A_659, 128 : i32
      %dma_wait3A_661 = arith.constant 1 : i32
      %dma_wait3A_662 = arith.constant 0 : i32
      %dma_wait3A_663 = tpu.memref_slice %arg4[%rem3A_508, %dma_wait3A_661, %dma_wait3A_662] : memref<2x6x2184xf32, #tpu.memory_space<vmem>> -> memref<1x1x2184xf32, #tpu.memory_space<vmem>>
      %dma_wait3A_664 = tpu.memref_squeeze %dma_wait3A_663 : memref<1x1x2184xf32, #tpu.memory_space<vmem>> -> memref<2184xf32, #tpu.memory_space<vmem>>
      %dma_wait3A_665 = tpu.memref_slice %arg2[%multiple_of3A_660] : memref<6291968xf32, #tpu.memory_space<hbm>> -> memref<2184xf32, #tpu.memory_space<hbm>>
      %dma_wait3A_666 = tpu.memref_slice %arg6[%rem3A_508] : memref<2x!tpu.dma_semaphore, #tpu.memory_space<semaphore_mem>> -> memref<1x!tpu.dma_semaphore, #tpu.memory_space<semaphore_mem>>
      %dma_wait3A_667 = tpu.memref_squeeze %dma_wait3A_666 : memref<1x!tpu.dma_semaphore, #tpu.memory_space<semaphore_mem>> -> memref<!tpu.dma_semaphore, #tpu.memory_space<semaphore_mem>>
      %dma_wait3A_668 = arith.constant 0 : i32
      %dma_wait3A_669 = tpu.memref_slice %arg4[%rem3A_508, %dma_wait3A_661, %dma_wait3A_668] : memref<2x6x2184xf32, #tpu.memory_space<vmem>> -> memref<1x1x2184xf32, #tpu.memory_space<vmem>>
      %dma_wait3A_670 = tpu.memref_squeeze %dma_wait3A_669 : memref<1x1x2184xf32, #tpu.memory_space<vmem>> -> memref<2184xf32, #tpu.memory_space<vmem>>
      %dma_wait3A_671 = tpu.memref_slice %arg2[%multiple_of3A_660] : memref<6291968xf32, #tpu.memory_space<hbm>> -> memref<2184xf32, #tpu.memory_space<hbm>>
      tpu.wait_dma2 semaphore(%dma_wait3A_667 : memref<!tpu.dma_semaphore, #tpu.memory_space<semaphore_mem>>) src(%dma_wait3A_671 : memref<2184xf32, #tpu.memory_space<hbm>>) dst(%dma_wait3A_670 : memref<2184xf32, #tpu.memory_space<vmem>>)
      %jit3A_672 = arith.constant 16384 : i32
      %div3A_673 = arith.divsi %add3A_519, %jit3A_672 : i32
      %sign3A_674 = arith.constant 0 : i32
      %sign3A_675 = arith.cmpi sgt, %add3A_519, %sign3A_674 : i32
      %sign3A_676 = arith.extui %sign3A_675 : i1 to i32
      %sign3A_677 = arith.constant 0 : i32
      %sign3A_678 = arith.cmpi slt, %add3A_519, %sign3A_677 : i32
      %sign3A_679 = arith.extui %sign3A_678 : i1 to i32
      %sign3A_680 = arith.subi %sign3A_676, %sign3A_679 : i32
      %sign3A_681 = arith.constant 0 : i32
      %sign3A_682 = arith.cmpi sgt, %jit3A_672, %sign3A_681 : i32
      %sign3A_683 = arith.extui %sign3A_682 : i1 to i32
      %sign3A_684 = arith.constant 0 : i32
      %sign3A_685 = arith.cmpi slt, %jit3A_672, %sign3A_684 : i32
      %sign3A_686 = arith.extui %sign3A_685 : i1 to i32
      %sign3A_687 = arith.subi %sign3A_683, %sign3A_686 : i32
      %ne3A_688 = arith.cmpi ne, %sign3A_680, %sign3A_687 : i32
      %rem3A_689 = arith.remsi %add3A_519, %jit3A_672 : i32
      %ne3A_690 = arith.constant 0 : i32
      %ne3A_691 = arith.cmpi ne, %rem3A_689, %ne3A_690 : i32
      %and3A_692 = arith.andi %ne3A_688, %ne3A_691 : i1
      %sub3A_693 = arith.constant 1 : i32
      %sub3A_694 = arith.subi %div3A_673, %sub3A_693 : i32
      %select_n3A_695 = arith.select %and3A_692, %sub3A_694, %div3A_673 : i32
      %mul3A_696 = arith.constant 128 : i32
      %mul3A_697 = arith.muli %select_n3A_695, %mul3A_696 : i32
      %mul3A_698 = arith.constant 128 : i32
      %mul3A_699 = arith.muli %mul3A_697, %mul3A_698 : i32
      %sub3A_700 = arith.subi %add3A_519, %mul3A_699 : i32
      %jit3A_701 = arith.constant 128 : i32
      %div3A_702 = arith.divsi %sub3A_700, %jit3A_701 : i32
      %sign3A_703 = arith.constant 0 : i32
      %sign3A_704 = arith.cmpi sgt, %sub3A_700, %sign3A_703 : i32
      %sign3A_705 = arith.extui %sign3A_704 : i1 to i32
      %sign3A_706 = arith.constant 0 : i32
      %sign3A_707 = arith.cmpi slt, %sub3A_700, %sign3A_706 : i32
      %sign3A_708 = arith.extui %sign3A_707 : i1 to i32
      %sign3A_709 = arith.subi %sign3A_705, %sign3A_708 : i32
      %sign3A_710 = arith.constant 0 : i32
      %sign3A_711 = arith.cmpi sgt, %jit3A_701, %sign3A_710 : i32
      %sign3A_712 = arith.extui %sign3A_711 : i1 to i32
      %sign3A_713 = arith.constant 0 : i32
      %sign3A_714 = arith.cmpi slt, %jit3A_701, %sign3A_713 : i32
      %sign3A_715 = arith.extui %sign3A_714 : i1 to i32
      %sign3A_716 = arith.subi %sign3A_712, %sign3A_715 : i32
      %ne3A_717 = arith.cmpi ne, %sign3A_709, %sign3A_716 : i32
      %rem3A_718 = arith.remsi %sub3A_700, %jit3A_701 : i32
      %ne3A_719 = arith.constant 0 : i32
      %ne3A_720 = arith.cmpi ne, %rem3A_718, %ne3A_719 : i32
      %and3A_721 = arith.andi %ne3A_717, %ne3A_720 : i1
      %sub3A_722 = arith.constant 1 : i32
      %sub3A_723 = arith.subi %div3A_702, %sub3A_722 : i32
      %select_n3A_724 = arith.select %and3A_721, %sub3A_723, %div3A_702 : i32
      %add3A_725 = arith.constant 0 : i32
      %add3A_726 = arith.addi %select_n3A_695, %add3A_725 : i32
      %min3A_727 = arith.constant 127 : i32
      %min3A_728 = arith.minsi %add3A_726, %min3A_727 : i32
      %mul3A_729 = arith.constant 49152 : i32
      %mul3A_730 = arith.muli %min3A_728, %mul3A_729 : i32
      %add3A_731 = arith.constant 32768 : i32
      %add3A_732 = arith.addi %mul3A_730, %add3A_731 : i32
      %mul3A_733 = arith.constant 128 : i32
      %mul3A_734 = arith.muli %select_n3A_724, %mul3A_733 : i32
      %add3A_735 = arith.addi %add3A_732, %mul3A_734 : i32
      %multiple_of3A_736 = tpu.assume_multiple %add3A_735, 128 : i32
      %dma_wait3A_737 = arith.constant 2 : i32
      %dma_wait3A_738 = arith.constant 0 : i32
      %dma_wait3A_739 = tpu.memref_slice %arg4[%rem3A_508, %dma_wait3A_737, %dma_wait3A_738] : memref<2x6x2184xf32, #tpu.memory_space<vmem>> -> memref<1x1x2184xf32, #tpu.memory_space<vmem>>
      %dma_wait3A_740 = tpu.memref_squeeze %dma_wait3A_739 : memref<1x1x2184xf32, #tpu.memory_space<vmem>> -> memref<2184xf32, #tpu.memory_space<vmem>>
      %dma_wait3A_741 = tpu.memref_slice %arg2[%multiple_of3A_736] : memref<6291968xf32, #tpu.memory_space<hbm>> -> memref<2184xf32, #tpu.memory_space<hbm>>
      %dma_wait3A_742 = tpu.memref_slice %arg6[%rem3A_508] : memref<2x!tpu.dma_semaphore, #tpu.memory_space<semaphore_mem>> -> memref<1x!tpu.dma_semaphore, #tpu.memory_space<semaphore_mem>>
      %dma_wait3A_743 = tpu.memref_squeeze %dma_wait3A_742 : memref<1x!tpu.dma_semaphore, #tpu.memory_space<semaphore_mem>> -> memref<!tpu.dma_semaphore, #tpu.memory_space<semaphore_mem>>
      %dma_wait3A_744 = arith.constant 0 : i32
      %dma_wait3A_745 = tpu.memref_slice %arg4[%rem3A_508, %dma_wait3A_737, %dma_wait3A_744] : memref<2x6x2184xf32, #tpu.memory_space<vmem>> -> memref<1x1x2184xf32, #tpu.memory_space<vmem>>
      %dma_wait3A_746 = tpu.memref_squeeze %dma_wait3A_745 : memref<1x1x2184xf32, #tpu.memory_space<vmem>> -> memref<2184xf32, #tpu.memory_space<vmem>>
      %dma_wait3A_747 = tpu.memref_slice %arg2[%multiple_of3A_736] : memref<6291968xf32, #tpu.memory_space<hbm>> -> memref<2184xf32, #tpu.memory_space<hbm>>
      tpu.wait_dma2 semaphore(%dma_wait3A_743 : memref<!tpu.dma_semaphore, #tpu.memory_space<semaphore_mem>>) src(%dma_wait3A_747 : memref<2184xf32, #tpu.memory_space<hbm>>) dst(%dma_wait3A_746 : memref<2184xf32, #tpu.memory_space<vmem>>)
      %jit3A_748 = arith.constant 16384 : i32
      %div3A_749 = arith.divsi %add3A_519, %jit3A_748 : i32
      %sign3A_750 = arith.constant 0 : i32
      %sign3A_751 = arith.cmpi sgt, %add3A_519, %sign3A_750 : i32
      %sign3A_752 = arith.extui %sign3A_751 : i1 to i32
      %sign3A_753 = arith.constant 0 : i32
      %sign3A_754 = arith.cmpi slt, %add3A_519, %sign3A_753 : i32
      %sign3A_755 = arith.extui %sign3A_754 : i1 to i32
      %sign3A_756 = arith.subi %sign3A_752, %sign3A_755 : i32
      %sign3A_757 = arith.constant 0 : i32
      %sign3A_758 = arith.cmpi sgt, %jit3A_748, %sign3A_757 : i32
      %sign3A_759 = arith.extui %sign3A_758 : i1 to i32
      %sign3A_760 = arith.constant 0 : i32
      %sign3A_761 = arith.cmpi slt, %jit3A_748, %sign3A_760 : i32
      %sign3A_762 = arith.extui %sign3A_761 : i1 to i32
      %sign3A_763 = arith.subi %sign3A_759, %sign3A_762 : i32
      %ne3A_764 = arith.cmpi ne, %sign3A_756, %sign3A_763 : i32
      %rem3A_765 = arith.remsi %add3A_519, %jit3A_748 : i32
      %ne3A_766 = arith.constant 0 : i32
      %ne3A_767 = arith.cmpi ne, %rem3A_765, %ne3A_766 : i32
      %and3A_768 = arith.andi %ne3A_764, %ne3A_767 : i1
      %sub3A_769 = arith.constant 1 : i32
      %sub3A_770 = arith.subi %div3A_749, %sub3A_769 : i32
      %select_n3A_771 = arith.select %and3A_768, %sub3A_770, %div3A_749 : i32
      %mul3A_772 = arith.constant 128 : i32
      %mul3A_773 = arith.muli %select_n3A_771, %mul3A_772 : i32
      %mul3A_774 = arith.constant 128 : i32
      %mul3A_775 = arith.muli %mul3A_773, %mul3A_774 : i32
      %sub3A_776 = arith.subi %add3A_519, %mul3A_775 : i32
      %jit3A_777 = arith.constant 128 : i32
      %div3A_778 = arith.divsi %sub3A_776, %jit3A_777 : i32
      %sign3A_779 = arith.constant 0 : i32
      %sign3A_780 = arith.cmpi sgt, %sub3A_776, %sign3A_779 : i32
      %sign3A_781 = arith.extui %sign3A_780 : i1 to i32
      %sign3A_782 = arith.constant 0 : i32
      %sign3A_783 = arith.cmpi slt, %sub3A_776, %sign3A_782 : i32
      %sign3A_784 = arith.extui %sign3A_783 : i1 to i32
      %sign3A_785 = arith.subi %sign3A_781, %sign3A_784 : i32
      %sign3A_786 = arith.constant 0 : i32
      %sign3A_787 = arith.cmpi sgt, %jit3A_777, %sign3A_786 : i32
      %sign3A_788 = arith.extui %sign3A_787 : i1 to i32
      %sign3A_789 = arith.constant 0 : i32
      %sign3A_790 = arith.cmpi slt, %jit3A_777, %sign3A_789 : i32
      %sign3A_791 = arith.extui %sign3A_790 : i1 to i32
      %sign3A_792 = arith.subi %sign3A_788, %sign3A_791 : i32
      %ne3A_793 = arith.cmpi ne, %sign3A_785, %sign3A_792 : i32
      %rem3A_794 = arith.remsi %sub3A_776, %jit3A_777 : i32
      %ne3A_795 = arith.constant 0 : i32
      %ne3A_796 = arith.cmpi ne, %rem3A_794, %ne3A_795 : i32
      %and3A_797 = arith.andi %ne3A_793, %ne3A_796 : i1
      %sub3A_798 = arith.constant 1 : i32
      %sub3A_799 = arith.subi %div3A_778, %sub3A_798 : i32
      %select_n3A_800 = arith.select %and3A_797, %sub3A_799, %div3A_778 : i32
      %add3A_801 = arith.constant 1 : i32
      %add3A_802 = arith.addi %select_n3A_771, %add3A_801 : i32
      %min3A_803 = arith.constant 127 : i32
      %min3A_804 = arith.minsi %add3A_802, %min3A_803 : i32
      %mul3A_805 = arith.constant 49152 : i32
      %mul3A_806 = arith.muli %min3A_804, %mul3A_805 : i32
      %add3A_807 = arith.constant 0 : i32
      %add3A_808 = arith.addi %mul3A_806, %add3A_807 : i32
      %mul3A_809 = arith.constant 128 : i32
      %mul3A_810 = arith.muli %select_n3A_800, %mul3A_809 : i32
      %add3A_811 = arith.addi %add3A_808, %mul3A_810 : i32
      %multiple_of3A_812 = tpu.assume_multiple %add3A_811, 128 : i32
      %dma_wait3A_813 = arith.constant 3 : i32
      %dma_wait3A_814 = arith.constant 0 : i32
      %dma_wait3A_815 = tpu.memref_slice %arg4[%rem3A_508, %dma_wait3A_813, %dma_wait3A_814] : memref<2x6x2184xf32, #tpu.memory_space<vmem>> -> memref<1x1x2184xf32, #tpu.memory_space<vmem>>
      %dma_wait3A_816 = tpu.memref_squeeze %dma_wait3A_815 : memref<1x1x2184xf32, #tpu.memory_space<vmem>> -> memref<2184xf32, #tpu.memory_space<vmem>>
      %dma_wait3A_817 = tpu.memref_slice %arg2[%multiple_of3A_812] : memref<6291968xf32, #tpu.memory_space<hbm>> -> memref<2184xf32, #tpu.memory_space<hbm>>
      %dma_wait3A_818 = tpu.memref_slice %arg6[%rem3A_508] : memref<2x!tpu.dma_semaphore, #tpu.memory_space<semaphore_mem>> -> memref<1x!tpu.dma_semaphore, #tpu.memory_space<semaphore_mem>>
      %dma_wait3A_819 = tpu.memref_squeeze %dma_wait3A_818 : memref<1x!tpu.dma_semaphore, #tpu.memory_space<semaphore_mem>> -> memref<!tpu.dma_semaphore, #tpu.memory_space<semaphore_mem>>
      %dma_wait3A_820 = arith.constant 0 : i32
      %dma_wait3A_821 = tpu.memref_slice %arg4[%rem3A_508, %dma_wait3A_813, %dma_wait3A_820] : memref<2x6x2184xf32, #tpu.memory_space<vmem>> -> memref<1x1x2184xf32, #tpu.memory_space<vmem>>
      %dma_wait3A_822 = tpu.memref_squeeze %dma_wait3A_821 : memref<1x1x2184xf32, #tpu.memory_space<vmem>> -> memref<2184xf32, #tpu.memory_space<vmem>>
      %dma_wait3A_823 = tpu.memref_slice %arg2[%multiple_of3A_812] : memref<6291968xf32, #tpu.memory_space<hbm>> -> memref<2184xf32, #tpu.memory_space<hbm>>
      tpu.wait_dma2 semaphore(%dma_wait3A_819 : memref<!tpu.dma_semaphore, #tpu.memory_space<semaphore_mem>>) src(%dma_wait3A_823 : memref<2184xf32, #tpu.memory_space<hbm>>) dst(%dma_wait3A_822 : memref<2184xf32, #tpu.memory_space<vmem>>)
      %jit3A_824 = arith.constant 16384 : i32
      %div3A_825 = arith.divsi %add3A_519, %jit3A_824 : i32
      %sign3A_826 = arith.constant 0 : i32
      %sign3A_827 = arith.cmpi sgt, %add3A_519, %sign3A_826 : i32
      %sign3A_828 = arith.extui %sign3A_827 : i1 to i32
      %sign3A_829 = arith.constant 0 : i32
      %sign3A_830 = arith.cmpi slt, %add3A_519, %sign3A_829 : i32
      %sign3A_831 = arith.extui %sign3A_830 : i1 to i32
      %sign3A_832 = arith.subi %sign3A_828, %sign3A_831 : i32
      %sign3A_833 = arith.constant 0 : i32
      %sign3A_834 = arith.cmpi sgt, %jit3A_824, %sign3A_833 : i32
      %sign3A_835 = arith.extui %sign3A_834 : i1 to i32
      %sign3A_836 = arith.constant 0 : i32
      %sign3A_837 = arith.cmpi slt, %jit3A_824, %sign3A_836 : i32
      %sign3A_838 = arith.extui %sign3A_837 : i1 to i32
      %sign3A_839 = arith.subi %sign3A_835, %sign3A_838 : i32
      %ne3A_840 = arith.cmpi ne, %sign3A_832, %sign3A_839 : i32
      %rem3A_841 = arith.remsi %add3A_519, %jit3A_824 : i32
      %ne3A_842 = arith.constant 0 : i32
      %ne3A_843 = arith.cmpi ne, %rem3A_841, %ne3A_842 : i32
      %and3A_844 = arith.andi %ne3A_840, %ne3A_843 : i1
      %sub3A_845 = arith.constant 1 : i32
      %sub3A_846 = arith.subi %div3A_825, %sub3A_845 : i32
      %select_n3A_847 = arith.select %and3A_844, %sub3A_846, %div3A_825 : i32
      %mul3A_848 = arith.constant 128 : i32
      %mul3A_849 = arith.muli %select_n3A_847, %mul3A_848 : i32
      %mul3A_850 = arith.constant 128 : i32
      %mul3A_851 = arith.muli %mul3A_849, %mul3A_850 : i32
      %sub3A_852 = arith.subi %add3A_519, %mul3A_851 : i32
      %jit3A_853 = arith.constant 128 : i32
      %div3A_854 = arith.divsi %sub3A_852, %jit3A_853 : i32
      %sign3A_855 = arith.constant 0 : i32
      %sign3A_856 = arith.cmpi sgt, %sub3A_852, %sign3A_855 : i32
      %sign3A_857 = arith.extui %sign3A_856 : i1 to i32
      %sign3A_858 = arith.constant 0 : i32
      %sign3A_859 = arith.cmpi slt, %sub3A_852, %sign3A_858 : i32
      %sign3A_860 = arith.extui %sign3A_859 : i1 to i32
      %sign3A_861 = arith.subi %sign3A_857, %sign3A_860 : i32
      %sign3A_862 = arith.constant 0 : i32
      %sign3A_863 = arith.cmpi sgt, %jit3A_853, %sign3A_862 : i32
      %sign3A_864 = arith.extui %sign3A_863 : i1 to i32
      %sign3A_865 = arith.constant 0 : i32
      %sign3A_866 = arith.cmpi slt, %jit3A_853, %sign3A_865 : i32
      %sign3A_867 = arith.extui %sign3A_866 : i1 to i32
      %sign3A_868 = arith.subi %sign3A_864, %sign3A_867 : i32
      %ne3A_869 = arith.cmpi ne, %sign3A_861, %sign3A_868 : i32
      %rem3A_870 = arith.remsi %sub3A_852, %jit3A_853 : i32
      %ne3A_871 = arith.constant 0 : i32
      %ne3A_872 = arith.cmpi ne, %rem3A_870, %ne3A_871 : i32
      %and3A_873 = arith.andi %ne3A_869, %ne3A_872 : i1
      %sub3A_874 = arith.constant 1 : i32
      %sub3A_875 = arith.subi %div3A_854, %sub3A_874 : i32
      %select_n3A_876 = arith.select %and3A_873, %sub3A_875, %div3A_854 : i32
      %add3A_877 = arith.constant 1 : i32
      %add3A_878 = arith.addi %select_n3A_847, %add3A_877 : i32
      %min3A_879 = arith.constant 127 : i32
      %min3A_880 = arith.minsi %add3A_878, %min3A_879 : i32
      %mul3A_881 = arith.constant 49152 : i32
      %mul3A_882 = arith.muli %min3A_880, %mul3A_881 : i32
      %add3A_883 = arith.constant 16384 : i32
      %add3A_884 = arith.addi %mul3A_882, %add3A_883 : i32
      %mul3A_885 = arith.constant 128 : i32
      %mul3A_886 = arith.muli %select_n3A_876, %mul3A_885 : i32
      %add3A_887 = arith.addi %add3A_884, %mul3A_886 : i32
      %multiple_of3A_888 = tpu.assume_multiple %add3A_887, 128 : i32
      %dma_wait3A_889 = arith.constant 4 : i32
      %dma_wait3A_890 = arith.constant 0 : i32
      %dma_wait3A_891 = tpu.memref_slice %arg4[%rem3A_508, %dma_wait3A_889, %dma_wait3A_890] : memref<2x6x2184xf32, #tpu.memory_space<vmem>> -> memref<1x1x2184xf32, #tpu.memory_space<vmem>>
      %dma_wait3A_892 = tpu.memref_squeeze %dma_wait3A_891 : memref<1x1x2184xf32, #tpu.memory_space<vmem>> -> memref<2184xf32, #tpu.memory_space<vmem>>
      %dma_wait3A_893 = tpu.memref_slice %arg2[%multiple_of3A_888] : memref<6291968xf32, #tpu.memory_space<hbm>> -> memref<2184xf32, #tpu.memory_space<hbm>>
      %dma_wait3A_894 = tpu.memref_slice %arg6[%rem3A_508] : memref<2x!tpu.dma_semaphore, #tpu.memory_space<semaphore_mem>> -> memref<1x!tpu.dma_semaphore, #tpu.memory_space<semaphore_mem>>
      %dma_wait3A_895 = tpu.memref_squeeze %dma_wait3A_894 : memref<1x!tpu.dma_semaphore, #tpu.memory_space<semaphore_mem>> -> memref<!tpu.dma_semaphore, #tpu.memory_space<semaphore_mem>>
      %dma_wait3A_896 = arith.constant 0 : i32
      %dma_wait3A_897 = tpu.memref_slice %arg4[%rem3A_508, %dma_wait3A_889, %dma_wait3A_896] : memref<2x6x2184xf32, #tpu.memory_space<vmem>> -> memref<1x1x2184xf32, #tpu.memory_space<vmem>>
      %dma_wait3A_898 = tpu.memref_squeeze %dma_wait3A_897 : memref<1x1x2184xf32, #tpu.memory_space<vmem>> -> memref<2184xf32, #tpu.memory_space<vmem>>
      %dma_wait3A_899 = tpu.memref_slice %arg2[%multiple_of3A_888] : memref<6291968xf32, #tpu.memory_space<hbm>> -> memref<2184xf32, #tpu.memory_space<hbm>>
      tpu.wait_dma2 semaphore(%dma_wait3A_895 : memref<!tpu.dma_semaphore, #tpu.memory_space<semaphore_mem>>) src(%dma_wait3A_899 : memref<2184xf32, #tpu.memory_space<hbm>>) dst(%dma_wait3A_898 : memref<2184xf32, #tpu.memory_space<vmem>>)
      %jit3A_900 = arith.constant 16384 : i32
      %div3A_901 = arith.divsi %add3A_519, %jit3A_900 : i32
      %sign3A_902 = arith.constant 0 : i32
      %sign3A_903 = arith.cmpi sgt, %add3A_519, %sign3A_902 : i32
      %sign3A_904 = arith.extui %sign3A_903 : i1 to i32
      %sign3A_905 = arith.constant 0 : i32
      %sign3A_906 = arith.cmpi slt, %add3A_519, %sign3A_905 : i32
      %sign3A_907 = arith.extui %sign3A_906 : i1 to i32
      %sign3A_908 = arith.subi %sign3A_904, %sign3A_907 : i32
      %sign3A_909 = arith.constant 0 : i32
      %sign3A_910 = arith.cmpi sgt, %jit3A_900, %sign3A_909 : i32
      %sign3A_911 = arith.extui %sign3A_910 : i1 to i32
      %sign3A_912 = arith.constant 0 : i32
      %sign3A_913 = arith.cmpi slt, %jit3A_900, %sign3A_912 : i32
      %sign3A_914 = arith.extui %sign3A_913 : i1 to i32
      %sign3A_915 = arith.subi %sign3A_911, %sign3A_914 : i32
      %ne3A_916 = arith.cmpi ne, %sign3A_908, %sign3A_915 : i32
      %rem3A_917 = arith.remsi %add3A_519, %jit3A_900 : i32
      %ne3A_918 = arith.constant 0 : i32
      %ne3A_919 = arith.cmpi ne, %rem3A_917, %ne3A_918 : i32
      %and3A_920 = arith.andi %ne3A_916, %ne3A_919 : i1
      %sub3A_921 = arith.constant 1 : i32
      %sub3A_922 = arith.subi %div3A_901, %sub3A_921 : i32
      %select_n3A_923 = arith.select %and3A_920, %sub3A_922, %div3A_901 : i32
      %mul3A_924 = arith.constant 128 : i32
      %mul3A_925 = arith.muli %select_n3A_923, %mul3A_924 : i32
      %mul3A_926 = arith.constant 128 : i32
      %mul3A_927 = arith.muli %mul3A_925, %mul3A_926 : i32
      %sub3A_928 = arith.subi %add3A_519, %mul3A_927 : i32
      %jit3A_929 = arith.constant 128 : i32
      %div3A_930 = arith.divsi %sub3A_928, %jit3A_929 : i32
      %sign3A_931 = arith.constant 0 : i32
      %sign3A_932 = arith.cmpi sgt, %sub3A_928, %sign3A_931 : i32
      %sign3A_933 = arith.extui %sign3A_932 : i1 to i32
      %sign3A_934 = arith.constant 0 : i32
      %sign3A_935 = arith.cmpi slt, %sub3A_928, %sign3A_934 : i32
      %sign3A_936 = arith.extui %sign3A_935 : i1 to i32
      %sign3A_937 = arith.subi %sign3A_933, %sign3A_936 : i32
      %sign3A_938 = arith.constant 0 : i32
      %sign3A_939 = arith.cmpi sgt, %jit3A_929, %sign3A_938 : i32
      %sign3A_940 = arith.extui %sign3A_939 : i1 to i32
      %sign3A_941 = arith.constant 0 : i32
      %sign3A_942 = arith.cmpi slt, %jit3A_929, %sign3A_941 : i32
      %sign3A_943 = arith.extui %sign3A_942 : i1 to i32
      %sign3A_944 = arith.subi %sign3A_940, %sign3A_943 : i32
      %ne3A_945 = arith.cmpi ne, %sign3A_937, %sign3A_944 : i32
      %rem3A_946 = arith.remsi %sub3A_928, %jit3A_929 : i32
      %ne3A_947 = arith.constant 0 : i32
      %ne3A_948 = arith.cmpi ne, %rem3A_946, %ne3A_947 : i32
      %and3A_949 = arith.andi %ne3A_945, %ne3A_948 : i1
      %sub3A_950 = arith.constant 1 : i32
      %sub3A_951 = arith.subi %div3A_930, %sub3A_950 : i32
      %select_n3A_952 = arith.select %and3A_949, %sub3A_951, %div3A_930 : i32
      %add3A_953 = arith.constant 1 : i32
      %add3A_954 = arith.addi %select_n3A_923, %add3A_953 : i32
      %min3A_955 = arith.constant 127 : i32
      %min3A_956 = arith.minsi %add3A_954, %min3A_955 : i32
      %mul3A_957 = arith.constant 49152 : i32
      %mul3A_958 = arith.muli %min3A_956, %mul3A_957 : i32
      %add3A_959 = arith.constant 32768 : i32
      %add3A_960 = arith.addi %mul3A_958, %add3A_959 : i32
      %mul3A_961 = arith.constant 128 : i32
      %mul3A_962 = arith.muli %select_n3A_952, %mul3A_961 : i32
      %add3A_963 = arith.addi %add3A_960, %mul3A_962 : i32
      %multiple_of3A_964 = tpu.assume_multiple %add3A_963, 128 : i32
      %dma_wait3A_965 = arith.constant 5 : i32
      %dma_wait3A_966 = arith.constant 0 : i32
      %dma_wait3A_967 = tpu.memref_slice %arg4[%rem3A_508, %dma_wait3A_965, %dma_wait3A_966] : memref<2x6x2184xf32, #tpu.memory_space<vmem>> -> memref<1x1x2184xf32, #tpu.memory_space<vmem>>
      %dma_wait3A_968 = tpu.memref_squeeze %dma_wait3A_967 : memref<1x1x2184xf32, #tpu.memory_space<vmem>> -> memref<2184xf32, #tpu.memory_space<vmem>>
      %dma_wait3A_969 = tpu.memref_slice %arg2[%multiple_of3A_964] : memref<6291968xf32, #tpu.memory_space<hbm>> -> memref<2184xf32, #tpu.memory_space<hbm>>
      %dma_wait3A_970 = tpu.memref_slice %arg6[%rem3A_508] : memref<2x!tpu.dma_semaphore, #tpu.memory_space<semaphore_mem>> -> memref<1x!tpu.dma_semaphore, #tpu.memory_space<semaphore_mem>>
      %dma_wait3A_971 = tpu.memref_squeeze %dma_wait3A_970 : memref<1x!tpu.dma_semaphore, #tpu.memory_space<semaphore_mem>> -> memref<!tpu.dma_semaphore, #tpu.memory_space<semaphore_mem>>
      %dma_wait3A_972 = arith.constant 0 : i32
      %dma_wait3A_973 = tpu.memref_slice %arg4[%rem3A_508, %dma_wait3A_965, %dma_wait3A_972] : memref<2x6x2184xf32, #tpu.memory_space<vmem>> -> memref<1x1x2184xf32, #tpu.memory_space<vmem>>
      %dma_wait3A_974 = tpu.memref_squeeze %dma_wait3A_973 : memref<1x1x2184xf32, #tpu.memory_space<vmem>> -> memref<2184xf32, #tpu.memory_space<vmem>>
      %dma_wait3A_975 = tpu.memref_slice %arg2[%multiple_of3A_964] : memref<6291968xf32, #tpu.memory_space<hbm>> -> memref<2184xf32, #tpu.memory_space<hbm>>
      tpu.wait_dma2 semaphore(%dma_wait3A_971 : memref<!tpu.dma_semaphore, #tpu.memory_space<semaphore_mem>>) src(%dma_wait3A_975 : memref<2184xf32, #tpu.memory_space<hbm>>) dst(%dma_wait3A_974 : memref<2184xf32, #tpu.memory_space<vmem>>)
      %ge3A = arith.constant 2 : i32
      %ge3A_976 = arith.cmpi sge, %scan3A_505, %ge3A : i32
      %convert_element_type3A_977 = arith.extui %ge3A_976 : i1 to i32
      %cond3A_978 = arith.constant 0 : i32
      %cond3A_979 = arith.cmpi ne, %convert_element_type3A_977, %cond3A_978 : i32
      scf.if %cond3A_979 {
        %sub3A_1005 = arith.constant 2 : i32
        %sub3A_1006 = arith.subi %scan3A_505, %sub3A_1005 : i32
        %mul3A_1007 = arith.constant 2048 : i32
        %mul3A_1008 = arith.muli %sub3A_1006, %mul3A_1007 : i32
        %add3A_1009 = arith.addi %mul3A_2, %mul3A_1008 : i32
        %dma_wait3A_1010 = arith.constant 0 : i32
        %dma_wait3A_1011 = arith.constant 0 : i32
        %dma_wait3A_1012 = tpu.memref_slice %arg5[%rem3A_508, %dma_wait3A_1010, %dma_wait3A_1011] : memref<2x2048x16xf32, #tpu.memory_space<vmem>> -> memref<1x2048x16xf32, #tpu.memory_space<vmem>>
        %dma_wait3A_1013 = tpu.memref_squeeze %dma_wait3A_1012 : memref<1x2048x16xf32, #tpu.memory_space<vmem>> -> memref<2048x16xf32, #tpu.memory_space<vmem>>
        %dma_wait3A_1014 = arith.constant 0 : i32
        %dma_wait3A_1015 = tpu.memref_slice %arg3[%add3A_1009, %dma_wait3A_1014] : memref<2097152x16xf32, #tpu.memory_space<hbm>> -> memref<2048x16xf32, #tpu.memory_space<hbm>>
        %dma_wait3A_1016 = tpu.memref_slice %arg7[%rem3A_508] : memref<2x!tpu.dma_semaphore, #tpu.memory_space<semaphore_mem>> -> memref<1x!tpu.dma_semaphore, #tpu.memory_space<semaphore_mem>>
        %dma_wait3A_1017 = tpu.memref_squeeze %dma_wait3A_1016 : memref<1x!tpu.dma_semaphore, #tpu.memory_space<semaphore_mem>> -> memref<!tpu.dma_semaphore, #tpu.memory_space<semaphore_mem>>
        %dma_wait3A_1018 = arith.constant 0 : i32
        %dma_wait3A_1019 = tpu.memref_slice %arg3[%add3A_1009, %dma_wait3A_1018] : memref<2097152x16xf32, #tpu.memory_space<hbm>> -> memref<2048x16xf32, #tpu.memory_space<hbm>>
        %dma_wait3A_1020 = arith.constant 0 : i32
        %dma_wait3A_1021 = arith.constant 0 : i32
        %dma_wait3A_1022 = tpu.memref_slice %arg5[%rem3A_508, %dma_wait3A_1020, %dma_wait3A_1021] : memref<2x2048x16xf32, #tpu.memory_space<vmem>> -> memref<1x2048x16xf32, #tpu.memory_space<vmem>>
        %dma_wait3A_1023 = tpu.memref_squeeze %dma_wait3A_1022 : memref<1x2048x16xf32, #tpu.memory_space<vmem>> -> memref<2048x16xf32, #tpu.memory_space<vmem>>
        tpu.wait_dma2 semaphore(%dma_wait3A_1017 : memref<!tpu.dma_semaphore, #tpu.memory_space<semaphore_mem>>) src(%dma_wait3A_1023 : memref<2048x16xf32, #tpu.memory_space<vmem>>) dst(%dma_wait3A_1019 : memref<2048x16xf32, #tpu.memory_space<hbm>>)
      } else {
      }
      %mul3A_980 = arith.constant 2048 : i32
      %mul3A_981 = arith.muli %scan3A_505, %mul3A_980 : i32
      %add3A_982 = arith.addi %mul3A_2, %mul3A_981 : i32
      %broadcast_in_dim3A = vector.broadcast %rem3A_508 : i32 to vector<16xi32>
      %scan3A_983 = arith.constant 0 : i32
      %scan3A_984 = arith.constant 0 : i32
      %scan3A_985 = arith.constant 16 : i32
      %scan3A_986 = arith.addi %scan3A_984, %scan3A_985 : i32
      %scan3A_987 = arith.constant 1 : i32
      %scan3A_988 = scf.for %scan3A_1005 = %scan3A_984 to %scan3A_986 step %scan3A_987 iter_args(%scan3A_1006 = %scan3A_983) -> (i32)  : i32 {
        %mul3A_1007 = arith.constant 8 : i32
        %mul3A_1008 = arith.muli %scan3A_1005, %mul3A_1007 : i32
        %add3A_1009 = arith.constant 0 : i32
        %add3A_1010 = arith.addi %mul3A_1008, %add3A_1009 : i32
        %mul3A_1011 = arith.constant 16 : i32
        %mul3A_1012 = arith.muli %add3A_1010, %mul3A_1011 : i32
        %add3A_1013 = vector.broadcast %mul3A_1012 : i32 to vector<16xi32>
        %add3A_1014 = arith.addi %add3A_1013, %iota3A : vector<16xi32>
        %broadcast_in_dim3A_1015 = arith.constant 0 : i32
        %broadcast_in_dim3A_1016 = vector.broadcast %broadcast_in_dim3A_1015 : i32 to vector<16xi32>
        %add3A_1017 = arith.constant 0 : i32
        %add3A_1018 = arith.addi %scan3A_1005, %add3A_1017 : i32
        %mul3A_1019 = arith.constant 128 : i32
        %mul3A_1020 = arith.muli %add3A_1018, %mul3A_1019 : i32
        %add3A_1021 = arith.constant 0 : i32
        %add3A_1022 = arith.addi %mul3A_1020, %add3A_1021 : i32
        %get3A = arith.constant 0 : i32
        %get3A_1023 = arith.index_cast %rem3A_508 : i32 to index
        %get3A_1024 = arith.index_cast %get3A : i32 to index
        %get3A_1025 = arith.index_cast %add3A_1022 : i32 to index
        %get3A_1026 = tpu.vector_load %arg4[%get3A_1023, %get3A_1024, %get3A_1025] {strides = array<i32>} : memref<2x6x2184xf32, #tpu.memory_space<vmem>>, vector<16xf32>,
        %add3A_1027 = arith.constant 1 : i32
        %add3A_1028 = arith.addi %add3A_1022, %add3A_1027 : i32
        %get3A_1029 = arith.constant 0 : i32
        %get3A_1030 = arith.index_cast %rem3A_508 : i32 to index
        %get3A_1031 = arith.index_cast %get3A_1029 : i32 to index
        %get3A_1032 = arith.index_cast %add3A_1028 : i32 to index
        %get3A_1033 = tpu.vector_load %arg4[%get3A_1030, %get3A_1031, %get3A_1032] {strides = array<i32>} : memref<2x6x2184xf32, #tpu.memory_space<vmem>>, vector<16xf32>,
        %pack3A = tpu.pack_subelements %get3A_1026, %get3A_1033 {pack_format = #tpu.pack_format<interleaved>, positions = array<i32: 0, 1>} : vector<16xf32>, vector<16xf32> -> vector<32xbf16>
        %bitcast3A = vector.bitcast %pack3A : vector<32xbf16> to vector<16xf32>
        %add3A_1034 = arith.constant 0 : i32
        %add3A_1035 = vector.broadcast %add3A_1034 : i32 to vector<16xi32>
        %add3A_1036 = arith.addi %broadcast_in_dim3A_1016, %add3A_1035 : vector<16xi32>
        tpu.vector_store_idx %arg5[%broadcast_in_dim3A, %add3A_1014, %add3A_1036], %bitcast3A : memref<2x2048x16xf32, #tpu.memory_space<vmem>>[vector<16xi32>, vector<16xi32>, vector<16xi32>], vector<16xf32>,
        %add3A_1037 = arith.constant 1 : i32
        %add3A_1038 = arith.addi %scan3A_1005, %add3A_1037 : i32
        %mul3A_1039 = arith.constant 128 : i32
        %mul3A_1040 = arith.muli %add3A_1038, %mul3A_1039 : i32
        %add3A_1041 = arith.constant 0 : i32
        %add3A_1042 = arith.addi %mul3A_1040, %add3A_1041 : i32
        %get3A_1043 = arith.constant 0 : i32
        %get3A_1044 = arith.index_cast %rem3A_508 : i32 to index
        %get3A_1045 = arith.index_cast %get3A_1043 : i32 to index
        %get3A_1046 = arith.index_cast %add3A_1042 : i32 to index
        %get3A_1047 = tpu.vector_load %arg4[%get3A_1044, %get3A_1045, %get3A_1046] {strides = array<i32>} : memref<2x6x2184xf32, #tpu.memory_space<vmem>>, vector<16xf32>,
        %add3A_1048 = arith.constant 1 : i32
        %add3A_1049 = arith.addi %add3A_1042, %add3A_1048 : i32
        %get3A_1050 = arith.constant 0 : i32
        %get3A_1051 = arith.index_cast %rem3A_508 : i32 to index
        %get3A_1052 = arith.index_cast %get3A_1050 : i32 to index
        %get3A_1053 = arith.index_cast %add3A_1049 : i32 to index
        %get3A_1054 = tpu.vector_load %arg4[%get3A_1051, %get3A_1052, %get3A_1053] {strides = array<i32>} : memref<2x6x2184xf32, #tpu.memory_space<vmem>>, vector<16xf32>,
        %pack3A_1055 = tpu.pack_subelements %get3A_1047, %get3A_1054 {pack_format = #tpu.pack_format<interleaved>, positions = array<i32: 0, 1>} : vector<16xf32>, vector<16xf32> -> vector<32xbf16>
        %bitcast3A_1056 = vector.bitcast %pack3A_1055 : vector<32xbf16> to vector<16xf32>
        %add3A_1057 = arith.constant 3 : i32
        %add3A_1058 = vector.broadcast %add3A_1057 : i32 to vector<16xi32>
        %add3A_1059 = arith.addi %broadcast_in_dim3A_1016, %add3A_1058 : vector<16xi32>
        tpu.vector_store_idx %arg5[%broadcast_in_dim3A, %add3A_1014, %add3A_1059], %bitcast3A_1056 : memref<2x2048x16xf32, #tpu.memory_space<vmem>>[vector<16xi32>, vector<16xi32>, vector<16xi32>], vector<16xf32>,
        %broadcast_in_dim3A_1060 = arith.constant 1 : i32
        %broadcast_in_dim3A_1061 = vector.broadcast %broadcast_in_dim3A_1060 : i32 to vector<16xi32>
        %add3A_1062 = arith.constant 0 : i32
        %add3A_1063 = arith.addi %scan3A_1005, %add3A_1062 : i32
        %mul3A_1064 = arith.constant 128 : i32
        %mul3A_1065 = arith.muli %add3A_1063, %mul3A_1064 : i32
        %add3A_1066 = arith.constant 0 : i32
        %add3A_1067 = arith.addi %mul3A_1065, %add3A_1066 : i32
        %get3A_1068 = arith.constant 1 : i32
        %get3A_1069 = arith.index_cast %rem3A_508 : i32 to index
        %get3A_1070 = arith.index_cast %get3A_1068 : i32 to index
        %get3A_1071 = arith.index_cast %add3A_1067 : i32 to index
        %get3A_1072 = tpu.vector_load %arg4[%get3A_1069, %get3A_1070, %get3A_1071] {strides = array<i32>} : memref<2x6x2184xf32, #tpu.memory_space<vmem>>, vector<16xf32>,
        %add3A_1073 = arith.constant 1 : i32
        %add3A_1074 = arith.addi %add3A_1067, %add3A_1073 : i32
        %get3A_1075 = arith.constant 1 : i32
        %get3A_1076 = arith.index_cast %rem3A_508 : i32 to index
        %get3A_1077 = arith.index_cast %get3A_1075 : i32 to index
        %get3A_1078 = arith.index_cast %add3A_1074 : i32 to index
        %get3A_1079 = tpu.vector_load %arg4[%get3A_1076, %get3A_1077, %get3A_1078] {strides = array<i32>} : memref<2x6x2184xf32, #tpu.memory_space<vmem>>, vector<16xf32>,
        %pack3A_1080 = tpu.pack_subelements %get3A_1072, %get3A_1079 {pack_format = #tpu.pack_format<interleaved>, positions = array<i32: 0, 1>} : vector<16xf32>, vector<16xf32> -> vector<32xbf16>
        %bitcast3A_1081 = vector.bitcast %pack3A_1080 : vector<32xbf16> to vector<16xf32>
        %add3A_1082 = arith.constant 0 : i32
        %add3A_1083 = vector.broadcast %add3A_1082 : i32 to vector<16xi32>
        %add3A_1084 = arith.addi %broadcast_in_dim3A_1061, %add3A_1083 : vector<16xi32>
        tpu.vector_store_idx %arg5[%broadcast_in_dim3A, %add3A_1014, %add3A_1084], %bitcast3A_1081 : memref<2x2048x16xf32, #tpu.memory_space<vmem>>[vector<16xi32>, vector<16xi32>, vector<16xi32>], vector<16xf32>,
        %add3A_1085 = arith.constant 1 : i32
        %add3A_1086 = arith.addi %scan3A_1005, %add3A_1085 : i32
        %mul3A_1087 = arith.constant 128 : i32
        %mul3A_1088 = arith.muli %add3A_1086, %mul3A_1087 : i32
        %add3A_1089 = arith.constant 0 : i32
        %add3A_1090 = arith.addi %mul3A_1088, %add3A_1089 : i32
        %get3A_1091 = arith.constant 1 : i32
        %get3A_1092 = arith.index_cast %rem3A_508 : i32 to index
        %get3A_1093 = arith.index_cast %get3A_1091 : i32 to index
        %get3A_1094 = arith.index_cast %add3A_1090 : i32 to index
        %get3A_1095 = tpu.vector_load %arg4[%get3A_1092, %get3A_1093, %get3A_1094] {strides = array<i32>} : memref<2x6x2184xf32, #tpu.memory_space<vmem>>, vector<16xf32>,
        %add3A_1096 = arith.constant 1 : i32
        %add3A_1097 = arith.addi %add3A_1090, %add3A_1096 : i32
        %get3A_1098 = arith.constant 1 : i32
        %get3A_1099 = arith.index_cast %rem3A_508 : i32 to index
        %get3A_1100 = arith.index_cast %get3A_1098 : i32 to index
        %get3A_1101 = arith.index_cast %add3A_1097 : i32 to index
        %get3A_1102 = tpu.vector_load %arg4[%get3A_1099, %get3A_1100, %get3A_1101] {strides = array<i32>} : memref<2x6x2184xf32, #tpu.memory_space<vmem>>, vector<16xf32>,
        %pack3A_1103 = tpu.pack_subelements %get3A_1095, %get3A_1102 {pack_format = #tpu.pack_format<interleaved>, positions = array<i32: 0, 1>} : vector<16xf32>, vector<16xf32> -> vector<32xbf16>
        %bitcast3A_1104 = vector.bitcast %pack3A_1103 : vector<32xbf16> to vector<16xf32>
        %add3A_1105 = arith.constant 3 : i32
        %add3A_1106 = vector.broadcast %add3A_1105 : i32 to vector<16xi32>
        %add3A_1107 = arith.addi %broadcast_in_dim3A_1061, %add3A_1106 : vector<16xi32>
        tpu.vector_store_idx %arg5[%broadcast_in_dim3A, %add3A_1014, %add3A_1107], %bitcast3A_1104 : memref<2x2048x16xf32, #tpu.memory_space<vmem>>[vector<16xi32>, vector<16xi32>, vector<16xi32>], vector<16xf32>,
        %broadcast_in_dim3A_1108 = arith.constant 2 : i32
        %broadcast_in_dim3A_1109 = vector.broadcast %broadcast_in_dim3A_1108 : i32 to vector<16xi32>
        %add3A_1110 = arith.constant 0 : i32
        %add3A_1111 = arith.addi %scan3A_1005, %add3A_1110 : i32
        %mul3A_1112 = arith.constant 128 : i32
        %mul3A_1113 = arith.muli %add3A_1111, %mul3A_1112 : i32
        %add3A_1114 = arith.constant 0 : i32
        %add3A_1115 = arith.addi %mul3A_1113, %add3A_1114 : i32
        %get3A_1116 = arith.constant 2 : i32
        %get3A_1117 = arith.index_cast %rem3A_508 : i32 to index
        %get3A_1118 = arith.index_cast %get3A_1116 : i32 to index
        %get3A_1119 = arith.index_cast %add3A_1115 : i32 to index
        %get3A_1120 = tpu.vector_load %arg4[%get3A_1117, %get3A_1118, %get3A_1119] {strides = array<i32>} : memref<2x6x2184xf32, #tpu.memory_space<vmem>>, vector<16xf32>,
        %add3A_1121 = arith.constant 1 : i32
        %add3A_1122 = arith.addi %add3A_1115, %add3A_1121 : i32
        %get3A_1123 = arith.constant 2 : i32
        %get3A_1124 = arith.index_cast %rem3A_508 : i32 to index
        %get3A_1125 = arith.index_cast %get3A_1123 : i32 to index
        %get3A_1126 = arith.index_cast %add3A_1122 : i32 to index
        %get3A_1127 = tpu.vector_load %arg4[%get3A_1124, %get3A_1125, %get3A_1126] {strides = array<i32>} : memref<2x6x2184xf32, #tpu.memory_space<vmem>>, vector<16xf32>,
        %pack3A_1128 = tpu.pack_subelements %get3A_1120, %get3A_1127 {pack_format = #tpu.pack_format<interleaved>, positions = array<i32: 0, 1>} : vector<16xf32>, vector<16xf32> -> vector<32xbf16>
        %bitcast3A_1129 = vector.bitcast %pack3A_1128 : vector<32xbf16> to vector<16xf32>
        %add3A_1130 = arith.constant 0 : i32
        %add3A_1131 = vector.broadcast %add3A_1130 : i32 to vector<16xi32>
        %add3A_1132 = arith.addi %broadcast_in_dim3A_1109, %add3A_1131 : vector<16xi32>
        tpu.vector_store_idx %arg5[%broadcast_in_dim3A, %add3A_1014, %add3A_1132], %bitcast3A_1129 : memref<2x2048x16xf32, #tpu.memory_space<vmem>>[vector<16xi32>, vector<16xi32>, vector<16xi32>], vector<16xf32>,
        %add3A_1133 = arith.constant 1 : i32
        %add3A_1134 = arith.addi %scan3A_1005, %add3A_1133 : i32
        %mul3A_1135 = arith.constant 128 : i32
        %mul3A_1136 = arith.muli %add3A_1134, %mul3A_1135 : i32
        %add3A_1137 = arith.constant 0 : i32
        %add3A_1138 = arith.addi %mul3A_1136, %add3A_1137 : i32
        %get3A_1139 = arith.constant 2 : i32
        %get3A_1140 = arith.index_cast %rem3A_508 : i32 to index
        %get3A_1141 = arith.index_cast %get3A_1139 : i32 to index
        %get3A_1142 = arith.index_cast %add3A_1138 : i32 to index
        %get3A_1143 = tpu.vector_load %arg4[%get3A_1140, %get3A_1141, %get3A_1142] {strides = array<i32>} : memref<2x6x2184xf32, #tpu.memory_space<vmem>>, vector<16xf32>,
        %add3A_1144 = arith.constant 1 : i32
        %add3A_1145 = arith.addi %add3A_1138, %add3A_1144 : i32
        %get3A_1146 = arith.constant 2 : i32
        %get3A_1147 = arith.index_cast %rem3A_508 : i32 to index
        %get3A_1148 = arith.index_cast %get3A_1146 : i32 to index
        %get3A_1149 = arith.index_cast %add3A_1145 : i32 to index
        %get3A_1150 = tpu.vector_load %arg4[%get3A_1147, %get3A_1148, %get3A_1149] {strides = array<i32>} : memref<2x6x2184xf32, #tpu.memory_space<vmem>>, vector<16xf32>,
        %pack3A_1151 = tpu.pack_subelements %get3A_1143, %get3A_1150 {pack_format = #tpu.pack_format<interleaved>, positions = array<i32: 0, 1>} : vector<16xf32>, vector<16xf32> -> vector<32xbf16>
        %bitcast3A_1152 = vector.bitcast %pack3A_1151 : vector<32xbf16> to vector<16xf32>
        %add3A_1153 = arith.constant 3 : i32
        %add3A_1154 = vector.broadcast %add3A_1153 : i32 to vector<16xi32>
        %add3A_1155 = arith.addi %broadcast_in_dim3A_1109, %add3A_1154 : vector<16xi32>
        tpu.vector_store_idx %arg5[%broadcast_in_dim3A, %add3A_1014, %add3A_1155], %bitcast3A_1152 : memref<2x2048x16xf32, #tpu.memory_space<vmem>>[vector<16xi32>, vector<16xi32>, vector<16xi32>], vector<16xf32>,
        %broadcast_in_dim3A_1156 = arith.constant 6 : i32
        %broadcast_in_dim3A_1157 = vector.broadcast %broadcast_in_dim3A_1156 : i32 to vector<16xi32>
        %add3A_1158 = arith.constant 0 : i32
        %add3A_1159 = arith.addi %scan3A_1005, %add3A_1158 : i32
        %mul3A_1160 = arith.constant 128 : i32
        %mul3A_1161 = arith.muli %add3A_1159, %mul3A_1160 : i32
        %add3A_1162 = arith.constant 0 : i32
        %add3A_1163 = arith.addi %mul3A_1161, %add3A_1162 : i32
        %get3A_1164 = arith.constant 3 : i32
        %get3A_1165 = arith.index_cast %rem3A_508 : i32 to index
        %get3A_1166 = arith.index_cast %get3A_1164 : i32 to index
        %get3A_1167 = arith.index_cast %add3A_1163 : i32 to index
        %get3A_1168 = tpu.vector_load %arg4[%get3A_1165, %get3A_1166, %get3A_1167] {strides = array<i32>} : memref<2x6x2184xf32, #tpu.memory_space<vmem>>, vector<16xf32>,
        %add3A_1169 = arith.constant 1 : i32
        %add3A_1170 = arith.addi %add3A_1163, %add3A_1169 : i32
        %get3A_1171 = arith.constant 3 : i32
        %get3A_1172 = arith.index_cast %rem3A_508 : i32 to index
        %get3A_1173 = arith.index_cast %get3A_1171 : i32 to index
        %get3A_1174 = arith.index_cast %add3A_1170 : i32 to index
        %get3A_1175 = tpu.vector_load %arg4[%get3A_1172, %get3A_1173, %get3A_1174] {strides = array<i32>} : memref<2x6x2184xf32, #tpu.memory_space<vmem>>, vector<16xf32>,
        %pack3A_1176 = tpu.pack_subelements %get3A_1168, %get3A_1175 {pack_format = #tpu.pack_format<interleaved>, positions = array<i32: 0, 1>} : vector<16xf32>, vector<16xf32> -> vector<32xbf16>
        %bitcast3A_1177 = vector.bitcast %pack3A_1176 : vector<32xbf16> to vector<16xf32>
        %add3A_1178 = arith.constant 0 : i32
        %add3A_1179 = vector.broadcast %add3A_1178 : i32 to vector<16xi32>
        %add3A_1180 = arith.addi %broadcast_in_dim3A_1157, %add3A_1179 : vector<16xi32>
        tpu.vector_store_idx %arg5[%broadcast_in_dim3A, %add3A_1014, %add3A_1180], %bitcast3A_1177 : memref<2x2048x16xf32, #tpu.memory_space<vmem>>[vector<16xi32>, vector<16xi32>, vector<16xi32>], vector<16xf32>,
        %add3A_1181 = arith.constant 1 : i32
        %add3A_1182 = arith.addi %scan3A_1005, %add3A_1181 : i32
        %mul3A_1183 = arith.constant 128 : i32
        %mul3A_1184 = arith.muli %add3A_1182, %mul3A_1183 : i32
        %add3A_1185 = arith.constant 0 : i32
        %add3A_1186 = arith.addi %mul3A_1184, %add3A_1185 : i32
        %get3A_1187 = arith.constant 3 : i32
        %get3A_1188 = arith.index_cast %rem3A_508 : i32 to index
        %get3A_1189 = arith.index_cast %get3A_1187 : i32 to index
        %get3A_1190 = arith.index_cast %add3A_1186 : i32 to index
        %get3A_1191 = tpu.vector_load %arg4[%get3A_1188, %get3A_1189, %get3A_1190] {strides = array<i32>} : memref<2x6x2184xf32, #tpu.memory_space<vmem>>, vector<16xf32>,
        %add3A_1192 = arith.constant 1 : i32
        %add3A_1193 = arith.addi %add3A_1186, %add3A_1192 : i32
        %get3A_1194 = arith.constant 3 : i32
        %get3A_1195 = arith.index_cast %rem3A_508 : i32 to index
        %get3A_1196 = arith.index_cast %get3A_1194 : i32 to index
        %get3A_1197 = arith.index_cast %add3A_1193 : i32 to index
        %get3A_1198 = tpu.vector_load %arg4[%get3A_1195, %get3A_1196, %get3A_1197] {strides = array<i32>} : memref<2x6x2184xf32, #tpu.memory_space<vmem>>, vector<16xf32>,
        %pack3A_1199 = tpu.pack_subelements %get3A_1191, %get3A_1198 {pack_format = #tpu.pack_format<interleaved>, positions = array<i32: 0, 1>} : vector<16xf32>, vector<16xf32> -> vector<32xbf16>
        %bitcast3A_1200 = vector.bitcast %pack3A_1199 : vector<32xbf16> to vector<16xf32>
        %add3A_1201 = arith.constant 3 : i32
        %add3A_1202 = vector.broadcast %add3A_1201 : i32 to vector<16xi32>
        %add3A_1203 = arith.addi %broadcast_in_dim3A_1157, %add3A_1202 : vector<16xi32>
        tpu.vector_store_idx %arg5[%broadcast_in_dim3A, %add3A_1014, %add3A_1203], %bitcast3A_1200 : memref<2x2048x16xf32, #tpu.memory_space<vmem>>[vector<16xi32>, vector<16xi32>, vector<16xi32>], vector<16xf32>,
        %broadcast_in_dim3A_1204 = arith.constant 7 : i32
        %broadcast_in_dim3A_1205 = vector.broadcast %broadcast_in_dim3A_1204 : i32 to vector<16xi32>
        %add3A_1206 = arith.constant 0 : i32
        %add3A_1207 = arith.addi %scan3A_1005, %add3A_1206 : i32
        %mul3A_1208 = arith.constant 128 : i32
        %mul3A_1209 = arith.muli %add3A_1207, %mul3A_1208 : i32
        %add3A_1210 = arith.constant 0 : i32
        %add3A_1211 = arith.addi %mul3A_1209, %add3A_1210 : i32
        %get3A_1212 = arith.constant 4 : i32
        %get3A_1213 = arith.index_cast %rem3A_508 : i32 to index
        %get3A_1214 = arith.index_cast %get3A_1212 : i32 to index
        %get3A_1215 = arith.index_cast %add3A_1211 : i32 to index
        %get3A_1216 = tpu.vector_load %arg4[%get3A_1213, %get3A_1214, %get3A_1215] {strides = array<i32>} : memref<2x6x2184xf32, #tpu.memory_space<vmem>>, vector<16xf32>,
        %add3A_1217 = arith.constant 1 : i32
        %add3A_1218 = arith.addi %add3A_1211, %add3A_1217 : i32
        %get3A_1219 = arith.constant 4 : i32
        %get3A_1220 = arith.index_cast %rem3A_508 : i32 to index
        %get3A_1221 = arith.index_cast %get3A_1219 : i32 to index
        %get3A_1222 = arith.index_cast %add3A_1218 : i32 to index
        %get3A_1223 = tpu.vector_load %arg4[%get3A_1220, %get3A_1221, %get3A_1222] {strides = array<i32>} : memref<2x6x2184xf32, #tpu.memory_space<vmem>>, vector<16xf32>,
        %pack3A_1224 = tpu.pack_subelements %get3A_1216, %get3A_1223 {pack_format = #tpu.pack_format<interleaved>, positions = array<i32: 0, 1>} : vector<16xf32>, vector<16xf32> -> vector<32xbf16>
        %bitcast3A_1225 = vector.bitcast %pack3A_1224 : vector<32xbf16> to vector<16xf32>
        %add3A_1226 = arith.constant 0 : i32
        %add3A_1227 = vector.broadcast %add3A_1226 : i32 to vector<16xi32>
        %add3A_1228 = arith.addi %broadcast_in_dim3A_1205, %add3A_1227 : vector<16xi32>
        tpu.vector_store_idx %arg5[%broadcast_in_dim3A, %add3A_1014, %add3A_1228], %bitcast3A_1225 : memref<2x2048x16xf32, #tpu.memory_space<vmem>>[vector<16xi32>, vector<16xi32>, vector<16xi32>], vector<16xf32>,
        %add3A_1229 = arith.constant 1 : i32
        %add3A_1230 = arith.addi %scan3A_1005, %add3A_1229 : i32
        %mul3A_1231 = arith.constant 128 : i32
        %mul3A_1232 = arith.muli %add3A_1230, %mul3A_1231 : i32
        %add3A_1233 = arith.constant 0 : i32
        %add3A_1234 = arith.addi %mul3A_1232, %add3A_1233 : i32
        %get3A_1235 = arith.constant 4 : i32
        %get3A_1236 = arith.index_cast %rem3A_508 : i32 to index
        %get3A_1237 = arith.index_cast %get3A_1235 : i32 to index
        %get3A_1238 = arith.index_cast %add3A_1234 : i32 to index
        %get3A_1239 = tpu.vector_load %arg4[%get3A_1236, %get3A_1237, %get3A_1238] {strides = array<i32>} : memref<2x6x2184xf32, #tpu.memory_space<vmem>>, vector<16xf32>,
        %add3A_1240 = arith.constant 1 : i32
        %add3A_1241 = arith.addi %add3A_1234, %add3A_1240 : i32
        %get3A_1242 = arith.constant 4 : i32
        %get3A_1243 = arith.index_cast %rem3A_508 : i32 to index
        %get3A_1244 = arith.index_cast %get3A_1242 : i32 to index
        %get3A_1245 = arith.index_cast %add3A_1241 : i32 to index
        %get3A_1246 = tpu.vector_load %arg4[%get3A_1243, %get3A_1244, %get3A_1245] {strides = array<i32>} : memref<2x6x2184xf32, #tpu.memory_space<vmem>>, vector<16xf32>,
        %pack3A_1247 = tpu.pack_subelements %get3A_1239, %get3A_1246 {pack_format = #tpu.pack_format<interleaved>, positions = array<i32: 0, 1>} : vector<16xf32>, vector<16xf32> -> vector<32xbf16>
        %bitcast3A_1248 = vector.bitcast %pack3A_1247 : vector<32xbf16> to vector<16xf32>
        %add3A_1249 = arith.constant 3 : i32
        %add3A_1250 = vector.broadcast %add3A_1249 : i32 to vector<16xi32>
        %add3A_1251 = arith.addi %broadcast_in_dim3A_1205, %add3A_1250 : vector<16xi32>
        tpu.vector_store_idx %arg5[%broadcast_in_dim3A, %add3A_1014, %add3A_1251], %bitcast3A_1248 : memref<2x2048x16xf32, #tpu.memory_space<vmem>>[vector<16xi32>, vector<16xi32>, vector<16xi32>], vector<16xf32>,
        %broadcast_in_dim3A_1252 = arith.constant 8 : i32
        %broadcast_in_dim3A_1253 = vector.broadcast %broadcast_in_dim3A_1252 : i32 to vector<16xi32>
        %add3A_1254 = arith.constant 0 : i32
        %add3A_1255 = arith.addi %scan3A_1005, %add3A_1254 : i32
        %mul3A_1256 = arith.constant 128 : i32
        %mul3A_1257 = arith.muli %add3A_1255, %mul3A_1256 : i32
        %add3A_1258 = arith.constant 0 : i32
        %add3A_1259 = arith.addi %mul3A_1257, %add3A_1258 : i32
        %get3A_1260 = arith.constant 5 : i32
        %get3A_1261 = arith.index_cast %rem3A_508 : i32 to index
        %get3A_1262 = arith.index_cast %get3A_1260 : i32 to index
        %get3A_1263 = arith.index_cast %add3A_1259 : i32 to index
        %get3A_1264 = tpu.vector_load %arg4[%get3A_1261, %get3A_1262, %get3A_1263] {strides = array<i32>} : memref<2x6x2184xf32, #tpu.memory_space<vmem>>, vector<16xf32>,
        %add3A_1265 = arith.constant 1 : i32
        %add3A_1266 = arith.addi %add3A_1259, %add3A_1265 : i32
        %get3A_1267 = arith.constant 5 : i32
        %get3A_1268 = arith.index_cast %rem3A_508 : i32 to index
        %get3A_1269 = arith.index_cast %get3A_1267 : i32 to index
        %get3A_1270 = arith.index_cast %add3A_1266 : i32 to index
        %get3A_1271 = tpu.vector_load %arg4[%get3A_1268, %get3A_1269, %get3A_1270] {strides = array<i32>} : memref<2x6x2184xf32, #tpu.memory_space<vmem>>, vector<16xf32>,
        %pack3A_1272 = tpu.pack_subelements %get3A_1264, %get3A_1271 {pack_format = #tpu.pack_format<interleaved>, positions = array<i32: 0, 1>} : vector<16xf32>, vector<16xf32> -> vector<32xbf16>
        %bitcast3A_1273 = vector.bitcast %pack3A_1272 : vector<32xbf16> to vector<16xf32>
        %add3A_1274 = arith.constant 0 : i32
        %add3A_1275 = vector.broadcast %add3A_1274 : i32 to vector<16xi32>
        %add3A_1276 = arith.addi %broadcast_in_dim3A_1253, %add3A_1275 : vector<16xi32>
        tpu.vector_store_idx %arg5[%broadcast_in_dim3A, %add3A_1014, %add3A_1276], %bitcast3A_1273 : memref<2x2048x16xf32, #tpu.memory_space<vmem>>[vector<16xi32>, vector<16xi32>, vector<16xi32>], vector<16xf32>,
        %add3A_1277 = arith.constant 1 : i32
        %add3A_1278 = arith.addi %scan3A_1005, %add3A_1277 : i32
        %mul3A_1279 = arith.constant 128 : i32
        %mul3A_1280 = arith.muli %add3A_1278, %mul3A_1279 : i32
        %add3A_1281 = arith.constant 0 : i32
        %add3A_1282 = arith.addi %mul3A_1280, %add3A_1281 : i32
        %get3A_1283 = arith.constant 5 : i32
        %get3A_1284 = arith.index_cast %rem3A_508 : i32 to index
        %get3A_1285 = arith.index_cast %get3A_1283 : i32 to index
        %get3A_1286 = arith.index_cast %add3A_1282 : i32 to index
        %get3A_1287 = tpu.vector_load %arg4[%get3A_1284, %get3A_1285, %get3A_1286] {strides = array<i32>} : memref<2x6x2184xf32, #tpu.memory_space<vmem>>, vector<16xf32>,
        %add3A_1288 = arith.constant 1 : i32
        %add3A_1289 = arith.addi %add3A_1282, %add3A_1288 : i32
        %get3A_1290 = arith.constant 5 : i32
        %get3A_1291 = arith.index_cast %rem3A_508 : i32 to index
        %get3A_1292 = arith.index_cast %get3A_1290 : i32 to index
        %get3A_1293 = arith.index_cast %add3A_1289 : i32 to index
        %get3A_1294 = tpu.vector_load %arg4[%get3A_1291, %get3A_1292, %get3A_1293] {strides = array<i32>} : memref<2x6x2184xf32, #tpu.memory_space<vmem>>, vector<16xf32>,
        %pack3A_1295 = tpu.pack_subelements %get3A_1287, %get3A_1294 {pack_format = #tpu.pack_format<interleaved>, positions = array<i32: 0, 1>} : vector<16xf32>, vector<16xf32> -> vector<32xbf16>
        %bitcast3A_1296 = vector.bitcast %pack3A_1295 : vector<32xbf16> to vector<16xf32>
        %add3A_1297 = arith.constant 3 : i32
        %add3A_1298 = vector.broadcast %add3A_1297 : i32 to vector<16xi32>
        %add3A_1299 = arith.addi %broadcast_in_dim3A_1253, %add3A_1298 : vector<16xi32>
        tpu.vector_store_idx %arg5[%broadcast_in_dim3A, %add3A_1014, %add3A_1299], %bitcast3A_1296 : memref<2x2048x16xf32, #tpu.memory_space<vmem>>[vector<16xi32>, vector<16xi32>, vector<16xi32>], vector<16xf32>,
        %mul3A_1300 = arith.constant 8 : i32
        %mul3A_1301 = arith.muli %scan3A_1005, %mul3A_1300 : i32
        %add3A_1302 = arith.constant 1 : i32
        %add3A_1303 = arith.addi %mul3A_1301, %add3A_1302 : i32
        %mul3A_1304 = arith.constant 16 : i32
        %mul3A_1305 = arith.muli %add3A_1303, %mul3A_1304 : i32
        %add3A_1306 = vector.broadcast %mul3A_1305 : i32 to vector<16xi32>
        %add3A_1307 = arith.addi %add3A_1306, %iota3A : vector<16xi32>
        %broadcast_in_dim3A_1308 = arith.constant 0 : i32
        %broadcast_in_dim3A_1309 = vector.broadcast %broadcast_in_dim3A_1308 : i32 to vector<16xi32>
        %add3A_1310 = arith.constant 0 : i32
        %add3A_1311 = arith.addi %scan3A_1005, %add3A_1310 : i32
        %mul3A_1312 = arith.constant 128 : i32
        %mul3A_1313 = arith.muli %add3A_1311, %mul3A_1312 : i32
        %add3A_1314 = arith.constant 16 : i32
        %add3A_1315 = arith.addi %mul3A_1313, %add3A_1314 : i32
        %get3A_1316 = arith.constant 0 : i32
        %get3A_1317 = arith.index_cast %rem3A_508 : i32 to index
        %get3A_1318 = arith.index_cast %get3A_1316 : i32 to index
        %get3A_1319 = arith.index_cast %add3A_1315 : i32 to index
        %get3A_1320 = tpu.vector_load %arg4[%get3A_1317, %get3A_1318, %get3A_1319] {strides = array<i32>} : memref<2x6x2184xf32, #tpu.memory_space<vmem>>, vector<16xf32>,
        %add3A_1321 = arith.constant 1 : i32
        %add3A_1322 = arith.addi %add3A_1315, %add3A_1321 : i32
        %get3A_1323 = arith.constant 0 : i32
        %get3A_1324 = arith.index_cast %rem3A_508 : i32 to index
        %get3A_1325 = arith.index_cast %get3A_1323 : i32 to index
        %get3A_1326 = arith.index_cast %add3A_1322 : i32 to index
        %get3A_1327 = tpu.vector_load %arg4[%get3A_1324, %get3A_1325, %get3A_1326] {strides = array<i32>} : memref<2x6x2184xf32, #tpu.memory_space<vmem>>, vector<16xf32>,
        %pack3A_1328 = tpu.pack_subelements %get3A_1320, %get3A_1327 {pack_format = #tpu.pack_format<interleaved>, positions = array<i32: 0, 1>} : vector<16xf32>, vector<16xf32> -> vector<32xbf16>
        %bitcast3A_1329 = vector.bitcast %pack3A_1328 : vector<32xbf16> to vector<16xf32>
        %add3A_1330 = arith.constant 0 : i32
        %add3A_1331 = vector.broadcast %add3A_1330 : i32 to vector<16xi32>
        %add3A_1332 = arith.addi %broadcast_in_dim3A_1309, %add3A_1331 : vector<16xi32>
        tpu.vector_store_idx %arg5[%broadcast_in_dim3A, %add3A_1307, %add3A_1332], %bitcast3A_1329 : memref<2x2048x16xf32, #tpu.memory_space<vmem>>[vector<16xi32>, vector<16xi32>, vector<16xi32>], vector<16xf32>,
        %add3A_1333 = arith.constant 1 : i32
        %add3A_1334 = arith.addi %scan3A_1005, %add3A_1333 : i32
        %mul3A_1335 = arith.constant 128 : i32
        %mul3A_1336 = arith.muli %add3A_1334, %mul3A_1335 : i32
        %add3A_1337 = arith.constant 16 : i32
        %add3A_1338 = arith.addi %mul3A_1336, %add3A_1337 : i32
        %get3A_1339 = arith.constant 0 : i32
        %get3A_1340 = arith.index_cast %rem3A_508 : i32 to index
        %get3A_1341 = arith.index_cast %get3A_1339 : i32 to index
        %get3A_1342 = arith.index_cast %add3A_1338 : i32 to index
        %get3A_1343 = tpu.vector_load %arg4[%get3A_1340, %get3A_1341, %get3A_1342] {strides = array<i32>} : memref<2x6x2184xf32, #tpu.memory_space<vmem>>, vector<16xf32>,
        %add3A_1344 = arith.constant 1 : i32
        %add3A_1345 = arith.addi %add3A_1338, %add3A_1344 : i32
        %get3A_1346 = arith.constant 0 : i32
        %get3A_1347 = arith.index_cast %rem3A_508 : i32 to index
        %get3A_1348 = arith.index_cast %get3A_1346 : i32 to index
        %get3A_1349 = arith.index_cast %add3A_1345 : i32 to index
        %get3A_1350 = tpu.vector_load %arg4[%get3A_1347, %get3A_1348, %get3A_1349] {strides = array<i32>} : memref<2x6x2184xf32, #tpu.memory_space<vmem>>, vector<16xf32>,
        %pack3A_1351 = tpu.pack_subelements %get3A_1343, %get3A_1350 {pack_format = #tpu.pack_format<interleaved>, positions = array<i32: 0, 1>} : vector<16xf32>, vector<16xf32> -> vector<32xbf16>
        %bitcast3A_1352 = vector.bitcast %pack3A_1351 : vector<32xbf16> to vector<16xf32>
        %add3A_1353 = arith.constant 3 : i32
        %add3A_1354 = vector.broadcast %add3A_1353 : i32 to vector<16xi32>
        %add3A_1355 = arith.addi %broadcast_in_dim3A_1309, %add3A_1354 : vector<16xi32>
        tpu.vector_store_idx %arg5[%broadcast_in_dim3A, %add3A_1307, %add3A_1355], %bitcast3A_1352 : memref<2x2048x16xf32, #tpu.memory_space<vmem>>[vector<16xi32>, vector<16xi32>, vector<16xi32>], vector<16xf32>,
        %broadcast_in_dim3A_1356 = arith.constant 1 : i32
        %broadcast_in_dim3A_1357 = vector.broadcast %broadcast_in_dim3A_1356 : i32 to vector<16xi32>
        %add3A_1358 = arith.constant 0 : i32
        %add3A_1359 = arith.addi %scan3A_1005, %add3A_1358 : i32
        %mul3A_1360 = arith.constant 128 : i32
        %mul3A_1361 = arith.muli %add3A_1359, %mul3A_1360 : i32
        %add3A_1362 = arith.constant 16 : i32
        %add3A_1363 = arith.addi %mul3A_1361, %add3A_1362 : i32
        %get3A_1364 = arith.constant 1 : i32
        %get3A_1365 = arith.index_cast %rem3A_508 : i32 to index
        %get3A_1366 = arith.index_cast %get3A_1364 : i32 to index
        %get3A_1367 = arith.index_cast %add3A_1363 : i32 to index
        %get3A_1368 = tpu.vector_load %arg4[%get3A_1365, %get3A_1366, %get3A_1367] {strides = array<i32>} : memref<2x6x2184xf32, #tpu.memory_space<vmem>>, vector<16xf32>,
        %add3A_1369 = arith.constant 1 : i32
        %add3A_1370 = arith.addi %add3A_1363, %add3A_1369 : i32
        %get3A_1371 = arith.constant 1 : i32
        %get3A_1372 = arith.index_cast %rem3A_508 : i32 to index
        %get3A_1373 = arith.index_cast %get3A_1371 : i32 to index
        %get3A_1374 = arith.index_cast %add3A_1370 : i32 to index
        %get3A_1375 = tpu.vector_load %arg4[%get3A_1372, %get3A_1373, %get3A_1374] {strides = array<i32>} : memref<2x6x2184xf32, #tpu.memory_space<vmem>>, vector<16xf32>,
        %pack3A_1376 = tpu.pack_subelements %get3A_1368, %get3A_1375 {pack_format = #tpu.pack_format<interleaved>, positions = array<i32: 0, 1>} : vector<16xf32>, vector<16xf32> -> vector<32xbf16>
        %bitcast3A_1377 = vector.bitcast %pack3A_1376 : vector<32xbf16> to vector<16xf32>
        %add3A_1378 = arith.constant 0 : i32
        %add3A_1379 = vector.broadcast %add3A_1378 : i32 to vector<16xi32>
        %add3A_1380 = arith.addi %broadcast_in_dim3A_1357, %add3A_1379 : vector<16xi32>
        tpu.vector_store_idx %arg5[%broadcast_in_dim3A, %add3A_1307, %add3A_1380], %bitcast3A_1377 : memref<2x2048x16xf32, #tpu.memory_space<vmem>>[vector<16xi32>, vector<16xi32>, vector<16xi32>], vector<16xf32>,
        %add3A_1381 = arith.constant 1 : i32
        %add3A_1382 = arith.addi %scan3A_1005, %add3A_1381 : i32
        %mul3A_1383 = arith.constant 128 : i32
        %mul3A_1384 = arith.muli %add3A_1382, %mul3A_1383 : i32
        %add3A_1385 = arith.constant 16 : i32
        %add3A_1386 = arith.addi %mul3A_1384, %add3A_1385 : i32
        %get3A_1387 = arith.constant 1 : i32
        %get3A_1388 = arith.index_cast %rem3A_508 : i32 to index
        %get3A_1389 = arith.index_cast %get3A_1387 : i32 to index
        %get3A_1390 = arith.index_cast %add3A_1386 : i32 to index
        %get3A_1391 = tpu.vector_load %arg4[%get3A_1388, %get3A_1389, %get3A_1390] {strides = array<i32>} : memref<2x6x2184xf32, #tpu.memory_space<vmem>>, vector<16xf32>,
        %add3A_1392 = arith.constant 1 : i32
        %add3A_1393 = arith.addi %add3A_1386, %add3A_1392 : i32
        %get3A_1394 = arith.constant 1 : i32
        %get3A_1395 = arith.index_cast %rem3A_508 : i32 to index
        %get3A_1396 = arith.index_cast %get3A_1394 : i32 to index
        %get3A_1397 = arith.index_cast %add3A_1393 : i32 to index
        %get3A_1398 = tpu.vector_load %arg4[%get3A_1395, %get3A_1396, %get3A_1397] {strides = array<i32>} : memref<2x6x2184xf32, #tpu.memory_space<vmem>>, vector<16xf32>,
        %pack3A_1399 = tpu.pack_subelements %get3A_1391, %get3A_1398 {pack_format = #tpu.pack_format<interleaved>, positions = array<i32: 0, 1>} : vector<16xf32>, vector<16xf32> -> vector<32xbf16>
        %bitcast3A_1400 = vector.bitcast %pack3A_1399 : vector<32xbf16> to vector<16xf32>
        %add3A_1401 = arith.constant 3 : i32
        %add3A_1402 = vector.broadcast %add3A_1401 : i32 to vector<16xi32>
        %add3A_1403 = arith.addi %broadcast_in_dim3A_1357, %add3A_1402 : vector<16xi32>
        tpu.vector_store_idx %arg5[%broadcast_in_dim3A, %add3A_1307, %add3A_1403], %bitcast3A_1400 : memref<2x2048x16xf32, #tpu.memory_space<vmem>>[vector<16xi32>, vector<16xi32>, vector<16xi32>], vector<16xf32>,
        %broadcast_in_dim3A_1404 = arith.constant 2 : i32
        %broadcast_in_dim3A_1405 = vector.broadcast %broadcast_in_dim3A_1404 : i32 to vector<16xi32>
        %add3A_1406 = arith.constant 0 : i32
        %add3A_1407 = arith.addi %scan3A_1005, %add3A_1406 : i32
        %mul3A_1408 = arith.constant 128 : i32
        %mul3A_1409 = arith.muli %add3A_1407, %mul3A_1408 : i32
        %add3A_1410 = arith.constant 16 : i32
        %add3A_1411 = arith.addi %mul3A_1409, %add3A_1410 : i32
        %get3A_1412 = arith.constant 2 : i32
        %get3A_1413 = arith.index_cast %rem3A_508 : i32 to index
        %get3A_1414 = arith.index_cast %get3A_1412 : i32 to index
        %get3A_1415 = arith.index_cast %add3A_1411 : i32 to index
        %get3A_1416 = tpu.vector_load %arg4[%get3A_1413, %get3A_1414, %get3A_1415] {strides = array<i32>} : memref<2x6x2184xf32, #tpu.memory_space<vmem>>, vector<16xf32>,
        %add3A_1417 = arith.constant 1 : i32
        %add3A_1418 = arith.addi %add3A_1411, %add3A_1417 : i32
        %get3A_1419 = arith.constant 2 : i32
        %get3A_1420 = arith.index_cast %rem3A_508 : i32 to index
        %get3A_1421 = arith.index_cast %get3A_1419 : i32 to index
        %get3A_1422 = arith.index_cast %add3A_1418 : i32 to index
        %get3A_1423 = tpu.vector_load %arg4[%get3A_1420, %get3A_1421, %get3A_1422] {strides = array<i32>} : memref<2x6x2184xf32, #tpu.memory_space<vmem>>, vector<16xf32>,
        %pack3A_1424 = tpu.pack_subelements %get3A_1416, %get3A_1423 {pack_format = #tpu.pack_format<interleaved>, positions = array<i32: 0, 1>} : vector<16xf32>, vector<16xf32> -> vector<32xbf16>
        %bitcast3A_1425 = vector.bitcast %pack3A_1424 : vector<32xbf16> to vector<16xf32>
        %add3A_1426 = arith.constant 0 : i32
        %add3A_1427 = vector.broadcast %add3A_1426 : i32 to vector<16xi32>
        %add3A_1428 = arith.addi %broadcast_in_dim3A_1405, %add3A_1427 : vector<16xi32>
        tpu.vector_store_idx %arg5[%broadcast_in_dim3A, %add3A_1307, %add3A_1428], %bitcast3A_1425 : memref<2x2048x16xf32, #tpu.memory_space<vmem>>[vector<16xi32>, vector<16xi32>, vector<16xi32>], vector<16xf32>,
        %add3A_1429 = arith.constant 1 : i32
        %add3A_1430 = arith.addi %scan3A_1005, %add3A_1429 : i32
        %mul3A_1431 = arith.constant 128 : i32
        %mul3A_1432 = arith.muli %add3A_1430, %mul3A_1431 : i32
        %add3A_1433 = arith.constant 16 : i32
        %add3A_1434 = arith.addi %mul3A_1432, %add3A_1433 : i32
        %get3A_1435 = arith.constant 2 : i32
        %get3A_1436 = arith.index_cast %rem3A_508 : i32 to index
        %get3A_1437 = arith.index_cast %get3A_1435 : i32 to index
        %get3A_1438 = arith.index_cast %add3A_1434 : i32 to index
        %get3A_1439 = tpu.vector_load %arg4[%get3A_1436, %get3A_1437, %get3A_1438] {strides = array<i32>} : memref<2x6x2184xf32, #tpu.memory_space<vmem>>, vector<16xf32>,
        %add3A_1440 = arith.constant 1 : i32
        %add3A_1441 = arith.addi %add3A_1434, %add3A_1440 : i32
        %get3A_1442 = arith.constant 2 : i32
        %get3A_1443 = arith.index_cast %rem3A_508 : i32 to index
        %get3A_1444 = arith.index_cast %get3A_1442 : i32 to index
        %get3A_1445 = arith.index_cast %add3A_1441 : i32 to index
        %get3A_1446 = tpu.vector_load %arg4[%get3A_1443, %get3A_1444, %get3A_1445] {strides = array<i32>} : memref<2x6x2184xf32, #tpu.memory_space<vmem>>, vector<16xf32>,
        %pack3A_1447 = tpu.pack_subelements %get3A_1439, %get3A_1446 {pack_format = #tpu.pack_format<interleaved>, positions = array<i32: 0, 1>} : vector<16xf32>, vector<16xf32> -> vector<32xbf16>
        %bitcast3A_1448 = vector.bitcast %pack3A_1447 : vector<32xbf16> to vector<16xf32>
        %add3A_1449 = arith.constant 3 : i32
        %add3A_1450 = vector.broadcast %add3A_1449 : i32 to vector<16xi32>
        %add3A_1451 = arith.addi %broadcast_in_dim3A_1405, %add3A_1450 : vector<16xi32>
        tpu.vector_store_idx %arg5[%broadcast_in_dim3A, %add3A_1307, %add3A_1451], %bitcast3A_1448 : memref<2x2048x16xf32, #tpu.memory_space<vmem>>[vector<16xi32>, vector<16xi32>, vector<16xi32>], vector<16xf32>,
        %broadcast_in_dim3A_1452 = arith.constant 6 : i32
        %broadcast_in_dim3A_1453 = vector.broadcast %broadcast_in_dim3A_1452 : i32 to vector<16xi32>
        %add3A_1454 = arith.constant 0 : i32
        %add3A_1455 = arith.addi %scan3A_1005, %add3A_1454 : i32
        %mul3A_1456 = arith.constant 128 : i32
        %mul3A_1457 = arith.muli %add3A_1455, %mul3A_1456 : i32
        %add3A_1458 = arith.constant 16 : i32
        %add3A_1459 = arith.addi %mul3A_1457, %add3A_1458 : i32
        %get3A_1460 = arith.constant 3 : i32
        %get3A_1461 = arith.index_cast %rem3A_508 : i32 to index
        %get3A_1462 = arith.index_cast %get3A_1460 : i32 to index
        %get3A_1463 = arith.index_cast %add3A_1459 : i32 to index
        %get3A_1464 = tpu.vector_load %arg4[%get3A_1461, %get3A_1462, %get3A_1463] {strides = array<i32>} : memref<2x6x2184xf32, #tpu.memory_space<vmem>>, vector<16xf32>,
        %add3A_1465 = arith.constant 1 : i32
        %add3A_1466 = arith.addi %add3A_1459, %add3A_1465 : i32
        %get3A_1467 = arith.constant 3 : i32
        %get3A_1468 = arith.index_cast %rem3A_508 : i32 to index
        %get3A_1469 = arith.index_cast %get3A_1467 : i32 to index
        %get3A_1470 = arith.index_cast %add3A_1466 : i32 to index
        %get3A_1471 = tpu.vector_load %arg4[%get3A_1468, %get3A_1469, %get3A_1470] {strides = array<i32>} : memref<2x6x2184xf32, #tpu.memory_space<vmem>>, vector<16xf32>,
        %pack3A_1472 = tpu.pack_subelements %get3A_1464, %get3A_1471 {pack_format = #tpu.pack_format<interleaved>, positions = array<i32: 0, 1>} : vector<16xf32>, vector<16xf32> -> vector<32xbf16>
        %bitcast3A_1473 = vector.bitcast %pack3A_1472 : vector<32xbf16> to vector<16xf32>
        %add3A_1474 = arith.constant 0 : i32
        %add3A_1475 = vector.broadcast %add3A_1474 : i32 to vector<16xi32>
        %add3A_1476 = arith.addi %broadcast_in_dim3A_1453, %add3A_1475 : vector<16xi32>
        tpu.vector_store_idx %arg5[%broadcast_in_dim3A, %add3A_1307, %add3A_1476], %bitcast3A_1473 : memref<2x2048x16xf32, #tpu.memory_space<vmem>>[vector<16xi32>, vector<16xi32>, vector<16xi32>], vector<16xf32>,
        %add3A_1477 = arith.constant 1 : i32
        %add3A_1478 = arith.addi %scan3A_1005, %add3A_1477 : i32
        %mul3A_1479 = arith.constant 128 : i32
        %mul3A_1480 = arith.muli %add3A_1478, %mul3A_1479 : i32
        %add3A_1481 = arith.constant 16 : i32
        %add3A_1482 = arith.addi %mul3A_1480, %add3A_1481 : i32
        %get3A_1483 = arith.constant 3 : i32
        %get3A_1484 = arith.index_cast %rem3A_508 : i32 to index
        %get3A_1485 = arith.index_cast %get3A_1483 : i32 to index
        %get3A_1486 = arith.index_cast %add3A_1482 : i32 to index
        %get3A_1487 = tpu.vector_load %arg4[%get3A_1484, %get3A_1485, %get3A_1486] {strides = array<i32>} : memref<2x6x2184xf32, #tpu.memory_space<vmem>>, vector<16xf32>,
        %add3A_1488 = arith.constant 1 : i32
        %add3A_1489 = arith.addi %add3A_1482, %add3A_1488 : i32
        %get3A_1490 = arith.constant 3 : i32
        %get3A_1491 = arith.index_cast %rem3A_508 : i32 to index
        %get3A_1492 = arith.index_cast %get3A_1490 : i32 to index
        %get3A_1493 = arith.index_cast %add3A_1489 : i32 to index
        %get3A_1494 = tpu.vector_load %arg4[%get3A_1491, %get3A_1492, %get3A_1493] {strides = array<i32>} : memref<2x6x2184xf32, #tpu.memory_space<vmem>>, vector<16xf32>,
        %pack3A_1495 = tpu.pack_subelements %get3A_1487, %get3A_1494 {pack_format = #tpu.pack_format<interleaved>, positions = array<i32: 0, 1>} : vector<16xf32>, vector<16xf32> -> vector<32xbf16>
        %bitcast3A_1496 = vector.bitcast %pack3A_1495 : vector<32xbf16> to vector<16xf32>
        %add3A_1497 = arith.constant 3 : i32
        %add3A_1498 = vector.broadcast %add3A_1497 : i32 to vector<16xi32>
        %add3A_1499 = arith.addi %broadcast_in_dim3A_1453, %add3A_1498 : vector<16xi32>
        tpu.vector_store_idx %arg5[%broadcast_in_dim3A, %add3A_1307, %add3A_1499], %bitcast3A_1496 : memref<2x2048x16xf32, #tpu.memory_space<vmem>>[vector<16xi32>, vector<16xi32>, vector<16xi32>], vector<16xf32>,
        %broadcast_in_dim3A_1500 = arith.constant 7 : i32
        %broadcast_in_dim3A_1501 = vector.broadcast %broadcast_in_dim3A_1500 : i32 to vector<16xi32>
        %add3A_1502 = arith.constant 0 : i32
        %add3A_1503 = arith.addi %scan3A_1005, %add3A_1502 : i32
        %mul3A_1504 = arith.constant 128 : i32
        %mul3A_1505 = arith.muli %add3A_1503, %mul3A_1504 : i32
        %add3A_1506 = arith.constant 16 : i32
        %add3A_1507 = arith.addi %mul3A_1505, %add3A_1506 : i32
        %get3A_1508 = arith.constant 4 : i32
        %get3A_1509 = arith.index_cast %rem3A_508 : i32 to index
        %get3A_1510 = arith.index_cast %get3A_1508 : i32 to index
        %get3A_1511 = arith.index_cast %add3A_1507 : i32 to index
        %get3A_1512 = tpu.vector_load %arg4[%get3A_1509, %get3A_1510, %get3A_1511] {strides = array<i32>} : memref<2x6x2184xf32, #tpu.memory_space<vmem>>, vector<16xf32>,
        %add3A_1513 = arith.constant 1 : i32
        %add3A_1514 = arith.addi %add3A_1507, %add3A_1513 : i32
        %get3A_1515 = arith.constant 4 : i32
        %get3A_1516 = arith.index_cast %rem3A_508 : i32 to index
        %get3A_1517 = arith.index_cast %get3A_1515 : i32 to index
        %get3A_1518 = arith.index_cast %add3A_1514 : i32 to index
        %get3A_1519 = tpu.vector_load %arg4[%get3A_1516, %get3A_1517, %get3A_1518] {strides = array<i32>} : memref<2x6x2184xf32, #tpu.memory_space<vmem>>, vector<16xf32>,
        %pack3A_1520 = tpu.pack_subelements %get3A_1512, %get3A_1519 {pack_format = #tpu.pack_format<interleaved>, positions = array<i32: 0, 1>} : vector<16xf32>, vector<16xf32> -> vector<32xbf16>
        %bitcast3A_1521 = vector.bitcast %pack3A_1520 : vector<32xbf16> to vector<16xf32>
        %add3A_1522 = arith.constant 0 : i32
        %add3A_1523 = vector.broadcast %add3A_1522 : i32 to vector<16xi32>
        %add3A_1524 = arith.addi %broadcast_in_dim3A_1501, %add3A_1523 : vector<16xi32>
        tpu.vector_store_idx %arg5[%broadcast_in_dim3A, %add3A_1307, %add3A_1524], %bitcast3A_1521 : memref<2x2048x16xf32, #tpu.memory_space<vmem>>[vector<16xi32>, vector<16xi32>, vector<16xi32>], vector<16xf32>,
        %add3A_1525 = arith.constant 1 : i32
        %add3A_1526 = arith.addi %scan3A_1005, %add3A_1525 : i32
        %mul3A_1527 = arith.constant 128 : i32
        %mul3A_1528 = arith.muli %add3A_1526, %mul3A_1527 : i32
        %add3A_1529 = arith.constant 16 : i32
        %add3A_1530 = arith.addi %mul3A_1528, %add3A_1529 : i32
        %get3A_1531 = arith.constant 4 : i32
        %get3A_1532 = arith.index_cast %rem3A_508 : i32 to index
        %get3A_1533 = arith.index_cast %get3A_1531 : i32 to index
        %get3A_1534 = arith.index_cast %add3A_1530 : i32 to index
        %get3A_1535 = tpu.vector_load %arg4[%get3A_1532, %get3A_1533, %get3A_1534] {strides = array<i32>} : memref<2x6x2184xf32, #tpu.memory_space<vmem>>, vector<16xf32>,
        %add3A_1536 = arith.constant 1 : i32
        %add3A_1537 = arith.addi %add3A_1530, %add3A_1536 : i32
        %get3A_1538 = arith.constant 4 : i32
        %get3A_1539 = arith.index_cast %rem3A_508 : i32 to index
        %get3A_1540 = arith.index_cast %get3A_1538 : i32 to index
        %get3A_1541 = arith.index_cast %add3A_1537 : i32 to index
        %get3A_1542 = tpu.vector_load %arg4[%get3A_1539, %get3A_1540, %get3A_1541] {strides = array<i32>} : memref<2x6x2184xf32, #tpu.memory_space<vmem>>, vector<16xf32>,
        %pack3A_1543 = tpu.pack_subelements %get3A_1535, %get3A_1542 {pack_format = #tpu.pack_format<interleaved>, positions = array<i32: 0, 1>} : vector<16xf32>, vector<16xf32> -> vector<32xbf16>
        %bitcast3A_1544 = vector.bitcast %pack3A_1543 : vector<32xbf16> to vector<16xf32>
        %add3A_1545 = arith.constant 3 : i32
        %add3A_1546 = vector.broadcast %add3A_1545 : i32 to vector<16xi32>
        %add3A_1547 = arith.addi %broadcast_in_dim3A_1501, %add3A_1546 : vector<16xi32>
        tpu.vector_store_idx %arg5[%broadcast_in_dim3A, %add3A_1307, %add3A_1547], %bitcast3A_1544 : memref<2x2048x16xf32, #tpu.memory_space<vmem>>[vector<16xi32>, vector<16xi32>, vector<16xi32>], vector<16xf32>,
        %broadcast_in_dim3A_1548 = arith.constant 8 : i32
        %broadcast_in_dim3A_1549 = vector.broadcast %broadcast_in_dim3A_1548 : i32 to vector<16xi32>
        %add3A_1550 = arith.constant 0 : i32
        %add3A_1551 = arith.addi %scan3A_1005, %add3A_1550 : i32
        %mul3A_1552 = arith.constant 128 : i32
        %mul3A_1553 = arith.muli %add3A_1551, %mul3A_1552 : i32
        %add3A_1554 = arith.constant 16 : i32
        %add3A_1555 = arith.addi %mul3A_1553, %add3A_1554 : i32
        %get3A_1556 = arith.constant 5 : i32
        %get3A_1557 = arith.index_cast %rem3A_508 : i32 to index
        %get3A_1558 = arith.index_cast %get3A_1556 : i32 to index
        %get3A_1559 = arith.index_cast %add3A_1555 : i32 to index
        %get3A_1560 = tpu.vector_load %arg4[%get3A_1557, %get3A_1558, %get3A_1559] {strides = array<i32>} : memref<2x6x2184xf32, #tpu.memory_space<vmem>>, vector<16xf32>,
        %add3A_1561 = arith.constant 1 : i32
        %add3A_1562 = arith.addi %add3A_1555, %add3A_1561 : i32
        %get3A_1563 = arith.constant 5 : i32
        %get3A_1564 = arith.index_cast %rem3A_508 : i32 to index
        %get3A_1565 = arith.index_cast %get3A_1563 : i32 to index
        %get3A_1566 = arith.index_cast %add3A_1562 : i32 to index
        %get3A_1567 = tpu.vector_load %arg4[%get3A_1564, %get3A_1565, %get3A_1566] {strides = array<i32>} : memref<2x6x2184xf32, #tpu.memory_space<vmem>>, vector<16xf32>,
        %pack3A_1568 = tpu.pack_subelements %get3A_1560, %get3A_1567 {pack_format = #tpu.pack_format<interleaved>, positions = array<i32: 0, 1>} : vector<16xf32>, vector<16xf32> -> vector<32xbf16>
        %bitcast3A_1569 = vector.bitcast %pack3A_1568 : vector<32xbf16> to vector<16xf32>
        %add3A_1570 = arith.constant 0 : i32
        %add3A_1571 = vector.broadcast %add3A_1570 : i32 to vector<16xi32>
        %add3A_1572 = arith.addi %broadcast_in_dim3A_1549, %add3A_1571 : vector<16xi32>
        tpu.vector_store_idx %arg5[%broadcast_in_dim3A, %add3A_1307, %add3A_1572], %bitcast3A_1569 : memref<2x2048x16xf32, #tpu.memory_space<vmem>>[vector<16xi32>, vector<16xi32>, vector<16xi32>], vector<16xf32>,
        %add3A_1573 = arith.constant 1 : i32
        %add3A_1574 = arith.addi %scan3A_1005, %add3A_1573 : i32
        %mul3A_1575 = arith.constant 128 : i32
        %mul3A_1576 = arith.muli %add3A_1574, %mul3A_1575 : i32
        %add3A_1577 = arith.constant 16 : i32
        %add3A_1578 = arith.addi %mul3A_1576, %add3A_1577 : i32
        %get3A_1579 = arith.constant 5 : i32
        %get3A_1580 = arith.index_cast %rem3A_508 : i32 to index
        %get3A_1581 = arith.index_cast %get3A_1579 : i32 to index
        %get3A_1582 = arith.index_cast %add3A_1578 : i32 to index
        %get3A_1583 = tpu.vector_load %arg4[%get3A_1580, %get3A_1581, %get3A_1582] {strides = array<i32>} : memref<2x6x2184xf32, #tpu.memory_space<vmem>>, vector<16xf32>,
        %add3A_1584 = arith.constant 1 : i32
        %add3A_1585 = arith.addi %add3A_1578, %add3A_1584 : i32
        %get3A_1586 = arith.constant 5 : i32
        %get3A_1587 = arith.index_cast %rem3A_508 : i32 to index
        %get3A_1588 = arith.index_cast %get3A_1586 : i32 to index
        %get3A_1589 = arith.index_cast %add3A_1585 : i32 to index
        %get3A_1590 = tpu.vector_load %arg4[%get3A_1587, %get3A_1588, %get3A_1589] {strides = array<i32>} : memref<2x6x2184xf32, #tpu.memory_space<vmem>>, vector<16xf32>,
        %pack3A_1591 = tpu.pack_subelements %get3A_1583, %get3A_1590 {pack_format = #tpu.pack_format<interleaved>, positions = array<i32: 0, 1>} : vector<16xf32>, vector<16xf32> -> vector<32xbf16>
        %bitcast3A_1592 = vector.bitcast %pack3A_1591 : vector<32xbf16> to vector<16xf32>
        %add3A_1593 = arith.constant 3 : i32
        %add3A_1594 = vector.broadcast %add3A_1593 : i32 to vector<16xi32>
        %add3A_1595 = arith.addi %broadcast_in_dim3A_1549, %add3A_1594 : vector<16xi32>
        tpu.vector_store_idx %arg5[%broadcast_in_dim3A, %add3A_1307, %add3A_1595], %bitcast3A_1592 : memref<2x2048x16xf32, #tpu.memory_space<vmem>>[vector<16xi32>, vector<16xi32>, vector<16xi32>], vector<16xf32>,
        %mul3A_1596 = arith.constant 8 : i32
        %mul3A_1597 = arith.muli %scan3A_1005, %mul3A_1596 : i32
        %add3A_1598 = arith.constant 2 : i32
        %add3A_1599 = arith.addi %mul3A_1597, %add3A_1598 : i32
        %mul3A_1600 = arith.constant 16 : i32
        %mul3A_1601 = arith.muli %add3A_1599, %mul3A_1600 : i32
        %add3A_1602 = vector.broadcast %mul3A_1601 : i32 to vector<16xi32>
        %add3A_1603 = arith.addi %add3A_1602, %iota3A : vector<16xi32>
        %broadcast_in_dim3A_1604 = arith.constant 0 : i32
        %broadcast_in_dim3A_1605 = vector.broadcast %broadcast_in_dim3A_1604 : i32 to vector<16xi32>
        %add3A_1606 = arith.constant 0 : i32
        %add3A_1607 = arith.addi %scan3A_1005, %add3A_1606 : i32
        %mul3A_1608 = arith.constant 128 : i32
        %mul3A_1609 = arith.muli %add3A_1607, %mul3A_1608 : i32
        %add3A_1610 = arith.constant 32 : i32
        %add3A_1611 = arith.addi %mul3A_1609, %add3A_1610 : i32
        %get3A_1612 = arith.constant 0 : i32
        %get3A_1613 = arith.index_cast %rem3A_508 : i32 to index
        %get3A_1614 = arith.index_cast %get3A_1612 : i32 to index
        %get3A_1615 = arith.index_cast %add3A_1611 : i32 to index
        %get3A_1616 = tpu.vector_load %arg4[%get3A_1613, %get3A_1614, %get3A_1615] {strides = array<i32>} : memref<2x6x2184xf32, #tpu.memory_space<vmem>>, vector<16xf32>,
        %add3A_1617 = arith.constant 1 : i32
        %add3A_1618 = arith.addi %add3A_1611, %add3A_1617 : i32
        %get3A_1619 = arith.constant 0 : i32
        %get3A_1620 = arith.index_cast %rem3A_508 : i32 to index
        %get3A_1621 = arith.index_cast %get3A_1619 : i32 to index
        %get3A_1622 = arith.index_cast %add3A_1618 : i32 to index
        %get3A_1623 = tpu.vector_load %arg4[%get3A_1620, %get3A_1621, %get3A_1622] {strides = array<i32>} : memref<2x6x2184xf32, #tpu.memory_space<vmem>>, vector<16xf32>,
        %pack3A_1624 = tpu.pack_subelements %get3A_1616, %get3A_1623 {pack_format = #tpu.pack_format<interleaved>, positions = array<i32: 0, 1>} : vector<16xf32>, vector<16xf32> -> vector<32xbf16>
        %bitcast3A_1625 = vector.bitcast %pack3A_1624 : vector<32xbf16> to vector<16xf32>
        %add3A_1626 = arith.constant 0 : i32
        %add3A_1627 = vector.broadcast %add3A_1626 : i32 to vector<16xi32>
        %add3A_1628 = arith.addi %broadcast_in_dim3A_1605, %add3A_1627 : vector<16xi32>
        tpu.vector_store_idx %arg5[%broadcast_in_dim3A, %add3A_1603, %add3A_1628], %bitcast3A_1625 : memref<2x2048x16xf32, #tpu.memory_space<vmem>>[vector<16xi32>, vector<16xi32>, vector<16xi32>], vector<16xf32>,
        %add3A_1629 = arith.constant 1 : i32
        %add3A_1630 = arith.addi %scan3A_1005, %add3A_1629 : i32
        %mul3A_1631 = arith.constant 128 : i32
        %mul3A_1632 = arith.muli %add3A_1630, %mul3A_1631 : i32
        %add3A_1633 = arith.constant 32 : i32
        %add3A_1634 = arith.addi %mul3A_1632, %add3A_1633 : i32
        %get3A_1635 = arith.constant 0 : i32
        %get3A_1636 = arith.index_cast %rem3A_508 : i32 to index
        %get3A_1637 = arith.index_cast %get3A_1635 : i32 to index
        %get3A_1638 = arith.index_cast %add3A_1634 : i32 to index
        %get3A_1639 = tpu.vector_load %arg4[%get3A_1636, %get3A_1637, %get3A_1638] {strides = array<i32>} : memref<2x6x2184xf32, #tpu.memory_space<vmem>>, vector<16xf32>,
        %add3A_1640 = arith.constant 1 : i32
        %add3A_1641 = arith.addi %add3A_1634, %add3A_1640 : i32
        %get3A_1642 = arith.constant 0 : i32
        %get3A_1643 = arith.index_cast %rem3A_508 : i32 to index
        %get3A_1644 = arith.index_cast %get3A_1642 : i32 to index
        %get3A_1645 = arith.index_cast %add3A_1641 : i32 to index
        %get3A_1646 = tpu.vector_load %arg4[%get3A_1643, %get3A_1644, %get3A_1645] {strides = array<i32>} : memref<2x6x2184xf32, #tpu.memory_space<vmem>>, vector<16xf32>,
        %pack3A_1647 = tpu.pack_subelements %get3A_1639, %get3A_1646 {pack_format = #tpu.pack_format<interleaved>, positions = array<i32: 0, 1>} : vector<16xf32>, vector<16xf32> -> vector<32xbf16>
        %bitcast3A_1648 = vector.bitcast %pack3A_1647 : vector<32xbf16> to vector<16xf32>
        %add3A_1649 = arith.constant 3 : i32
        %add3A_1650 = vector.broadcast %add3A_1649 : i32 to vector<16xi32>
        %add3A_1651 = arith.addi %broadcast_in_dim3A_1605, %add3A_1650 : vector<16xi32>
        tpu.vector_store_idx %arg5[%broadcast_in_dim3A, %add3A_1603, %add3A_1651], %bitcast3A_1648 : memref<2x2048x16xf32, #tpu.memory_space<vmem>>[vector<16xi32>, vector<16xi32>, vector<16xi32>], vector<16xf32>,
        %broadcast_in_dim3A_1652 = arith.constant 1 : i32
        %broadcast_in_dim3A_1653 = vector.broadcast %broadcast_in_dim3A_1652 : i32 to vector<16xi32>
        %add3A_1654 = arith.constant 0 : i32
        %add3A_1655 = arith.addi %scan3A_1005, %add3A_1654 : i32
        %mul3A_1656 = arith.constant 128 : i32
        %mul3A_1657 = arith.muli %add3A_1655, %mul3A_1656 : i32
        %add3A_1658 = arith.constant 32 : i32
        %add3A_1659 = arith.addi %mul3A_1657, %add3A_1658 : i32
        %get3A_1660 = arith.constant 1 : i32
        %get3A_1661 = arith.index_cast %rem3A_508 : i32 to index
        %get3A_1662 = arith.index_cast %get3A_1660 : i32 to index
        %get3A_1663 = arith.index_cast %add3A_1659 : i32 to index
        %get3A_1664 = tpu.vector_load %arg4[%get3A_1661, %get3A_1662, %get3A_1663] {strides = array<i32>} : memref<2x6x2184xf32, #tpu.memory_space<vmem>>, vector<16xf32>,
        %add3A_1665 = arith.constant 1 : i32
        %add3A_1666 = arith.addi %add3A_1659, %add3A_1665 : i32
        %get3A_1667 = arith.constant 1 : i32
        %get3A_1668 = arith.index_cast %rem3A_508 : i32 to index
        %get3A_1669 = arith.index_cast %get3A_1667 : i32 to index
        %get3A_1670 = arith.index_cast %add3A_1666 : i32 to index
        %get3A_1671 = tpu.vector_load %arg4[%get3A_1668, %get3A_1669, %get3A_1670] {strides = array<i32>} : memref<2x6x2184xf32, #tpu.memory_space<vmem>>, vector<16xf32>,
        %pack3A_1672 = tpu.pack_subelements %get3A_1664, %get3A_1671 {pack_format = #tpu.pack_format<interleaved>, positions = array<i32: 0, 1>} : vector<16xf32>, vector<16xf32> -> vector<32xbf16>
        %bitcast3A_1673 = vector.bitcast %pack3A_1672 : vector<32xbf16> to vector<16xf32>
        %add3A_1674 = arith.constant 0 : i32
        %add3A_1675 = vector.broadcast %add3A_1674 : i32 to vector<16xi32>
        %add3A_1676 = arith.addi %broadcast_in_dim3A_1653, %add3A_1675 : vector<16xi32>
        tpu.vector_store_idx %arg5[%broadcast_in_dim3A, %add3A_1603, %add3A_1676], %bitcast3A_1673 : memref<2x2048x16xf32, #tpu.memory_space<vmem>>[vector<16xi32>, vector<16xi32>, vector<16xi32>], vector<16xf32>,
        %add3A_1677 = arith.constant 1 : i32
        %add3A_1678 = arith.addi %scan3A_1005, %add3A_1677 : i32
        %mul3A_1679 = arith.constant 128 : i32
        %mul3A_1680 = arith.muli %add3A_1678, %mul3A_1679 : i32
        %add3A_1681 = arith.constant 32 : i32
        %add3A_1682 = arith.addi %mul3A_1680, %add3A_1681 : i32
        %get3A_1683 = arith.constant 1 : i32
        %get3A_1684 = arith.index_cast %rem3A_508 : i32 to index
        %get3A_1685 = arith.index_cast %get3A_1683 : i32 to index
        %get3A_1686 = arith.index_cast %add3A_1682 : i32 to index
        %get3A_1687 = tpu.vector_load %arg4[%get3A_1684, %get3A_1685, %get3A_1686] {strides = array<i32>} : memref<2x6x2184xf32, #tpu.memory_space<vmem>>, vector<16xf32>,
        %add3A_1688 = arith.constant 1 : i32
        %add3A_1689 = arith.addi %add3A_1682, %add3A_1688 : i32
        %get3A_1690 = arith.constant 1 : i32
        %get3A_1691 = arith.index_cast %rem3A_508 : i32 to index
        %get3A_1692 = arith.index_cast %get3A_1690 : i32 to index
        %get3A_1693 = arith.index_cast %add3A_1689 : i32 to index
        %get3A_1694 = tpu.vector_load %arg4[%get3A_1691, %get3A_1692, %get3A_1693] {strides = array<i32>} : memref<2x6x2184xf32, #tpu.memory_space<vmem>>, vector<16xf32>,
        %pack3A_1695 = tpu.pack_subelements %get3A_1687, %get3A_1694 {pack_format = #tpu.pack_format<interleaved>, positions = array<i32: 0, 1>} : vector<16xf32>, vector<16xf32> -> vector<32xbf16>
        %bitcast3A_1696 = vector.bitcast %pack3A_1695 : vector<32xbf16> to vector<16xf32>
        %add3A_1697 = arith.constant 3 : i32
        %add3A_1698 = vector.broadcast %add3A_1697 : i32 to vector<16xi32>
        %add3A_1699 = arith.addi %broadcast_in_dim3A_1653, %add3A_1698 : vector<16xi32>
        tpu.vector_store_idx %arg5[%broadcast_in_dim3A, %add3A_1603, %add3A_1699], %bitcast3A_1696 : memref<2x2048x16xf32, #tpu.memory_space<vmem>>[vector<16xi32>, vector<16xi32>, vector<16xi32>], vector<16xf32>,
        %broadcast_in_dim3A_1700 = arith.constant 2 : i32
        %broadcast_in_dim3A_1701 = vector.broadcast %broadcast_in_dim3A_1700 : i32 to vector<16xi32>
        %add3A_1702 = arith.constant 0 : i32
        %add3A_1703 = arith.addi %scan3A_1005, %add3A_1702 : i32
        %mul3A_1704 = arith.constant 128 : i32
        %mul3A_1705 = arith.muli %add3A_1703, %mul3A_1704 : i32
        %add3A_1706 = arith.constant 32 : i32
        %add3A_1707 = arith.addi %mul3A_1705, %add3A_1706 : i32
        %get3A_1708 = arith.constant 2 : i32
        %get3A_1709 = arith.index_cast %rem3A_508 : i32 to index
        %get3A_1710 = arith.index_cast %get3A_1708 : i32 to index
        %get3A_1711 = arith.index_cast %add3A_1707 : i32 to index
        %get3A_1712 = tpu.vector_load %arg4[%get3A_1709, %get3A_1710, %get3A_1711] {strides = array<i32>} : memref<2x6x2184xf32, #tpu.memory_space<vmem>>, vector<16xf32>,
        %add3A_1713 = arith.constant 1 : i32
        %add3A_1714 = arith.addi %add3A_1707, %add3A_1713 : i32
        %get3A_1715 = arith.constant 2 : i32
        %get3A_1716 = arith.index_cast %rem3A_508 : i32 to index
        %get3A_1717 = arith.index_cast %get3A_1715 : i32 to index
        %get3A_1718 = arith.index_cast %add3A_1714 : i32 to index
        %get3A_1719 = tpu.vector_load %arg4[%get3A_1716, %get3A_1717, %get3A_1718] {strides = array<i32>} : memref<2x6x2184xf32, #tpu.memory_space<vmem>>, vector<16xf32>,
        %pack3A_1720 = tpu.pack_subelements %get3A_1712, %get3A_1719 {pack_format = #tpu.pack_format<interleaved>, positions = array<i32: 0, 1>} : vector<16xf32>, vector<16xf32> -> vector<32xbf16>
        %bitcast3A_1721 = vector.bitcast %pack3A_1720 : vector<32xbf16> to vector<16xf32>
        %add3A_1722 = arith.constant 0 : i32
        %add3A_1723 = vector.broadcast %add3A_1722 : i32 to vector<16xi32>
        %add3A_1724 = arith.addi %broadcast_in_dim3A_1701, %add3A_1723 : vector<16xi32>
        tpu.vector_store_idx %arg5[%broadcast_in_dim3A, %add3A_1603, %add3A_1724], %bitcast3A_1721 : memref<2x2048x16xf32, #tpu.memory_space<vmem>>[vector<16xi32>, vector<16xi32>, vector<16xi32>], vector<16xf32>,
        %add3A_1725 = arith.constant 1 : i32
        %add3A_1726 = arith.addi %scan3A_1005, %add3A_1725 : i32
        %mul3A_1727 = arith.constant 128 : i32
        %mul3A_1728 = arith.muli %add3A_1726, %mul3A_1727 : i32
        %add3A_1729 = arith.constant 32 : i32
        %add3A_1730 = arith.addi %mul3A_1728, %add3A_1729 : i32
        %get3A_1731 = arith.constant 2 : i32
        %get3A_1732 = arith.index_cast %rem3A_508 : i32 to index
        %get3A_1733 = arith.index_cast %get3A_1731 : i32 to index
        %get3A_1734 = arith.index_cast %add3A_1730 : i32 to index
        %get3A_1735 = tpu.vector_load %arg4[%get3A_1732, %get3A_1733, %get3A_1734] {strides = array<i32>} : memref<2x6x2184xf32, #tpu.memory_space<vmem>>, vector<16xf32>,
        %add3A_1736 = arith.constant 1 : i32
        %add3A_1737 = arith.addi %add3A_1730, %add3A_1736 : i32
        %get3A_1738 = arith.constant 2 : i32
        %get3A_1739 = arith.index_cast %rem3A_508 : i32 to index
        %get3A_1740 = arith.index_cast %get3A_1738 : i32 to index
        %get3A_1741 = arith.index_cast %add3A_1737 : i32 to index
        %get3A_1742 = tpu.vector_load %arg4[%get3A_1739, %get3A_1740, %get3A_1741] {strides = array<i32>} : memref<2x6x2184xf32, #tpu.memory_space<vmem>>, vector<16xf32>,
        %pack3A_1743 = tpu.pack_subelements %get3A_1735, %get3A_1742 {pack_format = #tpu.pack_format<interleaved>, positions = array<i32: 0, 1>} : vector<16xf32>, vector<16xf32> -> vector<32xbf16>
        %bitcast3A_1744 = vector.bitcast %pack3A_1743 : vector<32xbf16> to vector<16xf32>
        %add3A_1745 = arith.constant 3 : i32
        %add3A_1746 = vector.broadcast %add3A_1745 : i32 to vector<16xi32>
        %add3A_1747 = arith.addi %broadcast_in_dim3A_1701, %add3A_1746 : vector<16xi32>
        tpu.vector_store_idx %arg5[%broadcast_in_dim3A, %add3A_1603, %add3A_1747], %bitcast3A_1744 : memref<2x2048x16xf32, #tpu.memory_space<vmem>>[vector<16xi32>, vector<16xi32>, vector<16xi32>], vector<16xf32>,
        %broadcast_in_dim3A_1748 = arith.constant 6 : i32
        %broadcast_in_dim3A_1749 = vector.broadcast %broadcast_in_dim3A_1748 : i32 to vector<16xi32>
        %add3A_1750 = arith.constant 0 : i32
        %add3A_1751 = arith.addi %scan3A_1005, %add3A_1750 : i32
        %mul3A_1752 = arith.constant 128 : i32
        %mul3A_1753 = arith.muli %add3A_1751, %mul3A_1752 : i32
        %add3A_1754 = arith.constant 32 : i32
        %add3A_1755 = arith.addi %mul3A_1753, %add3A_1754 : i32
        %get3A_1756 = arith.constant 3 : i32
        %get3A_1757 = arith.index_cast %rem3A_508 : i32 to index
        %get3A_1758 = arith.index_cast %get3A_1756 : i32 to index
        %get3A_1759 = arith.index_cast %add3A_1755 : i32 to index
        %get3A_1760 = tpu.vector_load %arg4[%get3A_1757, %get3A_1758, %get3A_1759] {strides = array<i32>} : memref<2x6x2184xf32, #tpu.memory_space<vmem>>, vector<16xf32>,
        %add3A_1761 = arith.constant 1 : i32
        %add3A_1762 = arith.addi %add3A_1755, %add3A_1761 : i32
        %get3A_1763 = arith.constant 3 : i32
        %get3A_1764 = arith.index_cast %rem3A_508 : i32 to index
        %get3A_1765 = arith.index_cast %get3A_1763 : i32 to index
        %get3A_1766 = arith.index_cast %add3A_1762 : i32 to index
        %get3A_1767 = tpu.vector_load %arg4[%get3A_1764, %get3A_1765, %get3A_1766] {strides = array<i32>} : memref<2x6x2184xf32, #tpu.memory_space<vmem>>, vector<16xf32>,
        %pack3A_1768 = tpu.pack_subelements %get3A_1760, %get3A_1767 {pack_format = #tpu.pack_format<interleaved>, positions = array<i32: 0, 1>} : vector<16xf32>, vector<16xf32> -> vector<32xbf16>
        %bitcast3A_1769 = vector.bitcast %pack3A_1768 : vector<32xbf16> to vector<16xf32>
        %add3A_1770 = arith.constant 0 : i32
        %add3A_1771 = vector.broadcast %add3A_1770 : i32 to vector<16xi32>
        %add3A_1772 = arith.addi %broadcast_in_dim3A_1749, %add3A_1771 : vector<16xi32>
        tpu.vector_store_idx %arg5[%broadcast_in_dim3A, %add3A_1603, %add3A_1772], %bitcast3A_1769 : memref<2x2048x16xf32, #tpu.memory_space<vmem>>[vector<16xi32>, vector<16xi32>, vector<16xi32>], vector<16xf32>,
        %add3A_1773 = arith.constant 1 : i32
        %add3A_1774 = arith.addi %scan3A_1005, %add3A_1773 : i32
        %mul3A_1775 = arith.constant 128 : i32
        %mul3A_1776 = arith.muli %add3A_1774, %mul3A_1775 : i32
        %add3A_1777 = arith.constant 32 : i32
        %add3A_1778 = arith.addi %mul3A_1776, %add3A_1777 : i32
        %get3A_1779 = arith.constant 3 : i32
        %get3A_1780 = arith.index_cast %rem3A_508 : i32 to index
        %get3A_1781 = arith.index_cast %get3A_1779 : i32 to index
        %get3A_1782 = arith.index_cast %add3A_1778 : i32 to index
        %get3A_1783 = tpu.vector_load %arg4[%get3A_1780, %get3A_1781, %get3A_1782] {strides = array<i32>} : memref<2x6x2184xf32, #tpu.memory_space<vmem>>, vector<16xf32>,
        %add3A_1784 = arith.constant 1 : i32
        %add3A_1785 = arith.addi %add3A_1778, %add3A_1784 : i32
        %get3A_1786 = arith.constant 3 : i32
        %get3A_1787 = arith.index_cast %rem3A_508 : i32 to index
        %get3A_1788 = arith.index_cast %get3A_1786 : i32 to index
        %get3A_1789 = arith.index_cast %add3A_1785 : i32 to index
        %get3A_1790 = tpu.vector_load %arg4[%get3A_1787, %get3A_1788, %get3A_1789] {strides = array<i32>} : memref<2x6x2184xf32, #tpu.memory_space<vmem>>, vector<16xf32>,
        %pack3A_1791 = tpu.pack_subelements %get3A_1783, %get3A_1790 {pack_format = #tpu.pack_format<interleaved>, positions = array<i32: 0, 1>} : vector<16xf32>, vector<16xf32> -> vector<32xbf16>
        %bitcast3A_1792 = vector.bitcast %pack3A_1791 : vector<32xbf16> to vector<16xf32>
        %add3A_1793 = arith.constant 3 : i32
        %add3A_1794 = vector.broadcast %add3A_1793 : i32 to vector<16xi32>
        %add3A_1795 = arith.addi %broadcast_in_dim3A_1749, %add3A_1794 : vector<16xi32>
        tpu.vector_store_idx %arg5[%broadcast_in_dim3A, %add3A_1603, %add3A_1795], %bitcast3A_1792 : memref<2x2048x16xf32, #tpu.memory_space<vmem>>[vector<16xi32>, vector<16xi32>, vector<16xi32>], vector<16xf32>,
        %broadcast_in_dim3A_1796 = arith.constant 7 : i32
        %broadcast_in_dim3A_1797 = vector.broadcast %broadcast_in_dim3A_1796 : i32 to vector<16xi32>
        %add3A_1798 = arith.constant 0 : i32
        %add3A_1799 = arith.addi %scan3A_1005, %add3A_1798 : i32
        %mul3A_1800 = arith.constant 128 : i32
        %mul3A_1801 = arith.muli %add3A_1799, %mul3A_1800 : i32
        %add3A_1802 = arith.constant 32 : i32
        %add3A_1803 = arith.addi %mul3A_1801, %add3A_1802 : i32
        %get3A_1804 = arith.constant 4 : i32
        %get3A_1805 = arith.index_cast %rem3A_508 : i32 to index
        %get3A_1806 = arith.index_cast %get3A_1804 : i32 to index
        %get3A_1807 = arith.index_cast %add3A_1803 : i32 to index
        %get3A_1808 = tpu.vector_load %arg4[%get3A_1805, %get3A_1806, %get3A_1807] {strides = array<i32>} : memref<2x6x2184xf32, #tpu.memory_space<vmem>>, vector<16xf32>,
        %add3A_1809 = arith.constant 1 : i32
        %add3A_1810 = arith.addi %add3A_1803, %add3A_1809 : i32
        %get3A_1811 = arith.constant 4 : i32
        %get3A_1812 = arith.index_cast %rem3A_508 : i32 to index
        %get3A_1813 = arith.index_cast %get3A_1811 : i32 to index
        %get3A_1814 = arith.index_cast %add3A_1810 : i32 to index
        %get3A_1815 = tpu.vector_load %arg4[%get3A_1812, %get3A_1813, %get3A_1814] {strides = array<i32>} : memref<2x6x2184xf32, #tpu.memory_space<vmem>>, vector<16xf32>,
        %pack3A_1816 = tpu.pack_subelements %get3A_1808, %get3A_1815 {pack_format = #tpu.pack_format<interleaved>, positions = array<i32: 0, 1>} : vector<16xf32>, vector<16xf32> -> vector<32xbf16>
        %bitcast3A_1817 = vector.bitcast %pack3A_1816 : vector<32xbf16> to vector<16xf32>
        %add3A_1818 = arith.constant 0 : i32
        %add3A_1819 = vector.broadcast %add3A_1818 : i32 to vector<16xi32>
        %add3A_1820 = arith.addi %broadcast_in_dim3A_1797, %add3A_1819 : vector<16xi32>
        tpu.vector_store_idx %arg5[%broadcast_in_dim3A, %add3A_1603, %add3A_1820], %bitcast3A_1817 : memref<2x2048x16xf32, #tpu.memory_space<vmem>>[vector<16xi32>, vector<16xi32>, vector<16xi32>], vector<16xf32>,
        %add3A_1821 = arith.constant 1 : i32
        %add3A_1822 = arith.addi %scan3A_1005, %add3A_1821 : i32
        %mul3A_1823 = arith.constant 128 : i32
        %mul3A_1824 = arith.muli %add3A_1822, %mul3A_1823 : i32
        %add3A_1825 = arith.constant 32 : i32
        %add3A_1826 = arith.addi %mul3A_1824, %add3A_1825 : i32
        %get3A_1827 = arith.constant 4 : i32
        %get3A_1828 = arith.index_cast %rem3A_508 : i32 to index
        %get3A_1829 = arith.index_cast %get3A_1827 : i32 to index
        %get3A_1830 = arith.index_cast %add3A_1826 : i32 to index
        %get3A_1831 = tpu.vector_load %arg4[%get3A_1828, %get3A_1829, %get3A_1830] {strides = array<i32>} : memref<2x6x2184xf32, #tpu.memory_space<vmem>>, vector<16xf32>,
        %add3A_1832 = arith.constant 1 : i32
        %add3A_1833 = arith.addi %add3A_1826, %add3A_1832 : i32
        %get3A_1834 = arith.constant 4 : i32
        %get3A_1835 = arith.index_cast %rem3A_508 : i32 to index
        %get3A_1836 = arith.index_cast %get3A_1834 : i32 to index
        %get3A_1837 = arith.index_cast %add3A_1833 : i32 to index
        %get3A_1838 = tpu.vector_load %arg4[%get3A_1835, %get3A_1836, %get3A_1837] {strides = array<i32>} : memref<2x6x2184xf32, #tpu.memory_space<vmem>>, vector<16xf32>,
        %pack3A_1839 = tpu.pack_subelements %get3A_1831, %get3A_1838 {pack_format = #tpu.pack_format<interleaved>, positions = array<i32: 0, 1>} : vector<16xf32>, vector<16xf32> -> vector<32xbf16>
        %bitcast3A_1840 = vector.bitcast %pack3A_1839 : vector<32xbf16> to vector<16xf32>
        %add3A_1841 = arith.constant 3 : i32
        %add3A_1842 = vector.broadcast %add3A_1841 : i32 to vector<16xi32>
        %add3A_1843 = arith.addi %broadcast_in_dim3A_1797, %add3A_1842 : vector<16xi32>
        tpu.vector_store_idx %arg5[%broadcast_in_dim3A, %add3A_1603, %add3A_1843], %bitcast3A_1840 : memref<2x2048x16xf32, #tpu.memory_space<vmem>>[vector<16xi32>, vector<16xi32>, vector<16xi32>], vector<16xf32>,
        %broadcast_in_dim3A_1844 = arith.constant 8 : i32
        %broadcast_in_dim3A_1845 = vector.broadcast %broadcast_in_dim3A_1844 : i32 to vector<16xi32>
        %add3A_1846 = arith.constant 0 : i32
        %add3A_1847 = arith.addi %scan3A_1005, %add3A_1846 : i32
        %mul3A_1848 = arith.constant 128 : i32
        %mul3A_1849 = arith.muli %add3A_1847, %mul3A_1848 : i32
        %add3A_1850 = arith.constant 32 : i32
        %add3A_1851 = arith.addi %mul3A_1849, %add3A_1850 : i32
        %get3A_1852 = arith.constant 5 : i32
        %get3A_1853 = arith.index_cast %rem3A_508 : i32 to index
        %get3A_1854 = arith.index_cast %get3A_1852 : i32 to index
        %get3A_1855 = arith.index_cast %add3A_1851 : i32 to index
        %get3A_1856 = tpu.vector_load %arg4[%get3A_1853, %get3A_1854, %get3A_1855] {strides = array<i32>} : memref<2x6x2184xf32, #tpu.memory_space<vmem>>, vector<16xf32>,
        %add3A_1857 = arith.constant 1 : i32
        %add3A_1858 = arith.addi %add3A_1851, %add3A_1857 : i32
        %get3A_1859 = arith.constant 5 : i32
        %get3A_1860 = arith.index_cast %rem3A_508 : i32 to index
        %get3A_1861 = arith.index_cast %get3A_1859 : i32 to index
        %get3A_1862 = arith.index_cast %add3A_1858 : i32 to index
        %get3A_1863 = tpu.vector_load %arg4[%get3A_1860, %get3A_1861, %get3A_1862] {strides = array<i32>} : memref<2x6x2184xf32, #tpu.memory_space<vmem>>, vector<16xf32>,
        %pack3A_1864 = tpu.pack_subelements %get3A_1856, %get3A_1863 {pack_format = #tpu.pack_format<interleaved>, positions = array<i32: 0, 1>} : vector<16xf32>, vector<16xf32> -> vector<32xbf16>
        %bitcast3A_1865 = vector.bitcast %pack3A_1864 : vector<32xbf16> to vector<16xf32>
        %add3A_1866 = arith.constant 0 : i32
        %add3A_1867 = vector.broadcast %add3A_1866 : i32 to vector<16xi32>
        %add3A_1868 = arith.addi %broadcast_in_dim3A_1845, %add3A_1867 : vector<16xi32>
        tpu.vector_store_idx %arg5[%broadcast_in_dim3A, %add3A_1603, %add3A_1868], %bitcast3A_1865 : memref<2x2048x16xf32, #tpu.memory_space<vmem>>[vector<16xi32>, vector<16xi32>, vector<16xi32>], vector<16xf32>,
        %add3A_1869 = arith.constant 1 : i32
        %add3A_1870 = arith.addi %scan3A_1005, %add3A_1869 : i32
        %mul3A_1871 = arith.constant 128 : i32
        %mul3A_1872 = arith.muli %add3A_1870, %mul3A_1871 : i32
        %add3A_1873 = arith.constant 32 : i32
        %add3A_1874 = arith.addi %mul3A_1872, %add3A_1873 : i32
        %get3A_1875 = arith.constant 5 : i32
        %get3A_1876 = arith.index_cast %rem3A_508 : i32 to index
        %get3A_1877 = arith.index_cast %get3A_1875 : i32 to index
        %get3A_1878 = arith.index_cast %add3A_1874 : i32 to index
        %get3A_1879 = tpu.vector_load %arg4[%get3A_1876, %get3A_1877, %get3A_1878] {strides = array<i32>} : memref<2x6x2184xf32, #tpu.memory_space<vmem>>, vector<16xf32>,
        %add3A_1880 = arith.constant 1 : i32
        %add3A_1881 = arith.addi %add3A_1874, %add3A_1880 : i32
        %get3A_1882 = arith.constant 5 : i32
        %get3A_1883 = arith.index_cast %rem3A_508 : i32 to index
        %get3A_1884 = arith.index_cast %get3A_1882 : i32 to index
        %get3A_1885 = arith.index_cast %add3A_1881 : i32 to index
        %get3A_1886 = tpu.vector_load %arg4[%get3A_1883, %get3A_1884, %get3A_1885] {strides = array<i32>} : memref<2x6x2184xf32, #tpu.memory_space<vmem>>, vector<16xf32>,
        %pack3A_1887 = tpu.pack_subelements %get3A_1879, %get3A_1886 {pack_format = #tpu.pack_format<interleaved>, positions = array<i32: 0, 1>} : vector<16xf32>, vector<16xf32> -> vector<32xbf16>
        %bitcast3A_1888 = vector.bitcast %pack3A_1887 : vector<32xbf16> to vector<16xf32>
        %add3A_1889 = arith.constant 3 : i32
        %add3A_1890 = vector.broadcast %add3A_1889 : i32 to vector<16xi32>
        %add3A_1891 = arith.addi %broadcast_in_dim3A_1845, %add3A_1890 : vector<16xi32>
        tpu.vector_store_idx %arg5[%broadcast_in_dim3A, %add3A_1603, %add3A_1891], %bitcast3A_1888 : memref<2x2048x16xf32, #tpu.memory_space<vmem>>[vector<16xi32>, vector<16xi32>, vector<16xi32>], vector<16xf32>,
        %mul3A_1892 = arith.constant 8 : i32
        %mul3A_1893 = arith.muli %scan3A_1005, %mul3A_1892 : i32
        %add3A_1894 = arith.constant 3 : i32
        %add3A_1895 = arith.addi %mul3A_1893, %add3A_1894 : i32
        %mul3A_1896 = arith.constant 16 : i32
        %mul3A_1897 = arith.muli %add3A_1895, %mul3A_1896 : i32
        %add3A_1898 = vector.broadcast %mul3A_1897 : i32 to vector<16xi32>
        %add3A_1899 = arith.addi %add3A_1898, %iota3A : vector<16xi32>
        %broadcast_in_dim3A_1900 = arith.constant 0 : i32
        %broadcast_in_dim3A_1901 = vector.broadcast %broadcast_in_dim3A_1900 : i32 to vector<16xi32>
        %add3A_1902 = arith.constant 0 : i32
        %add3A_1903 = arith.addi %scan3A_1005, %add3A_1902 : i32
        %mul3A_1904 = arith.constant 128 : i32
        %mul3A_1905 = arith.muli %add3A_1903, %mul3A_1904 : i32
        %add3A_1906 = arith.constant 48 : i32
        %add3A_1907 = arith.addi %mul3A_1905, %add3A_1906 : i32
        %get3A_1908 = arith.constant 0 : i32
        %get3A_1909 = arith.index_cast %rem3A_508 : i32 to index
        %get3A_1910 = arith.index_cast %get3A_1908 : i32 to index
        %get3A_1911 = arith.index_cast %add3A_1907 : i32 to index
        %get3A_1912 = tpu.vector_load %arg4[%get3A_1909, %get3A_1910, %get3A_1911] {strides = array<i32>} : memref<2x6x2184xf32, #tpu.memory_space<vmem>>, vector<16xf32>,
        %add3A_1913 = arith.constant 1 : i32
        %add3A_1914 = arith.addi %add3A_1907, %add3A_1913 : i32
        %get3A_1915 = arith.constant 0 : i32
        %get3A_1916 = arith.index_cast %rem3A_508 : i32 to index
        %get3A_1917 = arith.index_cast %get3A_1915 : i32 to index
        %get3A_1918 = arith.index_cast %add3A_1914 : i32 to index
        %get3A_1919 = tpu.vector_load %arg4[%get3A_1916, %get3A_1917, %get3A_1918] {strides = array<i32>} : memref<2x6x2184xf32, #tpu.memory_space<vmem>>, vector<16xf32>,
        %pack3A_1920 = tpu.pack_subelements %get3A_1912, %get3A_1919 {pack_format = #tpu.pack_format<interleaved>, positions = array<i32: 0, 1>} : vector<16xf32>, vector<16xf32> -> vector<32xbf16>
        %bitcast3A_1921 = vector.bitcast %pack3A_1920 : vector<32xbf16> to vector<16xf32>
        %add3A_1922 = arith.constant 0 : i32
        %add3A_1923 = vector.broadcast %add3A_1922 : i32 to vector<16xi32>
        %add3A_1924 = arith.addi %broadcast_in_dim3A_1901, %add3A_1923 : vector<16xi32>
        tpu.vector_store_idx %arg5[%broadcast_in_dim3A, %add3A_1899, %add3A_1924], %bitcast3A_1921 : memref<2x2048x16xf32, #tpu.memory_space<vmem>>[vector<16xi32>, vector<16xi32>, vector<16xi32>], vector<16xf32>,
        %add3A_1925 = arith.constant 1 : i32
        %add3A_1926 = arith.addi %scan3A_1005, %add3A_1925 : i32
        %mul3A_1927 = arith.constant 128 : i32
        %mul3A_1928 = arith.muli %add3A_1926, %mul3A_1927 : i32
        %add3A_1929 = arith.constant 48 : i32
        %add3A_1930 = arith.addi %mul3A_1928, %add3A_1929 : i32
        %get3A_1931 = arith.constant 0 : i32
        %get3A_1932 = arith.index_cast %rem3A_508 : i32 to index
        %get3A_1933 = arith.index_cast %get3A_1931 : i32 to index
        %get3A_1934 = arith.index_cast %add3A_1930 : i32 to index
        %get3A_1935 = tpu.vector_load %arg4[%get3A_1932, %get3A_1933, %get3A_1934] {strides = array<i32>} : memref<2x6x2184xf32, #tpu.memory_space<vmem>>, vector<16xf32>,
        %add3A_1936 = arith.constant 1 : i32
        %add3A_1937 = arith.addi %add3A_1930, %add3A_1936 : i32
        %get3A_1938 = arith.constant 0 : i32
        %get3A_1939 = arith.index_cast %rem3A_508 : i32 to index
        %get3A_1940 = arith.index_cast %get3A_1938 : i32 to index
        %get3A_1941 = arith.index_cast %add3A_1937 : i32 to index
        %get3A_1942 = tpu.vector_load %arg4[%get3A_1939, %get3A_1940, %get3A_1941] {strides = array<i32>} : memref<2x6x2184xf32, #tpu.memory_space<vmem>>, vector<16xf32>,
        %pack3A_1943 = tpu.pack_subelements %get3A_1935, %get3A_1942 {pack_format = #tpu.pack_format<interleaved>, positions = array<i32: 0, 1>} : vector<16xf32>, vector<16xf32> -> vector<32xbf16>
        %bitcast3A_1944 = vector.bitcast %pack3A_1943 : vector<32xbf16> to vector<16xf32>
        %add3A_1945 = arith.constant 3 : i32
        %add3A_1946 = vector.broadcast %add3A_1945 : i32 to vector<16xi32>
        %add3A_1947 = arith.addi %broadcast_in_dim3A_1901, %add3A_1946 : vector<16xi32>
        tpu.vector_store_idx %arg5[%broadcast_in_dim3A, %add3A_1899, %add3A_1947], %bitcast3A_1944 : memref<2x2048x16xf32, #tpu.memory_space<vmem>>[vector<16xi32>, vector<16xi32>, vector<16xi32>], vector<16xf32>,
        %broadcast_in_dim3A_1948 = arith.constant 1 : i32
        %broadcast_in_dim3A_1949 = vector.broadcast %broadcast_in_dim3A_1948 : i32 to vector<16xi32>
        %add3A_1950 = arith.constant 0 : i32
        %add3A_1951 = arith.addi %scan3A_1005, %add3A_1950 : i32
        %mul3A_1952 = arith.constant 128 : i32
        %mul3A_1953 = arith.muli %add3A_1951, %mul3A_1952 : i32
        %add3A_1954 = arith.constant 48 : i32
        %add3A_1955 = arith.addi %mul3A_1953, %add3A_1954 : i32
        %get3A_1956 = arith.constant 1 : i32
        %get3A_1957 = arith.index_cast %rem3A_508 : i32 to index
        %get3A_1958 = arith.index_cast %get3A_1956 : i32 to index
        %get3A_1959 = arith.index_cast %add3A_1955 : i32 to index
        %get3A_1960 = tpu.vector_load %arg4[%get3A_1957, %get3A_1958, %get3A_1959] {strides = array<i32>} : memref<2x6x2184xf32, #tpu.memory_space<vmem>>, vector<16xf32>,
        %add3A_1961 = arith.constant 1 : i32
        %add3A_1962 = arith.addi %add3A_1955, %add3A_1961 : i32
        %get3A_1963 = arith.constant 1 : i32
        %get3A_1964 = arith.index_cast %rem3A_508 : i32 to index
        %get3A_1965 = arith.index_cast %get3A_1963 : i32 to index
        %get3A_1966 = arith.index_cast %add3A_1962 : i32 to index
        %get3A_1967 = tpu.vector_load %arg4[%get3A_1964, %get3A_1965, %get3A_1966] {strides = array<i32>} : memref<2x6x2184xf32, #tpu.memory_space<vmem>>, vector<16xf32>,
        %pack3A_1968 = tpu.pack_subelements %get3A_1960, %get3A_1967 {pack_format = #tpu.pack_format<interleaved>, positions = array<i32: 0, 1>} : vector<16xf32>, vector<16xf32> -> vector<32xbf16>
        %bitcast3A_1969 = vector.bitcast %pack3A_1968 : vector<32xbf16> to vector<16xf32>
        %add3A_1970 = arith.constant 0 : i32
        %add3A_1971 = vector.broadcast %add3A_1970 : i32 to vector<16xi32>
        %add3A_1972 = arith.addi %broadcast_in_dim3A_1949, %add3A_1971 : vector<16xi32>
        tpu.vector_store_idx %arg5[%broadcast_in_dim3A, %add3A_1899, %add3A_1972], %bitcast3A_1969 : memref<2x2048x16xf32, #tpu.memory_space<vmem>>[vector<16xi32>, vector<16xi32>, vector<16xi32>], vector<16xf32>,
        %add3A_1973 = arith.constant 1 : i32
        %add3A_1974 = arith.addi %scan3A_1005, %add3A_1973 : i32
        %mul3A_1975 = arith.constant 128 : i32
        %mul3A_1976 = arith.muli %add3A_1974, %mul3A_1975 : i32
        %add3A_1977 = arith.constant 48 : i32
        %add3A_1978 = arith.addi %mul3A_1976, %add3A_1977 : i32
        %get3A_1979 = arith.constant 1 : i32
        %get3A_1980 = arith.index_cast %rem3A_508 : i32 to index
        %get3A_1981 = arith.index_cast %get3A_1979 : i32 to index
        %get3A_1982 = arith.index_cast %add3A_1978 : i32 to index
        %get3A_1983 = tpu.vector_load %arg4[%get3A_1980, %get3A_1981, %get3A_1982] {strides = array<i32>} : memref<2x6x2184xf32, #tpu.memory_space<vmem>>, vector<16xf32>,
        %add3A_1984 = arith.constant 1 : i32
        %add3A_1985 = arith.addi %add3A_1978, %add3A_1984 : i32
        %get3A_1986 = arith.constant 1 : i32
        %get3A_1987 = arith.index_cast %rem3A_508 : i32 to index
        %get3A_1988 = arith.index_cast %get3A_1986 : i32 to index
        %get3A_1989 = arith.index_cast %add3A_1985 : i32 to index
        %get3A_1990 = tpu.vector_load %arg4[%get3A_1987, %get3A_1988, %get3A_1989] {strides = array<i32>} : memref<2x6x2184xf32, #tpu.memory_space<vmem>>, vector<16xf32>,
        %pack3A_1991 = tpu.pack_subelements %get3A_1983, %get3A_1990 {pack_format = #tpu.pack_format<interleaved>, positions = array<i32: 0, 1>} : vector<16xf32>, vector<16xf32> -> vector<32xbf16>
        %bitcast3A_1992 = vector.bitcast %pack3A_1991 : vector<32xbf16> to vector<16xf32>
        %add3A_1993 = arith.constant 3 : i32
        %add3A_1994 = vector.broadcast %add3A_1993 : i32 to vector<16xi32>
        %add3A_1995 = arith.addi %broadcast_in_dim3A_1949, %add3A_1994 : vector<16xi32>
        tpu.vector_store_idx %arg5[%broadcast_in_dim3A, %add3A_1899, %add3A_1995], %bitcast3A_1992 : memref<2x2048x16xf32, #tpu.memory_space<vmem>>[vector<16xi32>, vector<16xi32>, vector<16xi32>], vector<16xf32>,
        %broadcast_in_dim3A_1996 = arith.constant 2 : i32
        %broadcast_in_dim3A_1997 = vector.broadcast %broadcast_in_dim3A_1996 : i32 to vector<16xi32>
        %add3A_1998 = arith.constant 0 : i32
        %add3A_1999 = arith.addi %scan3A_1005, %add3A_1998 : i32
        %mul3A_2000 = arith.constant 128 : i32
        %mul3A_2001 = arith.muli %add3A_1999, %mul3A_2000 : i32
        %add3A_2002 = arith.constant 48 : i32
        %add3A_2003 = arith.addi %mul3A_2001, %add3A_2002 : i32
        %get3A_2004 = arith.constant 2 : i32
        %get3A_2005 = arith.index_cast %rem3A_508 : i32 to index
        %get3A_2006 = arith.index_cast %get3A_2004 : i32 to index
        %get3A_2007 = arith.index_cast %add3A_2003 : i32 to index
        %get3A_2008 = tpu.vector_load %arg4[%get3A_2005, %get3A_2006, %get3A_2007] {strides = array<i32>} : memref<2x6x2184xf32, #tpu.memory_space<vmem>>, vector<16xf32>,
        %add3A_2009 = arith.constant 1 : i32
        %add3A_2010 = arith.addi %add3A_2003, %add3A_2009 : i32
        %get3A_2011 = arith.constant 2 : i32
        %get3A_2012 = arith.index_cast %rem3A_508 : i32 to index
        %get3A_2013 = arith.index_cast %get3A_2011 : i32 to index
        %get3A_2014 = arith.index_cast %add3A_2010 : i32 to index
        %get3A_2015 = tpu.vector_load %arg4[%get3A_2012, %get3A_2013, %get3A_2014] {strides = array<i32>} : memref<2x6x2184xf32, #tpu.memory_space<vmem>>, vector<16xf32>,
        %pack3A_2016 = tpu.pack_subelements %get3A_2008, %get3A_2015 {pack_format = #tpu.pack_format<interleaved>, positions = array<i32: 0, 1>} : vector<16xf32>, vector<16xf32> -> vector<32xbf16>
        %bitcast3A_2017 = vector.bitcast %pack3A_2016 : vector<32xbf16> to vector<16xf32>
        %add3A_2018 = arith.constant 0 : i32
        %add3A_2019 = vector.broadcast %add3A_2018 : i32 to vector<16xi32>
        %add3A_2020 = arith.addi %broadcast_in_dim3A_1997, %add3A_2019 : vector<16xi32>
        tpu.vector_store_idx %arg5[%broadcast_in_dim3A, %add3A_1899, %add3A_2020], %bitcast3A_2017 : memref<2x2048x16xf32, #tpu.memory_space<vmem>>[vector<16xi32>, vector<16xi32>, vector<16xi32>], vector<16xf32>,
        %add3A_2021 = arith.constant 1 : i32
        %add3A_2022 = arith.addi %scan3A_1005, %add3A_2021 : i32
        %mul3A_2023 = arith.constant 128 : i32
        %mul3A_2024 = arith.muli %add3A_2022, %mul3A_2023 : i32
        %add3A_2025 = arith.constant 48 : i32
        %add3A_2026 = arith.addi %mul3A_2024, %add3A_2025 : i32
        %get3A_2027 = arith.constant 2 : i32
        %get3A_2028 = arith.index_cast %rem3A_508 : i32 to index
        %get3A_2029 = arith.index_cast %get3A_2027 : i32 to index
        %get3A_2030 = arith.index_cast %add3A_2026 : i32 to index
        %get3A_2031 = tpu.vector_load %arg4[%get3A_2028, %get3A_2029, %get3A_2030] {strides = array<i32>} : memref<2x6x2184xf32, #tpu.memory_space<vmem>>, vector<16xf32>,
        %add3A_2032 = arith.constant 1 : i32
        %add3A_2033 = arith.addi %add3A_2026, %add3A_2032 : i32
        %get3A_2034 = arith.constant 2 : i32
        %get3A_2035 = arith.index_cast %rem3A_508 : i32 to index
        %get3A_2036 = arith.index_cast %get3A_2034 : i32 to index
        %get3A_2037 = arith.index_cast %add3A_2033 : i32 to index
        %get3A_2038 = tpu.vector_load %arg4[%get3A_2035, %get3A_2036, %get3A_2037] {strides = array<i32>} : memref<2x6x2184xf32, #tpu.memory_space<vmem>>, vector<16xf32>,
        %pack3A_2039 = tpu.pack_subelements %get3A_2031, %get3A_2038 {pack_format = #tpu.pack_format<interleaved>, positions = array<i32: 0, 1>} : vector<16xf32>, vector<16xf32> -> vector<32xbf16>
        %bitcast3A_2040 = vector.bitcast %pack3A_2039 : vector<32xbf16> to vector<16xf32>
        %add3A_2041 = arith.constant 3 : i32
        %add3A_2042 = vector.broadcast %add3A_2041 : i32 to vector<16xi32>
        %add3A_2043 = arith.addi %broadcast_in_dim3A_1997, %add3A_2042 : vector<16xi32>
        tpu.vector_store_idx %arg5[%broadcast_in_dim3A, %add3A_1899, %add3A_2043], %bitcast3A_2040 : memref<2x2048x16xf32, #tpu.memory_space<vmem>>[vector<16xi32>, vector<16xi32>, vector<16xi32>], vector<16xf32>,
        %broadcast_in_dim3A_2044 = arith.constant 6 : i32
        %broadcast_in_dim3A_2045 = vector.broadcast %broadcast_in_dim3A_2044 : i32 to vector<16xi32>
        %add3A_2046 = arith.constant 0 : i32
        %add3A_2047 = arith.addi %scan3A_1005, %add3A_2046 : i32
        %mul3A_2048 = arith.constant 128 : i32
        %mul3A_2049 = arith.muli %add3A_2047, %mul3A_2048 : i32
        %add3A_2050 = arith.constant 48 : i32
        %add3A_2051 = arith.addi %mul3A_2049, %add3A_2050 : i32
        %get3A_2052 = arith.constant 3 : i32
        %get3A_2053 = arith.index_cast %rem3A_508 : i32 to index
        %get3A_2054 = arith.index_cast %get3A_2052 : i32 to index
        %get3A_2055 = arith.index_cast %add3A_2051 : i32 to index
        %get3A_2056 = tpu.vector_load %arg4[%get3A_2053, %get3A_2054, %get3A_2055] {strides = array<i32>} : memref<2x6x2184xf32, #tpu.memory_space<vmem>>, vector<16xf32>,
        %add3A_2057 = arith.constant 1 : i32
        %add3A_2058 = arith.addi %add3A_2051, %add3A_2057 : i32
        %get3A_2059 = arith.constant 3 : i32
        %get3A_2060 = arith.index_cast %rem3A_508 : i32 to index
        %get3A_2061 = arith.index_cast %get3A_2059 : i32 to index
        %get3A_2062 = arith.index_cast %add3A_2058 : i32 to index
        %get3A_2063 = tpu.vector_load %arg4[%get3A_2060, %get3A_2061, %get3A_2062] {strides = array<i32>} : memref<2x6x2184xf32, #tpu.memory_space<vmem>>, vector<16xf32>,
        %pack3A_2064 = tpu.pack_subelements %get3A_2056, %get3A_2063 {pack_format = #tpu.pack_format<interleaved>, positions = array<i32: 0, 1>} : vector<16xf32>, vector<16xf32> -> vector<32xbf16>
        %bitcast3A_2065 = vector.bitcast %pack3A_2064 : vector<32xbf16> to vector<16xf32>
        %add3A_2066 = arith.constant 0 : i32
        %add3A_2067 = vector.broadcast %add3A_2066 : i32 to vector<16xi32>
        %add3A_2068 = arith.addi %broadcast_in_dim3A_2045, %add3A_2067 : vector<16xi32>
        tpu.vector_store_idx %arg5[%broadcast_in_dim3A, %add3A_1899, %add3A_2068], %bitcast3A_2065 : memref<2x2048x16xf32, #tpu.memory_space<vmem>>[vector<16xi32>, vector<16xi32>, vector<16xi32>], vector<16xf32>,
        %add3A_2069 = arith.constant 1 : i32
        %add3A_2070 = arith.addi %scan3A_1005, %add3A_2069 : i32
        %mul3A_2071 = arith.constant 128 : i32
        %mul3A_2072 = arith.muli %add3A_2070, %mul3A_2071 : i32
        %add3A_2073 = arith.constant 48 : i32
        %add3A_2074 = arith.addi %mul3A_2072, %add3A_2073 : i32
        %get3A_2075 = arith.constant 3 : i32
        %get3A_2076 = arith.index_cast %rem3A_508 : i32 to index
        %get3A_2077 = arith.index_cast %get3A_2075 : i32 to index
        %get3A_2078 = arith.index_cast %add3A_2074 : i32 to index
        %get3A_2079 = tpu.vector_load %arg4[%get3A_2076, %get3A_2077, %get3A_2078] {strides = array<i32>} : memref<2x6x2184xf32, #tpu.memory_space<vmem>>, vector<16xf32>,
        %add3A_2080 = arith.constant 1 : i32
        %add3A_2081 = arith.addi %add3A_2074, %add3A_2080 : i32
        %get3A_2082 = arith.constant 3 : i32
        %get3A_2083 = arith.index_cast %rem3A_508 : i32 to index
        %get3A_2084 = arith.index_cast %get3A_2082 : i32 to index
        %get3A_2085 = arith.index_cast %add3A_2081 : i32 to index
        %get3A_2086 = tpu.vector_load %arg4[%get3A_2083, %get3A_2084, %get3A_2085] {strides = array<i32>} : memref<2x6x2184xf32, #tpu.memory_space<vmem>>, vector<16xf32>,
        %pack3A_2087 = tpu.pack_subelements %get3A_2079, %get3A_2086 {pack_format = #tpu.pack_format<interleaved>, positions = array<i32: 0, 1>} : vector<16xf32>, vector<16xf32> -> vector<32xbf16>
        %bitcast3A_2088 = vector.bitcast %pack3A_2087 : vector<32xbf16> to vector<16xf32>
        %add3A_2089 = arith.constant 3 : i32
        %add3A_2090 = vector.broadcast %add3A_2089 : i32 to vector<16xi32>
        %add3A_2091 = arith.addi %broadcast_in_dim3A_2045, %add3A_2090 : vector<16xi32>
        tpu.vector_store_idx %arg5[%broadcast_in_dim3A, %add3A_1899, %add3A_2091], %bitcast3A_2088 : memref<2x2048x16xf32, #tpu.memory_space<vmem>>[vector<16xi32>, vector<16xi32>, vector<16xi32>], vector<16xf32>,
        %broadcast_in_dim3A_2092 = arith.constant 7 : i32
        %broadcast_in_dim3A_2093 = vector.broadcast %broadcast_in_dim3A_2092 : i32 to vector<16xi32>
        %add3A_2094 = arith.constant 0 : i32
        %add3A_2095 = arith.addi %scan3A_1005, %add3A_2094 : i32
        %mul3A_2096 = arith.constant 128 : i32
        %mul3A_2097 = arith.muli %add3A_2095, %mul3A_2096 : i32
        %add3A_2098 = arith.constant 48 : i32
        %add3A_2099 = arith.addi %mul3A_2097, %add3A_2098 : i32
        %get3A_2100 = arith.constant 4 : i32
        %get3A_2101 = arith.index_cast %rem3A_508 : i32 to index
        %get3A_2102 = arith.index_cast %get3A_2100 : i32 to index
        %get3A_2103 = arith.index_cast %add3A_2099 : i32 to index
        %get3A_2104 = tpu.vector_load %arg4[%get3A_2101, %get3A_2102, %get3A_2103] {strides = array<i32>} : memref<2x6x2184xf32, #tpu.memory_space<vmem>>, vector<16xf32>,
        %add3A_2105 = arith.constant 1 : i32
        %add3A_2106 = arith.addi %add3A_2099, %add3A_2105 : i32
        %get3A_2107 = arith.constant 4 : i32
        %get3A_2108 = arith.index_cast %rem3A_508 : i32 to index
        %get3A_2109 = arith.index_cast %get3A_2107 : i32 to index
        %get3A_2110 = arith.index_cast %add3A_2106 : i32 to index
        %get3A_2111 = tpu.vector_load %arg4[%get3A_2108, %get3A_2109, %get3A_2110] {strides = array<i32>} : memref<2x6x2184xf32, #tpu.memory_space<vmem>>, vector<16xf32>,
        %pack3A_2112 = tpu.pack_subelements %get3A_2104, %get3A_2111 {pack_format = #tpu.pack_format<interleaved>, positions = array<i32: 0, 1>} : vector<16xf32>, vector<16xf32> -> vector<32xbf16>
        %bitcast3A_2113 = vector.bitcast %pack3A_2112 : vector<32xbf16> to vector<16xf32>
        %add3A_2114 = arith.constant 0 : i32
        %add3A_2115 = vector.broadcast %add3A_2114 : i32 to vector<16xi32>
        %add3A_2116 = arith.addi %broadcast_in_dim3A_2093, %add3A_2115 : vector<16xi32>
        tpu.vector_store_idx %arg5[%broadcast_in_dim3A, %add3A_1899, %add3A_2116], %bitcast3A_2113 : memref<2x2048x16xf32, #tpu.memory_space<vmem>>[vector<16xi32>, vector<16xi32>, vector<16xi32>], vector<16xf32>,
        %add3A_2117 = arith.constant 1 : i32
        %add3A_2118 = arith.addi %scan3A_1005, %add3A_2117 : i32
        %mul3A_2119 = arith.constant 128 : i32
        %mul3A_2120 = arith.muli %add3A_2118, %mul3A_2119 : i32
        %add3A_2121 = arith.constant 48 : i32
        %add3A_2122 = arith.addi %mul3A_2120, %add3A_2121 : i32
        %get3A_2123 = arith.constant 4 : i32
        %get3A_2124 = arith.index_cast %rem3A_508 : i32 to index
        %get3A_2125 = arith.index_cast %get3A_2123 : i32 to index
        %get3A_2126 = arith.index_cast %add3A_2122 : i32 to index
        %get3A_2127 = tpu.vector_load %arg4[%get3A_2124, %get3A_2125, %get3A_2126] {strides = array<i32>} : memref<2x6x2184xf32, #tpu.memory_space<vmem>>, vector<16xf32>,
        %add3A_2128 = arith.constant 1 : i32
        %add3A_2129 = arith.addi %add3A_2122, %add3A_2128 : i32
        %get3A_2130 = arith.constant 4 : i32
        %get3A_2131 = arith.index_cast %rem3A_508 : i32 to index
        %get3A_2132 = arith.index_cast %get3A_2130 : i32 to index
        %get3A_2133 = arith.index_cast %add3A_2129 : i32 to index
        %get3A_2134 = tpu.vector_load %arg4[%get3A_2131, %get3A_2132, %get3A_2133] {strides = array<i32>} : memref<2x6x2184xf32, #tpu.memory_space<vmem>>, vector<16xf32>,
        %pack3A_2135 = tpu.pack_subelements %get3A_2127, %get3A_2134 {pack_format = #tpu.pack_format<interleaved>, positions = array<i32: 0, 1>} : vector<16xf32>, vector<16xf32> -> vector<32xbf16>
        %bitcast3A_2136 = vector.bitcast %pack3A_2135 : vector<32xbf16> to vector<16xf32>
        %add3A_2137 = arith.constant 3 : i32
        %add3A_2138 = vector.broadcast %add3A_2137 : i32 to vector<16xi32>
        %add3A_2139 = arith.addi %broadcast_in_dim3A_2093, %add3A_2138 : vector<16xi32>
        tpu.vector_store_idx %arg5[%broadcast_in_dim3A, %add3A_1899, %add3A_2139], %bitcast3A_2136 : memref<2x2048x16xf32, #tpu.memory_space<vmem>>[vector<16xi32>, vector<16xi32>, vector<16xi32>], vector<16xf32>,
        %broadcast_in_dim3A_2140 = arith.constant 8 : i32
        %broadcast_in_dim3A_2141 = vector.broadcast %broadcast_in_dim3A_2140 : i32 to vector<16xi32>
        %add3A_2142 = arith.constant 0 : i32
        %add3A_2143 = arith.addi %scan3A_1005, %add3A_2142 : i32
        %mul3A_2144 = arith.constant 128 : i32
        %mul3A_2145 = arith.muli %add3A_2143, %mul3A_2144 : i32
        %add3A_2146 = arith.constant 48 : i32
        %add3A_2147 = arith.addi %mul3A_2145, %add3A_2146 : i32
        %get3A_2148 = arith.constant 5 : i32
        %get3A_2149 = arith.index_cast %rem3A_508 : i32 to index
        %get3A_2150 = arith.index_cast %get3A_2148 : i32 to index
        %get3A_2151 = arith.index_cast %add3A_2147 : i32 to index
        %get3A_2152 = tpu.vector_load %arg4[%get3A_2149, %get3A_2150, %get3A_2151] {strides = array<i32>} : memref<2x6x2184xf32, #tpu.memory_space<vmem>>, vector<16xf32>,
        %add3A_2153 = arith.constant 1 : i32
        %add3A_2154 = arith.addi %add3A_2147, %add3A_2153 : i32
        %get3A_2155 = arith.constant 5 : i32
        %get3A_2156 = arith.index_cast %rem3A_508 : i32 to index
        %get3A_2157 = arith.index_cast %get3A_2155 : i32 to index
        %get3A_2158 = arith.index_cast %add3A_2154 : i32 to index
        %get3A_2159 = tpu.vector_load %arg4[%get3A_2156, %get3A_2157, %get3A_2158] {strides = array<i32>} : memref<2x6x2184xf32, #tpu.memory_space<vmem>>, vector<16xf32>,
        %pack3A_2160 = tpu.pack_subelements %get3A_2152, %get3A_2159 {pack_format = #tpu.pack_format<interleaved>, positions = array<i32: 0, 1>} : vector<16xf32>, vector<16xf32> -> vector<32xbf16>
        %bitcast3A_2161 = vector.bitcast %pack3A_2160 : vector<32xbf16> to vector<16xf32>
        %add3A_2162 = arith.constant 0 : i32
        %add3A_2163 = vector.broadcast %add3A_2162 : i32 to vector<16xi32>
        %add3A_2164 = arith.addi %broadcast_in_dim3A_2141, %add3A_2163 : vector<16xi32>
        tpu.vector_store_idx %arg5[%broadcast_in_dim3A, %add3A_1899, %add3A_2164], %bitcast3A_2161 : memref<2x2048x16xf32, #tpu.memory_space<vmem>>[vector<16xi32>, vector<16xi32>, vector<16xi32>], vector<16xf32>,
        %add3A_2165 = arith.constant 1 : i32
        %add3A_2166 = arith.addi %scan3A_1005, %add3A_2165 : i32
        %mul3A_2167 = arith.constant 128 : i32
        %mul3A_2168 = arith.muli %add3A_2166, %mul3A_2167 : i32
        %add3A_2169 = arith.constant 48 : i32
        %add3A_2170 = arith.addi %mul3A_2168, %add3A_2169 : i32
        %get3A_2171 = arith.constant 5 : i32
        %get3A_2172 = arith.index_cast %rem3A_508 : i32 to index
        %get3A_2173 = arith.index_cast %get3A_2171 : i32 to index
        %get3A_2174 = arith.index_cast %add3A_2170 : i32 to index
        %get3A_2175 = tpu.vector_load %arg4[%get3A_2172, %get3A_2173, %get3A_2174] {strides = array<i32>} : memref<2x6x2184xf32, #tpu.memory_space<vmem>>, vector<16xf32>,
        %add3A_2176 = arith.constant 1 : i32
        %add3A_2177 = arith.addi %add3A_2170, %add3A_2176 : i32
        %get3A_2178 = arith.constant 5 : i32
        %get3A_2179 = arith.index_cast %rem3A_508 : i32 to index
        %get3A_2180 = arith.index_cast %get3A_2178 : i32 to index
        %get3A_2181 = arith.index_cast %add3A_2177 : i32 to index
        %get3A_2182 = tpu.vector_load %arg4[%get3A_2179, %get3A_2180, %get3A_2181] {strides = array<i32>} : memref<2x6x2184xf32, #tpu.memory_space<vmem>>, vector<16xf32>,
        %pack3A_2183 = tpu.pack_subelements %get3A_2175, %get3A_2182 {pack_format = #tpu.pack_format<interleaved>, positions = array<i32: 0, 1>} : vector<16xf32>, vector<16xf32> -> vector<32xbf16>
        %bitcast3A_2184 = vector.bitcast %pack3A_2183 : vector<32xbf16> to vector<16xf32>
        %add3A_2185 = arith.constant 3 : i32
        %add3A_2186 = vector.broadcast %add3A_2185 : i32 to vector<16xi32>
        %add3A_2187 = arith.addi %broadcast_in_dim3A_2141, %add3A_2186 : vector<16xi32>
        tpu.vector_store_idx %arg5[%broadcast_in_dim3A, %add3A_1899, %add3A_2187], %bitcast3A_2184 : memref<2x2048x16xf32, #tpu.memory_space<vmem>>[vector<16xi32>, vector<16xi32>, vector<16xi32>], vector<16xf32>,
        %mul3A_2188 = arith.constant 8 : i32
        %mul3A_2189 = arith.muli %scan3A_1005, %mul3A_2188 : i32
        %add3A_2190 = arith.constant 4 : i32
        %add3A_2191 = arith.addi %mul3A_2189, %add3A_2190 : i32
        %mul3A_2192 = arith.constant 16 : i32
        %mul3A_2193 = arith.muli %add3A_2191, %mul3A_2192 : i32
        %add3A_2194 = vector.broadcast %mul3A_2193 : i32 to vector<16xi32>
        %add3A_2195 = arith.addi %add3A_2194, %iota3A : vector<16xi32>
        %broadcast_in_dim3A_2196 = arith.constant 0 : i32
        %broadcast_in_dim3A_2197 = vector.broadcast %broadcast_in_dim3A_2196 : i32 to vector<16xi32>
        %add3A_2198 = arith.constant 0 : i32
        %add3A_2199 = arith.addi %scan3A_1005, %add3A_2198 : i32
        %mul3A_2200 = arith.constant 128 : i32
        %mul3A_2201 = arith.muli %add3A_2199, %mul3A_2200 : i32
        %add3A_2202 = arith.constant 64 : i32
        %add3A_2203 = arith.addi %mul3A_2201, %add3A_2202 : i32
        %get3A_2204 = arith.constant 0 : i32
        %get3A_2205 = arith.index_cast %rem3A_508 : i32 to index
        %get3A_2206 = arith.index_cast %get3A_2204 : i32 to index
        %get3A_2207 = arith.index_cast %add3A_2203 : i32 to index
        %get3A_2208 = tpu.vector_load %arg4[%get3A_2205, %get3A_2206, %get3A_2207] {strides = array<i32>} : memref<2x6x2184xf32, #tpu.memory_space<vmem>>, vector<16xf32>,
        %add3A_2209 = arith.constant 1 : i32
        %add3A_2210 = arith.addi %add3A_2203, %add3A_2209 : i32
        %get3A_2211 = arith.constant 0 : i32
        %get3A_2212 = arith.index_cast %rem3A_508 : i32 to index
        %get3A_2213 = arith.index_cast %get3A_2211 : i32 to index
        %get3A_2214 = arith.index_cast %add3A_2210 : i32 to index
        %get3A_2215 = tpu.vector_load %arg4[%get3A_2212, %get3A_2213, %get3A_2214] {strides = array<i32>} : memref<2x6x2184xf32, #tpu.memory_space<vmem>>, vector<16xf32>,
        %pack3A_2216 = tpu.pack_subelements %get3A_2208, %get3A_2215 {pack_format = #tpu.pack_format<interleaved>, positions = array<i32: 0, 1>} : vector<16xf32>, vector<16xf32> -> vector<32xbf16>
        %bitcast3A_2217 = vector.bitcast %pack3A_2216 : vector<32xbf16> to vector<16xf32>
        %add3A_2218 = arith.constant 0 : i32
        %add3A_2219 = vector.broadcast %add3A_2218 : i32 to vector<16xi32>
        %add3A_2220 = arith.addi %broadcast_in_dim3A_2197, %add3A_2219 : vector<16xi32>
        tpu.vector_store_idx %arg5[%broadcast_in_dim3A, %add3A_2195, %add3A_2220], %bitcast3A_2217 : memref<2x2048x16xf32, #tpu.memory_space<vmem>>[vector<16xi32>, vector<16xi32>, vector<16xi32>], vector<16xf32>,
        %add3A_2221 = arith.constant 1 : i32
        %add3A_2222 = arith.addi %scan3A_1005, %add3A_2221 : i32
        %mul3A_2223 = arith.constant 128 : i32
        %mul3A_2224 = arith.muli %add3A_2222, %mul3A_2223 : i32
        %add3A_2225 = arith.constant 64 : i32
        %add3A_2226 = arith.addi %mul3A_2224, %add3A_2225 : i32
        %get3A_2227 = arith.constant 0 : i32
        %get3A_2228 = arith.index_cast %rem3A_508 : i32 to index
        %get3A_2229 = arith.index_cast %get3A_2227 : i32 to index
        %get3A_2230 = arith.index_cast %add3A_2226 : i32 to index
        %get3A_2231 = tpu.vector_load %arg4[%get3A_2228, %get3A_2229, %get3A_2230] {strides = array<i32>} : memref<2x6x2184xf32, #tpu.memory_space<vmem>>, vector<16xf32>,
        %add3A_2232 = arith.constant 1 : i32
        %add3A_2233 = arith.addi %add3A_2226, %add3A_2232 : i32
        %get3A_2234 = arith.constant 0 : i32
        %get3A_2235 = arith.index_cast %rem3A_508 : i32 to index
        %get3A_2236 = arith.index_cast %get3A_2234 : i32 to index
        %get3A_2237 = arith.index_cast %add3A_2233 : i32 to index
        %get3A_2238 = tpu.vector_load %arg4[%get3A_2235, %get3A_2236, %get3A_2237] {strides = array<i32>} : memref<2x6x2184xf32, #tpu.memory_space<vmem>>, vector<16xf32>,
        %pack3A_2239 = tpu.pack_subelements %get3A_2231, %get3A_2238 {pack_format = #tpu.pack_format<interleaved>, positions = array<i32: 0, 1>} : vector<16xf32>, vector<16xf32> -> vector<32xbf16>
        %bitcast3A_2240 = vector.bitcast %pack3A_2239 : vector<32xbf16> to vector<16xf32>
        %add3A_2241 = arith.constant 3 : i32
        %add3A_2242 = vector.broadcast %add3A_2241 : i32 to vector<16xi32>
        %add3A_2243 = arith.addi %broadcast_in_dim3A_2197, %add3A_2242 : vector<16xi32>
        tpu.vector_store_idx %arg5[%broadcast_in_dim3A, %add3A_2195, %add3A_2243], %bitcast3A_2240 : memref<2x2048x16xf32, #tpu.memory_space<vmem>>[vector<16xi32>, vector<16xi32>, vector<16xi32>], vector<16xf32>,
        %broadcast_in_dim3A_2244 = arith.constant 1 : i32
        %broadcast_in_dim3A_2245 = vector.broadcast %broadcast_in_dim3A_2244 : i32 to vector<16xi32>
        %add3A_2246 = arith.constant 0 : i32
        %add3A_2247 = arith.addi %scan3A_1005, %add3A_2246 : i32
        %mul3A_2248 = arith.constant 128 : i32
        %mul3A_2249 = arith.muli %add3A_2247, %mul3A_2248 : i32
        %add3A_2250 = arith.constant 64 : i32
        %add3A_2251 = arith.addi %mul3A_2249, %add3A_2250 : i32
        %get3A_2252 = arith.constant 1 : i32
        %get3A_2253 = arith.index_cast %rem3A_508 : i32 to index
        %get3A_2254 = arith.index_cast %get3A_2252 : i32 to index
        %get3A_2255 = arith.index_cast %add3A_2251 : i32 to index
        %get3A_2256 = tpu.vector_load %arg4[%get3A_2253, %get3A_2254, %get3A_2255] {strides = array<i32>} : memref<2x6x2184xf32, #tpu.memory_space<vmem>>, vector<16xf32>,
        %add3A_2257 = arith.constant 1 : i32
        %add3A_2258 = arith.addi %add3A_2251, %add3A_2257 : i32
        %get3A_2259 = arith.constant 1 : i32
        %get3A_2260 = arith.index_cast %rem3A_508 : i32 to index
        %get3A_2261 = arith.index_cast %get3A_2259 : i32 to index
        %get3A_2262 = arith.index_cast %add3A_2258 : i32 to index
        %get3A_2263 = tpu.vector_load %arg4[%get3A_2260, %get3A_2261, %get3A_2262] {strides = array<i32>} : memref<2x6x2184xf32, #tpu.memory_space<vmem>>, vector<16xf32>,
        %pack3A_2264 = tpu.pack_subelements %get3A_2256, %get3A_2263 {pack_format = #tpu.pack_format<interleaved>, positions = array<i32: 0, 1>} : vector<16xf32>, vector<16xf32> -> vector<32xbf16>
        %bitcast3A_2265 = vector.bitcast %pack3A_2264 : vector<32xbf16> to vector<16xf32>
        %add3A_2266 = arith.constant 0 : i32
        %add3A_2267 = vector.broadcast %add3A_2266 : i32 to vector<16xi32>
        %add3A_2268 = arith.addi %broadcast_in_dim3A_2245, %add3A_2267 : vector<16xi32>
        tpu.vector_store_idx %arg5[%broadcast_in_dim3A, %add3A_2195, %add3A_2268], %bitcast3A_2265 : memref<2x2048x16xf32, #tpu.memory_space<vmem>>[vector<16xi32>, vector<16xi32>, vector<16xi32>], vector<16xf32>,
        %add3A_2269 = arith.constant 1 : i32
        %add3A_2270 = arith.addi %scan3A_1005, %add3A_2269 : i32
        %mul3A_2271 = arith.constant 128 : i32
        %mul3A_2272 = arith.muli %add3A_2270, %mul3A_2271 : i32
        %add3A_2273 = arith.constant 64 : i32
        %add3A_2274 = arith.addi %mul3A_2272, %add3A_2273 : i32
        %get3A_2275 = arith.constant 1 : i32
        %get3A_2276 = arith.index_cast %rem3A_508 : i32 to index
        %get3A_2277 = arith.index_cast %get3A_2275 : i32 to index
        %get3A_2278 = arith.index_cast %add3A_2274 : i32 to index
        %get3A_2279 = tpu.vector_load %arg4[%get3A_2276, %get3A_2277, %get3A_2278] {strides = array<i32>} : memref<2x6x2184xf32, #tpu.memory_space<vmem>>, vector<16xf32>,
        %add3A_2280 = arith.constant 1 : i32
        %add3A_2281 = arith.addi %add3A_2274, %add3A_2280 : i32
        %get3A_2282 = arith.constant 1 : i32
        %get3A_2283 = arith.index_cast %rem3A_508 : i32 to index
        %get3A_2284 = arith.index_cast %get3A_2282 : i32 to index
        %get3A_2285 = arith.index_cast %add3A_2281 : i32 to index
        %get3A_2286 = tpu.vector_load %arg4[%get3A_2283, %get3A_2284, %get3A_2285] {strides = array<i32>} : memref<2x6x2184xf32, #tpu.memory_space<vmem>>, vector<16xf32>,
        %pack3A_2287 = tpu.pack_subelements %get3A_2279, %get3A_2286 {pack_format = #tpu.pack_format<interleaved>, positions = array<i32: 0, 1>} : vector<16xf32>, vector<16xf32> -> vector<32xbf16>
        %bitcast3A_2288 = vector.bitcast %pack3A_2287 : vector<32xbf16> to vector<16xf32>
        %add3A_2289 = arith.constant 3 : i32
        %add3A_2290 = vector.broadcast %add3A_2289 : i32 to vector<16xi32>
        %add3A_2291 = arith.addi %broadcast_in_dim3A_2245, %add3A_2290 : vector<16xi32>
        tpu.vector_store_idx %arg5[%broadcast_in_dim3A, %add3A_2195, %add3A_2291], %bitcast3A_2288 : memref<2x2048x16xf32, #tpu.memory_space<vmem>>[vector<16xi32>, vector<16xi32>, vector<16xi32>], vector<16xf32>,
        %broadcast_in_dim3A_2292 = arith.constant 2 : i32
        %broadcast_in_dim3A_2293 = vector.broadcast %broadcast_in_dim3A_2292 : i32 to vector<16xi32>
        %add3A_2294 = arith.constant 0 : i32
        %add3A_2295 = arith.addi %scan3A_1005, %add3A_2294 : i32
        %mul3A_2296 = arith.constant 128 : i32
        %mul3A_2297 = arith.muli %add3A_2295, %mul3A_2296 : i32
        %add3A_2298 = arith.constant 64 : i32
        %add3A_2299 = arith.addi %mul3A_2297, %add3A_2298 : i32
        %get3A_2300 = arith.constant 2 : i32
        %get3A_2301 = arith.index_cast %rem3A_508 : i32 to index
        %get3A_2302 = arith.index_cast %get3A_2300 : i32 to index
        %get3A_2303 = arith.index_cast %add3A_2299 : i32 to index
        %get3A_2304 = tpu.vector_load %arg4[%get3A_2301, %get3A_2302, %get3A_2303] {strides = array<i32>} : memref<2x6x2184xf32, #tpu.memory_space<vmem>>, vector<16xf32>,
        %add3A_2305 = arith.constant 1 : i32
        %add3A_2306 = arith.addi %add3A_2299, %add3A_2305 : i32
        %get3A_2307 = arith.constant 2 : i32
        %get3A_2308 = arith.index_cast %rem3A_508 : i32 to index
        %get3A_2309 = arith.index_cast %get3A_2307 : i32 to index
        %get3A_2310 = arith.index_cast %add3A_2306 : i32 to index
        %get3A_2311 = tpu.vector_load %arg4[%get3A_2308, %get3A_2309, %get3A_2310] {strides = array<i32>} : memref<2x6x2184xf32, #tpu.memory_space<vmem>>, vector<16xf32>,
        %pack3A_2312 = tpu.pack_subelements %get3A_2304, %get3A_2311 {pack_format = #tpu.pack_format<interleaved>, positions = array<i32: 0, 1>} : vector<16xf32>, vector<16xf32> -> vector<32xbf16>
        %bitcast3A_2313 = vector.bitcast %pack3A_2312 : vector<32xbf16> to vector<16xf32>
        %add3A_2314 = arith.constant 0 : i32
        %add3A_2315 = vector.broadcast %add3A_2314 : i32 to vector<16xi32>
        %add3A_2316 = arith.addi %broadcast_in_dim3A_2293, %add3A_2315 : vector<16xi32>
        tpu.vector_store_idx %arg5[%broadcast_in_dim3A, %add3A_2195, %add3A_2316], %bitcast3A_2313 : memref<2x2048x16xf32, #tpu.memory_space<vmem>>[vector<16xi32>, vector<16xi32>, vector<16xi32>], vector<16xf32>,
        %add3A_2317 = arith.constant 1 : i32
        %add3A_2318 = arith.addi %scan3A_1005, %add3A_2317 : i32
        %mul3A_2319 = arith.constant 128 : i32
        %mul3A_2320 = arith.muli %add3A_2318, %mul3A_2319 : i32
        %add3A_2321 = arith.constant 64 : i32
        %add3A_2322 = arith.addi %mul3A_2320, %add3A_2321 : i32
        %get3A_2323 = arith.constant 2 : i32
        %get3A_2324 = arith.index_cast %rem3A_508 : i32 to index
        %get3A_2325 = arith.index_cast %get3A_2323 : i32 to index
        %get3A_2326 = arith.index_cast %add3A_2322 : i32 to index
        %get3A_2327 = tpu.vector_load %arg4[%get3A_2324, %get3A_2325, %get3A_2326] {strides = array<i32>} : memref<2x6x2184xf32, #tpu.memory_space<vmem>>, vector<16xf32>,
        %add3A_2328 = arith.constant 1 : i32
        %add3A_2329 = arith.addi %add3A_2322, %add3A_2328 : i32
        %get3A_2330 = arith.constant 2 : i32
        %get3A_2331 = arith.index_cast %rem3A_508 : i32 to index
        %get3A_2332 = arith.index_cast %get3A_2330 : i32 to index
        %get3A_2333 = arith.index_cast %add3A_2329 : i32 to index
        %get3A_2334 = tpu.vector_load %arg4[%get3A_2331, %get3A_2332, %get3A_2333] {strides = array<i32>} : memref<2x6x2184xf32, #tpu.memory_space<vmem>>, vector<16xf32>,
        %pack3A_2335 = tpu.pack_subelements %get3A_2327, %get3A_2334 {pack_format = #tpu.pack_format<interleaved>, positions = array<i32: 0, 1>} : vector<16xf32>, vector<16xf32> -> vector<32xbf16>
        %bitcast3A_2336 = vector.bitcast %pack3A_2335 : vector<32xbf16> to vector<16xf32>
        %add3A_2337 = arith.constant 3 : i32
        %add3A_2338 = vector.broadcast %add3A_2337 : i32 to vector<16xi32>
        %add3A_2339 = arith.addi %broadcast_in_dim3A_2293, %add3A_2338 : vector<16xi32>
        tpu.vector_store_idx %arg5[%broadcast_in_dim3A, %add3A_2195, %add3A_2339], %bitcast3A_2336 : memref<2x2048x16xf32, #tpu.memory_space<vmem>>[vector<16xi32>, vector<16xi32>, vector<16xi32>], vector<16xf32>,
        %broadcast_in_dim3A_2340 = arith.constant 6 : i32
        %broadcast_in_dim3A_2341 = vector.broadcast %broadcast_in_dim3A_2340 : i32 to vector<16xi32>
        %add3A_2342 = arith.constant 0 : i32
        %add3A_2343 = arith.addi %scan3A_1005, %add3A_2342 : i32
        %mul3A_2344 = arith.constant 128 : i32
        %mul3A_2345 = arith.muli %add3A_2343, %mul3A_2344 : i32
        %add3A_2346 = arith.constant 64 : i32
        %add3A_2347 = arith.addi %mul3A_2345, %add3A_2346 : i32
        %get3A_2348 = arith.constant 3 : i32
        %get3A_2349 = arith.index_cast %rem3A_508 : i32 to index
        %get3A_2350 = arith.index_cast %get3A_2348 : i32 to index
        %get3A_2351 = arith.index_cast %add3A_2347 : i32 to index
        %get3A_2352 = tpu.vector_load %arg4[%get3A_2349, %get3A_2350, %get3A_2351] {strides = array<i32>} : memref<2x6x2184xf32, #tpu.memory_space<vmem>>, vector<16xf32>,
        %add3A_2353 = arith.constant 1 : i32
        %add3A_2354 = arith.addi %add3A_2347, %add3A_2353 : i32
        %get3A_2355 = arith.constant 3 : i32
        %get3A_2356 = arith.index_cast %rem3A_508 : i32 to index
        %get3A_2357 = arith.index_cast %get3A_2355 : i32 to index
        %get3A_2358 = arith.index_cast %add3A_2354 : i32 to index
        %get3A_2359 = tpu.vector_load %arg4[%get3A_2356, %get3A_2357, %get3A_2358] {strides = array<i32>} : memref<2x6x2184xf32, #tpu.memory_space<vmem>>, vector<16xf32>,
        %pack3A_2360 = tpu.pack_subelements %get3A_2352, %get3A_2359 {pack_format = #tpu.pack_format<interleaved>, positions = array<i32: 0, 1>} : vector<16xf32>, vector<16xf32> -> vector<32xbf16>
        %bitcast3A_2361 = vector.bitcast %pack3A_2360 : vector<32xbf16> to vector<16xf32>
        %add3A_2362 = arith.constant 0 : i32
        %add3A_2363 = vector.broadcast %add3A_2362 : i32 to vector<16xi32>
        %add3A_2364 = arith.addi %broadcast_in_dim3A_2341, %add3A_2363 : vector<16xi32>
        tpu.vector_store_idx %arg5[%broadcast_in_dim3A, %add3A_2195, %add3A_2364], %bitcast3A_2361 : memref<2x2048x16xf32, #tpu.memory_space<vmem>>[vector<16xi32>, vector<16xi32>, vector<16xi32>], vector<16xf32>,
        %add3A_2365 = arith.constant 1 : i32
        %add3A_2366 = arith.addi %scan3A_1005, %add3A_2365 : i32
        %mul3A_2367 = arith.constant 128 : i32
        %mul3A_2368 = arith.muli %add3A_2366, %mul3A_2367 : i32
        %add3A_2369 = arith.constant 64 : i32
        %add3A_2370 = arith.addi %mul3A_2368, %add3A_2369 : i32
        %get3A_2371 = arith.constant 3 : i32
        %get3A_2372 = arith.index_cast %rem3A_508 : i32 to index
        %get3A_2373 = arith.index_cast %get3A_2371 : i32 to index
        %get3A_2374 = arith.index_cast %add3A_2370 : i32 to index
        %get3A_2375 = tpu.vector_load %arg4[%get3A_2372, %get3A_2373, %get3A_2374] {strides = array<i32>} : memref<2x6x2184xf32, #tpu.memory_space<vmem>>, vector<16xf32>,
        %add3A_2376 = arith.constant 1 : i32
        %add3A_2377 = arith.addi %add3A_2370, %add3A_2376 : i32
        %get3A_2378 = arith.constant 3 : i32
        %get3A_2379 = arith.index_cast %rem3A_508 : i32 to index
        %get3A_2380 = arith.index_cast %get3A_2378 : i32 to index
        %get3A_2381 = arith.index_cast %add3A_2377 : i32 to index
        %get3A_2382 = tpu.vector_load %arg4[%get3A_2379, %get3A_2380, %get3A_2381] {strides = array<i32>} : memref<2x6x2184xf32, #tpu.memory_space<vmem>>, vector<16xf32>,
        %pack3A_2383 = tpu.pack_subelements %get3A_2375, %get3A_2382 {pack_format = #tpu.pack_format<interleaved>, positions = array<i32: 0, 1>} : vector<16xf32>, vector<16xf32> -> vector<32xbf16>
        %bitcast3A_2384 = vector.bitcast %pack3A_2383 : vector<32xbf16> to vector<16xf32>
        %add3A_2385 = arith.constant 3 : i32
        %add3A_2386 = vector.broadcast %add3A_2385 : i32 to vector<16xi32>
        %add3A_2387 = arith.addi %broadcast_in_dim3A_2341, %add3A_2386 : vector<16xi32>
        tpu.vector_store_idx %arg5[%broadcast_in_dim3A, %add3A_2195, %add3A_2387], %bitcast3A_2384 : memref<2x2048x16xf32, #tpu.memory_space<vmem>>[vector<16xi32>, vector<16xi32>, vector<16xi32>], vector<16xf32>,
        %broadcast_in_dim3A_2388 = arith.constant 7 : i32
        %broadcast_in_dim3A_2389 = vector.broadcast %broadcast_in_dim3A_2388 : i32 to vector<16xi32>
        %add3A_2390 = arith.constant 0 : i32
        %add3A_2391 = arith.addi %scan3A_1005, %add3A_2390 : i32
        %mul3A_2392 = arith.constant 128 : i32
        %mul3A_2393 = arith.muli %add3A_2391, %mul3A_2392 : i32
        %add3A_2394 = arith.constant 64 : i32
        %add3A_2395 = arith.addi %mul3A_2393, %add3A_2394 : i32
        %get3A_2396 = arith.constant 4 : i32
        %get3A_2397 = arith.index_cast %rem3A_508 : i32 to index
        %get3A_2398 = arith.index_cast %get3A_2396 : i32 to index
        %get3A_2399 = arith.index_cast %add3A_2395 : i32 to index
        %get3A_2400 = tpu.vector_load %arg4[%get3A_2397, %get3A_2398, %get3A_2399] {strides = array<i32>} : memref<2x6x2184xf32, #tpu.memory_space<vmem>>, vector<16xf32>,
        %add3A_2401 = arith.constant 1 : i32
        %add3A_2402 = arith.addi %add3A_2395, %add3A_2401 : i32
        %get3A_2403 = arith.constant 4 : i32
        %get3A_2404 = arith.index_cast %rem3A_508 : i32 to index
        %get3A_2405 = arith.index_cast %get3A_2403 : i32 to index
        %get3A_2406 = arith.index_cast %add3A_2402 : i32 to index
        %get3A_2407 = tpu.vector_load %arg4[%get3A_2404, %get3A_2405, %get3A_2406] {strides = array<i32>} : memref<2x6x2184xf32, #tpu.memory_space<vmem>>, vector<16xf32>,
        %pack3A_2408 = tpu.pack_subelements %get3A_2400, %get3A_2407 {pack_format = #tpu.pack_format<interleaved>, positions = array<i32: 0, 1>} : vector<16xf32>, vector<16xf32> -> vector<32xbf16>
        %bitcast3A_2409 = vector.bitcast %pack3A_2408 : vector<32xbf16> to vector<16xf32>
        %add3A_2410 = arith.constant 0 : i32
        %add3A_2411 = vector.broadcast %add3A_2410 : i32 to vector<16xi32>
        %add3A_2412 = arith.addi %broadcast_in_dim3A_2389, %add3A_2411 : vector<16xi32>
        tpu.vector_store_idx %arg5[%broadcast_in_dim3A, %add3A_2195, %add3A_2412], %bitcast3A_2409 : memref<2x2048x16xf32, #tpu.memory_space<vmem>>[vector<16xi32>, vector<16xi32>, vector<16xi32>], vector<16xf32>,
        %add3A_2413 = arith.constant 1 : i32
        %add3A_2414 = arith.addi %scan3A_1005, %add3A_2413 : i32
        %mul3A_2415 = arith.constant 128 : i32
        %mul3A_2416 = arith.muli %add3A_2414, %mul3A_2415 : i32
        %add3A_2417 = arith.constant 64 : i32
        %add3A_2418 = arith.addi %mul3A_2416, %add3A_2417 : i32
        %get3A_2419 = arith.constant 4 : i32
        %get3A_2420 = arith.index_cast %rem3A_508 : i32 to index
        %get3A_2421 = arith.index_cast %get3A_2419 : i32 to index
        %get3A_2422 = arith.index_cast %add3A_2418 : i32 to index
        %get3A_2423 = tpu.vector_load %arg4[%get3A_2420, %get3A_2421, %get3A_2422] {strides = array<i32>} : memref<2x6x2184xf32, #tpu.memory_space<vmem>>, vector<16xf32>,
        %add3A_2424 = arith.constant 1 : i32
        %add3A_2425 = arith.addi %add3A_2418, %add3A_2424 : i32
        %get3A_2426 = arith.constant 4 : i32
        %get3A_2427 = arith.index_cast %rem3A_508 : i32 to index
        %get3A_2428 = arith.index_cast %get3A_2426 : i32 to index
        %get3A_2429 = arith.index_cast %add3A_2425 : i32 to index
        %get3A_2430 = tpu.vector_load %arg4[%get3A_2427, %get3A_2428, %get3A_2429] {strides = array<i32>} : memref<2x6x2184xf32, #tpu.memory_space<vmem>>, vector<16xf32>,
        %pack3A_2431 = tpu.pack_subelements %get3A_2423, %get3A_2430 {pack_format = #tpu.pack_format<interleaved>, positions = array<i32: 0, 1>} : vector<16xf32>, vector<16xf32> -> vector<32xbf16>
        %bitcast3A_2432 = vector.bitcast %pack3A_2431 : vector<32xbf16> to vector<16xf32>
        %add3A_2433 = arith.constant 3 : i32
        %add3A_2434 = vector.broadcast %add3A_2433 : i32 to vector<16xi32>
        %add3A_2435 = arith.addi %broadcast_in_dim3A_2389, %add3A_2434 : vector<16xi32>
        tpu.vector_store_idx %arg5[%broadcast_in_dim3A, %add3A_2195, %add3A_2435], %bitcast3A_2432 : memref<2x2048x16xf32, #tpu.memory_space<vmem>>[vector<16xi32>, vector<16xi32>, vector<16xi32>], vector<16xf32>,
        %broadcast_in_dim3A_2436 = arith.constant 8 : i32
        %broadcast_in_dim3A_2437 = vector.broadcast %broadcast_in_dim3A_2436 : i32 to vector<16xi32>
        %add3A_2438 = arith.constant 0 : i32
        %add3A_2439 = arith.addi %scan3A_1005, %add3A_2438 : i32
        %mul3A_2440 = arith.constant 128 : i32
        %mul3A_2441 = arith.muli %add3A_2439, %mul3A_2440 : i32
        %add3A_2442 = arith.constant 64 : i32
        %add3A_2443 = arith.addi %mul3A_2441, %add3A_2442 : i32
        %get3A_2444 = arith.constant 5 : i32
        %get3A_2445 = arith.index_cast %rem3A_508 : i32 to index
        %get3A_2446 = arith.index_cast %get3A_2444 : i32 to index
        %get3A_2447 = arith.index_cast %add3A_2443 : i32 to index
        %get3A_2448 = tpu.vector_load %arg4[%get3A_2445, %get3A_2446, %get3A_2447] {strides = array<i32>} : memref<2x6x2184xf32, #tpu.memory_space<vmem>>, vector<16xf32>,
        %add3A_2449 = arith.constant 1 : i32
        %add3A_2450 = arith.addi %add3A_2443, %add3A_2449 : i32
        %get3A_2451 = arith.constant 5 : i32
        %get3A_2452 = arith.index_cast %rem3A_508 : i32 to index
        %get3A_2453 = arith.index_cast %get3A_2451 : i32 to index
        %get3A_2454 = arith.index_cast %add3A_2450 : i32 to index
        %get3A_2455 = tpu.vector_load %arg4[%get3A_2452, %get3A_2453, %get3A_2454] {strides = array<i32>} : memref<2x6x2184xf32, #tpu.memory_space<vmem>>, vector<16xf32>,
        %pack3A_2456 = tpu.pack_subelements %get3A_2448, %get3A_2455 {pack_format = #tpu.pack_format<interleaved>, positions = array<i32: 0, 1>} : vector<16xf32>, vector<16xf32> -> vector<32xbf16>
        %bitcast3A_2457 = vector.bitcast %pack3A_2456 : vector<32xbf16> to vector<16xf32>
        %add3A_2458 = arith.constant 0 : i32
        %add3A_2459 = vector.broadcast %add3A_2458 : i32 to vector<16xi32>
        %add3A_2460 = arith.addi %broadcast_in_dim3A_2437, %add3A_2459 : vector<16xi32>
        tpu.vector_store_idx %arg5[%broadcast_in_dim3A, %add3A_2195, %add3A_2460], %bitcast3A_2457 : memref<2x2048x16xf32, #tpu.memory_space<vmem>>[vector<16xi32>, vector<16xi32>, vector<16xi32>], vector<16xf32>,
        %add3A_2461 = arith.constant 1 : i32
        %add3A_2462 = arith.addi %scan3A_1005, %add3A_2461 : i32
        %mul3A_2463 = arith.constant 128 : i32
        %mul3A_2464 = arith.muli %add3A_2462, %mul3A_2463 : i32
        %add3A_2465 = arith.constant 64 : i32
        %add3A_2466 = arith.addi %mul3A_2464, %add3A_2465 : i32
        %get3A_2467 = arith.constant 5 : i32
        %get3A_2468 = arith.index_cast %rem3A_508 : i32 to index
        %get3A_2469 = arith.index_cast %get3A_2467 : i32 to index
        %get3A_2470 = arith.index_cast %add3A_2466 : i32 to index
        %get3A_2471 = tpu.vector_load %arg4[%get3A_2468, %get3A_2469, %get3A_2470] {strides = array<i32>} : memref<2x6x2184xf32, #tpu.memory_space<vmem>>, vector<16xf32>,
        %add3A_2472 = arith.constant 1 : i32
        %add3A_2473 = arith.addi %add3A_2466, %add3A_2472 : i32
        %get3A_2474 = arith.constant 5 : i32
        %get3A_2475 = arith.index_cast %rem3A_508 : i32 to index
        %get3A_2476 = arith.index_cast %get3A_2474 : i32 to index
        %get3A_2477 = arith.index_cast %add3A_2473 : i32 to index
        %get3A_2478 = tpu.vector_load %arg4[%get3A_2475, %get3A_2476, %get3A_2477] {strides = array<i32>} : memref<2x6x2184xf32, #tpu.memory_space<vmem>>, vector<16xf32>,
        %pack3A_2479 = tpu.pack_subelements %get3A_2471, %get3A_2478 {pack_format = #tpu.pack_format<interleaved>, positions = array<i32: 0, 1>} : vector<16xf32>, vector<16xf32> -> vector<32xbf16>
        %bitcast3A_2480 = vector.bitcast %pack3A_2479 : vector<32xbf16> to vector<16xf32>
        %add3A_2481 = arith.constant 3 : i32
        %add3A_2482 = vector.broadcast %add3A_2481 : i32 to vector<16xi32>
        %add3A_2483 = arith.addi %broadcast_in_dim3A_2437, %add3A_2482 : vector<16xi32>
        tpu.vector_store_idx %arg5[%broadcast_in_dim3A, %add3A_2195, %add3A_2483], %bitcast3A_2480 : memref<2x2048x16xf32, #tpu.memory_space<vmem>>[vector<16xi32>, vector<16xi32>, vector<16xi32>], vector<16xf32>,
        %mul3A_2484 = arith.constant 8 : i32
        %mul3A_2485 = arith.muli %scan3A_1005, %mul3A_2484 : i32
        %add3A_2486 = arith.constant 5 : i32
        %add3A_2487 = arith.addi %mul3A_2485, %add3A_2486 : i32
        %mul3A_2488 = arith.constant 16 : i32
        %mul3A_2489 = arith.muli %add3A_2487, %mul3A_2488 : i32
        %add3A_2490 = vector.broadcast %mul3A_2489 : i32 to vector<16xi32>
        %add3A_2491 = arith.addi %add3A_2490, %iota3A : vector<16xi32>
        %broadcast_in_dim3A_2492 = arith.constant 0 : i32
        %broadcast_in_dim3A_2493 = vector.broadcast %broadcast_in_dim3A_2492 : i32 to vector<16xi32>
        %add3A_2494 = arith.constant 0 : i32
        %add3A_2495 = arith.addi %scan3A_1005, %add3A_2494 : i32
        %mul3A_2496 = arith.constant 128 : i32
        %mul3A_2497 = arith.muli %add3A_2495, %mul3A_2496 : i32
        %add3A_2498 = arith.constant 80 : i32
        %add3A_2499 = arith.addi %mul3A_2497, %add3A_2498 : i32
        %get3A_2500 = arith.constant 0 : i32
        %get3A_2501 = arith.index_cast %rem3A_508 : i32 to index
        %get3A_2502 = arith.index_cast %get3A_2500 : i32 to index
        %get3A_2503 = arith.index_cast %add3A_2499 : i32 to index
        %get3A_2504 = tpu.vector_load %arg4[%get3A_2501, %get3A_2502, %get3A_2503] {strides = array<i32>} : memref<2x6x2184xf32, #tpu.memory_space<vmem>>, vector<16xf32>,
        %add3A_2505 = arith.constant 1 : i32
        %add3A_2506 = arith.addi %add3A_2499, %add3A_2505 : i32
        %get3A_2507 = arith.constant 0 : i32
        %get3A_2508 = arith.index_cast %rem3A_508 : i32 to index
        %get3A_2509 = arith.index_cast %get3A_2507 : i32 to index
        %get3A_2510 = arith.index_cast %add3A_2506 : i32 to index
        %get3A_2511 = tpu.vector_load %arg4[%get3A_2508, %get3A_2509, %get3A_2510] {strides = array<i32>} : memref<2x6x2184xf32, #tpu.memory_space<vmem>>, vector<16xf32>,
        %pack3A_2512 = tpu.pack_subelements %get3A_2504, %get3A_2511 {pack_format = #tpu.pack_format<interleaved>, positions = array<i32: 0, 1>} : vector<16xf32>, vector<16xf32> -> vector<32xbf16>
        %bitcast3A_2513 = vector.bitcast %pack3A_2512 : vector<32xbf16> to vector<16xf32>
        %add3A_2514 = arith.constant 0 : i32
        %add3A_2515 = vector.broadcast %add3A_2514 : i32 to vector<16xi32>
        %add3A_2516 = arith.addi %broadcast_in_dim3A_2493, %add3A_2515 : vector<16xi32>
        tpu.vector_store_idx %arg5[%broadcast_in_dim3A, %add3A_2491, %add3A_2516], %bitcast3A_2513 : memref<2x2048x16xf32, #tpu.memory_space<vmem>>[vector<16xi32>, vector<16xi32>, vector<16xi32>], vector<16xf32>,
        %add3A_2517 = arith.constant 1 : i32
        %add3A_2518 = arith.addi %scan3A_1005, %add3A_2517 : i32
        %mul3A_2519 = arith.constant 128 : i32
        %mul3A_2520 = arith.muli %add3A_2518, %mul3A_2519 : i32
        %add3A_2521 = arith.constant 80 : i32
        %add3A_2522 = arith.addi %mul3A_2520, %add3A_2521 : i32
        %get3A_2523 = arith.constant 0 : i32
        %get3A_2524 = arith.index_cast %rem3A_508 : i32 to index
        %get3A_2525 = arith.index_cast %get3A_2523 : i32 to index
        %get3A_2526 = arith.index_cast %add3A_2522 : i32 to index
        %get3A_2527 = tpu.vector_load %arg4[%get3A_2524, %get3A_2525, %get3A_2526] {strides = array<i32>} : memref<2x6x2184xf32, #tpu.memory_space<vmem>>, vector<16xf32>,
        %add3A_2528 = arith.constant 1 : i32
        %add3A_2529 = arith.addi %add3A_2522, %add3A_2528 : i32
        %get3A_2530 = arith.constant 0 : i32
        %get3A_2531 = arith.index_cast %rem3A_508 : i32 to index
        %get3A_2532 = arith.index_cast %get3A_2530 : i32 to index
        %get3A_2533 = arith.index_cast %add3A_2529 : i32 to index
        %get3A_2534 = tpu.vector_load %arg4[%get3A_2531, %get3A_2532, %get3A_2533] {strides = array<i32>} : memref<2x6x2184xf32, #tpu.memory_space<vmem>>, vector<16xf32>,
        %pack3A_2535 = tpu.pack_subelements %get3A_2527, %get3A_2534 {pack_format = #tpu.pack_format<interleaved>, positions = array<i32: 0, 1>} : vector<16xf32>, vector<16xf32> -> vector<32xbf16>
        %bitcast3A_2536 = vector.bitcast %pack3A_2535 : vector<32xbf16> to vector<16xf32>
        %add3A_2537 = arith.constant 3 : i32
        %add3A_2538 = vector.broadcast %add3A_2537 : i32 to vector<16xi32>
        %add3A_2539 = arith.addi %broadcast_in_dim3A_2493, %add3A_2538 : vector<16xi32>
        tpu.vector_store_idx %arg5[%broadcast_in_dim3A, %add3A_2491, %add3A_2539], %bitcast3A_2536 : memref<2x2048x16xf32, #tpu.memory_space<vmem>>[vector<16xi32>, vector<16xi32>, vector<16xi32>], vector<16xf32>,
        %broadcast_in_dim3A_2540 = arith.constant 1 : i32
        %broadcast_in_dim3A_2541 = vector.broadcast %broadcast_in_dim3A_2540 : i32 to vector<16xi32>
        %add3A_2542 = arith.constant 0 : i32
        %add3A_2543 = arith.addi %scan3A_1005, %add3A_2542 : i32
        %mul3A_2544 = arith.constant 128 : i32
        %mul3A_2545 = arith.muli %add3A_2543, %mul3A_2544 : i32
        %add3A_2546 = arith.constant 80 : i32
        %add3A_2547 = arith.addi %mul3A_2545, %add3A_2546 : i32
        %get3A_2548 = arith.constant 1 : i32
        %get3A_2549 = arith.index_cast %rem3A_508 : i32 to index
        %get3A_2550 = arith.index_cast %get3A_2548 : i32 to index
        %get3A_2551 = arith.index_cast %add3A_2547 : i32 to index
        %get3A_2552 = tpu.vector_load %arg4[%get3A_2549, %get3A_2550, %get3A_2551] {strides = array<i32>} : memref<2x6x2184xf32, #tpu.memory_space<vmem>>, vector<16xf32>,
        %add3A_2553 = arith.constant 1 : i32
        %add3A_2554 = arith.addi %add3A_2547, %add3A_2553 : i32
        %get3A_2555 = arith.constant 1 : i32
        %get3A_2556 = arith.index_cast %rem3A_508 : i32 to index
        %get3A_2557 = arith.index_cast %get3A_2555 : i32 to index
        %get3A_2558 = arith.index_cast %add3A_2554 : i32 to index
        %get3A_2559 = tpu.vector_load %arg4[%get3A_2556, %get3A_2557, %get3A_2558] {strides = array<i32>} : memref<2x6x2184xf32, #tpu.memory_space<vmem>>, vector<16xf32>,
        %pack3A_2560 = tpu.pack_subelements %get3A_2552, %get3A_2559 {pack_format = #tpu.pack_format<interleaved>, positions = array<i32: 0, 1>} : vector<16xf32>, vector<16xf32> -> vector<32xbf16>
        %bitcast3A_2561 = vector.bitcast %pack3A_2560 : vector<32xbf16> to vector<16xf32>
        %add3A_2562 = arith.constant 0 : i32
        %add3A_2563 = vector.broadcast %add3A_2562 : i32 to vector<16xi32>
        %add3A_2564 = arith.addi %broadcast_in_dim3A_2541, %add3A_2563 : vector<16xi32>
        tpu.vector_store_idx %arg5[%broadcast_in_dim3A, %add3A_2491, %add3A_2564], %bitcast3A_2561 : memref<2x2048x16xf32, #tpu.memory_space<vmem>>[vector<16xi32>, vector<16xi32>, vector<16xi32>], vector<16xf32>,
        %add3A_2565 = arith.constant 1 : i32
        %add3A_2566 = arith.addi %scan3A_1005, %add3A_2565 : i32
        %mul3A_2567 = arith.constant 128 : i32
        %mul3A_2568 = arith.muli %add3A_2566, %mul3A_2567 : i32
        %add3A_2569 = arith.constant 80 : i32
        %add3A_2570 = arith.addi %mul3A_2568, %add3A_2569 : i32
        %get3A_2571 = arith.constant 1 : i32
        %get3A_2572 = arith.index_cast %rem3A_508 : i32 to index
        %get3A_2573 = arith.index_cast %get3A_2571 : i32 to index
        %get3A_2574 = arith.index_cast %add3A_2570 : i32 to index
        %get3A_2575 = tpu.vector_load %arg4[%get3A_2572, %get3A_2573, %get3A_2574] {strides = array<i32>} : memref<2x6x2184xf32, #tpu.memory_space<vmem>>, vector<16xf32>,
        %add3A_2576 = arith.constant 1 : i32
        %add3A_2577 = arith.addi %add3A_2570, %add3A_2576 : i32
        %get3A_2578 = arith.constant 1 : i32
        %get3A_2579 = arith.index_cast %rem3A_508 : i32 to index
        %get3A_2580 = arith.index_cast %get3A_2578 : i32 to index
        %get3A_2581 = arith.index_cast %add3A_2577 : i32 to index
        %get3A_2582 = tpu.vector_load %arg4[%get3A_2579, %get3A_2580, %get3A_2581] {strides = array<i32>} : memref<2x6x2184xf32, #tpu.memory_space<vmem>>, vector<16xf32>,
        %pack3A_2583 = tpu.pack_subelements %get3A_2575, %get3A_2582 {pack_format = #tpu.pack_format<interleaved>, positions = array<i32: 0, 1>} : vector<16xf32>, vector<16xf32> -> vector<32xbf16>
        %bitcast3A_2584 = vector.bitcast %pack3A_2583 : vector<32xbf16> to vector<16xf32>
        %add3A_2585 = arith.constant 3 : i32
        %add3A_2586 = vector.broadcast %add3A_2585 : i32 to vector<16xi32>
        %add3A_2587 = arith.addi %broadcast_in_dim3A_2541, %add3A_2586 : vector<16xi32>
        tpu.vector_store_idx %arg5[%broadcast_in_dim3A, %add3A_2491, %add3A_2587], %bitcast3A_2584 : memref<2x2048x16xf32, #tpu.memory_space<vmem>>[vector<16xi32>, vector<16xi32>, vector<16xi32>], vector<16xf32>,
        %broadcast_in_dim3A_2588 = arith.constant 2 : i32
        %broadcast_in_dim3A_2589 = vector.broadcast %broadcast_in_dim3A_2588 : i32 to vector<16xi32>
        %add3A_2590 = arith.constant 0 : i32
        %add3A_2591 = arith.addi %scan3A_1005, %add3A_2590 : i32
        %mul3A_2592 = arith.constant 128 : i32
        %mul3A_2593 = arith.muli %add3A_2591, %mul3A_2592 : i32
        %add3A_2594 = arith.constant 80 : i32
        %add3A_2595 = arith.addi %mul3A_2593, %add3A_2594 : i32
        %get3A_2596 = arith.constant 2 : i32
        %get3A_2597 = arith.index_cast %rem3A_508 : i32 to index
        %get3A_2598 = arith.index_cast %get3A_2596 : i32 to index
        %get3A_2599 = arith.index_cast %add3A_2595 : i32 to index
        %get3A_2600 = tpu.vector_load %arg4[%get3A_2597, %get3A_2598, %get3A_2599] {strides = array<i32>} : memref<2x6x2184xf32, #tpu.memory_space<vmem>>, vector<16xf32>,
        %add3A_2601 = arith.constant 1 : i32
        %add3A_2602 = arith.addi %add3A_2595, %add3A_2601 : i32
        %get3A_2603 = arith.constant 2 : i32
        %get3A_2604 = arith.index_cast %rem3A_508 : i32 to index
        %get3A_2605 = arith.index_cast %get3A_2603 : i32 to index
        %get3A_2606 = arith.index_cast %add3A_2602 : i32 to index
        %get3A_2607 = tpu.vector_load %arg4[%get3A_2604, %get3A_2605, %get3A_2606] {strides = array<i32>} : memref<2x6x2184xf32, #tpu.memory_space<vmem>>, vector<16xf32>,
        %pack3A_2608 = tpu.pack_subelements %get3A_2600, %get3A_2607 {pack_format = #tpu.pack_format<interleaved>, positions = array<i32: 0, 1>} : vector<16xf32>, vector<16xf32> -> vector<32xbf16>
        %bitcast3A_2609 = vector.bitcast %pack3A_2608 : vector<32xbf16> to vector<16xf32>
        %add3A_2610 = arith.constant 0 : i32
        %add3A_2611 = vector.broadcast %add3A_2610 : i32 to vector<16xi32>
        %add3A_2612 = arith.addi %broadcast_in_dim3A_2589, %add3A_2611 : vector<16xi32>
        tpu.vector_store_idx %arg5[%broadcast_in_dim3A, %add3A_2491, %add3A_2612], %bitcast3A_2609 : memref<2x2048x16xf32, #tpu.memory_space<vmem>>[vector<16xi32>, vector<16xi32>, vector<16xi32>], vector<16xf32>,
        %add3A_2613 = arith.constant 1 : i32
        %add3A_2614 = arith.addi %scan3A_1005, %add3A_2613 : i32
        %mul3A_2615 = arith.constant 128 : i32
        %mul3A_2616 = arith.muli %add3A_2614, %mul3A_2615 : i32
        %add3A_2617 = arith.constant 80 : i32
        %add3A_2618 = arith.addi %mul3A_2616, %add3A_2617 : i32
        %get3A_2619 = arith.constant 2 : i32
        %get3A_2620 = arith.index_cast %rem3A_508 : i32 to index
        %get3A_2621 = arith.index_cast %get3A_2619 : i32 to index
        %get3A_2622 = arith.index_cast %add3A_2618 : i32 to index
        %get3A_2623 = tpu.vector_load %arg4[%get3A_2620, %get3A_2621, %get3A_2622] {strides = array<i32>} : memref<2x6x2184xf32, #tpu.memory_space<vmem>>, vector<16xf32>,
        %add3A_2624 = arith.constant 1 : i32
        %add3A_2625 = arith.addi %add3A_2618, %add3A_2624 : i32
        %get3A_2626 = arith.constant 2 : i32
        %get3A_2627 = arith.index_cast %rem3A_508 : i32 to index
        %get3A_2628 = arith.index_cast %get3A_2626 : i32 to index
        %get3A_2629 = arith.index_cast %add3A_2625 : i32 to index
        %get3A_2630 = tpu.vector_load %arg4[%get3A_2627, %get3A_2628, %get3A_2629] {strides = array<i32>} : memref<2x6x2184xf32, #tpu.memory_space<vmem>>, vector<16xf32>,
        %pack3A_2631 = tpu.pack_subelements %get3A_2623, %get3A_2630 {pack_format = #tpu.pack_format<interleaved>, positions = array<i32: 0, 1>} : vector<16xf32>, vector<16xf32> -> vector<32xbf16>
        %bitcast3A_2632 = vector.bitcast %pack3A_2631 : vector<32xbf16> to vector<16xf32>
        %add3A_2633 = arith.constant 3 : i32
        %add3A_2634 = vector.broadcast %add3A_2633 : i32 to vector<16xi32>
        %add3A_2635 = arith.addi %broadcast_in_dim3A_2589, %add3A_2634 : vector<16xi32>
        tpu.vector_store_idx %arg5[%broadcast_in_dim3A, %add3A_2491, %add3A_2635], %bitcast3A_2632 : memref<2x2048x16xf32, #tpu.memory_space<vmem>>[vector<16xi32>, vector<16xi32>, vector<16xi32>], vector<16xf32>,
        %broadcast_in_dim3A_2636 = arith.constant 6 : i32
        %broadcast_in_dim3A_2637 = vector.broadcast %broadcast_in_dim3A_2636 : i32 to vector<16xi32>
        %add3A_2638 = arith.constant 0 : i32
        %add3A_2639 = arith.addi %scan3A_1005, %add3A_2638 : i32
        %mul3A_2640 = arith.constant 128 : i32
        %mul3A_2641 = arith.muli %add3A_2639, %mul3A_2640 : i32
        %add3A_2642 = arith.constant 80 : i32
        %add3A_2643 = arith.addi %mul3A_2641, %add3A_2642 : i32
        %get3A_2644 = arith.constant 3 : i32
        %get3A_2645 = arith.index_cast %rem3A_508 : i32 to index
        %get3A_2646 = arith.index_cast %get3A_2644 : i32 to index
        %get3A_2647 = arith.index_cast %add3A_2643 : i32 to index
        %get3A_2648 = tpu.vector_load %arg4[%get3A_2645, %get3A_2646, %get3A_2647] {strides = array<i32>} : memref<2x6x2184xf32, #tpu.memory_space<vmem>>, vector<16xf32>,
        %add3A_2649 = arith.constant 1 : i32
        %add3A_2650 = arith.addi %add3A_2643, %add3A_2649 : i32
        %get3A_2651 = arith.constant 3 : i32
        %get3A_2652 = arith.index_cast %rem3A_508 : i32 to index
        %get3A_2653 = arith.index_cast %get3A_2651 : i32 to index
        %get3A_2654 = arith.index_cast %add3A_2650 : i32 to index
        %get3A_2655 = tpu.vector_load %arg4[%get3A_2652, %get3A_2653, %get3A_2654] {strides = array<i32>} : memref<2x6x2184xf32, #tpu.memory_space<vmem>>, vector<16xf32>,
        %pack3A_2656 = tpu.pack_subelements %get3A_2648, %get3A_2655 {pack_format = #tpu.pack_format<interleaved>, positions = array<i32: 0, 1>} : vector<16xf32>, vector<16xf32> -> vector<32xbf16>
        %bitcast3A_2657 = vector.bitcast %pack3A_2656 : vector<32xbf16> to vector<16xf32>
        %add3A_2658 = arith.constant 0 : i32
        %add3A_2659 = vector.broadcast %add3A_2658 : i32 to vector<16xi32>
        %add3A_2660 = arith.addi %broadcast_in_dim3A_2637, %add3A_2659 : vector<16xi32>
        tpu.vector_store_idx %arg5[%broadcast_in_dim3A, %add3A_2491, %add3A_2660], %bitcast3A_2657 : memref<2x2048x16xf32, #tpu.memory_space<vmem>>[vector<16xi32>, vector<16xi32>, vector<16xi32>], vector<16xf32>,
        %add3A_2661 = arith.constant 1 : i32
        %add3A_2662 = arith.addi %scan3A_1005, %add3A_2661 : i32
        %mul3A_2663 = arith.constant 128 : i32
        %mul3A_2664 = arith.muli %add3A_2662, %mul3A_2663 : i32
        %add3A_2665 = arith.constant 80 : i32
        %add3A_2666 = arith.addi %mul3A_2664, %add3A_2665 : i32
        %get3A_2667 = arith.constant 3 : i32
        %get3A_2668 = arith.index_cast %rem3A_508 : i32 to index
        %get3A_2669 = arith.index_cast %get3A_2667 : i32 to index
        %get3A_2670 = arith.index_cast %add3A_2666 : i32 to index
        %get3A_2671 = tpu.vector_load %arg4[%get3A_2668, %get3A_2669, %get3A_2670] {strides = array<i32>} : memref<2x6x2184xf32, #tpu.memory_space<vmem>>, vector<16xf32>,
        %add3A_2672 = arith.constant 1 : i32
        %add3A_2673 = arith.addi %add3A_2666, %add3A_2672 : i32
        %get3A_2674 = arith.constant 3 : i32
        %get3A_2675 = arith.index_cast %rem3A_508 : i32 to index
        %get3A_2676 = arith.index_cast %get3A_2674 : i32 to index
        %get3A_2677 = arith.index_cast %add3A_2673 : i32 to index
        %get3A_2678 = tpu.vector_load %arg4[%get3A_2675, %get3A_2676, %get3A_2677] {strides = array<i32>} : memref<2x6x2184xf32, #tpu.memory_space<vmem>>, vector<16xf32>,
        %pack3A_2679 = tpu.pack_subelements %get3A_2671, %get3A_2678 {pack_format = #tpu.pack_format<interleaved>, positions = array<i32: 0, 1>} : vector<16xf32>, vector<16xf32> -> vector<32xbf16>
        %bitcast3A_2680 = vector.bitcast %pack3A_2679 : vector<32xbf16> to vector<16xf32>
        %add3A_2681 = arith.constant 3 : i32
        %add3A_2682 = vector.broadcast %add3A_2681 : i32 to vector<16xi32>
        %add3A_2683 = arith.addi %broadcast_in_dim3A_2637, %add3A_2682 : vector<16xi32>
        tpu.vector_store_idx %arg5[%broadcast_in_dim3A, %add3A_2491, %add3A_2683], %bitcast3A_2680 : memref<2x2048x16xf32, #tpu.memory_space<vmem>>[vector<16xi32>, vector<16xi32>, vector<16xi32>], vector<16xf32>,
        %broadcast_in_dim3A_2684 = arith.constant 7 : i32
        %broadcast_in_dim3A_2685 = vector.broadcast %broadcast_in_dim3A_2684 : i32 to vector<16xi32>
        %add3A_2686 = arith.constant 0 : i32
        %add3A_2687 = arith.addi %scan3A_1005, %add3A_2686 : i32
        %mul3A_2688 = arith.constant 128 : i32
        %mul3A_2689 = arith.muli %add3A_2687, %mul3A_2688 : i32
        %add3A_2690 = arith.constant 80 : i32
        %add3A_2691 = arith.addi %mul3A_2689, %add3A_2690 : i32
        %get3A_2692 = arith.constant 4 : i32
        %get3A_2693 = arith.index_cast %rem3A_508 : i32 to index
        %get3A_2694 = arith.index_cast %get3A_2692 : i32 to index
        %get3A_2695 = arith.index_cast %add3A_2691 : i32 to index
        %get3A_2696 = tpu.vector_load %arg4[%get3A_2693, %get3A_2694, %get3A_2695] {strides = array<i32>} : memref<2x6x2184xf32, #tpu.memory_space<vmem>>, vector<16xf32>,
        %add3A_2697 = arith.constant 1 : i32
        %add3A_2698 = arith.addi %add3A_2691, %add3A_2697 : i32
        %get3A_2699 = arith.constant 4 : i32
        %get3A_2700 = arith.index_cast %rem3A_508 : i32 to index
        %get3A_2701 = arith.index_cast %get3A_2699 : i32 to index
        %get3A_2702 = arith.index_cast %add3A_2698 : i32 to index
        %get3A_2703 = tpu.vector_load %arg4[%get3A_2700, %get3A_2701, %get3A_2702] {strides = array<i32>} : memref<2x6x2184xf32, #tpu.memory_space<vmem>>, vector<16xf32>,
        %pack3A_2704 = tpu.pack_subelements %get3A_2696, %get3A_2703 {pack_format = #tpu.pack_format<interleaved>, positions = array<i32: 0, 1>} : vector<16xf32>, vector<16xf32> -> vector<32xbf16>
        %bitcast3A_2705 = vector.bitcast %pack3A_2704 : vector<32xbf16> to vector<16xf32>
        %add3A_2706 = arith.constant 0 : i32
        %add3A_2707 = vector.broadcast %add3A_2706 : i32 to vector<16xi32>
        %add3A_2708 = arith.addi %broadcast_in_dim3A_2685, %add3A_2707 : vector<16xi32>
        tpu.vector_store_idx %arg5[%broadcast_in_dim3A, %add3A_2491, %add3A_2708], %bitcast3A_2705 : memref<2x2048x16xf32, #tpu.memory_space<vmem>>[vector<16xi32>, vector<16xi32>, vector<16xi32>], vector<16xf32>,
        %add3A_2709 = arith.constant 1 : i32
        %add3A_2710 = arith.addi %scan3A_1005, %add3A_2709 : i32
        %mul3A_2711 = arith.constant 128 : i32
        %mul3A_2712 = arith.muli %add3A_2710, %mul3A_2711 : i32
        %add3A_2713 = arith.constant 80 : i32
        %add3A_2714 = arith.addi %mul3A_2712, %add3A_2713 : i32
        %get3A_2715 = arith.constant 4 : i32
        %get3A_2716 = arith.index_cast %rem3A_508 : i32 to index
        %get3A_2717 = arith.index_cast %get3A_2715 : i32 to index
        %get3A_2718 = arith.index_cast %add3A_2714 : i32 to index
        %get3A_2719 = tpu.vector_load %arg4[%get3A_2716, %get3A_2717, %get3A_2718] {strides = array<i32>} : memref<2x6x2184xf32, #tpu.memory_space<vmem>>, vector<16xf32>,
        %add3A_2720 = arith.constant 1 : i32
        %add3A_2721 = arith.addi %add3A_2714, %add3A_2720 : i32
        %get3A_2722 = arith.constant 4 : i32
        %get3A_2723 = arith.index_cast %rem3A_508 : i32 to index
        %get3A_2724 = arith.index_cast %get3A_2722 : i32 to index
        %get3A_2725 = arith.index_cast %add3A_2721 : i32 to index
        %get3A_2726 = tpu.vector_load %arg4[%get3A_2723, %get3A_2724, %get3A_2725] {strides = array<i32>} : memref<2x6x2184xf32, #tpu.memory_space<vmem>>, vector<16xf32>,
        %pack3A_2727 = tpu.pack_subelements %get3A_2719, %get3A_2726 {pack_format = #tpu.pack_format<interleaved>, positions = array<i32: 0, 1>} : vector<16xf32>, vector<16xf32> -> vector<32xbf16>
        %bitcast3A_2728 = vector.bitcast %pack3A_2727 : vector<32xbf16> to vector<16xf32>
        %add3A_2729 = arith.constant 3 : i32
        %add3A_2730 = vector.broadcast %add3A_2729 : i32 to vector<16xi32>
        %add3A_2731 = arith.addi %broadcast_in_dim3A_2685, %add3A_2730 : vector<16xi32>
        tpu.vector_store_idx %arg5[%broadcast_in_dim3A, %add3A_2491, %add3A_2731], %bitcast3A_2728 : memref<2x2048x16xf32, #tpu.memory_space<vmem>>[vector<16xi32>, vector<16xi32>, vector<16xi32>], vector<16xf32>,
        %broadcast_in_dim3A_2732 = arith.constant 8 : i32
        %broadcast_in_dim3A_2733 = vector.broadcast %broadcast_in_dim3A_2732 : i32 to vector<16xi32>
        %add3A_2734 = arith.constant 0 : i32
        %add3A_2735 = arith.addi %scan3A_1005, %add3A_2734 : i32
        %mul3A_2736 = arith.constant 128 : i32
        %mul3A_2737 = arith.muli %add3A_2735, %mul3A_2736 : i32
        %add3A_2738 = arith.constant 80 : i32
        %add3A_2739 = arith.addi %mul3A_2737, %add3A_2738 : i32
        %get3A_2740 = arith.constant 5 : i32
        %get3A_2741 = arith.index_cast %rem3A_508 : i32 to index
        %get3A_2742 = arith.index_cast %get3A_2740 : i32 to index
        %get3A_2743 = arith.index_cast %add3A_2739 : i32 to index
        %get3A_2744 = tpu.vector_load %arg4[%get3A_2741, %get3A_2742, %get3A_2743] {strides = array<i32>} : memref<2x6x2184xf32, #tpu.memory_space<vmem>>, vector<16xf32>,
        %add3A_2745 = arith.constant 1 : i32
        %add3A_2746 = arith.addi %add3A_2739, %add3A_2745 : i32
        %get3A_2747 = arith.constant 5 : i32
        %get3A_2748 = arith.index_cast %rem3A_508 : i32 to index
        %get3A_2749 = arith.index_cast %get3A_2747 : i32 to index
        %get3A_2750 = arith.index_cast %add3A_2746 : i32 to index
        %get3A_2751 = tpu.vector_load %arg4[%get3A_2748, %get3A_2749, %get3A_2750] {strides = array<i32>} : memref<2x6x2184xf32, #tpu.memory_space<vmem>>, vector<16xf32>,
        %pack3A_2752 = tpu.pack_subelements %get3A_2744, %get3A_2751 {pack_format = #tpu.pack_format<interleaved>, positions = array<i32: 0, 1>} : vector<16xf32>, vector<16xf32> -> vector<32xbf16>
        %bitcast3A_2753 = vector.bitcast %pack3A_2752 : vector<32xbf16> to vector<16xf32>
        %add3A_2754 = arith.constant 0 : i32
        %add3A_2755 = vector.broadcast %add3A_2754 : i32 to vector<16xi32>
        %add3A_2756 = arith.addi %broadcast_in_dim3A_2733, %add3A_2755 : vector<16xi32>
        tpu.vector_store_idx %arg5[%broadcast_in_dim3A, %add3A_2491, %add3A_2756], %bitcast3A_2753 : memref<2x2048x16xf32, #tpu.memory_space<vmem>>[vector<16xi32>, vector<16xi32>, vector<16xi32>], vector<16xf32>,
        %add3A_2757 = arith.constant 1 : i32
        %add3A_2758 = arith.addi %scan3A_1005, %add3A_2757 : i32
        %mul3A_2759 = arith.constant 128 : i32
        %mul3A_2760 = arith.muli %add3A_2758, %mul3A_2759 : i32
        %add3A_2761 = arith.constant 80 : i32
        %add3A_2762 = arith.addi %mul3A_2760, %add3A_2761 : i32
        %get3A_2763 = arith.constant 5 : i32
        %get3A_2764 = arith.index_cast %rem3A_508 : i32 to index
        %get3A_2765 = arith.index_cast %get3A_2763 : i32 to index
        %get3A_2766 = arith.index_cast %add3A_2762 : i32 to index
        %get3A_2767 = tpu.vector_load %arg4[%get3A_2764, %get3A_2765, %get3A_2766] {strides = array<i32>} : memref<2x6x2184xf32, #tpu.memory_space<vmem>>, vector<16xf32>,
        %add3A_2768 = arith.constant 1 : i32
        %add3A_2769 = arith.addi %add3A_2762, %add3A_2768 : i32
        %get3A_2770 = arith.constant 5 : i32
        %get3A_2771 = arith.index_cast %rem3A_508 : i32 to index
        %get3A_2772 = arith.index_cast %get3A_2770 : i32 to index
        %get3A_2773 = arith.index_cast %add3A_2769 : i32 to index
        %get3A_2774 = tpu.vector_load %arg4[%get3A_2771, %get3A_2772, %get3A_2773] {strides = array<i32>} : memref<2x6x2184xf32, #tpu.memory_space<vmem>>, vector<16xf32>,
        %pack3A_2775 = tpu.pack_subelements %get3A_2767, %get3A_2774 {pack_format = #tpu.pack_format<interleaved>, positions = array<i32: 0, 1>} : vector<16xf32>, vector<16xf32> -> vector<32xbf16>
        %bitcast3A_2776 = vector.bitcast %pack3A_2775 : vector<32xbf16> to vector<16xf32>
        %add3A_2777 = arith.constant 3 : i32
        %add3A_2778 = vector.broadcast %add3A_2777 : i32 to vector<16xi32>
        %add3A_2779 = arith.addi %broadcast_in_dim3A_2733, %add3A_2778 : vector<16xi32>
        tpu.vector_store_idx %arg5[%broadcast_in_dim3A, %add3A_2491, %add3A_2779], %bitcast3A_2776 : memref<2x2048x16xf32, #tpu.memory_space<vmem>>[vector<16xi32>, vector<16xi32>, vector<16xi32>], vector<16xf32>,
        %mul3A_2780 = arith.constant 8 : i32
        %mul3A_2781 = arith.muli %scan3A_1005, %mul3A_2780 : i32
        %add3A_2782 = arith.constant 6 : i32
        %add3A_2783 = arith.addi %mul3A_2781, %add3A_2782 : i32
        %mul3A_2784 = arith.constant 16 : i32
        %mul3A_2785 = arith.muli %add3A_2783, %mul3A_2784 : i32
        %add3A_2786 = vector.broadcast %mul3A_2785 : i32 to vector<16xi32>
        %add3A_2787 = arith.addi %add3A_2786, %iota3A : vector<16xi32>
        %broadcast_in_dim3A_2788 = arith.constant 0 : i32
        %broadcast_in_dim3A_2789 = vector.broadcast %broadcast_in_dim3A_2788 : i32 to vector<16xi32>
        %add3A_2790 = arith.constant 0 : i32
        %add3A_2791 = arith.addi %scan3A_1005, %add3A_2790 : i32
        %mul3A_2792 = arith.constant 128 : i32
        %mul3A_2793 = arith.muli %add3A_2791, %mul3A_2792 : i32
        %add3A_2794 = arith.constant 96 : i32
        %add3A_2795 = arith.addi %mul3A_2793, %add3A_2794 : i32
        %get3A_2796 = arith.constant 0 : i32
        %get3A_2797 = arith.index_cast %rem3A_508 : i32 to index
        %get3A_2798 = arith.index_cast %get3A_2796 : i32 to index
        %get3A_2799 = arith.index_cast %add3A_2795 : i32 to index
        %get3A_2800 = tpu.vector_load %arg4[%get3A_2797, %get3A_2798, %get3A_2799] {strides = array<i32>} : memref<2x6x2184xf32, #tpu.memory_space<vmem>>, vector<16xf32>,
        %add3A_2801 = arith.constant 1 : i32
        %add3A_2802 = arith.addi %add3A_2795, %add3A_2801 : i32
        %get3A_2803 = arith.constant 0 : i32
        %get3A_2804 = arith.index_cast %rem3A_508 : i32 to index
        %get3A_2805 = arith.index_cast %get3A_2803 : i32 to index
        %get3A_2806 = arith.index_cast %add3A_2802 : i32 to index
        %get3A_2807 = tpu.vector_load %arg4[%get3A_2804, %get3A_2805, %get3A_2806] {strides = array<i32>} : memref<2x6x2184xf32, #tpu.memory_space<vmem>>, vector<16xf32>,
        %pack3A_2808 = tpu.pack_subelements %get3A_2800, %get3A_2807 {pack_format = #tpu.pack_format<interleaved>, positions = array<i32: 0, 1>} : vector<16xf32>, vector<16xf32> -> vector<32xbf16>
        %bitcast3A_2809 = vector.bitcast %pack3A_2808 : vector<32xbf16> to vector<16xf32>
        %add3A_2810 = arith.constant 0 : i32
        %add3A_2811 = vector.broadcast %add3A_2810 : i32 to vector<16xi32>
        %add3A_2812 = arith.addi %broadcast_in_dim3A_2789, %add3A_2811 : vector<16xi32>
        tpu.vector_store_idx %arg5[%broadcast_in_dim3A, %add3A_2787, %add3A_2812], %bitcast3A_2809 : memref<2x2048x16xf32, #tpu.memory_space<vmem>>[vector<16xi32>, vector<16xi32>, vector<16xi32>], vector<16xf32>,
        %add3A_2813 = arith.constant 1 : i32
        %add3A_2814 = arith.addi %scan3A_1005, %add3A_2813 : i32
        %mul3A_2815 = arith.constant 128 : i32
        %mul3A_2816 = arith.muli %add3A_2814, %mul3A_2815 : i32
        %add3A_2817 = arith.constant 96 : i32
        %add3A_2818 = arith.addi %mul3A_2816, %add3A_2817 : i32
        %get3A_2819 = arith.constant 0 : i32
        %get3A_2820 = arith.index_cast %rem3A_508 : i32 to index
        %get3A_2821 = arith.index_cast %get3A_2819 : i32 to index
        %get3A_2822 = arith.index_cast %add3A_2818 : i32 to index
        %get3A_2823 = tpu.vector_load %arg4[%get3A_2820, %get3A_2821, %get3A_2822] {strides = array<i32>} : memref<2x6x2184xf32, #tpu.memory_space<vmem>>, vector<16xf32>,
        %add3A_2824 = arith.constant 1 : i32
        %add3A_2825 = arith.addi %add3A_2818, %add3A_2824 : i32
        %get3A_2826 = arith.constant 0 : i32
        %get3A_2827 = arith.index_cast %rem3A_508 : i32 to index
        %get3A_2828 = arith.index_cast %get3A_2826 : i32 to index
        %get3A_2829 = arith.index_cast %add3A_2825 : i32 to index
        %get3A_2830 = tpu.vector_load %arg4[%get3A_2827, %get3A_2828, %get3A_2829] {strides = array<i32>} : memref<2x6x2184xf32, #tpu.memory_space<vmem>>, vector<16xf32>,
        %pack3A_2831 = tpu.pack_subelements %get3A_2823, %get3A_2830 {pack_format = #tpu.pack_format<interleaved>, positions = array<i32: 0, 1>} : vector<16xf32>, vector<16xf32> -> vector<32xbf16>
        %bitcast3A_2832 = vector.bitcast %pack3A_2831 : vector<32xbf16> to vector<16xf32>
        %add3A_2833 = arith.constant 3 : i32
        %add3A_2834 = vector.broadcast %add3A_2833 : i32 to vector<16xi32>
        %add3A_2835 = arith.addi %broadcast_in_dim3A_2789, %add3A_2834 : vector<16xi32>
        tpu.vector_store_idx %arg5[%broadcast_in_dim3A, %add3A_2787, %add3A_2835], %bitcast3A_2832 : memref<2x2048x16xf32, #tpu.memory_space<vmem>>[vector<16xi32>, vector<16xi32>, vector<16xi32>], vector<16xf32>,
        %broadcast_in_dim3A_2836 = arith.constant 1 : i32
        %broadcast_in_dim3A_2837 = vector.broadcast %broadcast_in_dim3A_2836 : i32 to vector<16xi32>
        %add3A_2838 = arith.constant 0 : i32
        %add3A_2839 = arith.addi %scan3A_1005, %add3A_2838 : i32
        %mul3A_2840 = arith.constant 128 : i32
        %mul3A_2841 = arith.muli %add3A_2839, %mul3A_2840 : i32
        %add3A_2842 = arith.constant 96 : i32
        %add3A_2843 = arith.addi %mul3A_2841, %add3A_2842 : i32
        %get3A_2844 = arith.constant 1 : i32
        %get3A_2845 = arith.index_cast %rem3A_508 : i32 to index
        %get3A_2846 = arith.index_cast %get3A_2844 : i32 to index
        %get3A_2847 = arith.index_cast %add3A_2843 : i32 to index
        %get3A_2848 = tpu.vector_load %arg4[%get3A_2845, %get3A_2846, %get3A_2847] {strides = array<i32>} : memref<2x6x2184xf32, #tpu.memory_space<vmem>>, vector<16xf32>,
        %add3A_2849 = arith.constant 1 : i32
        %add3A_2850 = arith.addi %add3A_2843, %add3A_2849 : i32
        %get3A_2851 = arith.constant 1 : i32
        %get3A_2852 = arith.index_cast %rem3A_508 : i32 to index
        %get3A_2853 = arith.index_cast %get3A_2851 : i32 to index
        %get3A_2854 = arith.index_cast %add3A_2850 : i32 to index
        %get3A_2855 = tpu.vector_load %arg4[%get3A_2852, %get3A_2853, %get3A_2854] {strides = array<i32>} : memref<2x6x2184xf32, #tpu.memory_space<vmem>>, vector<16xf32>,
        %pack3A_2856 = tpu.pack_subelements %get3A_2848, %get3A_2855 {pack_format = #tpu.pack_format<interleaved>, positions = array<i32: 0, 1>} : vector<16xf32>, vector<16xf32> -> vector<32xbf16>
        %bitcast3A_2857 = vector.bitcast %pack3A_2856 : vector<32xbf16> to vector<16xf32>
        %add3A_2858 = arith.constant 0 : i32
        %add3A_2859 = vector.broadcast %add3A_2858 : i32 to vector<16xi32>
        %add3A_2860 = arith.addi %broadcast_in_dim3A_2837, %add3A_2859 : vector<16xi32>
        tpu.vector_store_idx %arg5[%broadcast_in_dim3A, %add3A_2787, %add3A_2860], %bitcast3A_2857 : memref<2x2048x16xf32, #tpu.memory_space<vmem>>[vector<16xi32>, vector<16xi32>, vector<16xi32>], vector<16xf32>,
        %add3A_2861 = arith.constant 1 : i32
        %add3A_2862 = arith.addi %scan3A_1005, %add3A_2861 : i32
        %mul3A_2863 = arith.constant 128 : i32
        %mul3A_2864 = arith.muli %add3A_2862, %mul3A_2863 : i32
        %add3A_2865 = arith.constant 96 : i32
        %add3A_2866 = arith.addi %mul3A_2864, %add3A_2865 : i32
        %get3A_2867 = arith.constant 1 : i32
        %get3A_2868 = arith.index_cast %rem3A_508 : i32 to index
        %get3A_2869 = arith.index_cast %get3A_2867 : i32 to index
        %get3A_2870 = arith.index_cast %add3A_2866 : i32 to index
        %get3A_2871 = tpu.vector_load %arg4[%get3A_2868, %get3A_2869, %get3A_2870] {strides = array<i32>} : memref<2x6x2184xf32, #tpu.memory_space<vmem>>, vector<16xf32>,
        %add3A_2872 = arith.constant 1 : i32
        %add3A_2873 = arith.addi %add3A_2866, %add3A_2872 : i32
        %get3A_2874 = arith.constant 1 : i32
        %get3A_2875 = arith.index_cast %rem3A_508 : i32 to index
        %get3A_2876 = arith.index_cast %get3A_2874 : i32 to index
        %get3A_2877 = arith.index_cast %add3A_2873 : i32 to index
        %get3A_2878 = tpu.vector_load %arg4[%get3A_2875, %get3A_2876, %get3A_2877] {strides = array<i32>} : memref<2x6x2184xf32, #tpu.memory_space<vmem>>, vector<16xf32>,
        %pack3A_2879 = tpu.pack_subelements %get3A_2871, %get3A_2878 {pack_format = #tpu.pack_format<interleaved>, positions = array<i32: 0, 1>} : vector<16xf32>, vector<16xf32> -> vector<32xbf16>
        %bitcast3A_2880 = vector.bitcast %pack3A_2879 : vector<32xbf16> to vector<16xf32>
        %add3A_2881 = arith.constant 3 : i32
        %add3A_2882 = vector.broadcast %add3A_2881 : i32 to vector<16xi32>
        %add3A_2883 = arith.addi %broadcast_in_dim3A_2837, %add3A_2882 : vector<16xi32>
        tpu.vector_store_idx %arg5[%broadcast_in_dim3A, %add3A_2787, %add3A_2883], %bitcast3A_2880 : memref<2x2048x16xf32, #tpu.memory_space<vmem>>[vector<16xi32>, vector<16xi32>, vector<16xi32>], vector<16xf32>,
        %broadcast_in_dim3A_2884 = arith.constant 2 : i32
        %broadcast_in_dim3A_2885 = vector.broadcast %broadcast_in_dim3A_2884 : i32 to vector<16xi32>
        %add3A_2886 = arith.constant 0 : i32
        %add3A_2887 = arith.addi %scan3A_1005, %add3A_2886 : i32
        %mul3A_2888 = arith.constant 128 : i32
        %mul3A_2889 = arith.muli %add3A_2887, %mul3A_2888 : i32
        %add3A_2890 = arith.constant 96 : i32
        %add3A_2891 = arith.addi %mul3A_2889, %add3A_2890 : i32
        %get3A_2892 = arith.constant 2 : i32
        %get3A_2893 = arith.index_cast %rem3A_508 : i32 to index
        %get3A_2894 = arith.index_cast %get3A_2892 : i32 to index
        %get3A_2895 = arith.index_cast %add3A_2891 : i32 to index
        %get3A_2896 = tpu.vector_load %arg4[%get3A_2893, %get3A_2894, %get3A_2895] {strides = array<i32>} : memref<2x6x2184xf32, #tpu.memory_space<vmem>>, vector<16xf32>,
        %add3A_2897 = arith.constant 1 : i32
        %add3A_2898 = arith.addi %add3A_2891, %add3A_2897 : i32
        %get3A_2899 = arith.constant 2 : i32
        %get3A_2900 = arith.index_cast %rem3A_508 : i32 to index
        %get3A_2901 = arith.index_cast %get3A_2899 : i32 to index
        %get3A_2902 = arith.index_cast %add3A_2898 : i32 to index
        %get3A_2903 = tpu.vector_load %arg4[%get3A_2900, %get3A_2901, %get3A_2902] {strides = array<i32>} : memref<2x6x2184xf32, #tpu.memory_space<vmem>>, vector<16xf32>,
        %pack3A_2904 = tpu.pack_subelements %get3A_2896, %get3A_2903 {pack_format = #tpu.pack_format<interleaved>, positions = array<i32: 0, 1>} : vector<16xf32>, vector<16xf32> -> vector<32xbf16>
        %bitcast3A_2905 = vector.bitcast %pack3A_2904 : vector<32xbf16> to vector<16xf32>
        %add3A_2906 = arith.constant 0 : i32
        %add3A_2907 = vector.broadcast %add3A_2906 : i32 to vector<16xi32>
        %add3A_2908 = arith.addi %broadcast_in_dim3A_2885, %add3A_2907 : vector<16xi32>
        tpu.vector_store_idx %arg5[%broadcast_in_dim3A, %add3A_2787, %add3A_2908], %bitcast3A_2905 : memref<2x2048x16xf32, #tpu.memory_space<vmem>>[vector<16xi32>, vector<16xi32>, vector<16xi32>], vector<16xf32>,
        %add3A_2909 = arith.constant 1 : i32
        %add3A_2910 = arith.addi %scan3A_1005, %add3A_2909 : i32
        %mul3A_2911 = arith.constant 128 : i32
        %mul3A_2912 = arith.muli %add3A_2910, %mul3A_2911 : i32
        %add3A_2913 = arith.constant 96 : i32
        %add3A_2914 = arith.addi %mul3A_2912, %add3A_2913 : i32
        %get3A_2915 = arith.constant 2 : i32
        %get3A_2916 = arith.index_cast %rem3A_508 : i32 to index
        %get3A_2917 = arith.index_cast %get3A_2915 : i32 to index
        %get3A_2918 = arith.index_cast %add3A_2914 : i32 to index
        %get3A_2919 = tpu.vector_load %arg4[%get3A_2916, %get3A_2917, %get3A_2918] {strides = array<i32>} : memref<2x6x2184xf32, #tpu.memory_space<vmem>>, vector<16xf32>,
        %add3A_2920 = arith.constant 1 : i32
        %add3A_2921 = arith.addi %add3A_2914, %add3A_2920 : i32
        %get3A_2922 = arith.constant 2 : i32
        %get3A_2923 = arith.index_cast %rem3A_508 : i32 to index
        %get3A_2924 = arith.index_cast %get3A_2922 : i32 to index
        %get3A_2925 = arith.index_cast %add3A_2921 : i32 to index
        %get3A_2926 = tpu.vector_load %arg4[%get3A_2923, %get3A_2924, %get3A_2925] {strides = array<i32>} : memref<2x6x2184xf32, #tpu.memory_space<vmem>>, vector<16xf32>,
        %pack3A_2927 = tpu.pack_subelements %get3A_2919, %get3A_2926 {pack_format = #tpu.pack_format<interleaved>, positions = array<i32: 0, 1>} : vector<16xf32>, vector<16xf32> -> vector<32xbf16>
        %bitcast3A_2928 = vector.bitcast %pack3A_2927 : vector<32xbf16> to vector<16xf32>
        %add3A_2929 = arith.constant 3 : i32
        %add3A_2930 = vector.broadcast %add3A_2929 : i32 to vector<16xi32>
        %add3A_2931 = arith.addi %broadcast_in_dim3A_2885, %add3A_2930 : vector<16xi32>
        tpu.vector_store_idx %arg5[%broadcast_in_dim3A, %add3A_2787, %add3A_2931], %bitcast3A_2928 : memref<2x2048x16xf32, #tpu.memory_space<vmem>>[vector<16xi32>, vector<16xi32>, vector<16xi32>], vector<16xf32>,
        %broadcast_in_dim3A_2932 = arith.constant 6 : i32
        %broadcast_in_dim3A_2933 = vector.broadcast %broadcast_in_dim3A_2932 : i32 to vector<16xi32>
        %add3A_2934 = arith.constant 0 : i32
        %add3A_2935 = arith.addi %scan3A_1005, %add3A_2934 : i32
        %mul3A_2936 = arith.constant 128 : i32
        %mul3A_2937 = arith.muli %add3A_2935, %mul3A_2936 : i32
        %add3A_2938 = arith.constant 96 : i32
        %add3A_2939 = arith.addi %mul3A_2937, %add3A_2938 : i32
        %get3A_2940 = arith.constant 3 : i32
        %get3A_2941 = arith.index_cast %rem3A_508 : i32 to index
        %get3A_2942 = arith.index_cast %get3A_2940 : i32 to index
        %get3A_2943 = arith.index_cast %add3A_2939 : i32 to index
        %get3A_2944 = tpu.vector_load %arg4[%get3A_2941, %get3A_2942, %get3A_2943] {strides = array<i32>} : memref<2x6x2184xf32, #tpu.memory_space<vmem>>, vector<16xf32>,
        %add3A_2945 = arith.constant 1 : i32
        %add3A_2946 = arith.addi %add3A_2939, %add3A_2945 : i32
        %get3A_2947 = arith.constant 3 : i32
        %get3A_2948 = arith.index_cast %rem3A_508 : i32 to index
        %get3A_2949 = arith.index_cast %get3A_2947 : i32 to index
        %get3A_2950 = arith.index_cast %add3A_2946 : i32 to index
        %get3A_2951 = tpu.vector_load %arg4[%get3A_2948, %get3A_2949, %get3A_2950] {strides = array<i32>} : memref<2x6x2184xf32, #tpu.memory_space<vmem>>, vector<16xf32>,
        %pack3A_2952 = tpu.pack_subelements %get3A_2944, %get3A_2951 {pack_format = #tpu.pack_format<interleaved>, positions = array<i32: 0, 1>} : vector<16xf32>, vector<16xf32> -> vector<32xbf16>
        %bitcast3A_2953 = vector.bitcast %pack3A_2952 : vector<32xbf16> to vector<16xf32>
        %add3A_2954 = arith.constant 0 : i32
        %add3A_2955 = vector.broadcast %add3A_2954 : i32 to vector<16xi32>
        %add3A_2956 = arith.addi %broadcast_in_dim3A_2933, %add3A_2955 : vector<16xi32>
        tpu.vector_store_idx %arg5[%broadcast_in_dim3A, %add3A_2787, %add3A_2956], %bitcast3A_2953 : memref<2x2048x16xf32, #tpu.memory_space<vmem>>[vector<16xi32>, vector<16xi32>, vector<16xi32>], vector<16xf32>,
        %add3A_2957 = arith.constant 1 : i32
        %add3A_2958 = arith.addi %scan3A_1005, %add3A_2957 : i32
        %mul3A_2959 = arith.constant 128 : i32
        %mul3A_2960 = arith.muli %add3A_2958, %mul3A_2959 : i32
        %add3A_2961 = arith.constant 96 : i32
        %add3A_2962 = arith.addi %mul3A_2960, %add3A_2961 : i32
        %get3A_2963 = arith.constant 3 : i32
        %get3A_2964 = arith.index_cast %rem3A_508 : i32 to index
        %get3A_2965 = arith.index_cast %get3A_2963 : i32 to index
        %get3A_2966 = arith.index_cast %add3A_2962 : i32 to index
        %get3A_2967 = tpu.vector_load %arg4[%get3A_2964, %get3A_2965, %get3A_2966] {strides = array<i32>} : memref<2x6x2184xf32, #tpu.memory_space<vmem>>, vector<16xf32>,
        %add3A_2968 = arith.constant 1 : i32
        %add3A_2969 = arith.addi %add3A_2962, %add3A_2968 : i32
        %get3A_2970 = arith.constant 3 : i32
        %get3A_2971 = arith.index_cast %rem3A_508 : i32 to index
        %get3A_2972 = arith.index_cast %get3A_2970 : i32 to index
        %get3A_2973 = arith.index_cast %add3A_2969 : i32 to index
        %get3A_2974 = tpu.vector_load %arg4[%get3A_2971, %get3A_2972, %get3A_2973] {strides = array<i32>} : memref<2x6x2184xf32, #tpu.memory_space<vmem>>, vector<16xf32>,
        %pack3A_2975 = tpu.pack_subelements %get3A_2967, %get3A_2974 {pack_format = #tpu.pack_format<interleaved>, positions = array<i32: 0, 1>} : vector<16xf32>, vector<16xf32> -> vector<32xbf16>
        %bitcast3A_2976 = vector.bitcast %pack3A_2975 : vector<32xbf16> to vector<16xf32>
        %add3A_2977 = arith.constant 3 : i32
        %add3A_2978 = vector.broadcast %add3A_2977 : i32 to vector<16xi32>
        %add3A_2979 = arith.addi %broadcast_in_dim3A_2933, %add3A_2978 : vector<16xi32>
        tpu.vector_store_idx %arg5[%broadcast_in_dim3A, %add3A_2787, %add3A_2979], %bitcast3A_2976 : memref<2x2048x16xf32, #tpu.memory_space<vmem>>[vector<16xi32>, vector<16xi32>, vector<16xi32>], vector<16xf32>,
        %broadcast_in_dim3A_2980 = arith.constant 7 : i32
        %broadcast_in_dim3A_2981 = vector.broadcast %broadcast_in_dim3A_2980 : i32 to vector<16xi32>
        %add3A_2982 = arith.constant 0 : i32
        %add3A_2983 = arith.addi %scan3A_1005, %add3A_2982 : i32
        %mul3A_2984 = arith.constant 128 : i32
        %mul3A_2985 = arith.muli %add3A_2983, %mul3A_2984 : i32
        %add3A_2986 = arith.constant 96 : i32
        %add3A_2987 = arith.addi %mul3A_2985, %add3A_2986 : i32
        %get3A_2988 = arith.constant 4 : i32
        %get3A_2989 = arith.index_cast %rem3A_508 : i32 to index
        %get3A_2990 = arith.index_cast %get3A_2988 : i32 to index
        %get3A_2991 = arith.index_cast %add3A_2987 : i32 to index
        %get3A_2992 = tpu.vector_load %arg4[%get3A_2989, %get3A_2990, %get3A_2991] {strides = array<i32>} : memref<2x6x2184xf32, #tpu.memory_space<vmem>>, vector<16xf32>,
        %add3A_2993 = arith.constant 1 : i32
        %add3A_2994 = arith.addi %add3A_2987, %add3A_2993 : i32
        %get3A_2995 = arith.constant 4 : i32
        %get3A_2996 = arith.index_cast %rem3A_508 : i32 to index
        %get3A_2997 = arith.index_cast %get3A_2995 : i32 to index
        %get3A_2998 = arith.index_cast %add3A_2994 : i32 to index
        %get3A_2999 = tpu.vector_load %arg4[%get3A_2996, %get3A_2997, %get3A_2998] {strides = array<i32>} : memref<2x6x2184xf32, #tpu.memory_space<vmem>>, vector<16xf32>,
        %pack3A_3000 = tpu.pack_subelements %get3A_2992, %get3A_2999 {pack_format = #tpu.pack_format<interleaved>, positions = array<i32: 0, 1>} : vector<16xf32>, vector<16xf32> -> vector<32xbf16>
        %bitcast3A_3001 = vector.bitcast %pack3A_3000 : vector<32xbf16> to vector<16xf32>
        %add3A_3002 = arith.constant 0 : i32
        %add3A_3003 = vector.broadcast %add3A_3002 : i32 to vector<16xi32>
        %add3A_3004 = arith.addi %broadcast_in_dim3A_2981, %add3A_3003 : vector<16xi32>
        tpu.vector_store_idx %arg5[%broadcast_in_dim3A, %add3A_2787, %add3A_3004], %bitcast3A_3001 : memref<2x2048x16xf32, #tpu.memory_space<vmem>>[vector<16xi32>, vector<16xi32>, vector<16xi32>], vector<16xf32>,
        %add3A_3005 = arith.constant 1 : i32
        %add3A_3006 = arith.addi %scan3A_1005, %add3A_3005 : i32
        %mul3A_3007 = arith.constant 128 : i32
        %mul3A_3008 = arith.muli %add3A_3006, %mul3A_3007 : i32
        %add3A_3009 = arith.constant 96 : i32
        %add3A_3010 = arith.addi %mul3A_3008, %add3A_3009 : i32
        %get3A_3011 = arith.constant 4 : i32
        %get3A_3012 = arith.index_cast %rem3A_508 : i32 to index
        %get3A_3013 = arith.index_cast %get3A_3011 : i32 to index
        %get3A_3014 = arith.index_cast %add3A_3010 : i32 to index
        %get3A_3015 = tpu.vector_load %arg4[%get3A_3012, %get3A_3013, %get3A_3014] {strides = array<i32>} : memref<2x6x2184xf32, #tpu.memory_space<vmem>>, vector<16xf32>,
        %add3A_3016 = arith.constant 1 : i32
        %add3A_3017 = arith.addi %add3A_3010, %add3A_3016 : i32
        %get3A_3018 = arith.constant 4 : i32
        %get3A_3019 = arith.index_cast %rem3A_508 : i32 to index
        %get3A_3020 = arith.index_cast %get3A_3018 : i32 to index
        %get3A_3021 = arith.index_cast %add3A_3017 : i32 to index
        %get3A_3022 = tpu.vector_load %arg4[%get3A_3019, %get3A_3020, %get3A_3021] {strides = array<i32>} : memref<2x6x2184xf32, #tpu.memory_space<vmem>>, vector<16xf32>,
        %pack3A_3023 = tpu.pack_subelements %get3A_3015, %get3A_3022 {pack_format = #tpu.pack_format<interleaved>, positions = array<i32: 0, 1>} : vector<16xf32>, vector<16xf32> -> vector<32xbf16>
        %bitcast3A_3024 = vector.bitcast %pack3A_3023 : vector<32xbf16> to vector<16xf32>
        %add3A_3025 = arith.constant 3 : i32
        %add3A_3026 = vector.broadcast %add3A_3025 : i32 to vector<16xi32>
        %add3A_3027 = arith.addi %broadcast_in_dim3A_2981, %add3A_3026 : vector<16xi32>
        tpu.vector_store_idx %arg5[%broadcast_in_dim3A, %add3A_2787, %add3A_3027], %bitcast3A_3024 : memref<2x2048x16xf32, #tpu.memory_space<vmem>>[vector<16xi32>, vector<16xi32>, vector<16xi32>], vector<16xf32>,
        %broadcast_in_dim3A_3028 = arith.constant 8 : i32
        %broadcast_in_dim3A_3029 = vector.broadcast %broadcast_in_dim3A_3028 : i32 to vector<16xi32>
        %add3A_3030 = arith.constant 0 : i32
        %add3A_3031 = arith.addi %scan3A_1005, %add3A_3030 : i32
        %mul3A_3032 = arith.constant 128 : i32
        %mul3A_3033 = arith.muli %add3A_3031, %mul3A_3032 : i32
        %add3A_3034 = arith.constant 96 : i32
        %add3A_3035 = arith.addi %mul3A_3033, %add3A_3034 : i32
        %get3A_3036 = arith.constant 5 : i32
        %get3A_3037 = arith.index_cast %rem3A_508 : i32 to index
        %get3A_3038 = arith.index_cast %get3A_3036 : i32 to index
        %get3A_3039 = arith.index_cast %add3A_3035 : i32 to index
        %get3A_3040 = tpu.vector_load %arg4[%get3A_3037, %get3A_3038, %get3A_3039] {strides = array<i32>} : memref<2x6x2184xf32, #tpu.memory_space<vmem>>, vector<16xf32>,
        %add3A_3041 = arith.constant 1 : i32
        %add3A_3042 = arith.addi %add3A_3035, %add3A_3041 : i32
        %get3A_3043 = arith.constant 5 : i32
        %get3A_3044 = arith.index_cast %rem3A_508 : i32 to index
        %get3A_3045 = arith.index_cast %get3A_3043 : i32 to index
        %get3A_3046 = arith.index_cast %add3A_3042 : i32 to index
        %get3A_3047 = tpu.vector_load %arg4[%get3A_3044, %get3A_3045, %get3A_3046] {strides = array<i32>} : memref<2x6x2184xf32, #tpu.memory_space<vmem>>, vector<16xf32>,
        %pack3A_3048 = tpu.pack_subelements %get3A_3040, %get3A_3047 {pack_format = #tpu.pack_format<interleaved>, positions = array<i32: 0, 1>} : vector<16xf32>, vector<16xf32> -> vector<32xbf16>
        %bitcast3A_3049 = vector.bitcast %pack3A_3048 : vector<32xbf16> to vector<16xf32>
        %add3A_3050 = arith.constant 0 : i32
        %add3A_3051 = vector.broadcast %add3A_3050 : i32 to vector<16xi32>
        %add3A_3052 = arith.addi %broadcast_in_dim3A_3029, %add3A_3051 : vector<16xi32>
        tpu.vector_store_idx %arg5[%broadcast_in_dim3A, %add3A_2787, %add3A_3052], %bitcast3A_3049 : memref<2x2048x16xf32, #tpu.memory_space<vmem>>[vector<16xi32>, vector<16xi32>, vector<16xi32>], vector<16xf32>,
        %add3A_3053 = arith.constant 1 : i32
        %add3A_3054 = arith.addi %scan3A_1005, %add3A_3053 : i32
        %mul3A_3055 = arith.constant 128 : i32
        %mul3A_3056 = arith.muli %add3A_3054, %mul3A_3055 : i32
        %add3A_3057 = arith.constant 96 : i32
        %add3A_3058 = arith.addi %mul3A_3056, %add3A_3057 : i32
        %get3A_3059 = arith.constant 5 : i32
        %get3A_3060 = arith.index_cast %rem3A_508 : i32 to index
        %get3A_3061 = arith.index_cast %get3A_3059 : i32 to index
        %get3A_3062 = arith.index_cast %add3A_3058 : i32 to index
        %get3A_3063 = tpu.vector_load %arg4[%get3A_3060, %get3A_3061, %get3A_3062] {strides = array<i32>} : memref<2x6x2184xf32, #tpu.memory_space<vmem>>, vector<16xf32>,
        %add3A_3064 = arith.constant 1 : i32
        %add3A_3065 = arith.addi %add3A_3058, %add3A_3064 : i32
        %get3A_3066 = arith.constant 5 : i32
        %get3A_3067 = arith.index_cast %rem3A_508 : i32 to index
        %get3A_3068 = arith.index_cast %get3A_3066 : i32 to index
        %get3A_3069 = arith.index_cast %add3A_3065 : i32 to index
        %get3A_3070 = tpu.vector_load %arg4[%get3A_3067, %get3A_3068, %get3A_3069] {strides = array<i32>} : memref<2x6x2184xf32, #tpu.memory_space<vmem>>, vector<16xf32>,
        %pack3A_3071 = tpu.pack_subelements %get3A_3063, %get3A_3070 {pack_format = #tpu.pack_format<interleaved>, positions = array<i32: 0, 1>} : vector<16xf32>, vector<16xf32> -> vector<32xbf16>
        %bitcast3A_3072 = vector.bitcast %pack3A_3071 : vector<32xbf16> to vector<16xf32>
        %add3A_3073 = arith.constant 3 : i32
        %add3A_3074 = vector.broadcast %add3A_3073 : i32 to vector<16xi32>
        %add3A_3075 = arith.addi %broadcast_in_dim3A_3029, %add3A_3074 : vector<16xi32>
        tpu.vector_store_idx %arg5[%broadcast_in_dim3A, %add3A_2787, %add3A_3075], %bitcast3A_3072 : memref<2x2048x16xf32, #tpu.memory_space<vmem>>[vector<16xi32>, vector<16xi32>, vector<16xi32>], vector<16xf32>,
        %mul3A_3076 = arith.constant 8 : i32
        %mul3A_3077 = arith.muli %scan3A_1005, %mul3A_3076 : i32
        %add3A_3078 = arith.constant 7 : i32
        %add3A_3079 = arith.addi %mul3A_3077, %add3A_3078 : i32
        %mul3A_3080 = arith.constant 16 : i32
        %mul3A_3081 = arith.muli %add3A_3079, %mul3A_3080 : i32
        %add3A_3082 = vector.broadcast %mul3A_3081 : i32 to vector<16xi32>
        %add3A_3083 = arith.addi %add3A_3082, %iota3A : vector<16xi32>
        %broadcast_in_dim3A_3084 = arith.constant 0 : i32
        %broadcast_in_dim3A_3085 = vector.broadcast %broadcast_in_dim3A_3084 : i32 to vector<16xi32>
        %add3A_3086 = arith.constant 0 : i32
        %add3A_3087 = arith.addi %scan3A_1005, %add3A_3086 : i32
        %mul3A_3088 = arith.constant 128 : i32
        %mul3A_3089 = arith.muli %add3A_3087, %mul3A_3088 : i32
        %add3A_3090 = arith.constant 112 : i32
        %add3A_3091 = arith.addi %mul3A_3089, %add3A_3090 : i32
        %get3A_3092 = arith.constant 0 : i32
        %get3A_3093 = arith.index_cast %rem3A_508 : i32 to index
        %get3A_3094 = arith.index_cast %get3A_3092 : i32 to index
        %get3A_3095 = arith.index_cast %add3A_3091 : i32 to index
        %get3A_3096 = tpu.vector_load %arg4[%get3A_3093, %get3A_3094, %get3A_3095] {strides = array<i32>} : memref<2x6x2184xf32, #tpu.memory_space<vmem>>, vector<16xf32>,
        %add3A_3097 = arith.constant 1 : i32
        %add3A_3098 = arith.addi %add3A_3091, %add3A_3097 : i32
        %get3A_3099 = arith.constant 0 : i32
        %get3A_3100 = arith.index_cast %rem3A_508 : i32 to index
        %get3A_3101 = arith.index_cast %get3A_3099 : i32 to index
        %get3A_3102 = arith.index_cast %add3A_3098 : i32 to index
        %get3A_3103 = tpu.vector_load %arg4[%get3A_3100, %get3A_3101, %get3A_3102] {strides = array<i32>} : memref<2x6x2184xf32, #tpu.memory_space<vmem>>, vector<16xf32>,
        %pack3A_3104 = tpu.pack_subelements %get3A_3096, %get3A_3103 {pack_format = #tpu.pack_format<interleaved>, positions = array<i32: 0, 1>} : vector<16xf32>, vector<16xf32> -> vector<32xbf16>
        %bitcast3A_3105 = vector.bitcast %pack3A_3104 : vector<32xbf16> to vector<16xf32>
        %add3A_3106 = arith.constant 0 : i32
        %add3A_3107 = vector.broadcast %add3A_3106 : i32 to vector<16xi32>
        %add3A_3108 = arith.addi %broadcast_in_dim3A_3085, %add3A_3107 : vector<16xi32>
        tpu.vector_store_idx %arg5[%broadcast_in_dim3A, %add3A_3083, %add3A_3108], %bitcast3A_3105 : memref<2x2048x16xf32, #tpu.memory_space<vmem>>[vector<16xi32>, vector<16xi32>, vector<16xi32>], vector<16xf32>,
        %add3A_3109 = arith.constant 1 : i32
        %add3A_3110 = arith.addi %scan3A_1005, %add3A_3109 : i32
        %mul3A_3111 = arith.constant 128 : i32
        %mul3A_3112 = arith.muli %add3A_3110, %mul3A_3111 : i32
        %add3A_3113 = arith.constant 112 : i32
        %add3A_3114 = arith.addi %mul3A_3112, %add3A_3113 : i32
        %get3A_3115 = arith.constant 0 : i32
        %get3A_3116 = arith.index_cast %rem3A_508 : i32 to index
        %get3A_3117 = arith.index_cast %get3A_3115 : i32 to index
        %get3A_3118 = arith.index_cast %add3A_3114 : i32 to index
        %get3A_3119 = tpu.vector_load %arg4[%get3A_3116, %get3A_3117, %get3A_3118] {strides = array<i32>} : memref<2x6x2184xf32, #tpu.memory_space<vmem>>, vector<16xf32>,
        %add3A_3120 = arith.constant 1 : i32
        %add3A_3121 = arith.addi %add3A_3114, %add3A_3120 : i32
        %get3A_3122 = arith.constant 0 : i32
        %get3A_3123 = arith.index_cast %rem3A_508 : i32 to index
        %get3A_3124 = arith.index_cast %get3A_3122 : i32 to index
        %get3A_3125 = arith.index_cast %add3A_3121 : i32 to index
        %get3A_3126 = tpu.vector_load %arg4[%get3A_3123, %get3A_3124, %get3A_3125] {strides = array<i32>} : memref<2x6x2184xf32, #tpu.memory_space<vmem>>, vector<16xf32>,
        %pack3A_3127 = tpu.pack_subelements %get3A_3119, %get3A_3126 {pack_format = #tpu.pack_format<interleaved>, positions = array<i32: 0, 1>} : vector<16xf32>, vector<16xf32> -> vector<32xbf16>
        %bitcast3A_3128 = vector.bitcast %pack3A_3127 : vector<32xbf16> to vector<16xf32>
        %add3A_3129 = arith.constant 3 : i32
        %add3A_3130 = vector.broadcast %add3A_3129 : i32 to vector<16xi32>
        %add3A_3131 = arith.addi %broadcast_in_dim3A_3085, %add3A_3130 : vector<16xi32>
        tpu.vector_store_idx %arg5[%broadcast_in_dim3A, %add3A_3083, %add3A_3131], %bitcast3A_3128 : memref<2x2048x16xf32, #tpu.memory_space<vmem>>[vector<16xi32>, vector<16xi32>, vector<16xi32>], vector<16xf32>,
        %broadcast_in_dim3A_3132 = arith.constant 1 : i32
        %broadcast_in_dim3A_3133 = vector.broadcast %broadcast_in_dim3A_3132 : i32 to vector<16xi32>
        %add3A_3134 = arith.constant 0 : i32
        %add3A_3135 = arith.addi %scan3A_1005, %add3A_3134 : i32
        %mul3A_3136 = arith.constant 128 : i32
        %mul3A_3137 = arith.muli %add3A_3135, %mul3A_3136 : i32
        %add3A_3138 = arith.constant 112 : i32
        %add3A_3139 = arith.addi %mul3A_3137, %add3A_3138 : i32
        %get3A_3140 = arith.constant 1 : i32
        %get3A_3141 = arith.index_cast %rem3A_508 : i32 to index
        %get3A_3142 = arith.index_cast %get3A_3140 : i32 to index
        %get3A_3143 = arith.index_cast %add3A_3139 : i32 to index
        %get3A_3144 = tpu.vector_load %arg4[%get3A_3141, %get3A_3142, %get3A_3143] {strides = array<i32>} : memref<2x6x2184xf32, #tpu.memory_space<vmem>>, vector<16xf32>,
        %add3A_3145 = arith.constant 1 : i32
        %add3A_3146 = arith.addi %add3A_3139, %add3A_3145 : i32
        %get3A_3147 = arith.constant 1 : i32
        %get3A_3148 = arith.index_cast %rem3A_508 : i32 to index
        %get3A_3149 = arith.index_cast %get3A_3147 : i32 to index
        %get3A_3150 = arith.index_cast %add3A_3146 : i32 to index
        %get3A_3151 = tpu.vector_load %arg4[%get3A_3148, %get3A_3149, %get3A_3150] {strides = array<i32>} : memref<2x6x2184xf32, #tpu.memory_space<vmem>>, vector<16xf32>,
        %pack3A_3152 = tpu.pack_subelements %get3A_3144, %get3A_3151 {pack_format = #tpu.pack_format<interleaved>, positions = array<i32: 0, 1>} : vector<16xf32>, vector<16xf32> -> vector<32xbf16>
        %bitcast3A_3153 = vector.bitcast %pack3A_3152 : vector<32xbf16> to vector<16xf32>
        %add3A_3154 = arith.constant 0 : i32
        %add3A_3155 = vector.broadcast %add3A_3154 : i32 to vector<16xi32>
        %add3A_3156 = arith.addi %broadcast_in_dim3A_3133, %add3A_3155 : vector<16xi32>
        tpu.vector_store_idx %arg5[%broadcast_in_dim3A, %add3A_3083, %add3A_3156], %bitcast3A_3153 : memref<2x2048x16xf32, #tpu.memory_space<vmem>>[vector<16xi32>, vector<16xi32>, vector<16xi32>], vector<16xf32>,
        %add3A_3157 = arith.constant 1 : i32
        %add3A_3158 = arith.addi %scan3A_1005, %add3A_3157 : i32
        %mul3A_3159 = arith.constant 128 : i32
        %mul3A_3160 = arith.muli %add3A_3158, %mul3A_3159 : i32
        %add3A_3161 = arith.constant 112 : i32
        %add3A_3162 = arith.addi %mul3A_3160, %add3A_3161 : i32
        %get3A_3163 = arith.constant 1 : i32
        %get3A_3164 = arith.index_cast %rem3A_508 : i32 to index
        %get3A_3165 = arith.index_cast %get3A_3163 : i32 to index
        %get3A_3166 = arith.index_cast %add3A_3162 : i32 to index
        %get3A_3167 = tpu.vector_load %arg4[%get3A_3164, %get3A_3165, %get3A_3166] {strides = array<i32>} : memref<2x6x2184xf32, #tpu.memory_space<vmem>>, vector<16xf32>,
        %add3A_3168 = arith.constant 1 : i32
        %add3A_3169 = arith.addi %add3A_3162, %add3A_3168 : i32
        %get3A_3170 = arith.constant 1 : i32
        %get3A_3171 = arith.index_cast %rem3A_508 : i32 to index
        %get3A_3172 = arith.index_cast %get3A_3170 : i32 to index
        %get3A_3173 = arith.index_cast %add3A_3169 : i32 to index
        %get3A_3174 = tpu.vector_load %arg4[%get3A_3171, %get3A_3172, %get3A_3173] {strides = array<i32>} : memref<2x6x2184xf32, #tpu.memory_space<vmem>>, vector<16xf32>,
        %pack3A_3175 = tpu.pack_subelements %get3A_3167, %get3A_3174 {pack_format = #tpu.pack_format<interleaved>, positions = array<i32: 0, 1>} : vector<16xf32>, vector<16xf32> -> vector<32xbf16>
        %bitcast3A_3176 = vector.bitcast %pack3A_3175 : vector<32xbf16> to vector<16xf32>
        %add3A_3177 = arith.constant 3 : i32
        %add3A_3178 = vector.broadcast %add3A_3177 : i32 to vector<16xi32>
        %add3A_3179 = arith.addi %broadcast_in_dim3A_3133, %add3A_3178 : vector<16xi32>
        tpu.vector_store_idx %arg5[%broadcast_in_dim3A, %add3A_3083, %add3A_3179], %bitcast3A_3176 : memref<2x2048x16xf32, #tpu.memory_space<vmem>>[vector<16xi32>, vector<16xi32>, vector<16xi32>], vector<16xf32>,
        %broadcast_in_dim3A_3180 = arith.constant 2 : i32
        %broadcast_in_dim3A_3181 = vector.broadcast %broadcast_in_dim3A_3180 : i32 to vector<16xi32>
        %add3A_3182 = arith.constant 0 : i32
        %add3A_3183 = arith.addi %scan3A_1005, %add3A_3182 : i32
        %mul3A_3184 = arith.constant 128 : i32
        %mul3A_3185 = arith.muli %add3A_3183, %mul3A_3184 : i32
        %add3A_3186 = arith.constant 112 : i32
        %add3A_3187 = arith.addi %mul3A_3185, %add3A_3186 : i32
        %get3A_3188 = arith.constant 2 : i32
        %get3A_3189 = arith.index_cast %rem3A_508 : i32 to index
        %get3A_3190 = arith.index_cast %get3A_3188 : i32 to index
        %get3A_3191 = arith.index_cast %add3A_3187 : i32 to index
        %get3A_3192 = tpu.vector_load %arg4[%get3A_3189, %get3A_3190, %get3A_3191] {strides = array<i32>} : memref<2x6x2184xf32, #tpu.memory_space<vmem>>, vector<16xf32>,
        %add3A_3193 = arith.constant 1 : i32
        %add3A_3194 = arith.addi %add3A_3187, %add3A_3193 : i32
        %get3A_3195 = arith.constant 2 : i32
        %get3A_3196 = arith.index_cast %rem3A_508 : i32 to index
        %get3A_3197 = arith.index_cast %get3A_3195 : i32 to index
        %get3A_3198 = arith.index_cast %add3A_3194 : i32 to index
        %get3A_3199 = tpu.vector_load %arg4[%get3A_3196, %get3A_3197, %get3A_3198] {strides = array<i32>} : memref<2x6x2184xf32, #tpu.memory_space<vmem>>, vector<16xf32>,
        %pack3A_3200 = tpu.pack_subelements %get3A_3192, %get3A_3199 {pack_format = #tpu.pack_format<interleaved>, positions = array<i32: 0, 1>} : vector<16xf32>, vector<16xf32> -> vector<32xbf16>
        %bitcast3A_3201 = vector.bitcast %pack3A_3200 : vector<32xbf16> to vector<16xf32>
        %add3A_3202 = arith.constant 0 : i32
        %add3A_3203 = vector.broadcast %add3A_3202 : i32 to vector<16xi32>
        %add3A_3204 = arith.addi %broadcast_in_dim3A_3181, %add3A_3203 : vector<16xi32>
        tpu.vector_store_idx %arg5[%broadcast_in_dim3A, %add3A_3083, %add3A_3204], %bitcast3A_3201 : memref<2x2048x16xf32, #tpu.memory_space<vmem>>[vector<16xi32>, vector<16xi32>, vector<16xi32>], vector<16xf32>,
        %add3A_3205 = arith.constant 1 : i32
        %add3A_3206 = arith.addi %scan3A_1005, %add3A_3205 : i32
        %mul3A_3207 = arith.constant 128 : i32
        %mul3A_3208 = arith.muli %add3A_3206, %mul3A_3207 : i32
        %add3A_3209 = arith.constant 112 : i32
        %add3A_3210 = arith.addi %mul3A_3208, %add3A_3209 : i32
        %get3A_3211 = arith.constant 2 : i32
        %get3A_3212 = arith.index_cast %rem3A_508 : i32 to index
        %get3A_3213 = arith.index_cast %get3A_3211 : i32 to index
        %get3A_3214 = arith.index_cast %add3A_3210 : i32 to index
        %get3A_3215 = tpu.vector_load %arg4[%get3A_3212, %get3A_3213, %get3A_3214] {strides = array<i32>} : memref<2x6x2184xf32, #tpu.memory_space<vmem>>, vector<16xf32>,
        %add3A_3216 = arith.constant 1 : i32
        %add3A_3217 = arith.addi %add3A_3210, %add3A_3216 : i32
        %get3A_3218 = arith.constant 2 : i32
        %get3A_3219 = arith.index_cast %rem3A_508 : i32 to index
        %get3A_3220 = arith.index_cast %get3A_3218 : i32 to index
        %get3A_3221 = arith.index_cast %add3A_3217 : i32 to index
        %get3A_3222 = tpu.vector_load %arg4[%get3A_3219, %get3A_3220, %get3A_3221] {strides = array<i32>} : memref<2x6x2184xf32, #tpu.memory_space<vmem>>, vector<16xf32>,
        %pack3A_3223 = tpu.pack_subelements %get3A_3215, %get3A_3222 {pack_format = #tpu.pack_format<interleaved>, positions = array<i32: 0, 1>} : vector<16xf32>, vector<16xf32> -> vector<32xbf16>
        %bitcast3A_3224 = vector.bitcast %pack3A_3223 : vector<32xbf16> to vector<16xf32>
        %add3A_3225 = arith.constant 3 : i32
        %add3A_3226 = vector.broadcast %add3A_3225 : i32 to vector<16xi32>
        %add3A_3227 = arith.addi %broadcast_in_dim3A_3181, %add3A_3226 : vector<16xi32>
        tpu.vector_store_idx %arg5[%broadcast_in_dim3A, %add3A_3083, %add3A_3227], %bitcast3A_3224 : memref<2x2048x16xf32, #tpu.memory_space<vmem>>[vector<16xi32>, vector<16xi32>, vector<16xi32>], vector<16xf32>,
        %broadcast_in_dim3A_3228 = arith.constant 6 : i32
        %broadcast_in_dim3A_3229 = vector.broadcast %broadcast_in_dim3A_3228 : i32 to vector<16xi32>
        %add3A_3230 = arith.constant 0 : i32
        %add3A_3231 = arith.addi %scan3A_1005, %add3A_3230 : i32
        %mul3A_3232 = arith.constant 128 : i32
        %mul3A_3233 = arith.muli %add3A_3231, %mul3A_3232 : i32
        %add3A_3234 = arith.constant 112 : i32
        %add3A_3235 = arith.addi %mul3A_3233, %add3A_3234 : i32
        %get3A_3236 = arith.constant 3 : i32
        %get3A_3237 = arith.index_cast %rem3A_508 : i32 to index
        %get3A_3238 = arith.index_cast %get3A_3236 : i32 to index
        %get3A_3239 = arith.index_cast %add3A_3235 : i32 to index
        %get3A_3240 = tpu.vector_load %arg4[%get3A_3237, %get3A_3238, %get3A_3239] {strides = array<i32>} : memref<2x6x2184xf32, #tpu.memory_space<vmem>>, vector<16xf32>,
        %add3A_3241 = arith.constant 1 : i32
        %add3A_3242 = arith.addi %add3A_3235, %add3A_3241 : i32
        %get3A_3243 = arith.constant 3 : i32
        %get3A_3244 = arith.index_cast %rem3A_508 : i32 to index
        %get3A_3245 = arith.index_cast %get3A_3243 : i32 to index
        %get3A_3246 = arith.index_cast %add3A_3242 : i32 to index
        %get3A_3247 = tpu.vector_load %arg4[%get3A_3244, %get3A_3245, %get3A_3246] {strides = array<i32>} : memref<2x6x2184xf32, #tpu.memory_space<vmem>>, vector<16xf32>,
        %pack3A_3248 = tpu.pack_subelements %get3A_3240, %get3A_3247 {pack_format = #tpu.pack_format<interleaved>, positions = array<i32: 0, 1>} : vector<16xf32>, vector<16xf32> -> vector<32xbf16>
        %bitcast3A_3249 = vector.bitcast %pack3A_3248 : vector<32xbf16> to vector<16xf32>
        %add3A_3250 = arith.constant 0 : i32
        %add3A_3251 = vector.broadcast %add3A_3250 : i32 to vector<16xi32>
        %add3A_3252 = arith.addi %broadcast_in_dim3A_3229, %add3A_3251 : vector<16xi32>
        tpu.vector_store_idx %arg5[%broadcast_in_dim3A, %add3A_3083, %add3A_3252], %bitcast3A_3249 : memref<2x2048x16xf32, #tpu.memory_space<vmem>>[vector<16xi32>, vector<16xi32>, vector<16xi32>], vector<16xf32>,
        %add3A_3253 = arith.constant 1 : i32
        %add3A_3254 = arith.addi %scan3A_1005, %add3A_3253 : i32
        %mul3A_3255 = arith.constant 128 : i32
        %mul3A_3256 = arith.muli %add3A_3254, %mul3A_3255 : i32
        %add3A_3257 = arith.constant 112 : i32
        %add3A_3258 = arith.addi %mul3A_3256, %add3A_3257 : i32
        %get3A_3259 = arith.constant 3 : i32
        %get3A_3260 = arith.index_cast %rem3A_508 : i32 to index
        %get3A_3261 = arith.index_cast %get3A_3259 : i32 to index
        %get3A_3262 = arith.index_cast %add3A_3258 : i32 to index
        %get3A_3263 = tpu.vector_load %arg4[%get3A_3260, %get3A_3261, %get3A_3262] {strides = array<i32>} : memref<2x6x2184xf32, #tpu.memory_space<vmem>>, vector<16xf32>,
        %add3A_3264 = arith.constant 1 : i32
        %add3A_3265 = arith.addi %add3A_3258, %add3A_3264 : i32
        %get3A_3266 = arith.constant 3 : i32
        %get3A_3267 = arith.index_cast %rem3A_508 : i32 to index
        %get3A_3268 = arith.index_cast %get3A_3266 : i32 to index
        %get3A_3269 = arith.index_cast %add3A_3265 : i32 to index
        %get3A_3270 = tpu.vector_load %arg4[%get3A_3267, %get3A_3268, %get3A_3269] {strides = array<i32>} : memref<2x6x2184xf32, #tpu.memory_space<vmem>>, vector<16xf32>,
        %pack3A_3271 = tpu.pack_subelements %get3A_3263, %get3A_3270 {pack_format = #tpu.pack_format<interleaved>, positions = array<i32: 0, 1>} : vector<16xf32>, vector<16xf32> -> vector<32xbf16>
        %bitcast3A_3272 = vector.bitcast %pack3A_3271 : vector<32xbf16> to vector<16xf32>
        %add3A_3273 = arith.constant 3 : i32
        %add3A_3274 = vector.broadcast %add3A_3273 : i32 to vector<16xi32>
        %add3A_3275 = arith.addi %broadcast_in_dim3A_3229, %add3A_3274 : vector<16xi32>
        tpu.vector_store_idx %arg5[%broadcast_in_dim3A, %add3A_3083, %add3A_3275], %bitcast3A_3272 : memref<2x2048x16xf32, #tpu.memory_space<vmem>>[vector<16xi32>, vector<16xi32>, vector<16xi32>], vector<16xf32>,
        %broadcast_in_dim3A_3276 = arith.constant 7 : i32
        %broadcast_in_dim3A_3277 = vector.broadcast %broadcast_in_dim3A_3276 : i32 to vector<16xi32>
        %add3A_3278 = arith.constant 0 : i32
        %add3A_3279 = arith.addi %scan3A_1005, %add3A_3278 : i32
        %mul3A_3280 = arith.constant 128 : i32
        %mul3A_3281 = arith.muli %add3A_3279, %mul3A_3280 : i32
        %add3A_3282 = arith.constant 112 : i32
        %add3A_3283 = arith.addi %mul3A_3281, %add3A_3282 : i32
        %get3A_3284 = arith.constant 4 : i32
        %get3A_3285 = arith.index_cast %rem3A_508 : i32 to index
        %get3A_3286 = arith.index_cast %get3A_3284 : i32 to index
        %get3A_3287 = arith.index_cast %add3A_3283 : i32 to index
        %get3A_3288 = tpu.vector_load %arg4[%get3A_3285, %get3A_3286, %get3A_3287] {strides = array<i32>} : memref<2x6x2184xf32, #tpu.memory_space<vmem>>, vector<16xf32>,
        %add3A_3289 = arith.constant 1 : i32
        %add3A_3290 = arith.addi %add3A_3283, %add3A_3289 : i32
        %get3A_3291 = arith.constant 4 : i32
        %get3A_3292 = arith.index_cast %rem3A_508 : i32 to index
        %get3A_3293 = arith.index_cast %get3A_3291 : i32 to index
        %get3A_3294 = arith.index_cast %add3A_3290 : i32 to index
        %get3A_3295 = tpu.vector_load %arg4[%get3A_3292, %get3A_3293, %get3A_3294] {strides = array<i32>} : memref<2x6x2184xf32, #tpu.memory_space<vmem>>, vector<16xf32>,
        %pack3A_3296 = tpu.pack_subelements %get3A_3288, %get3A_3295 {pack_format = #tpu.pack_format<interleaved>, positions = array<i32: 0, 1>} : vector<16xf32>, vector<16xf32> -> vector<32xbf16>
        %bitcast3A_3297 = vector.bitcast %pack3A_3296 : vector<32xbf16> to vector<16xf32>
        %add3A_3298 = arith.constant 0 : i32
        %add3A_3299 = vector.broadcast %add3A_3298 : i32 to vector<16xi32>
        %add3A_3300 = arith.addi %broadcast_in_dim3A_3277, %add3A_3299 : vector<16xi32>
        tpu.vector_store_idx %arg5[%broadcast_in_dim3A, %add3A_3083, %add3A_3300], %bitcast3A_3297 : memref<2x2048x16xf32, #tpu.memory_space<vmem>>[vector<16xi32>, vector<16xi32>, vector<16xi32>], vector<16xf32>,
        %add3A_3301 = arith.constant 1 : i32
        %add3A_3302 = arith.addi %scan3A_1005, %add3A_3301 : i32
        %mul3A_3303 = arith.constant 128 : i32
        %mul3A_3304 = arith.muli %add3A_3302, %mul3A_3303 : i32
        %add3A_3305 = arith.constant 112 : i32
        %add3A_3306 = arith.addi %mul3A_3304, %add3A_3305 : i32
        %get3A_3307 = arith.constant 4 : i32
        %get3A_3308 = arith.index_cast %rem3A_508 : i32 to index
        %get3A_3309 = arith.index_cast %get3A_3307 : i32 to index
        %get3A_3310 = arith.index_cast %add3A_3306 : i32 to index
        %get3A_3311 = tpu.vector_load %arg4[%get3A_3308, %get3A_3309, %get3A_3310] {strides = array<i32>} : memref<2x6x2184xf32, #tpu.memory_space<vmem>>, vector<16xf32>,
        %add3A_3312 = arith.constant 1 : i32
        %add3A_3313 = arith.addi %add3A_3306, %add3A_3312 : i32
        %get3A_3314 = arith.constant 4 : i32
        %get3A_3315 = arith.index_cast %rem3A_508 : i32 to index
        %get3A_3316 = arith.index_cast %get3A_3314 : i32 to index
        %get3A_3317 = arith.index_cast %add3A_3313 : i32 to index
        %get3A_3318 = tpu.vector_load %arg4[%get3A_3315, %get3A_3316, %get3A_3317] {strides = array<i32>} : memref<2x6x2184xf32, #tpu.memory_space<vmem>>, vector<16xf32>,
        %pack3A_3319 = tpu.pack_subelements %get3A_3311, %get3A_3318 {pack_format = #tpu.pack_format<interleaved>, positions = array<i32: 0, 1>} : vector<16xf32>, vector<16xf32> -> vector<32xbf16>
        %bitcast3A_3320 = vector.bitcast %pack3A_3319 : vector<32xbf16> to vector<16xf32>
        %add3A_3321 = arith.constant 3 : i32
        %add3A_3322 = vector.broadcast %add3A_3321 : i32 to vector<16xi32>
        %add3A_3323 = arith.addi %broadcast_in_dim3A_3277, %add3A_3322 : vector<16xi32>
        tpu.vector_store_idx %arg5[%broadcast_in_dim3A, %add3A_3083, %add3A_3323], %bitcast3A_3320 : memref<2x2048x16xf32, #tpu.memory_space<vmem>>[vector<16xi32>, vector<16xi32>, vector<16xi32>], vector<16xf32>,
        %broadcast_in_dim3A_3324 = arith.constant 8 : i32
        %broadcast_in_dim3A_3325 = vector.broadcast %broadcast_in_dim3A_3324 : i32 to vector<16xi32>
        %add3A_3326 = arith.constant 0 : i32
        %add3A_3327 = arith.addi %scan3A_1005, %add3A_3326 : i32
        %mul3A_3328 = arith.constant 128 : i32
        %mul3A_3329 = arith.muli %add3A_3327, %mul3A_3328 : i32
        %add3A_3330 = arith.constant 112 : i32
        %add3A_3331 = arith.addi %mul3A_3329, %add3A_3330 : i32
        %get3A_3332 = arith.constant 5 : i32
        %get3A_3333 = arith.index_cast %rem3A_508 : i32 to index
        %get3A_3334 = arith.index_cast %get3A_3332 : i32 to index
        %get3A_3335 = arith.index_cast %add3A_3331 : i32 to index
        %get3A_3336 = tpu.vector_load %arg4[%get3A_3333, %get3A_3334, %get3A_3335] {strides = array<i32>} : memref<2x6x2184xf32, #tpu.memory_space<vmem>>, vector<16xf32>,
        %add3A_3337 = arith.constant 1 : i32
        %add3A_3338 = arith.addi %add3A_3331, %add3A_3337 : i32
        %get3A_3339 = arith.constant 5 : i32
        %get3A_3340 = arith.index_cast %rem3A_508 : i32 to index
        %get3A_3341 = arith.index_cast %get3A_3339 : i32 to index
        %get3A_3342 = arith.index_cast %add3A_3338 : i32 to index
        %get3A_3343 = tpu.vector_load %arg4[%get3A_3340, %get3A_3341, %get3A_3342] {strides = array<i32>} : memref<2x6x2184xf32, #tpu.memory_space<vmem>>, vector<16xf32>,
        %pack3A_3344 = tpu.pack_subelements %get3A_3336, %get3A_3343 {pack_format = #tpu.pack_format<interleaved>, positions = array<i32: 0, 1>} : vector<16xf32>, vector<16xf32> -> vector<32xbf16>
        %bitcast3A_3345 = vector.bitcast %pack3A_3344 : vector<32xbf16> to vector<16xf32>
        %add3A_3346 = arith.constant 0 : i32
        %add3A_3347 = vector.broadcast %add3A_3346 : i32 to vector<16xi32>
        %add3A_3348 = arith.addi %broadcast_in_dim3A_3325, %add3A_3347 : vector<16xi32>
        tpu.vector_store_idx %arg5[%broadcast_in_dim3A, %add3A_3083, %add3A_3348], %bitcast3A_3345 : memref<2x2048x16xf32, #tpu.memory_space<vmem>>[vector<16xi32>, vector<16xi32>, vector<16xi32>], vector<16xf32>,
        %add3A_3349 = arith.constant 1 : i32
        %add3A_3350 = arith.addi %scan3A_1005, %add3A_3349 : i32
        %mul3A_3351 = arith.constant 128 : i32
        %mul3A_3352 = arith.muli %add3A_3350, %mul3A_3351 : i32
        %add3A_3353 = arith.constant 112 : i32
        %add3A_3354 = arith.addi %mul3A_3352, %add3A_3353 : i32
        %get3A_3355 = arith.constant 5 : i32
        %get3A_3356 = arith.index_cast %rem3A_508 : i32 to index
        %get3A_3357 = arith.index_cast %get3A_3355 : i32 to index
        %get3A_3358 = arith.index_cast %add3A_3354 : i32 to index
        %get3A_3359 = tpu.vector_load %arg4[%get3A_3356, %get3A_3357, %get3A_3358] {strides = array<i32>} : memref<2x6x2184xf32, #tpu.memory_space<vmem>>, vector<16xf32>,
        %add3A_3360 = arith.constant 1 : i32
        %add3A_3361 = arith.addi %add3A_3354, %add3A_3360 : i32
        %get3A_3362 = arith.constant 5 : i32
        %get3A_3363 = arith.index_cast %rem3A_508 : i32 to index
        %get3A_3364 = arith.index_cast %get3A_3362 : i32 to index
        %get3A_3365 = arith.index_cast %add3A_3361 : i32 to index
        %get3A_3366 = tpu.vector_load %arg4[%get3A_3363, %get3A_3364, %get3A_3365] {strides = array<i32>} : memref<2x6x2184xf32, #tpu.memory_space<vmem>>, vector<16xf32>,
        %pack3A_3367 = tpu.pack_subelements %get3A_3359, %get3A_3366 {pack_format = #tpu.pack_format<interleaved>, positions = array<i32: 0, 1>} : vector<16xf32>, vector<16xf32> -> vector<32xbf16>
        %bitcast3A_3368 = vector.bitcast %pack3A_3367 : vector<32xbf16> to vector<16xf32>
        %add3A_3369 = arith.constant 3 : i32
        %add3A_3370 = vector.broadcast %add3A_3369 : i32 to vector<16xi32>
        %add3A_3371 = arith.addi %broadcast_in_dim3A_3325, %add3A_3370 : vector<16xi32>
        tpu.vector_store_idx %arg5[%broadcast_in_dim3A, %add3A_3083, %add3A_3371], %bitcast3A_3368 : memref<2x2048x16xf32, #tpu.memory_space<vmem>>[vector<16xi32>, vector<16xi32>, vector<16xi32>], vector<16xf32>,
        %scan3A_3372 = arith.constant 0 : i32
        scf.yield %scan3A_3372 : i32
      }
      %scan3A_989 = arith.constant 16 : i32
      %dma_start3A_990 = arith.constant 0 : i32
      %dma_start3A_991 = arith.constant 0 : i32
      %dma_start3A_992 = tpu.memref_slice %arg5[%rem3A_508, %dma_start3A_990, %dma_start3A_991] : memref<2x2048x16xf32, #tpu.memory_space<vmem>> -> memref<1x2048x16xf32, #tpu.memory_space<vmem>>
      %dma_start3A_993 = tpu.memref_squeeze %dma_start3A_992 : memref<1x2048x16xf32, #tpu.memory_space<vmem>> -> memref<2048x16xf32, #tpu.memory_space<vmem>>
      %dma_start3A_994 = arith.constant 0 : i32
      %dma_start3A_995 = tpu.memref_slice %arg3[%add3A_982, %dma_start3A_994] : memref<2097152x16xf32, #tpu.memory_space<hbm>> -> memref<2048x16xf32, #tpu.memory_space<hbm>>
      %dma_start3A_996 = tpu.memref_slice %arg7[%rem3A_508] : memref<2x!tpu.dma_semaphore, #tpu.memory_space<semaphore_mem>> -> memref<1x!tpu.dma_semaphore, #tpu.memory_space<semaphore_mem>>
      %dma_start3A_997 = tpu.memref_squeeze %dma_start3A_996 : memref<1x!tpu.dma_semaphore, #tpu.memory_space<semaphore_mem>> -> memref<!tpu.dma_semaphore, #tpu.memory_space<semaphore_mem>>
      %dma_start3A_998 = arith.constant 0 : i32
      %dma_start3A_999 = tpu.memref_slice %arg3[%add3A_982, %dma_start3A_998] : memref<2097152x16xf32, #tpu.memory_space<hbm>> -> memref<2048x16xf32, #tpu.memory_space<hbm>>
      %dma_start3A_1000 = arith.constant 0 : i32
      %dma_start3A_1001 = arith.constant 0 : i32
      %dma_start3A_1002 = tpu.memref_slice %arg5[%rem3A_508, %dma_start3A_1000, %dma_start3A_1001] : memref<2x2048x16xf32, #tpu.memory_space<vmem>> -> memref<1x2048x16xf32, #tpu.memory_space<vmem>>
      %dma_start3A_1003 = tpu.memref_squeeze %dma_start3A_1002 : memref<1x2048x16xf32, #tpu.memory_space<vmem>> -> memref<2048x16xf32, #tpu.memory_space<vmem>>
      tpu.enqueue_dma source(%dma_start3A_1003 : memref<2048x16xf32, #tpu.memory_space<vmem>>) target(%dma_start3A_999 : memref<2048x16xf32, #tpu.memory_space<hbm>>) target_semaphore(%dma_start3A_997 : memref<!tpu.dma_semaphore, #tpu.memory_space<semaphore_mem>>)
      %scan3A_1004 = arith.constant 0 : i32
      scf.yield %scan3A_1004 : i32
    }
    %scan3A_467 = arith.constant 32 : i32
    %rem3A_468 = arith.constant 30 : i32
    %rem3A_469 = arith.constant 2 : i32
    %rem3A_470 = arith.remsi %rem3A_468, %rem3A_469 : i32
    %add3A_471 = arith.constant 61440 : i32
    %add3A_472 = arith.addi %mul3A_2, %add3A_471 : i32
    %dma_wait3A = arith.constant 0 : i32
    %dma_wait3A_473 = arith.constant 0 : i32
    %dma_wait3A_474 = tpu.memref_slice %arg5[%rem3A_470, %dma_wait3A, %dma_wait3A_473] : memref<2x2048x16xf32, #tpu.memory_space<vmem>> -> memref<1x2048x16xf32, #tpu.memory_space<vmem>>
    %dma_wait3A_475 = tpu.memref_squeeze %dma_wait3A_474 : memref<1x2048x16xf32, #tpu.memory_space<vmem>> -> memref<2048x16xf32, #tpu.memory_space<vmem>>
    %dma_wait3A_476 = arith.constant 0 : i32
    %dma_wait3A_477 = tpu.memref_slice %arg3[%add3A_472, %dma_wait3A_476] : memref<2097152x16xf32, #tpu.memory_space<hbm>> -> memref<2048x16xf32, #tpu.memory_space<hbm>>
    %dma_wait3A_478 = tpu.memref_slice %arg7[%rem3A_470] : memref<2x!tpu.dma_semaphore, #tpu.memory_space<semaphore_mem>> -> memref<1x!tpu.dma_semaphore, #tpu.memory_space<semaphore_mem>>
    %dma_wait3A_479 = tpu.memref_squeeze %dma_wait3A_478 : memref<1x!tpu.dma_semaphore, #tpu.memory_space<semaphore_mem>> -> memref<!tpu.dma_semaphore, #tpu.memory_space<semaphore_mem>>
    %dma_wait3A_480 = arith.constant 0 : i32
    %dma_wait3A_481 = tpu.memref_slice %arg3[%add3A_472, %dma_wait3A_480] : memref<2097152x16xf32, #tpu.memory_space<hbm>> -> memref<2048x16xf32, #tpu.memory_space<hbm>>
    %dma_wait3A_482 = arith.constant 0 : i32
    %dma_wait3A_483 = arith.constant 0 : i32
    %dma_wait3A_484 = tpu.memref_slice %arg5[%rem3A_470, %dma_wait3A_482, %dma_wait3A_483] : memref<2x2048x16xf32, #tpu.memory_space<vmem>> -> memref<1x2048x16xf32, #tpu.memory_space<vmem>>
    %dma_wait3A_485 = tpu.memref_squeeze %dma_wait3A_484 : memref<1x2048x16xf32, #tpu.memory_space<vmem>> -> memref<2048x16xf32, #tpu.memory_space<vmem>>
    tpu.wait_dma2 semaphore(%dma_wait3A_479 : memref<!tpu.dma_semaphore, #tpu.memory_space<semaphore_mem>>) src(%dma_wait3A_485 : memref<2048x16xf32, #tpu.memory_space<vmem>>) dst(%dma_wait3A_481 : memref<2048x16xf32, #tpu.memory_space<hbm>>)
    %rem3A_486 = arith.constant 31 : i32
    %rem3A_487 = arith.constant 2 : i32
    %rem3A_488 = arith.remsi %rem3A_486, %rem3A_487 : i32
    %add3A_489 = arith.constant 63488 : i32
    %add3A_490 = arith.addi %mul3A_2, %add3A_489 : i32
    %dma_wait3A_491 = arith.constant 0 : i32
    %dma_wait3A_492 = arith.constant 0 : i32
    %dma_wait3A_493 = tpu.memref_slice %arg5[%rem3A_488, %dma_wait3A_491, %dma_wait3A_492] : memref<2x2048x16xf32, #tpu.memory_space<vmem>> -> memref<1x2048x16xf32, #tpu.memory_space<vmem>>
    %dma_wait3A_494 = tpu.memref_squeeze %dma_wait3A_493 : memref<1x2048x16xf32, #tpu.memory_space<vmem>> -> memref<2048x16xf32, #tpu.memory_space<vmem>>
    %dma_wait3A_495 = arith.constant 0 : i32
    %dma_wait3A_496 = tpu.memref_slice %arg3[%add3A_490, %dma_wait3A_495] : memref<2097152x16xf32, #tpu.memory_space<hbm>> -> memref<2048x16xf32, #tpu.memory_space<hbm>>
    %dma_wait3A_497 = tpu.memref_slice %arg7[%rem3A_488] : memref<2x!tpu.dma_semaphore, #tpu.memory_space<semaphore_mem>> -> memref<1x!tpu.dma_semaphore, #tpu.memory_space<semaphore_mem>>
    %dma_wait3A_498 = tpu.memref_squeeze %dma_wait3A_497 : memref<1x!tpu.dma_semaphore, #tpu.memory_space<semaphore_mem>> -> memref<!tpu.dma_semaphore, #tpu.memory_space<semaphore_mem>>
    %dma_wait3A_499 = arith.constant 0 : i32
    %dma_wait3A_500 = tpu.memref_slice %arg3[%add3A_490, %dma_wait3A_499] : memref<2097152x16xf32, #tpu.memory_space<hbm>> -> memref<2048x16xf32, #tpu.memory_space<hbm>>
    %dma_wait3A_501 = arith.constant 0 : i32
    %dma_wait3A_502 = arith.constant 0 : i32
    %dma_wait3A_503 = tpu.memref_slice %arg5[%rem3A_488, %dma_wait3A_501, %dma_wait3A_502] : memref<2x2048x16xf32, #tpu.memory_space<vmem>> -> memref<1x2048x16xf32, #tpu.memory_space<vmem>>
    %dma_wait3A_504 = tpu.memref_squeeze %dma_wait3A_503 : memref<1x2048x16xf32, #tpu.memory_space<vmem>> -> memref<2048x16xf32, #tpu.memory_space<vmem>>
    tpu.wait_dma2 semaphore(%dma_wait3A_498 : memref<!tpu.dma_semaphore, #tpu.memory_space<semaphore_mem>>) src(%dma_wait3A_504 : memref<2048x16xf32, #tpu.memory_space<vmem>>) dst(%dma_wait3A_500 : memref<2048x16xf32, #tpu.memory_space<hbm>>)
    return
  }
}

#map = affine_map<(d0, d1) -> (0)>
#map1 = affine_map<(d0, d1) -> (0, 0)>
module attributes {stable_mosaic.version = 14 : i64} {
  func.func @_sample_body(%arg0: i32, %arg1: i32, %arg2: memref<2097152xi32, #tpu.memory_space<hbm>>, %arg3: memref<2097152xf32, #tpu.memory_space<hbm>>, %arg4: memref<2097152xf32, #tpu.memory_space<hbm>>, %arg5: memref<2097152xf32, #tpu.memory_space<hbm>>, %arg6: memref<2097152x16xf32, #tpu.memory_space<hbm>>, %arg7: memref<2097152xf32, #tpu.memory_space<hbm>>, %arg8: memref<2097152xf32, #tpu.memory_space<hbm>>, %arg9: memref<2097152xf32, #tpu.memory_space<hbm>>, %arg10: memref<2x2048xi32, #tpu.memory_space<vmem>>, %arg11: memref<2x3x2048xf32, #tpu.memory_space<vmem>>, %arg12: memref<2x2048x16xf32, #tpu.memory_space<vmem>>, %arg13: memref<2x3x2048xf32, #tpu.memory_space<vmem>>, %arg14: memref<2x!tpu.dma_semaphore, #tpu.memory_space<semaphore_mem>>, %arg15: memref<2x!tpu.dma_semaphore, #tpu.memory_space<semaphore_mem>>, %arg16: memref<2x!tpu.dma_semaphore, #tpu.memory_space<semaphore_mem>>, %arg17: memref<2x!tpu.dma_semaphore, #tpu.memory_space<semaphore_mem>>) attributes {dimension_semantics = [#tpu.dimension_semantics<core_parallel>, #tpu.dimension_semantics<subcore_parallel>], iteration_bounds = array<i64: 2, 16>, scalar_prefetch = 0 : i64, scratch_operands = 8 : i64, tpu.core_type = #tpu.core_type<sc_vector_subcore>, window_params = [{transform_indices = #map}, {transform_indices = #map}, {transform_indices = #map}, {transform_indices = #map}, {transform_indices = #map1}, {transform_indices = #map}, {transform_indices = #map}, {transform_indices = #map}]} {
    %mul3A = arith.constant 2 : i32
    %mul3A_0 = arith.muli %arg1, %mul3A : i32
    %add3A = arith.addi %mul3A_0, %arg0 : i32
    %mul3A_1 = arith.constant 65536 : i32
    %mul3A_2 = arith.muli %add3A, %mul3A_1 : i32
    %iota3A = tpu.iota {dimensions = array<i32: 0>} : vector<16xi32>
    %add3A_3 = arith.constant 0 : i32
    %add3A_4 = arith.addi %mul3A_2, %add3A_3 : i32
    %dma_start3A = arith.constant 0 : i32
    %dma_start3A_5 = arith.constant 0 : i32
    %dma_start3A_6 = arith.constant 0 : i32
    %dma_start3A_7 = tpu.memref_slice %arg10[%dma_start3A, %dma_start3A_6] : memref<2x2048xi32, #tpu.memory_space<vmem>> -> memref<1x2048xi32, #tpu.memory_space<vmem>>
    %dma_start3A_8 = tpu.memref_squeeze %dma_start3A_7 : memref<1x2048xi32, #tpu.memory_space<vmem>> -> memref<2048xi32, #tpu.memory_space<vmem>>
    %dma_start3A_9 = tpu.memref_slice %arg2[%add3A_4] : memref<2097152xi32, #tpu.memory_space<hbm>> -> memref<2048xi32, #tpu.memory_space<hbm>>
    %dma_start3A_10 = tpu.memref_slice %arg17[%dma_start3A_5] : memref<2x!tpu.dma_semaphore, #tpu.memory_space<semaphore_mem>> -> memref<1x!tpu.dma_semaphore, #tpu.memory_space<semaphore_mem>>
    %dma_start3A_11 = tpu.memref_squeeze %dma_start3A_10 : memref<1x!tpu.dma_semaphore, #tpu.memory_space<semaphore_mem>> -> memref<!tpu.dma_semaphore, #tpu.memory_space<semaphore_mem>>
    %dma_start3A_12 = arith.constant 0 : i32
    %dma_start3A_13 = tpu.memref_slice %arg10[%dma_start3A, %dma_start3A_12] : memref<2x2048xi32, #tpu.memory_space<vmem>> -> memref<1x2048xi32, #tpu.memory_space<vmem>>
    %dma_start3A_14 = tpu.memref_squeeze %dma_start3A_13 : memref<1x2048xi32, #tpu.memory_space<vmem>> -> memref<2048xi32, #tpu.memory_space<vmem>>
    %dma_start3A_15 = tpu.memref_slice %arg2[%add3A_4] : memref<2097152xi32, #tpu.memory_space<hbm>> -> memref<2048xi32, #tpu.memory_space<hbm>>
    tpu.enqueue_dma source(%dma_start3A_15 : memref<2048xi32, #tpu.memory_space<hbm>>) target(%dma_start3A_14 : memref<2048xi32, #tpu.memory_space<vmem>>) target_semaphore(%dma_start3A_11 : memref<!tpu.dma_semaphore, #tpu.memory_space<semaphore_mem>>)
    %add3A_16 = arith.constant 2048 : i32
    %add3A_17 = arith.addi %mul3A_2, %add3A_16 : i32
    %dma_start3A_18 = arith.constant 1 : i32
    %dma_start3A_19 = arith.constant 1 : i32
    %dma_start3A_20 = arith.constant 0 : i32
    %dma_start3A_21 = tpu.memref_slice %arg10[%dma_start3A_18, %dma_start3A_20] : memref<2x2048xi32, #tpu.memory_space<vmem>> -> memref<1x2048xi32, #tpu.memory_space<vmem>>
    %dma_start3A_22 = tpu.memref_squeeze %dma_start3A_21 : memref<1x2048xi32, #tpu.memory_space<vmem>> -> memref<2048xi32, #tpu.memory_space<vmem>>
    %dma_start3A_23 = tpu.memref_slice %arg2[%add3A_17] : memref<2097152xi32, #tpu.memory_space<hbm>> -> memref<2048xi32, #tpu.memory_space<hbm>>
    %dma_start3A_24 = tpu.memref_slice %arg17[%dma_start3A_19] : memref<2x!tpu.dma_semaphore, #tpu.memory_space<semaphore_mem>> -> memref<1x!tpu.dma_semaphore, #tpu.memory_space<semaphore_mem>>
    %dma_start3A_25 = tpu.memref_squeeze %dma_start3A_24 : memref<1x!tpu.dma_semaphore, #tpu.memory_space<semaphore_mem>> -> memref<!tpu.dma_semaphore, #tpu.memory_space<semaphore_mem>>
    %dma_start3A_26 = arith.constant 0 : i32
    %dma_start3A_27 = tpu.memref_slice %arg10[%dma_start3A_18, %dma_start3A_26] : memref<2x2048xi32, #tpu.memory_space<vmem>> -> memref<1x2048xi32, #tpu.memory_space<vmem>>
    %dma_start3A_28 = tpu.memref_squeeze %dma_start3A_27 : memref<1x2048xi32, #tpu.memory_space<vmem>> -> memref<2048xi32, #tpu.memory_space<vmem>>
    %dma_start3A_29 = tpu.memref_slice %arg2[%add3A_17] : memref<2097152xi32, #tpu.memory_space<hbm>> -> memref<2048xi32, #tpu.memory_space<hbm>>
    tpu.enqueue_dma source(%dma_start3A_29 : memref<2048xi32, #tpu.memory_space<hbm>>) target(%dma_start3A_28 : memref<2048xi32, #tpu.memory_space<vmem>>) target_semaphore(%dma_start3A_25 : memref<!tpu.dma_semaphore, #tpu.memory_space<semaphore_mem>>)
    %add3A_30 = arith.constant 0 : i32
    %add3A_31 = arith.addi %mul3A_2, %add3A_30 : i32
    %dma_wait3A = arith.constant 0 : i32
    %dma_wait3A_32 = arith.constant 0 : i32
    %dma_wait3A_33 = arith.constant 0 : i32
    %dma_wait3A_34 = tpu.memref_slice %arg10[%dma_wait3A, %dma_wait3A_33] : memref<2x2048xi32, #tpu.memory_space<vmem>> -> memref<1x2048xi32, #tpu.memory_space<vmem>>
    %dma_wait3A_35 = tpu.memref_squeeze %dma_wait3A_34 : memref<1x2048xi32, #tpu.memory_space<vmem>> -> memref<2048xi32, #tpu.memory_space<vmem>>
    %dma_wait3A_36 = tpu.memref_slice %arg2[%add3A_31] : memref<2097152xi32, #tpu.memory_space<hbm>> -> memref<2048xi32, #tpu.memory_space<hbm>>
    %dma_wait3A_37 = tpu.memref_slice %arg17[%dma_wait3A_32] : memref<2x!tpu.dma_semaphore, #tpu.memory_space<semaphore_mem>> -> memref<1x!tpu.dma_semaphore, #tpu.memory_space<semaphore_mem>>
    %dma_wait3A_38 = tpu.memref_squeeze %dma_wait3A_37 : memref<1x!tpu.dma_semaphore, #tpu.memory_space<semaphore_mem>> -> memref<!tpu.dma_semaphore, #tpu.memory_space<semaphore_mem>>
    %dma_wait3A_39 = arith.constant 0 : i32
    %dma_wait3A_40 = tpu.memref_slice %arg10[%dma_wait3A, %dma_wait3A_39] : memref<2x2048xi32, #tpu.memory_space<vmem>> -> memref<1x2048xi32, #tpu.memory_space<vmem>>
    %dma_wait3A_41 = tpu.memref_squeeze %dma_wait3A_40 : memref<1x2048xi32, #tpu.memory_space<vmem>> -> memref<2048xi32, #tpu.memory_space<vmem>>
    %dma_wait3A_42 = tpu.memref_slice %arg2[%add3A_31] : memref<2097152xi32, #tpu.memory_space<hbm>> -> memref<2048xi32, #tpu.memory_space<hbm>>
    tpu.wait_dma2 semaphore(%dma_wait3A_38 : memref<!tpu.dma_semaphore, #tpu.memory_space<semaphore_mem>>) src(%dma_wait3A_42 : memref<2048xi32, #tpu.memory_space<hbm>>) dst(%dma_wait3A_41 : memref<2048xi32, #tpu.memory_space<vmem>>)
    %dma_start3A_43 = arith.constant 0 : i32
    %dma_start3A_44 = arith.constant 0 : i32
    %dma_start3A_45 = arith.constant 0 : i32
    %dma_start3A_46 = arith.constant 0 : i32
    %dma_start3A_47 = arith.constant 0 : i32
    %dma_start3A_48 = tpu.memref_slice %arg12[%dma_start3A_44, %dma_start3A_46, %dma_start3A_47] : memref<2x2048x16xf32, #tpu.memory_space<vmem>> -> memref<1x2048x16xf32, #tpu.memory_space<vmem>>
    %dma_start3A_49 = tpu.memref_squeeze %dma_start3A_48 : memref<1x2048x16xf32, #tpu.memory_space<vmem>> -> memref<2048x16xf32, #tpu.memory_space<vmem>>
    %dma_start3A_50 = arith.constant 0 : i32
    %dma_start3A_51 = tpu.memref_slice %arg10[%dma_start3A_43, %dma_start3A_50] : memref<2x2048xi32, #tpu.memory_space<vmem>> -> memref<1x2048xi32, #tpu.memory_space<vmem>>
    %dma_start3A_52 = tpu.memref_squeeze %dma_start3A_51 : memref<1x2048xi32, #tpu.memory_space<vmem>> -> memref<2048xi32, #tpu.memory_space<vmem>>
    %dma_start3A_53 = arith.constant 0 : i32
    %dma_start3A_54 = arith.constant 0 : i32
    %dma_start3A_55 = tpu.memref_slice %arg6[%dma_start3A_53, %dma_start3A_54] : memref<2097152x16xf32, #tpu.memory_space<hbm>> -> memref<2097152x16xf32, #tpu.memory_space<hbm>>
    %dma_start3A_56 = tpu.memref_slice %arg14[%dma_start3A_45] : memref<2x!tpu.dma_semaphore, #tpu.memory_space<semaphore_mem>> -> memref<1x!tpu.dma_semaphore, #tpu.memory_space<semaphore_mem>>
    %dma_start3A_57 = tpu.memref_squeeze %dma_start3A_56 : memref<1x!tpu.dma_semaphore, #tpu.memory_space<semaphore_mem>> -> memref<!tpu.dma_semaphore, #tpu.memory_space<semaphore_mem>>
    tpu.enqueue_indirect_dma source(%dma_start3A_55 : memref<2097152x16xf32, #tpu.memory_space<hbm>>) target(%dma_start3A_49 : memref<2048x16xf32, #tpu.memory_space<vmem>>) offsets(%dma_start3A_52 : memref<2048xi32, #tpu.memory_space<vmem>>) semaphore(%dma_start3A_57 : memref<!tpu.dma_semaphore, #tpu.memory_space<semaphore_mem>>)
    %add3A_58 = arith.constant 0 : i32
    %add3A_59 = arith.addi %mul3A_2, %add3A_58 : i32
    %dma_start3A_60 = arith.constant 0 : i32
    %dma_start3A_61 = arith.constant 0 : i32
    %dma_start3A_62 = arith.constant 0 : i32
    %dma_start3A_63 = arith.constant 0 : i32
    %dma_start3A_64 = tpu.memref_slice %arg11[%dma_start3A_60, %dma_start3A_61, %dma_start3A_63] : memref<2x3x2048xf32, #tpu.memory_space<vmem>> -> memref<1x1x2048xf32, #tpu.memory_space<vmem>>
    %dma_start3A_65 = tpu.memref_squeeze %dma_start3A_64 : memref<1x1x2048xf32, #tpu.memory_space<vmem>> -> memref<2048xf32, #tpu.memory_space<vmem>>
    %dma_start3A_66 = tpu.memref_slice %arg3[%add3A_59] : memref<2097152xf32, #tpu.memory_space<hbm>> -> memref<2048xf32, #tpu.memory_space<hbm>>
    %dma_start3A_67 = tpu.memref_slice %arg15[%dma_start3A_62] : memref<2x!tpu.dma_semaphore, #tpu.memory_space<semaphore_mem>> -> memref<1x!tpu.dma_semaphore, #tpu.memory_space<semaphore_mem>>
    %dma_start3A_68 = tpu.memref_squeeze %dma_start3A_67 : memref<1x!tpu.dma_semaphore, #tpu.memory_space<semaphore_mem>> -> memref<!tpu.dma_semaphore, #tpu.memory_space<semaphore_mem>>
    %dma_start3A_69 = arith.constant 0 : i32
    %dma_start3A_70 = tpu.memref_slice %arg11[%dma_start3A_60, %dma_start3A_61, %dma_start3A_69] : memref<2x3x2048xf32, #tpu.memory_space<vmem>> -> memref<1x1x2048xf32, #tpu.memory_space<vmem>>
    %dma_start3A_71 = tpu.memref_squeeze %dma_start3A_70 : memref<1x1x2048xf32, #tpu.memory_space<vmem>> -> memref<2048xf32, #tpu.memory_space<vmem>>
    %dma_start3A_72 = tpu.memref_slice %arg3[%add3A_59] : memref<2097152xf32, #tpu.memory_space<hbm>> -> memref<2048xf32, #tpu.memory_space<hbm>>
    tpu.enqueue_dma source(%dma_start3A_72 : memref<2048xf32, #tpu.memory_space<hbm>>) target(%dma_start3A_71 : memref<2048xf32, #tpu.memory_space<vmem>>) target_semaphore(%dma_start3A_68 : memref<!tpu.dma_semaphore, #tpu.memory_space<semaphore_mem>>)
    %dma_start3A_73 = arith.constant 0 : i32
    %dma_start3A_74 = arith.constant 1 : i32
    %dma_start3A_75 = arith.constant 0 : i32
    %dma_start3A_76 = arith.constant 0 : i32
    %dma_start3A_77 = tpu.memref_slice %arg11[%dma_start3A_73, %dma_start3A_74, %dma_start3A_76] : memref<2x3x2048xf32, #tpu.memory_space<vmem>> -> memref<1x1x2048xf32, #tpu.memory_space<vmem>>
    %dma_start3A_78 = tpu.memref_squeeze %dma_start3A_77 : memref<1x1x2048xf32, #tpu.memory_space<vmem>> -> memref<2048xf32, #tpu.memory_space<vmem>>
    %dma_start3A_79 = tpu.memref_slice %arg4[%add3A_59] : memref<2097152xf32, #tpu.memory_space<hbm>> -> memref<2048xf32, #tpu.memory_space<hbm>>
    %dma_start3A_80 = tpu.memref_slice %arg15[%dma_start3A_75] : memref<2x!tpu.dma_semaphore, #tpu.memory_space<semaphore_mem>> -> memref<1x!tpu.dma_semaphore, #tpu.memory_space<semaphore_mem>>
    %dma_start3A_81 = tpu.memref_squeeze %dma_start3A_80 : memref<1x!tpu.dma_semaphore, #tpu.memory_space<semaphore_mem>> -> memref<!tpu.dma_semaphore, #tpu.memory_space<semaphore_mem>>
    %dma_start3A_82 = arith.constant 0 : i32
    %dma_start3A_83 = tpu.memref_slice %arg11[%dma_start3A_73, %dma_start3A_74, %dma_start3A_82] : memref<2x3x2048xf32, #tpu.memory_space<vmem>> -> memref<1x1x2048xf32, #tpu.memory_space<vmem>>
    %dma_start3A_84 = tpu.memref_squeeze %dma_start3A_83 : memref<1x1x2048xf32, #tpu.memory_space<vmem>> -> memref<2048xf32, #tpu.memory_space<vmem>>
    %dma_start3A_85 = tpu.memref_slice %arg4[%add3A_59] : memref<2097152xf32, #tpu.memory_space<hbm>> -> memref<2048xf32, #tpu.memory_space<hbm>>
    tpu.enqueue_dma source(%dma_start3A_85 : memref<2048xf32, #tpu.memory_space<hbm>>) target(%dma_start3A_84 : memref<2048xf32, #tpu.memory_space<vmem>>) target_semaphore(%dma_start3A_81 : memref<!tpu.dma_semaphore, #tpu.memory_space<semaphore_mem>>)
    %dma_start3A_86 = arith.constant 0 : i32
    %dma_start3A_87 = arith.constant 2 : i32
    %dma_start3A_88 = arith.constant 0 : i32
    %dma_start3A_89 = arith.constant 0 : i32
    %dma_start3A_90 = tpu.memref_slice %arg11[%dma_start3A_86, %dma_start3A_87, %dma_start3A_89] : memref<2x3x2048xf32, #tpu.memory_space<vmem>> -> memref<1x1x2048xf32, #tpu.memory_space<vmem>>
    %dma_start3A_91 = tpu.memref_squeeze %dma_start3A_90 : memref<1x1x2048xf32, #tpu.memory_space<vmem>> -> memref<2048xf32, #tpu.memory_space<vmem>>
    %dma_start3A_92 = tpu.memref_slice %arg5[%add3A_59] : memref<2097152xf32, #tpu.memory_space<hbm>> -> memref<2048xf32, #tpu.memory_space<hbm>>
    %dma_start3A_93 = tpu.memref_slice %arg15[%dma_start3A_88] : memref<2x!tpu.dma_semaphore, #tpu.memory_space<semaphore_mem>> -> memref<1x!tpu.dma_semaphore, #tpu.memory_space<semaphore_mem>>
    %dma_start3A_94 = tpu.memref_squeeze %dma_start3A_93 : memref<1x!tpu.dma_semaphore, #tpu.memory_space<semaphore_mem>> -> memref<!tpu.dma_semaphore, #tpu.memory_space<semaphore_mem>>
    %dma_start3A_95 = arith.constant 0 : i32
    %dma_start3A_96 = tpu.memref_slice %arg11[%dma_start3A_86, %dma_start3A_87, %dma_start3A_95] : memref<2x3x2048xf32, #tpu.memory_space<vmem>> -> memref<1x1x2048xf32, #tpu.memory_space<vmem>>
    %dma_start3A_97 = tpu.memref_squeeze %dma_start3A_96 : memref<1x1x2048xf32, #tpu.memory_space<vmem>> -> memref<2048xf32, #tpu.memory_space<vmem>>
    %dma_start3A_98 = tpu.memref_slice %arg5[%add3A_59] : memref<2097152xf32, #tpu.memory_space<hbm>> -> memref<2048xf32, #tpu.memory_space<hbm>>
    tpu.enqueue_dma source(%dma_start3A_98 : memref<2048xf32, #tpu.memory_space<hbm>>) target(%dma_start3A_97 : memref<2048xf32, #tpu.memory_space<vmem>>) target_semaphore(%dma_start3A_94 : memref<!tpu.dma_semaphore, #tpu.memory_space<semaphore_mem>>)
    %scan3A = arith.constant 0 : i32
    %scan3A_99 = arith.constant 0 : i32
    %scan3A_100 = arith.constant 32 : i32
    %scan3A_101 = arith.addi %scan3A_99, %scan3A_100 : i32
    %scan3A_102 = arith.constant 1 : i32
    %scan3A_103 = scf.for %scan3A_180 = %scan3A_99 to %scan3A_101 step %scan3A_102 iter_args(%scan3A_181 = %scan3A) -> (i32)  : i32 {
      %rem3A_182 = arith.constant 2 : i32
      %rem3A_183 = arith.remsi %scan3A_180, %rem3A_182 : i32
      %add3A_184 = arith.constant 1 : i32
      %add3A_185 = arith.addi %scan3A_180, %add3A_184 : i32
      %rem3A_186 = arith.constant 2 : i32
      %rem3A_187 = arith.remsi %add3A_185, %rem3A_186 : i32
      %mul3A_188 = arith.constant 2048 : i32
      %mul3A_189 = arith.muli %scan3A_180, %mul3A_188 : i32
      %add3A_190 = arith.addi %mul3A_2, %mul3A_189 : i32
      %dma_wait3A_191 = arith.constant 0 : i32
      %dma_wait3A_192 = arith.constant 0 : i32
      %dma_wait3A_193 = tpu.memref_slice %arg12[%rem3A_183, %dma_wait3A_191, %dma_wait3A_192] : memref<2x2048x16xf32, #tpu.memory_space<vmem>> -> memref<1x2048x16xf32, #tpu.memory_space<vmem>>
      %dma_wait3A_194 = tpu.memref_squeeze %dma_wait3A_193 : memref<1x2048x16xf32, #tpu.memory_space<vmem>> -> memref<2048x16xf32, #tpu.memory_space<vmem>>
      %dma_wait3A_195 = arith.constant 0 : i32
      %dma_wait3A_196 = tpu.memref_slice %arg10[%rem3A_183, %dma_wait3A_195] : memref<2x2048xi32, #tpu.memory_space<vmem>> -> memref<1x2048xi32, #tpu.memory_space<vmem>>
      %dma_wait3A_197 = tpu.memref_squeeze %dma_wait3A_196 : memref<1x2048xi32, #tpu.memory_space<vmem>> -> memref<2048xi32, #tpu.memory_space<vmem>>
      %dma_wait3A_198 = arith.constant 0 : i32
      %dma_wait3A_199 = arith.constant 0 : i32
      %dma_wait3A_200 = tpu.memref_slice %arg6[%dma_wait3A_198, %dma_wait3A_199] : memref<2097152x16xf32, #tpu.memory_space<hbm>> -> memref<2097152x16xf32, #tpu.memory_space<hbm>>
      %dma_wait3A_201 = tpu.memref_slice %arg14[%rem3A_183] : memref<2x!tpu.dma_semaphore, #tpu.memory_space<semaphore_mem>> -> memref<1x!tpu.dma_semaphore, #tpu.memory_space<semaphore_mem>>
      %dma_wait3A_202 = tpu.memref_squeeze %dma_wait3A_201 : memref<1x!tpu.dma_semaphore, #tpu.memory_space<semaphore_mem>> -> memref<!tpu.dma_semaphore, #tpu.memory_space<semaphore_mem>>
      tpu.wait_indirect_dma semaphore(%dma_wait3A_202 : memref<!tpu.dma_semaphore, #tpu.memory_space<semaphore_mem>>) src(%dma_wait3A_200 : memref<2097152x16xf32, #tpu.memory_space<hbm>>) dst(%dma_wait3A_194 : memref<2048x16xf32, #tpu.memory_space<vmem>>)
      %dma_wait3A_203 = arith.constant 0 : i32
      %dma_wait3A_204 = arith.constant 0 : i32
      %dma_wait3A_205 = tpu.memref_slice %arg11[%rem3A_183, %dma_wait3A_203, %dma_wait3A_204] : memref<2x3x2048xf32, #tpu.memory_space<vmem>> -> memref<1x1x2048xf32, #tpu.memory_space<vmem>>
      %dma_wait3A_206 = tpu.memref_squeeze %dma_wait3A_205 : memref<1x1x2048xf32, #tpu.memory_space<vmem>> -> memref<2048xf32, #tpu.memory_space<vmem>>
      %dma_wait3A_207 = tpu.memref_slice %arg3[%add3A_190] : memref<2097152xf32, #tpu.memory_space<hbm>> -> memref<2048xf32, #tpu.memory_space<hbm>>
      %dma_wait3A_208 = tpu.memref_slice %arg15[%rem3A_183] : memref<2x!tpu.dma_semaphore, #tpu.memory_space<semaphore_mem>> -> memref<1x!tpu.dma_semaphore, #tpu.memory_space<semaphore_mem>>
      %dma_wait3A_209 = tpu.memref_squeeze %dma_wait3A_208 : memref<1x!tpu.dma_semaphore, #tpu.memory_space<semaphore_mem>> -> memref<!tpu.dma_semaphore, #tpu.memory_space<semaphore_mem>>
      %dma_wait3A_210 = arith.constant 0 : i32
      %dma_wait3A_211 = tpu.memref_slice %arg11[%rem3A_183, %dma_wait3A_203, %dma_wait3A_210] : memref<2x3x2048xf32, #tpu.memory_space<vmem>> -> memref<1x1x2048xf32, #tpu.memory_space<vmem>>
      %dma_wait3A_212 = tpu.memref_squeeze %dma_wait3A_211 : memref<1x1x2048xf32, #tpu.memory_space<vmem>> -> memref<2048xf32, #tpu.memory_space<vmem>>
      %dma_wait3A_213 = tpu.memref_slice %arg3[%add3A_190] : memref<2097152xf32, #tpu.memory_space<hbm>> -> memref<2048xf32, #tpu.memory_space<hbm>>
      tpu.wait_dma2 semaphore(%dma_wait3A_209 : memref<!tpu.dma_semaphore, #tpu.memory_space<semaphore_mem>>) src(%dma_wait3A_213 : memref<2048xf32, #tpu.memory_space<hbm>>) dst(%dma_wait3A_212 : memref<2048xf32, #tpu.memory_space<vmem>>)
      %dma_wait3A_214 = arith.constant 1 : i32
      %dma_wait3A_215 = arith.constant 0 : i32
      %dma_wait3A_216 = tpu.memref_slice %arg11[%rem3A_183, %dma_wait3A_214, %dma_wait3A_215] : memref<2x3x2048xf32, #tpu.memory_space<vmem>> -> memref<1x1x2048xf32, #tpu.memory_space<vmem>>
      %dma_wait3A_217 = tpu.memref_squeeze %dma_wait3A_216 : memref<1x1x2048xf32, #tpu.memory_space<vmem>> -> memref<2048xf32, #tpu.memory_space<vmem>>
      %dma_wait3A_218 = tpu.memref_slice %arg4[%add3A_190] : memref<2097152xf32, #tpu.memory_space<hbm>> -> memref<2048xf32, #tpu.memory_space<hbm>>
      %dma_wait3A_219 = tpu.memref_slice %arg15[%rem3A_183] : memref<2x!tpu.dma_semaphore, #tpu.memory_space<semaphore_mem>> -> memref<1x!tpu.dma_semaphore, #tpu.memory_space<semaphore_mem>>
      %dma_wait3A_220 = tpu.memref_squeeze %dma_wait3A_219 : memref<1x!tpu.dma_semaphore, #tpu.memory_space<semaphore_mem>> -> memref<!tpu.dma_semaphore, #tpu.memory_space<semaphore_mem>>
      %dma_wait3A_221 = arith.constant 0 : i32
      %dma_wait3A_222 = tpu.memref_slice %arg11[%rem3A_183, %dma_wait3A_214, %dma_wait3A_221] : memref<2x3x2048xf32, #tpu.memory_space<vmem>> -> memref<1x1x2048xf32, #tpu.memory_space<vmem>>
      %dma_wait3A_223 = tpu.memref_squeeze %dma_wait3A_222 : memref<1x1x2048xf32, #tpu.memory_space<vmem>> -> memref<2048xf32, #tpu.memory_space<vmem>>
      %dma_wait3A_224 = tpu.memref_slice %arg4[%add3A_190] : memref<2097152xf32, #tpu.memory_space<hbm>> -> memref<2048xf32, #tpu.memory_space<hbm>>
      tpu.wait_dma2 semaphore(%dma_wait3A_220 : memref<!tpu.dma_semaphore, #tpu.memory_space<semaphore_mem>>) src(%dma_wait3A_224 : memref<2048xf32, #tpu.memory_space<hbm>>) dst(%dma_wait3A_223 : memref<2048xf32, #tpu.memory_space<vmem>>)
      %dma_wait3A_225 = arith.constant 2 : i32
      %dma_wait3A_226 = arith.constant 0 : i32
      %dma_wait3A_227 = tpu.memref_slice %arg11[%rem3A_183, %dma_wait3A_225, %dma_wait3A_226] : memref<2x3x2048xf32, #tpu.memory_space<vmem>> -> memref<1x1x2048xf32, #tpu.memory_space<vmem>>
      %dma_wait3A_228 = tpu.memref_squeeze %dma_wait3A_227 : memref<1x1x2048xf32, #tpu.memory_space<vmem>> -> memref<2048xf32, #tpu.memory_space<vmem>>
      %dma_wait3A_229 = tpu.memref_slice %arg5[%add3A_190] : memref<2097152xf32, #tpu.memory_space<hbm>> -> memref<2048xf32, #tpu.memory_space<hbm>>
      %dma_wait3A_230 = tpu.memref_slice %arg15[%rem3A_183] : memref<2x!tpu.dma_semaphore, #tpu.memory_space<semaphore_mem>> -> memref<1x!tpu.dma_semaphore, #tpu.memory_space<semaphore_mem>>
      %dma_wait3A_231 = tpu.memref_squeeze %dma_wait3A_230 : memref<1x!tpu.dma_semaphore, #tpu.memory_space<semaphore_mem>> -> memref<!tpu.dma_semaphore, #tpu.memory_space<semaphore_mem>>
      %dma_wait3A_232 = arith.constant 0 : i32
      %dma_wait3A_233 = tpu.memref_slice %arg11[%rem3A_183, %dma_wait3A_225, %dma_wait3A_232] : memref<2x3x2048xf32, #tpu.memory_space<vmem>> -> memref<1x1x2048xf32, #tpu.memory_space<vmem>>
      %dma_wait3A_234 = tpu.memref_squeeze %dma_wait3A_233 : memref<1x1x2048xf32, #tpu.memory_space<vmem>> -> memref<2048xf32, #tpu.memory_space<vmem>>
      %dma_wait3A_235 = tpu.memref_slice %arg5[%add3A_190] : memref<2097152xf32, #tpu.memory_space<hbm>> -> memref<2048xf32, #tpu.memory_space<hbm>>
      tpu.wait_dma2 semaphore(%dma_wait3A_231 : memref<!tpu.dma_semaphore, #tpu.memory_space<semaphore_mem>>) src(%dma_wait3A_235 : memref<2048xf32, #tpu.memory_space<hbm>>) dst(%dma_wait3A_234 : memref<2048xf32, #tpu.memory_space<vmem>>)
      %add3A_236 = arith.constant 1 : i32
      %add3A_237 = arith.addi %scan3A_180, %add3A_236 : i32
      %lt3A = arith.constant 32 : i32
      %lt3A_238 = arith.cmpi slt, %add3A_237, %lt3A : i32
      %convert_element_type3A = arith.extui %lt3A_238 : i1 to i32
      %cond3A = arith.constant 0 : i32
      %cond3A_239 = arith.cmpi ne, %convert_element_type3A, %cond3A : i32
      scf.if %cond3A_239 {
        %add3A_295 = arith.constant 1 : i32
        %add3A_296 = arith.addi %scan3A_180, %add3A_295 : i32
        %mul3A_297 = arith.constant 2048 : i32
        %mul3A_298 = arith.muli %add3A_296, %mul3A_297 : i32
        %add3A_299 = arith.addi %mul3A_2, %mul3A_298 : i32
        %dma_wait3A_300 = arith.constant 0 : i32
        %dma_wait3A_301 = tpu.memref_slice %arg10[%rem3A_187, %dma_wait3A_300] : memref<2x2048xi32, #tpu.memory_space<vmem>> -> memref<1x2048xi32, #tpu.memory_space<vmem>>
        %dma_wait3A_302 = tpu.memref_squeeze %dma_wait3A_301 : memref<1x2048xi32, #tpu.memory_space<vmem>> -> memref<2048xi32, #tpu.memory_space<vmem>>
        %dma_wait3A_303 = tpu.memref_slice %arg2[%add3A_299] : memref<2097152xi32, #tpu.memory_space<hbm>> -> memref<2048xi32, #tpu.memory_space<hbm>>
        %dma_wait3A_304 = tpu.memref_slice %arg17[%rem3A_187] : memref<2x!tpu.dma_semaphore, #tpu.memory_space<semaphore_mem>> -> memref<1x!tpu.dma_semaphore, #tpu.memory_space<semaphore_mem>>
        %dma_wait3A_305 = tpu.memref_squeeze %dma_wait3A_304 : memref<1x!tpu.dma_semaphore, #tpu.memory_space<semaphore_mem>> -> memref<!tpu.dma_semaphore, #tpu.memory_space<semaphore_mem>>
        %dma_wait3A_306 = arith.constant 0 : i32
        %dma_wait3A_307 = tpu.memref_slice %arg10[%rem3A_187, %dma_wait3A_306] : memref<2x2048xi32, #tpu.memory_space<vmem>> -> memref<1x2048xi32, #tpu.memory_space<vmem>>
        %dma_wait3A_308 = tpu.memref_squeeze %dma_wait3A_307 : memref<1x2048xi32, #tpu.memory_space<vmem>> -> memref<2048xi32, #tpu.memory_space<vmem>>
        %dma_wait3A_309 = tpu.memref_slice %arg2[%add3A_299] : memref<2097152xi32, #tpu.memory_space<hbm>> -> memref<2048xi32, #tpu.memory_space<hbm>>
        tpu.wait_dma2 semaphore(%dma_wait3A_305 : memref<!tpu.dma_semaphore, #tpu.memory_space<semaphore_mem>>) src(%dma_wait3A_309 : memref<2048xi32, #tpu.memory_space<hbm>>) dst(%dma_wait3A_308 : memref<2048xi32, #tpu.memory_space<vmem>>)
        %dma_start3A_310 = arith.constant 0 : i32
        %dma_start3A_311 = arith.constant 0 : i32
        %dma_start3A_312 = tpu.memref_slice %arg12[%rem3A_187, %dma_start3A_310, %dma_start3A_311] : memref<2x2048x16xf32, #tpu.memory_space<vmem>> -> memref<1x2048x16xf32, #tpu.memory_space<vmem>>
        %dma_start3A_313 = tpu.memref_squeeze %dma_start3A_312 : memref<1x2048x16xf32, #tpu.memory_space<vmem>> -> memref<2048x16xf32, #tpu.memory_space<vmem>>
        %dma_start3A_314 = arith.constant 0 : i32
        %dma_start3A_315 = tpu.memref_slice %arg10[%rem3A_187, %dma_start3A_314] : memref<2x2048xi32, #tpu.memory_space<vmem>> -> memref<1x2048xi32, #tpu.memory_space<vmem>>
        %dma_start3A_316 = tpu.memref_squeeze %dma_start3A_315 : memref<1x2048xi32, #tpu.memory_space<vmem>> -> memref<2048xi32, #tpu.memory_space<vmem>>
        %dma_start3A_317 = arith.constant 0 : i32
        %dma_start3A_318 = arith.constant 0 : i32
        %dma_start3A_319 = tpu.memref_slice %arg6[%dma_start3A_317, %dma_start3A_318] : memref<2097152x16xf32, #tpu.memory_space<hbm>> -> memref<2097152x16xf32, #tpu.memory_space<hbm>>
        %dma_start3A_320 = tpu.memref_slice %arg14[%rem3A_187] : memref<2x!tpu.dma_semaphore, #tpu.memory_space<semaphore_mem>> -> memref<1x!tpu.dma_semaphore, #tpu.memory_space<semaphore_mem>>
        %dma_start3A_321 = tpu.memref_squeeze %dma_start3A_320 : memref<1x!tpu.dma_semaphore, #tpu.memory_space<semaphore_mem>> -> memref<!tpu.dma_semaphore, #tpu.memory_space<semaphore_mem>>
        tpu.enqueue_indirect_dma source(%dma_start3A_319 : memref<2097152x16xf32, #tpu.memory_space<hbm>>) target(%dma_start3A_313 : memref<2048x16xf32, #tpu.memory_space<vmem>>) offsets(%dma_start3A_316 : memref<2048xi32, #tpu.memory_space<vmem>>) semaphore(%dma_start3A_321 : memref<!tpu.dma_semaphore, #tpu.memory_space<semaphore_mem>>)
        %add3A_322 = arith.constant 1 : i32
        %add3A_323 = arith.addi %scan3A_180, %add3A_322 : i32
        %mul3A_324 = arith.constant 2048 : i32
        %mul3A_325 = arith.muli %add3A_323, %mul3A_324 : i32
        %add3A_326 = arith.addi %mul3A_2, %mul3A_325 : i32
        %dma_start3A_327 = arith.constant 0 : i32
        %dma_start3A_328 = arith.constant 0 : i32
        %dma_start3A_329 = tpu.memref_slice %arg11[%rem3A_187, %dma_start3A_327, %dma_start3A_328] : memref<2x3x2048xf32, #tpu.memory_space<vmem>> -> memref<1x1x2048xf32, #tpu.memory_space<vmem>>
        %dma_start3A_330 = tpu.memref_squeeze %dma_start3A_329 : memref<1x1x2048xf32, #tpu.memory_space<vmem>> -> memref<2048xf32, #tpu.memory_space<vmem>>
        %dma_start3A_331 = tpu.memref_slice %arg3[%add3A_326] : memref<2097152xf32, #tpu.memory_space<hbm>> -> memref<2048xf32, #tpu.memory_space<hbm>>
        %dma_start3A_332 = tpu.memref_slice %arg15[%rem3A_187] : memref<2x!tpu.dma_semaphore, #tpu.memory_space<semaphore_mem>> -> memref<1x!tpu.dma_semaphore, #tpu.memory_space<semaphore_mem>>
        %dma_start3A_333 = tpu.memref_squeeze %dma_start3A_332 : memref<1x!tpu.dma_semaphore, #tpu.memory_space<semaphore_mem>> -> memref<!tpu.dma_semaphore, #tpu.memory_space<semaphore_mem>>
        %dma_start3A_334 = arith.constant 0 : i32
        %dma_start3A_335 = tpu.memref_slice %arg11[%rem3A_187, %dma_start3A_327, %dma_start3A_334] : memref<2x3x2048xf32, #tpu.memory_space<vmem>> -> memref<1x1x2048xf32, #tpu.memory_space<vmem>>
        %dma_start3A_336 = tpu.memref_squeeze %dma_start3A_335 : memref<1x1x2048xf32, #tpu.memory_space<vmem>> -> memref<2048xf32, #tpu.memory_space<vmem>>
        %dma_start3A_337 = tpu.memref_slice %arg3[%add3A_326] : memref<2097152xf32, #tpu.memory_space<hbm>> -> memref<2048xf32, #tpu.memory_space<hbm>>
        tpu.enqueue_dma source(%dma_start3A_337 : memref<2048xf32, #tpu.memory_space<hbm>>) target(%dma_start3A_336 : memref<2048xf32, #tpu.memory_space<vmem>>) target_semaphore(%dma_start3A_333 : memref<!tpu.dma_semaphore, #tpu.memory_space<semaphore_mem>>)
        %dma_start3A_338 = arith.constant 1 : i32
        %dma_start3A_339 = arith.constant 0 : i32
        %dma_start3A_340 = tpu.memref_slice %arg11[%rem3A_187, %dma_start3A_338, %dma_start3A_339] : memref<2x3x2048xf32, #tpu.memory_space<vmem>> -> memref<1x1x2048xf32, #tpu.memory_space<vmem>>
        %dma_start3A_341 = tpu.memref_squeeze %dma_start3A_340 : memref<1x1x2048xf32, #tpu.memory_space<vmem>> -> memref<2048xf32, #tpu.memory_space<vmem>>
        %dma_start3A_342 = tpu.memref_slice %arg4[%add3A_326] : memref<2097152xf32, #tpu.memory_space<hbm>> -> memref<2048xf32, #tpu.memory_space<hbm>>
        %dma_start3A_343 = tpu.memref_slice %arg15[%rem3A_187] : memref<2x!tpu.dma_semaphore, #tpu.memory_space<semaphore_mem>> -> memref<1x!tpu.dma_semaphore, #tpu.memory_space<semaphore_mem>>
        %dma_start3A_344 = tpu.memref_squeeze %dma_start3A_343 : memref<1x!tpu.dma_semaphore, #tpu.memory_space<semaphore_mem>> -> memref<!tpu.dma_semaphore, #tpu.memory_space<semaphore_mem>>
        %dma_start3A_345 = arith.constant 0 : i32
        %dma_start3A_346 = tpu.memref_slice %arg11[%rem3A_187, %dma_start3A_338, %dma_start3A_345] : memref<2x3x2048xf32, #tpu.memory_space<vmem>> -> memref<1x1x2048xf32, #tpu.memory_space<vmem>>
        %dma_start3A_347 = tpu.memref_squeeze %dma_start3A_346 : memref<1x1x2048xf32, #tpu.memory_space<vmem>> -> memref<2048xf32, #tpu.memory_space<vmem>>
        %dma_start3A_348 = tpu.memref_slice %arg4[%add3A_326] : memref<2097152xf32, #tpu.memory_space<hbm>> -> memref<2048xf32, #tpu.memory_space<hbm>>
        tpu.enqueue_dma source(%dma_start3A_348 : memref<2048xf32, #tpu.memory_space<hbm>>) target(%dma_start3A_347 : memref<2048xf32, #tpu.memory_space<vmem>>) target_semaphore(%dma_start3A_344 : memref<!tpu.dma_semaphore, #tpu.memory_space<semaphore_mem>>)
        %dma_start3A_349 = arith.constant 2 : i32
        %dma_start3A_350 = arith.constant 0 : i32
        %dma_start3A_351 = tpu.memref_slice %arg11[%rem3A_187, %dma_start3A_349, %dma_start3A_350] : memref<2x3x2048xf32, #tpu.memory_space<vmem>> -> memref<1x1x2048xf32, #tpu.memory_space<vmem>>
        %dma_start3A_352 = tpu.memref_squeeze %dma_start3A_351 : memref<1x1x2048xf32, #tpu.memory_space<vmem>> -> memref<2048xf32, #tpu.memory_space<vmem>>
        %dma_start3A_353 = tpu.memref_slice %arg5[%add3A_326] : memref<2097152xf32, #tpu.memory_space<hbm>> -> memref<2048xf32, #tpu.memory_space<hbm>>
        %dma_start3A_354 = tpu.memref_slice %arg15[%rem3A_187] : memref<2x!tpu.dma_semaphore, #tpu.memory_space<semaphore_mem>> -> memref<1x!tpu.dma_semaphore, #tpu.memory_space<semaphore_mem>>
        %dma_start3A_355 = tpu.memref_squeeze %dma_start3A_354 : memref<1x!tpu.dma_semaphore, #tpu.memory_space<semaphore_mem>> -> memref<!tpu.dma_semaphore, #tpu.memory_space<semaphore_mem>>
        %dma_start3A_356 = arith.constant 0 : i32
        %dma_start3A_357 = tpu.memref_slice %arg11[%rem3A_187, %dma_start3A_349, %dma_start3A_356] : memref<2x3x2048xf32, #tpu.memory_space<vmem>> -> memref<1x1x2048xf32, #tpu.memory_space<vmem>>
        %dma_start3A_358 = tpu.memref_squeeze %dma_start3A_357 : memref<1x1x2048xf32, #tpu.memory_space<vmem>> -> memref<2048xf32, #tpu.memory_space<vmem>>
        %dma_start3A_359 = tpu.memref_slice %arg5[%add3A_326] : memref<2097152xf32, #tpu.memory_space<hbm>> -> memref<2048xf32, #tpu.memory_space<hbm>>
        tpu.enqueue_dma source(%dma_start3A_359 : memref<2048xf32, #tpu.memory_space<hbm>>) target(%dma_start3A_358 : memref<2048xf32, #tpu.memory_space<vmem>>) target_semaphore(%dma_start3A_355 : memref<!tpu.dma_semaphore, #tpu.memory_space<semaphore_mem>>)
      } else {
      }
      %add3A_240 = arith.constant 2 : i32
      %add3A_241 = arith.addi %scan3A_180, %add3A_240 : i32
      %lt3A_242 = arith.constant 32 : i32
      %lt3A_243 = arith.cmpi slt, %add3A_241, %lt3A_242 : i32
      %convert_element_type3A_244 = arith.extui %lt3A_243 : i1 to i32
      %cond3A_245 = arith.constant 0 : i32
      %cond3A_246 = arith.cmpi ne, %convert_element_type3A_244, %cond3A_245 : i32
      scf.if %cond3A_246 {
        %add3A_295 = arith.constant 2 : i32
        %add3A_296 = arith.addi %scan3A_180, %add3A_295 : i32
        %mul3A_297 = arith.constant 2048 : i32
        %mul3A_298 = arith.muli %add3A_296, %mul3A_297 : i32
        %add3A_299 = arith.addi %mul3A_2, %mul3A_298 : i32
        %dma_start3A_300 = arith.constant 0 : i32
        %dma_start3A_301 = tpu.memref_slice %arg10[%rem3A_183, %dma_start3A_300] : memref<2x2048xi32, #tpu.memory_space<vmem>> -> memref<1x2048xi32, #tpu.memory_space<vmem>>
        %dma_start3A_302 = tpu.memref_squeeze %dma_start3A_301 : memref<1x2048xi32, #tpu.memory_space<vmem>> -> memref<2048xi32, #tpu.memory_space<vmem>>
        %dma_start3A_303 = tpu.memref_slice %arg2[%add3A_299] : memref<2097152xi32, #tpu.memory_space<hbm>> -> memref<2048xi32, #tpu.memory_space<hbm>>
        %dma_start3A_304 = tpu.memref_slice %arg17[%rem3A_183] : memref<2x!tpu.dma_semaphore, #tpu.memory_space<semaphore_mem>> -> memref<1x!tpu.dma_semaphore, #tpu.memory_space<semaphore_mem>>
        %dma_start3A_305 = tpu.memref_squeeze %dma_start3A_304 : memref<1x!tpu.dma_semaphore, #tpu.memory_space<semaphore_mem>> -> memref<!tpu.dma_semaphore, #tpu.memory_space<semaphore_mem>>
        %dma_start3A_306 = arith.constant 0 : i32
        %dma_start3A_307 = tpu.memref_slice %arg10[%rem3A_183, %dma_start3A_306] : memref<2x2048xi32, #tpu.memory_space<vmem>> -> memref<1x2048xi32, #tpu.memory_space<vmem>>
        %dma_start3A_308 = tpu.memref_squeeze %dma_start3A_307 : memref<1x2048xi32, #tpu.memory_space<vmem>> -> memref<2048xi32, #tpu.memory_space<vmem>>
        %dma_start3A_309 = tpu.memref_slice %arg2[%add3A_299] : memref<2097152xi32, #tpu.memory_space<hbm>> -> memref<2048xi32, #tpu.memory_space<hbm>>
        tpu.enqueue_dma source(%dma_start3A_309 : memref<2048xi32, #tpu.memory_space<hbm>>) target(%dma_start3A_308 : memref<2048xi32, #tpu.memory_space<vmem>>) target_semaphore(%dma_start3A_305 : memref<!tpu.dma_semaphore, #tpu.memory_space<semaphore_mem>>)
      } else {
      }
      %ge3A = arith.constant 2 : i32
      %ge3A_247 = arith.cmpi sge, %scan3A_180, %ge3A : i32
      %convert_element_type3A_248 = arith.extui %ge3A_247 : i1 to i32
      %cond3A_249 = arith.constant 0 : i32
      %cond3A_250 = arith.cmpi ne, %convert_element_type3A_248, %cond3A_249 : i32
      scf.if %cond3A_250 {
        %sub3A = arith.constant 2 : i32
        %sub3A_295 = arith.subi %scan3A_180, %sub3A : i32
        %mul3A_296 = arith.constant 2048 : i32
        %mul3A_297 = arith.muli %sub3A_295, %mul3A_296 : i32
        %add3A_298 = arith.addi %mul3A_2, %mul3A_297 : i32
        %dma_wait3A_299 = arith.constant 0 : i32
        %dma_wait3A_300 = arith.constant 0 : i32
        %dma_wait3A_301 = tpu.memref_slice %arg13[%rem3A_183, %dma_wait3A_299, %dma_wait3A_300] : memref<2x3x2048xf32, #tpu.memory_space<vmem>> -> memref<1x1x2048xf32, #tpu.memory_space<vmem>>
        %dma_wait3A_302 = tpu.memref_squeeze %dma_wait3A_301 : memref<1x1x2048xf32, #tpu.memory_space<vmem>> -> memref<2048xf32, #tpu.memory_space<vmem>>
        %dma_wait3A_303 = tpu.memref_slice %arg7[%add3A_298] : memref<2097152xf32, #tpu.memory_space<hbm>> -> memref<2048xf32, #tpu.memory_space<hbm>>
        %dma_wait3A_304 = tpu.memref_slice %arg16[%rem3A_183] : memref<2x!tpu.dma_semaphore, #tpu.memory_space<semaphore_mem>> -> memref<1x!tpu.dma_semaphore, #tpu.memory_space<semaphore_mem>>
        %dma_wait3A_305 = tpu.memref_squeeze %dma_wait3A_304 : memref<1x!tpu.dma_semaphore, #tpu.memory_space<semaphore_mem>> -> memref<!tpu.dma_semaphore, #tpu.memory_space<semaphore_mem>>
        %dma_wait3A_306 = tpu.memref_slice %arg7[%add3A_298] : memref<2097152xf32, #tpu.memory_space<hbm>> -> memref<2048xf32, #tpu.memory_space<hbm>>
        %dma_wait3A_307 = arith.constant 0 : i32
        %dma_wait3A_308 = tpu.memref_slice %arg13[%rem3A_183, %dma_wait3A_299, %dma_wait3A_307] : memref<2x3x2048xf32, #tpu.memory_space<vmem>> -> memref<1x1x2048xf32, #tpu.memory_space<vmem>>
        %dma_wait3A_309 = tpu.memref_squeeze %dma_wait3A_308 : memref<1x1x2048xf32, #tpu.memory_space<vmem>> -> memref<2048xf32, #tpu.memory_space<vmem>>
        tpu.wait_dma2 semaphore(%dma_wait3A_305 : memref<!tpu.dma_semaphore, #tpu.memory_space<semaphore_mem>>) src(%dma_wait3A_309 : memref<2048xf32, #tpu.memory_space<vmem>>) dst(%dma_wait3A_306 : memref<2048xf32, #tpu.memory_space<hbm>>)
        %dma_wait3A_310 = arith.constant 1 : i32
        %dma_wait3A_311 = arith.constant 0 : i32
        %dma_wait3A_312 = tpu.memref_slice %arg13[%rem3A_183, %dma_wait3A_310, %dma_wait3A_311] : memref<2x3x2048xf32, #tpu.memory_space<vmem>> -> memref<1x1x2048xf32, #tpu.memory_space<vmem>>
        %dma_wait3A_313 = tpu.memref_squeeze %dma_wait3A_312 : memref<1x1x2048xf32, #tpu.memory_space<vmem>> -> memref<2048xf32, #tpu.memory_space<vmem>>
        %dma_wait3A_314 = tpu.memref_slice %arg8[%add3A_298] : memref<2097152xf32, #tpu.memory_space<hbm>> -> memref<2048xf32, #tpu.memory_space<hbm>>
        %dma_wait3A_315 = tpu.memref_slice %arg16[%rem3A_183] : memref<2x!tpu.dma_semaphore, #tpu.memory_space<semaphore_mem>> -> memref<1x!tpu.dma_semaphore, #tpu.memory_space<semaphore_mem>>
        %dma_wait3A_316 = tpu.memref_squeeze %dma_wait3A_315 : memref<1x!tpu.dma_semaphore, #tpu.memory_space<semaphore_mem>> -> memref<!tpu.dma_semaphore, #tpu.memory_space<semaphore_mem>>
        %dma_wait3A_317 = tpu.memref_slice %arg8[%add3A_298] : memref<2097152xf32, #tpu.memory_space<hbm>> -> memref<2048xf32, #tpu.memory_space<hbm>>
        %dma_wait3A_318 = arith.constant 0 : i32
        %dma_wait3A_319 = tpu.memref_slice %arg13[%rem3A_183, %dma_wait3A_310, %dma_wait3A_318] : memref<2x3x2048xf32, #tpu.memory_space<vmem>> -> memref<1x1x2048xf32, #tpu.memory_space<vmem>>
        %dma_wait3A_320 = tpu.memref_squeeze %dma_wait3A_319 : memref<1x1x2048xf32, #tpu.memory_space<vmem>> -> memref<2048xf32, #tpu.memory_space<vmem>>
        tpu.wait_dma2 semaphore(%dma_wait3A_316 : memref<!tpu.dma_semaphore, #tpu.memory_space<semaphore_mem>>) src(%dma_wait3A_320 : memref<2048xf32, #tpu.memory_space<vmem>>) dst(%dma_wait3A_317 : memref<2048xf32, #tpu.memory_space<hbm>>)
        %dma_wait3A_321 = arith.constant 2 : i32
        %dma_wait3A_322 = arith.constant 0 : i32
        %dma_wait3A_323 = tpu.memref_slice %arg13[%rem3A_183, %dma_wait3A_321, %dma_wait3A_322] : memref<2x3x2048xf32, #tpu.memory_space<vmem>> -> memref<1x1x2048xf32, #tpu.memory_space<vmem>>
        %dma_wait3A_324 = tpu.memref_squeeze %dma_wait3A_323 : memref<1x1x2048xf32, #tpu.memory_space<vmem>> -> memref<2048xf32, #tpu.memory_space<vmem>>
        %dma_wait3A_325 = tpu.memref_slice %arg9[%add3A_298] : memref<2097152xf32, #tpu.memory_space<hbm>> -> memref<2048xf32, #tpu.memory_space<hbm>>
        %dma_wait3A_326 = tpu.memref_slice %arg16[%rem3A_183] : memref<2x!tpu.dma_semaphore, #tpu.memory_space<semaphore_mem>> -> memref<1x!tpu.dma_semaphore, #tpu.memory_space<semaphore_mem>>
        %dma_wait3A_327 = tpu.memref_squeeze %dma_wait3A_326 : memref<1x!tpu.dma_semaphore, #tpu.memory_space<semaphore_mem>> -> memref<!tpu.dma_semaphore, #tpu.memory_space<semaphore_mem>>
        %dma_wait3A_328 = tpu.memref_slice %arg9[%add3A_298] : memref<2097152xf32, #tpu.memory_space<hbm>> -> memref<2048xf32, #tpu.memory_space<hbm>>
        %dma_wait3A_329 = arith.constant 0 : i32
        %dma_wait3A_330 = tpu.memref_slice %arg13[%rem3A_183, %dma_wait3A_321, %dma_wait3A_329] : memref<2x3x2048xf32, #tpu.memory_space<vmem>> -> memref<1x1x2048xf32, #tpu.memory_space<vmem>>
        %dma_wait3A_331 = tpu.memref_squeeze %dma_wait3A_330 : memref<1x1x2048xf32, #tpu.memory_space<vmem>> -> memref<2048xf32, #tpu.memory_space<vmem>>
        tpu.wait_dma2 semaphore(%dma_wait3A_327 : memref<!tpu.dma_semaphore, #tpu.memory_space<semaphore_mem>>) src(%dma_wait3A_331 : memref<2048xf32, #tpu.memory_space<vmem>>) dst(%dma_wait3A_328 : memref<2048xf32, #tpu.memory_space<hbm>>)
      } else {
      }
      %mul3A_251 = arith.constant 2048 : i32
      %mul3A_252 = arith.muli %scan3A_180, %mul3A_251 : i32
      %add3A_253 = arith.addi %mul3A_2, %mul3A_252 : i32
      %broadcast_in_dim3A = vector.broadcast %rem3A_183 : i32 to vector<16xi32>
      %scan3A_254 = arith.constant 0 : i32
      %scan3A_255 = arith.constant 0 : i32
      %scan3A_256 = arith.constant 128 : i32
      %scan3A_257 = arith.addi %scan3A_255, %scan3A_256 : i32
      %scan3A_258 = arith.constant 1 : i32
      %scan3A_259 = scf.for %scan3A_295 = %scan3A_255 to %scan3A_257 step %scan3A_258 iter_args(%scan3A_296 = %scan3A_254) -> (i32)  : i32 {
        %mul3A_297 = arith.constant 16 : i32
        %mul3A_298 = arith.muli %scan3A_295, %mul3A_297 : i32
        %add3A_299 = vector.broadcast %mul3A_298 : i32 to vector<16xi32>
        %add3A_300 = arith.addi %add3A_299, %iota3A : vector<16xi32>
        %get3A = arith.constant 0 : i32
        %get3A_301 = arith.index_cast %rem3A_183 : i32 to index
        %get3A_302 = arith.index_cast %get3A : i32 to index
        %get3A_303 = arith.index_cast %mul3A_298 : i32 to index
        %get3A_304 = tpu.vector_load %arg11[%get3A_301, %get3A_302, %get3A_303] {strides = array<i32>} : memref<2x3x2048xf32, #tpu.memory_space<vmem>>, vector<16xf32>,
        %get3A_305 = arith.constant 1 : i32
        %get3A_306 = arith.index_cast %rem3A_183 : i32 to index
        %get3A_307 = arith.index_cast %get3A_305 : i32 to index
        %get3A_308 = arith.index_cast %mul3A_298 : i32 to index
        %get3A_309 = tpu.vector_load %arg11[%get3A_306, %get3A_307, %get3A_308] {strides = array<i32>} : memref<2x3x2048xf32, #tpu.memory_space<vmem>>, vector<16xf32>,
        %get3A_310 = arith.constant 2 : i32
        %get3A_311 = arith.index_cast %rem3A_183 : i32 to index
        %get3A_312 = arith.index_cast %get3A_310 : i32 to index
        %get3A_313 = arith.index_cast %mul3A_298 : i32 to index
        %get3A_314 = tpu.vector_load %arg11[%get3A_311, %get3A_312, %get3A_313] {strides = array<i32>} : memref<2x3x2048xf32, #tpu.memory_space<vmem>>, vector<16xf32>,
        %sub3A = arith.constant 1.000000e+00 : f32
        %sub3A_315 = vector.broadcast %sub3A : f32 to vector<16xf32>
        %sub3A_316 = arith.subf %sub3A_315, %get3A_314 : vector<16xf32>
        %sub3A_317 = arith.constant 1.000000e+00 : f32
        %sub3A_318 = vector.broadcast %sub3A_317 : f32 to vector<16xf32>
        %sub3A_319 = arith.subf %sub3A_318, %get3A_309 : vector<16xf32>
        %sub3A_320 = arith.constant 1.000000e+00 : f32
        %sub3A_321 = vector.broadcast %sub3A_320 : f32 to vector<16xf32>
        %sub3A_322 = arith.subf %sub3A_321, %get3A_304 : vector<16xf32>
        %broadcast_in_dim3A_323 = arith.constant 0 : i32
        %broadcast_in_dim3A_324 = vector.broadcast %broadcast_in_dim3A_323 : i32 to vector<16xi32>
        %gather3A = tpu.vector_load_idx %arg12[%broadcast_in_dim3A, %add3A_300, %broadcast_in_dim3A_324] : memref<2x2048x16xf32, #tpu.memory_space<vmem>>[vector<16xi32>, vector<16xi32>, vector<16xi32>], vector<16xf32>,
        %bitcast3A = vector.bitcast %gather3A : vector<16xf32> to vector<32xbf16>
        %unpack3A = tpu.unpack_subelements %bitcast3A, 0 {pack_format = #tpu.pack_format<interleaved>} : vector<32xbf16> -> vector<16xf32>
        %unpack3A_325 = tpu.unpack_subelements %bitcast3A, 1 {pack_format = #tpu.pack_format<interleaved>} : vector<32xbf16> -> vector<16xf32>
        %mul3A_326 = arith.mulf %unpack3A, %sub3A_316 : vector<16xf32>
        %mul3A_327 = arith.mulf %unpack3A_325, %get3A_314 : vector<16xf32>
        %add3A_328 = arith.addf %mul3A_326, %mul3A_327 : vector<16xf32>
        %mul3A_329 = arith.mulf %add3A_328, %sub3A_319 : vector<16xf32>
        %broadcast_in_dim3A_330 = arith.constant 3 : i32
        %broadcast_in_dim3A_331 = vector.broadcast %broadcast_in_dim3A_330 : i32 to vector<16xi32>
        %gather3A_332 = tpu.vector_load_idx %arg12[%broadcast_in_dim3A, %add3A_300, %broadcast_in_dim3A_331] : memref<2x2048x16xf32, #tpu.memory_space<vmem>>[vector<16xi32>, vector<16xi32>, vector<16xi32>], vector<16xf32>,
        %bitcast3A_333 = vector.bitcast %gather3A_332 : vector<16xf32> to vector<32xbf16>
        %unpack3A_334 = tpu.unpack_subelements %bitcast3A_333, 0 {pack_format = #tpu.pack_format<interleaved>} : vector<32xbf16> -> vector<16xf32>
        %unpack3A_335 = tpu.unpack_subelements %bitcast3A_333, 1 {pack_format = #tpu.pack_format<interleaved>} : vector<32xbf16> -> vector<16xf32>
        %mul3A_336 = arith.mulf %unpack3A_334, %sub3A_316 : vector<16xf32>
        %mul3A_337 = arith.mulf %unpack3A_335, %get3A_314 : vector<16xf32>
        %add3A_338 = arith.addf %mul3A_336, %mul3A_337 : vector<16xf32>
        %mul3A_339 = arith.mulf %add3A_338, %get3A_309 : vector<16xf32>
        %add3A_340 = arith.addf %mul3A_329, %mul3A_339 : vector<16xf32>
        %broadcast_in_dim3A_341 = arith.constant 6 : i32
        %broadcast_in_dim3A_342 = vector.broadcast %broadcast_in_dim3A_341 : i32 to vector<16xi32>
        %gather3A_343 = tpu.vector_load_idx %arg12[%broadcast_in_dim3A, %add3A_300, %broadcast_in_dim3A_342] : memref<2x2048x16xf32, #tpu.memory_space<vmem>>[vector<16xi32>, vector<16xi32>, vector<16xi32>], vector<16xf32>,
        %bitcast3A_344 = vector.bitcast %gather3A_343 : vector<16xf32> to vector<32xbf16>
        %unpack3A_345 = tpu.unpack_subelements %bitcast3A_344, 0 {pack_format = #tpu.pack_format<interleaved>} : vector<32xbf16> -> vector<16xf32>
        %unpack3A_346 = tpu.unpack_subelements %bitcast3A_344, 1 {pack_format = #tpu.pack_format<interleaved>} : vector<32xbf16> -> vector<16xf32>
        %mul3A_347 = arith.mulf %unpack3A_345, %sub3A_316 : vector<16xf32>
        %mul3A_348 = arith.mulf %unpack3A_346, %get3A_314 : vector<16xf32>
        %add3A_349 = arith.addf %mul3A_347, %mul3A_348 : vector<16xf32>
        %mul3A_350 = arith.mulf %add3A_349, %sub3A_319 : vector<16xf32>
        %broadcast_in_dim3A_351 = arith.constant 9 : i32
        %broadcast_in_dim3A_352 = vector.broadcast %broadcast_in_dim3A_351 : i32 to vector<16xi32>
        %gather3A_353 = tpu.vector_load_idx %arg12[%broadcast_in_dim3A, %add3A_300, %broadcast_in_dim3A_352] : memref<2x2048x16xf32, #tpu.memory_space<vmem>>[vector<16xi32>, vector<16xi32>, vector<16xi32>], vector<16xf32>,
        %bitcast3A_354 = vector.bitcast %gather3A_353 : vector<16xf32> to vector<32xbf16>
        %unpack3A_355 = tpu.unpack_subelements %bitcast3A_354, 0 {pack_format = #tpu.pack_format<interleaved>} : vector<32xbf16> -> vector<16xf32>
        %unpack3A_356 = tpu.unpack_subelements %bitcast3A_354, 1 {pack_format = #tpu.pack_format<interleaved>} : vector<32xbf16> -> vector<16xf32>
        %mul3A_357 = arith.mulf %unpack3A_355, %sub3A_316 : vector<16xf32>
        %mul3A_358 = arith.mulf %unpack3A_356, %get3A_314 : vector<16xf32>
        %add3A_359 = arith.addf %mul3A_357, %mul3A_358 : vector<16xf32>
        %mul3A_360 = arith.mulf %add3A_359, %get3A_309 : vector<16xf32>
        %add3A_361 = arith.addf %mul3A_350, %mul3A_360 : vector<16xf32>
        %mul3A_362 = arith.mulf %add3A_340, %sub3A_322 : vector<16xf32>
        %mul3A_363 = arith.mulf %add3A_361, %get3A_304 : vector<16xf32>
        %add3A_364 = arith.addf %mul3A_362, %mul3A_363 : vector<16xf32>
        %swap3A = arith.constant 0 : i32
        %swap3A_365 = arith.index_cast %rem3A_183 : i32 to index
        %swap3A_366 = arith.index_cast %swap3A : i32 to index
        %swap3A_367 = arith.index_cast %mul3A_298 : i32 to index
        %swap3A_368 = tpu.vector_load %arg13[%swap3A_365, %swap3A_366, %swap3A_367] {strides = array<i32>} : memref<2x3x2048xf32, #tpu.memory_space<vmem>>, vector<16xf32>,
        tpu.vector_store %arg13[%swap3A_365, %swap3A_366, %swap3A_367], %add3A_364 {strides = array<i32>} : memref<2x3x2048xf32, #tpu.memory_space<vmem>>, vector<16xf32>,
        %broadcast_in_dim3A_369 = arith.constant 1 : i32
        %broadcast_in_dim3A_370 = vector.broadcast %broadcast_in_dim3A_369 : i32 to vector<16xi32>
        %gather3A_371 = tpu.vector_load_idx %arg12[%broadcast_in_dim3A, %add3A_300, %broadcast_in_dim3A_370] : memref<2x2048x16xf32, #tpu.memory_space<vmem>>[vector<16xi32>, vector<16xi32>, vector<16xi32>], vector<16xf32>,
        %bitcast3A_372 = vector.bitcast %gather3A_371 : vector<16xf32> to vector<32xbf16>
        %unpack3A_373 = tpu.unpack_subelements %bitcast3A_372, 0 {pack_format = #tpu.pack_format<interleaved>} : vector<32xbf16> -> vector<16xf32>
        %unpack3A_374 = tpu.unpack_subelements %bitcast3A_372, 1 {pack_format = #tpu.pack_format<interleaved>} : vector<32xbf16> -> vector<16xf32>
        %mul3A_375 = arith.mulf %unpack3A_373, %sub3A_316 : vector<16xf32>
        %mul3A_376 = arith.mulf %unpack3A_374, %get3A_314 : vector<16xf32>
        %add3A_377 = arith.addf %mul3A_375, %mul3A_376 : vector<16xf32>
        %mul3A_378 = arith.mulf %add3A_377, %sub3A_319 : vector<16xf32>
        %broadcast_in_dim3A_379 = arith.constant 4 : i32
        %broadcast_in_dim3A_380 = vector.broadcast %broadcast_in_dim3A_379 : i32 to vector<16xi32>
        %gather3A_381 = tpu.vector_load_idx %arg12[%broadcast_in_dim3A, %add3A_300, %broadcast_in_dim3A_380] : memref<2x2048x16xf32, #tpu.memory_space<vmem>>[vector<16xi32>, vector<16xi32>, vector<16xi32>], vector<16xf32>,
        %bitcast3A_382 = vector.bitcast %gather3A_381 : vector<16xf32> to vector<32xbf16>
        %unpack3A_383 = tpu.unpack_subelements %bitcast3A_382, 0 {pack_format = #tpu.pack_format<interleaved>} : vector<32xbf16> -> vector<16xf32>
        %unpack3A_384 = tpu.unpack_subelements %bitcast3A_382, 1 {pack_format = #tpu.pack_format<interleaved>} : vector<32xbf16> -> vector<16xf32>
        %mul3A_385 = arith.mulf %unpack3A_383, %sub3A_316 : vector<16xf32>
        %mul3A_386 = arith.mulf %unpack3A_384, %get3A_314 : vector<16xf32>
        %add3A_387 = arith.addf %mul3A_385, %mul3A_386 : vector<16xf32>
        %mul3A_388 = arith.mulf %add3A_387, %get3A_309 : vector<16xf32>
        %add3A_389 = arith.addf %mul3A_378, %mul3A_388 : vector<16xf32>
        %broadcast_in_dim3A_390 = arith.constant 7 : i32
        %broadcast_in_dim3A_391 = vector.broadcast %broadcast_in_dim3A_390 : i32 to vector<16xi32>
        %gather3A_392 = tpu.vector_load_idx %arg12[%broadcast_in_dim3A, %add3A_300, %broadcast_in_dim3A_391] : memref<2x2048x16xf32, #tpu.memory_space<vmem>>[vector<16xi32>, vector<16xi32>, vector<16xi32>], vector<16xf32>,
        %bitcast3A_393 = vector.bitcast %gather3A_392 : vector<16xf32> to vector<32xbf16>
        %unpack3A_394 = tpu.unpack_subelements %bitcast3A_393, 0 {pack_format = #tpu.pack_format<interleaved>} : vector<32xbf16> -> vector<16xf32>
        %unpack3A_395 = tpu.unpack_subelements %bitcast3A_393, 1 {pack_format = #tpu.pack_format<interleaved>} : vector<32xbf16> -> vector<16xf32>
        %mul3A_396 = arith.mulf %unpack3A_394, %sub3A_316 : vector<16xf32>
        %mul3A_397 = arith.mulf %unpack3A_395, %get3A_314 : vector<16xf32>
        %add3A_398 = arith.addf %mul3A_396, %mul3A_397 : vector<16xf32>
        %mul3A_399 = arith.mulf %add3A_398, %sub3A_319 : vector<16xf32>
        %broadcast_in_dim3A_400 = arith.constant 10 : i32
        %broadcast_in_dim3A_401 = vector.broadcast %broadcast_in_dim3A_400 : i32 to vector<16xi32>
        %gather3A_402 = tpu.vector_load_idx %arg12[%broadcast_in_dim3A, %add3A_300, %broadcast_in_dim3A_401] : memref<2x2048x16xf32, #tpu.memory_space<vmem>>[vector<16xi32>, vector<16xi32>, vector<16xi32>], vector<16xf32>,
        %bitcast3A_403 = vector.bitcast %gather3A_402 : vector<16xf32> to vector<32xbf16>
        %unpack3A_404 = tpu.unpack_subelements %bitcast3A_403, 0 {pack_format = #tpu.pack_format<interleaved>} : vector<32xbf16> -> vector<16xf32>
        %unpack3A_405 = tpu.unpack_subelements %bitcast3A_403, 1 {pack_format = #tpu.pack_format<interleaved>} : vector<32xbf16> -> vector<16xf32>
        %mul3A_406 = arith.mulf %unpack3A_404, %sub3A_316 : vector<16xf32>
        %mul3A_407 = arith.mulf %unpack3A_405, %get3A_314 : vector<16xf32>
        %add3A_408 = arith.addf %mul3A_406, %mul3A_407 : vector<16xf32>
        %mul3A_409 = arith.mulf %add3A_408, %get3A_309 : vector<16xf32>
        %add3A_410 = arith.addf %mul3A_399, %mul3A_409 : vector<16xf32>
        %mul3A_411 = arith.mulf %add3A_389, %sub3A_322 : vector<16xf32>
        %mul3A_412 = arith.mulf %add3A_410, %get3A_304 : vector<16xf32>
        %add3A_413 = arith.addf %mul3A_411, %mul3A_412 : vector<16xf32>
        %swap3A_414 = arith.constant 1 : i32
        %swap3A_415 = arith.index_cast %rem3A_183 : i32 to index
        %swap3A_416 = arith.index_cast %swap3A_414 : i32 to index
        %swap3A_417 = arith.index_cast %mul3A_298 : i32 to index
        %swap3A_418 = tpu.vector_load %arg13[%swap3A_415, %swap3A_416, %swap3A_417] {strides = array<i32>} : memref<2x3x2048xf32, #tpu.memory_space<vmem>>, vector<16xf32>,
        tpu.vector_store %arg13[%swap3A_415, %swap3A_416, %swap3A_417], %add3A_413 {strides = array<i32>} : memref<2x3x2048xf32, #tpu.memory_space<vmem>>, vector<16xf32>,
        %broadcast_in_dim3A_419 = arith.constant 2 : i32
        %broadcast_in_dim3A_420 = vector.broadcast %broadcast_in_dim3A_419 : i32 to vector<16xi32>
        %gather3A_421 = tpu.vector_load_idx %arg12[%broadcast_in_dim3A, %add3A_300, %broadcast_in_dim3A_420] : memref<2x2048x16xf32, #tpu.memory_space<vmem>>[vector<16xi32>, vector<16xi32>, vector<16xi32>], vector<16xf32>,
        %bitcast3A_422 = vector.bitcast %gather3A_421 : vector<16xf32> to vector<32xbf16>
        %unpack3A_423 = tpu.unpack_subelements %bitcast3A_422, 0 {pack_format = #tpu.pack_format<interleaved>} : vector<32xbf16> -> vector<16xf32>
        %unpack3A_424 = tpu.unpack_subelements %bitcast3A_422, 1 {pack_format = #tpu.pack_format<interleaved>} : vector<32xbf16> -> vector<16xf32>
        %mul3A_425 = arith.mulf %unpack3A_423, %sub3A_316 : vector<16xf32>
        %mul3A_426 = arith.mulf %unpack3A_424, %get3A_314 : vector<16xf32>
        %add3A_427 = arith.addf %mul3A_425, %mul3A_426 : vector<16xf32>
        %mul3A_428 = arith.mulf %add3A_427, %sub3A_319 : vector<16xf32>
        %broadcast_in_dim3A_429 = arith.constant 5 : i32
        %broadcast_in_dim3A_430 = vector.broadcast %broadcast_in_dim3A_429 : i32 to vector<16xi32>
        %gather3A_431 = tpu.vector_load_idx %arg12[%broadcast_in_dim3A, %add3A_300, %broadcast_in_dim3A_430] : memref<2x2048x16xf32, #tpu.memory_space<vmem>>[vector<16xi32>, vector<16xi32>, vector<16xi32>], vector<16xf32>,
        %bitcast3A_432 = vector.bitcast %gather3A_431 : vector<16xf32> to vector<32xbf16>
        %unpack3A_433 = tpu.unpack_subelements %bitcast3A_432, 0 {pack_format = #tpu.pack_format<interleaved>} : vector<32xbf16> -> vector<16xf32>
        %unpack3A_434 = tpu.unpack_subelements %bitcast3A_432, 1 {pack_format = #tpu.pack_format<interleaved>} : vector<32xbf16> -> vector<16xf32>
        %mul3A_435 = arith.mulf %unpack3A_433, %sub3A_316 : vector<16xf32>
        %mul3A_436 = arith.mulf %unpack3A_434, %get3A_314 : vector<16xf32>
        %add3A_437 = arith.addf %mul3A_435, %mul3A_436 : vector<16xf32>
        %mul3A_438 = arith.mulf %add3A_437, %get3A_309 : vector<16xf32>
        %add3A_439 = arith.addf %mul3A_428, %mul3A_438 : vector<16xf32>
        %broadcast_in_dim3A_440 = arith.constant 8 : i32
        %broadcast_in_dim3A_441 = vector.broadcast %broadcast_in_dim3A_440 : i32 to vector<16xi32>
        %gather3A_442 = tpu.vector_load_idx %arg12[%broadcast_in_dim3A, %add3A_300, %broadcast_in_dim3A_441] : memref<2x2048x16xf32, #tpu.memory_space<vmem>>[vector<16xi32>, vector<16xi32>, vector<16xi32>], vector<16xf32>,
        %bitcast3A_443 = vector.bitcast %gather3A_442 : vector<16xf32> to vector<32xbf16>
        %unpack3A_444 = tpu.unpack_subelements %bitcast3A_443, 0 {pack_format = #tpu.pack_format<interleaved>} : vector<32xbf16> -> vector<16xf32>
        %unpack3A_445 = tpu.unpack_subelements %bitcast3A_443, 1 {pack_format = #tpu.pack_format<interleaved>} : vector<32xbf16> -> vector<16xf32>
        %mul3A_446 = arith.mulf %unpack3A_444, %sub3A_316 : vector<16xf32>
        %mul3A_447 = arith.mulf %unpack3A_445, %get3A_314 : vector<16xf32>
        %add3A_448 = arith.addf %mul3A_446, %mul3A_447 : vector<16xf32>
        %mul3A_449 = arith.mulf %add3A_448, %sub3A_319 : vector<16xf32>
        %broadcast_in_dim3A_450 = arith.constant 11 : i32
        %broadcast_in_dim3A_451 = vector.broadcast %broadcast_in_dim3A_450 : i32 to vector<16xi32>
        %gather3A_452 = tpu.vector_load_idx %arg12[%broadcast_in_dim3A, %add3A_300, %broadcast_in_dim3A_451] : memref<2x2048x16xf32, #tpu.memory_space<vmem>>[vector<16xi32>, vector<16xi32>, vector<16xi32>], vector<16xf32>,
        %bitcast3A_453 = vector.bitcast %gather3A_452 : vector<16xf32> to vector<32xbf16>
        %unpack3A_454 = tpu.unpack_subelements %bitcast3A_453, 0 {pack_format = #tpu.pack_format<interleaved>} : vector<32xbf16> -> vector<16xf32>
        %unpack3A_455 = tpu.unpack_subelements %bitcast3A_453, 1 {pack_format = #tpu.pack_format<interleaved>} : vector<32xbf16> -> vector<16xf32>
        %mul3A_456 = arith.mulf %unpack3A_454, %sub3A_316 : vector<16xf32>
        %mul3A_457 = arith.mulf %unpack3A_455, %get3A_314 : vector<16xf32>
        %add3A_458 = arith.addf %mul3A_456, %mul3A_457 : vector<16xf32>
        %mul3A_459 = arith.mulf %add3A_458, %get3A_309 : vector<16xf32>
        %add3A_460 = arith.addf %mul3A_449, %mul3A_459 : vector<16xf32>
        %mul3A_461 = arith.mulf %add3A_439, %sub3A_322 : vector<16xf32>
        %mul3A_462 = arith.mulf %add3A_460, %get3A_304 : vector<16xf32>
        %add3A_463 = arith.addf %mul3A_461, %mul3A_462 : vector<16xf32>
        %swap3A_464 = arith.constant 2 : i32
        %swap3A_465 = arith.index_cast %rem3A_183 : i32 to index
        %swap3A_466 = arith.index_cast %swap3A_464 : i32 to index
        %swap3A_467 = arith.index_cast %mul3A_298 : i32 to index
        %swap3A_468 = tpu.vector_load %arg13[%swap3A_465, %swap3A_466, %swap3A_467] {strides = array<i32>} : memref<2x3x2048xf32, #tpu.memory_space<vmem>>, vector<16xf32>,
        tpu.vector_store %arg13[%swap3A_465, %swap3A_466, %swap3A_467], %add3A_463 {strides = array<i32>} : memref<2x3x2048xf32, #tpu.memory_space<vmem>>, vector<16xf32>,
        %scan3A_469 = arith.constant 0 : i32
        scf.yield %scan3A_469 : i32
      }
      %scan3A_260 = arith.constant 128 : i32
      %dma_start3A_261 = arith.constant 0 : i32
      %dma_start3A_262 = arith.constant 0 : i32
      %dma_start3A_263 = tpu.memref_slice %arg13[%rem3A_183, %dma_start3A_261, %dma_start3A_262] : memref<2x3x2048xf32, #tpu.memory_space<vmem>> -> memref<1x1x2048xf32, #tpu.memory_space<vmem>>
      %dma_start3A_264 = tpu.memref_squeeze %dma_start3A_263 : memref<1x1x2048xf32, #tpu.memory_space<vmem>> -> memref<2048xf32, #tpu.memory_space<vmem>>
      %dma_start3A_265 = tpu.memref_slice %arg7[%add3A_253] : memref<2097152xf32, #tpu.memory_space<hbm>> -> memref<2048xf32, #tpu.memory_space<hbm>>
      %dma_start3A_266 = tpu.memref_slice %arg16[%rem3A_183] : memref<2x!tpu.dma_semaphore, #tpu.memory_space<semaphore_mem>> -> memref<1x!tpu.dma_semaphore, #tpu.memory_space<semaphore_mem>>
      %dma_start3A_267 = tpu.memref_squeeze %dma_start3A_266 : memref<1x!tpu.dma_semaphore, #tpu.memory_space<semaphore_mem>> -> memref<!tpu.dma_semaphore, #tpu.memory_space<semaphore_mem>>
      %dma_start3A_268 = tpu.memref_slice %arg7[%add3A_253] : memref<2097152xf32, #tpu.memory_space<hbm>> -> memref<2048xf32, #tpu.memory_space<hbm>>
      %dma_start3A_269 = arith.constant 0 : i32
      %dma_start3A_270 = tpu.memref_slice %arg13[%rem3A_183, %dma_start3A_261, %dma_start3A_269] : memref<2x3x2048xf32, #tpu.memory_space<vmem>> -> memref<1x1x2048xf32, #tpu.memory_space<vmem>>
      %dma_start3A_271 = tpu.memref_squeeze %dma_start3A_270 : memref<1x1x2048xf32, #tpu.memory_space<vmem>> -> memref<2048xf32, #tpu.memory_space<vmem>>
      tpu.enqueue_dma source(%dma_start3A_271 : memref<2048xf32, #tpu.memory_space<vmem>>) target(%dma_start3A_268 : memref<2048xf32, #tpu.memory_space<hbm>>) target_semaphore(%dma_start3A_267 : memref<!tpu.dma_semaphore, #tpu.memory_space<semaphore_mem>>)
      %dma_start3A_272 = arith.constant 1 : i32
      %dma_start3A_273 = arith.constant 0 : i32
      %dma_start3A_274 = tpu.memref_slice %arg13[%rem3A_183, %dma_start3A_272, %dma_start3A_273] : memref<2x3x2048xf32, #tpu.memory_space<vmem>> -> memref<1x1x2048xf32, #tpu.memory_space<vmem>>
      %dma_start3A_275 = tpu.memref_squeeze %dma_start3A_274 : memref<1x1x2048xf32, #tpu.memory_space<vmem>> -> memref<2048xf32, #tpu.memory_space<vmem>>
      %dma_start3A_276 = tpu.memref_slice %arg8[%add3A_253] : memref<2097152xf32, #tpu.memory_space<hbm>> -> memref<2048xf32, #tpu.memory_space<hbm>>
      %dma_start3A_277 = tpu.memref_slice %arg16[%rem3A_183] : memref<2x!tpu.dma_semaphore, #tpu.memory_space<semaphore_mem>> -> memref<1x!tpu.dma_semaphore, #tpu.memory_space<semaphore_mem>>
      %dma_start3A_278 = tpu.memref_squeeze %dma_start3A_277 : memref<1x!tpu.dma_semaphore, #tpu.memory_space<semaphore_mem>> -> memref<!tpu.dma_semaphore, #tpu.memory_space<semaphore_mem>>
      %dma_start3A_279 = tpu.memref_slice %arg8[%add3A_253] : memref<2097152xf32, #tpu.memory_space<hbm>> -> memref<2048xf32, #tpu.memory_space<hbm>>
      %dma_start3A_280 = arith.constant 0 : i32
      %dma_start3A_281 = tpu.memref_slice %arg13[%rem3A_183, %dma_start3A_272, %dma_start3A_280] : memref<2x3x2048xf32, #tpu.memory_space<vmem>> -> memref<1x1x2048xf32, #tpu.memory_space<vmem>>
      %dma_start3A_282 = tpu.memref_squeeze %dma_start3A_281 : memref<1x1x2048xf32, #tpu.memory_space<vmem>> -> memref<2048xf32, #tpu.memory_space<vmem>>
      tpu.enqueue_dma source(%dma_start3A_282 : memref<2048xf32, #tpu.memory_space<vmem>>) target(%dma_start3A_279 : memref<2048xf32, #tpu.memory_space<hbm>>) target_semaphore(%dma_start3A_278 : memref<!tpu.dma_semaphore, #tpu.memory_space<semaphore_mem>>)
      %dma_start3A_283 = arith.constant 2 : i32
      %dma_start3A_284 = arith.constant 0 : i32
      %dma_start3A_285 = tpu.memref_slice %arg13[%rem3A_183, %dma_start3A_283, %dma_start3A_284] : memref<2x3x2048xf32, #tpu.memory_space<vmem>> -> memref<1x1x2048xf32, #tpu.memory_space<vmem>>
      %dma_start3A_286 = tpu.memref_squeeze %dma_start3A_285 : memref<1x1x2048xf32, #tpu.memory_space<vmem>> -> memref<2048xf32, #tpu.memory_space<vmem>>
      %dma_start3A_287 = tpu.memref_slice %arg9[%add3A_253] : memref<2097152xf32, #tpu.memory_space<hbm>> -> memref<2048xf32, #tpu.memory_space<hbm>>
      %dma_start3A_288 = tpu.memref_slice %arg16[%rem3A_183] : memref<2x!tpu.dma_semaphore, #tpu.memory_space<semaphore_mem>> -> memref<1x!tpu.dma_semaphore, #tpu.memory_space<semaphore_mem>>
      %dma_start3A_289 = tpu.memref_squeeze %dma_start3A_288 : memref<1x!tpu.dma_semaphore, #tpu.memory_space<semaphore_mem>> -> memref<!tpu.dma_semaphore, #tpu.memory_space<semaphore_mem>>
      %dma_start3A_290 = tpu.memref_slice %arg9[%add3A_253] : memref<2097152xf32, #tpu.memory_space<hbm>> -> memref<2048xf32, #tpu.memory_space<hbm>>
      %dma_start3A_291 = arith.constant 0 : i32
      %dma_start3A_292 = tpu.memref_slice %arg13[%rem3A_183, %dma_start3A_283, %dma_start3A_291] : memref<2x3x2048xf32, #tpu.memory_space<vmem>> -> memref<1x1x2048xf32, #tpu.memory_space<vmem>>
      %dma_start3A_293 = tpu.memref_squeeze %dma_start3A_292 : memref<1x1x2048xf32, #tpu.memory_space<vmem>> -> memref<2048xf32, #tpu.memory_space<vmem>>
      tpu.enqueue_dma source(%dma_start3A_293 : memref<2048xf32, #tpu.memory_space<vmem>>) target(%dma_start3A_290 : memref<2048xf32, #tpu.memory_space<hbm>>) target_semaphore(%dma_start3A_289 : memref<!tpu.dma_semaphore, #tpu.memory_space<semaphore_mem>>)
      %scan3A_294 = arith.constant 0 : i32
      scf.yield %scan3A_294 : i32
    }
    %scan3A_104 = arith.constant 32 : i32
    %rem3A = arith.constant 30 : i32
    %rem3A_105 = arith.constant 2 : i32
    %rem3A_106 = arith.remsi %rem3A, %rem3A_105 : i32
    %add3A_107 = arith.constant 61440 : i32
    %add3A_108 = arith.addi %mul3A_2, %add3A_107 : i32
    %dma_wait3A_109 = arith.constant 0 : i32
    %dma_wait3A_110 = arith.constant 0 : i32
    %dma_wait3A_111 = tpu.memref_slice %arg13[%rem3A_106, %dma_wait3A_109, %dma_wait3A_110] : memref<2x3x2048xf32, #tpu.memory_space<vmem>> -> memref<1x1x2048xf32, #tpu.memory_space<vmem>>
    %dma_wait3A_112 = tpu.memref_squeeze %dma_wait3A_111 : memref<1x1x2048xf32, #tpu.memory_space<vmem>> -> memref<2048xf32, #tpu.memory_space<vmem>>
    %dma_wait3A_113 = tpu.memref_slice %arg7[%add3A_108] : memref<2097152xf32, #tpu.memory_space<hbm>> -> memref<2048xf32, #tpu.memory_space<hbm>>
    %dma_wait3A_114 = tpu.memref_slice %arg16[%rem3A_106] : memref<2x!tpu.dma_semaphore, #tpu.memory_space<semaphore_mem>> -> memref<1x!tpu.dma_semaphore, #tpu.memory_space<semaphore_mem>>
    %dma_wait3A_115 = tpu.memref_squeeze %dma_wait3A_114 : memref<1x!tpu.dma_semaphore, #tpu.memory_space<semaphore_mem>> -> memref<!tpu.dma_semaphore, #tpu.memory_space<semaphore_mem>>
    %dma_wait3A_116 = tpu.memref_slice %arg7[%add3A_108] : memref<2097152xf32, #tpu.memory_space<hbm>> -> memref<2048xf32, #tpu.memory_space<hbm>>
    %dma_wait3A_117 = arith.constant 0 : i32
    %dma_wait3A_118 = tpu.memref_slice %arg13[%rem3A_106, %dma_wait3A_109, %dma_wait3A_117] : memref<2x3x2048xf32, #tpu.memory_space<vmem>> -> memref<1x1x2048xf32, #tpu.memory_space<vmem>>
    %dma_wait3A_119 = tpu.memref_squeeze %dma_wait3A_118 : memref<1x1x2048xf32, #tpu.memory_space<vmem>> -> memref<2048xf32, #tpu.memory_space<vmem>>
    tpu.wait_dma2 semaphore(%dma_wait3A_115 : memref<!tpu.dma_semaphore, #tpu.memory_space<semaphore_mem>>) src(%dma_wait3A_119 : memref<2048xf32, #tpu.memory_space<vmem>>) dst(%dma_wait3A_116 : memref<2048xf32, #tpu.memory_space<hbm>>)
    %dma_wait3A_120 = arith.constant 1 : i32
    %dma_wait3A_121 = arith.constant 0 : i32
    %dma_wait3A_122 = tpu.memref_slice %arg13[%rem3A_106, %dma_wait3A_120, %dma_wait3A_121] : memref<2x3x2048xf32, #tpu.memory_space<vmem>> -> memref<1x1x2048xf32, #tpu.memory_space<vmem>>
    %dma_wait3A_123 = tpu.memref_squeeze %dma_wait3A_122 : memref<1x1x2048xf32, #tpu.memory_space<vmem>> -> memref<2048xf32, #tpu.memory_space<vmem>>
    %dma_wait3A_124 = tpu.memref_slice %arg8[%add3A_108] : memref<2097152xf32, #tpu.memory_space<hbm>> -> memref<2048xf32, #tpu.memory_space<hbm>>
    %dma_wait3A_125 = tpu.memref_slice %arg16[%rem3A_106] : memref<2x!tpu.dma_semaphore, #tpu.memory_space<semaphore_mem>> -> memref<1x!tpu.dma_semaphore, #tpu.memory_space<semaphore_mem>>
    %dma_wait3A_126 = tpu.memref_squeeze %dma_wait3A_125 : memref<1x!tpu.dma_semaphore, #tpu.memory_space<semaphore_mem>> -> memref<!tpu.dma_semaphore, #tpu.memory_space<semaphore_mem>>
    %dma_wait3A_127 = tpu.memref_slice %arg8[%add3A_108] : memref<2097152xf32, #tpu.memory_space<hbm>> -> memref<2048xf32, #tpu.memory_space<hbm>>
    %dma_wait3A_128 = arith.constant 0 : i32
    %dma_wait3A_129 = tpu.memref_slice %arg13[%rem3A_106, %dma_wait3A_120, %dma_wait3A_128] : memref<2x3x2048xf32, #tpu.memory_space<vmem>> -> memref<1x1x2048xf32, #tpu.memory_space<vmem>>
    %dma_wait3A_130 = tpu.memref_squeeze %dma_wait3A_129 : memref<1x1x2048xf32, #tpu.memory_space<vmem>> -> memref<2048xf32, #tpu.memory_space<vmem>>
    tpu.wait_dma2 semaphore(%dma_wait3A_126 : memref<!tpu.dma_semaphore, #tpu.memory_space<semaphore_mem>>) src(%dma_wait3A_130 : memref<2048xf32, #tpu.memory_space<vmem>>) dst(%dma_wait3A_127 : memref<2048xf32, #tpu.memory_space<hbm>>)
    %dma_wait3A_131 = arith.constant 2 : i32
    %dma_wait3A_132 = arith.constant 0 : i32
    %dma_wait3A_133 = tpu.memref_slice %arg13[%rem3A_106, %dma_wait3A_131, %dma_wait3A_132] : memref<2x3x2048xf32, #tpu.memory_space<vmem>> -> memref<1x1x2048xf32, #tpu.memory_space<vmem>>
    %dma_wait3A_134 = tpu.memref_squeeze %dma_wait3A_133 : memref<1x1x2048xf32, #tpu.memory_space<vmem>> -> memref<2048xf32, #tpu.memory_space<vmem>>
    %dma_wait3A_135 = tpu.memref_slice %arg9[%add3A_108] : memref<2097152xf32, #tpu.memory_space<hbm>> -> memref<2048xf32, #tpu.memory_space<hbm>>
    %dma_wait3A_136 = tpu.memref_slice %arg16[%rem3A_106] : memref<2x!tpu.dma_semaphore, #tpu.memory_space<semaphore_mem>> -> memref<1x!tpu.dma_semaphore, #tpu.memory_space<semaphore_mem>>
    %dma_wait3A_137 = tpu.memref_squeeze %dma_wait3A_136 : memref<1x!tpu.dma_semaphore, #tpu.memory_space<semaphore_mem>> -> memref<!tpu.dma_semaphore, #tpu.memory_space<semaphore_mem>>
    %dma_wait3A_138 = tpu.memref_slice %arg9[%add3A_108] : memref<2097152xf32, #tpu.memory_space<hbm>> -> memref<2048xf32, #tpu.memory_space<hbm>>
    %dma_wait3A_139 = arith.constant 0 : i32
    %dma_wait3A_140 = tpu.memref_slice %arg13[%rem3A_106, %dma_wait3A_131, %dma_wait3A_139] : memref<2x3x2048xf32, #tpu.memory_space<vmem>> -> memref<1x1x2048xf32, #tpu.memory_space<vmem>>
    %dma_wait3A_141 = tpu.memref_squeeze %dma_wait3A_140 : memref<1x1x2048xf32, #tpu.memory_space<vmem>> -> memref<2048xf32, #tpu.memory_space<vmem>>
    tpu.wait_dma2 semaphore(%dma_wait3A_137 : memref<!tpu.dma_semaphore, #tpu.memory_space<semaphore_mem>>) src(%dma_wait3A_141 : memref<2048xf32, #tpu.memory_space<vmem>>) dst(%dma_wait3A_138 : memref<2048xf32, #tpu.memory_space<hbm>>)
    %rem3A_142 = arith.constant 31 : i32
    %rem3A_143 = arith.constant 2 : i32
    %rem3A_144 = arith.remsi %rem3A_142, %rem3A_143 : i32
    %add3A_145 = arith.constant 63488 : i32
    %add3A_146 = arith.addi %mul3A_2, %add3A_145 : i32
    %dma_wait3A_147 = arith.constant 0 : i32
    %dma_wait3A_148 = arith.constant 0 : i32
    %dma_wait3A_149 = tpu.memref_slice %arg13[%rem3A_144, %dma_wait3A_147, %dma_wait3A_148] : memref<2x3x2048xf32, #tpu.memory_space<vmem>> -> memref<1x1x2048xf32, #tpu.memory_space<vmem>>
    %dma_wait3A_150 = tpu.memref_squeeze %dma_wait3A_149 : memref<1x1x2048xf32, #tpu.memory_space<vmem>> -> memref<2048xf32, #tpu.memory_space<vmem>>
    %dma_wait3A_151 = tpu.memref_slice %arg7[%add3A_146] : memref<2097152xf32, #tpu.memory_space<hbm>> -> memref<2048xf32, #tpu.memory_space<hbm>>
    %dma_wait3A_152 = tpu.memref_slice %arg16[%rem3A_144] : memref<2x!tpu.dma_semaphore, #tpu.memory_space<semaphore_mem>> -> memref<1x!tpu.dma_semaphore, #tpu.memory_space<semaphore_mem>>
    %dma_wait3A_153 = tpu.memref_squeeze %dma_wait3A_152 : memref<1x!tpu.dma_semaphore, #tpu.memory_space<semaphore_mem>> -> memref<!tpu.dma_semaphore, #tpu.memory_space<semaphore_mem>>
    %dma_wait3A_154 = tpu.memref_slice %arg7[%add3A_146] : memref<2097152xf32, #tpu.memory_space<hbm>> -> memref<2048xf32, #tpu.memory_space<hbm>>
    %dma_wait3A_155 = arith.constant 0 : i32
    %dma_wait3A_156 = tpu.memref_slice %arg13[%rem3A_144, %dma_wait3A_147, %dma_wait3A_155] : memref<2x3x2048xf32, #tpu.memory_space<vmem>> -> memref<1x1x2048xf32, #tpu.memory_space<vmem>>
    %dma_wait3A_157 = tpu.memref_squeeze %dma_wait3A_156 : memref<1x1x2048xf32, #tpu.memory_space<vmem>> -> memref<2048xf32, #tpu.memory_space<vmem>>
    tpu.wait_dma2 semaphore(%dma_wait3A_153 : memref<!tpu.dma_semaphore, #tpu.memory_space<semaphore_mem>>) src(%dma_wait3A_157 : memref<2048xf32, #tpu.memory_space<vmem>>) dst(%dma_wait3A_154 : memref<2048xf32, #tpu.memory_space<hbm>>)
    %dma_wait3A_158 = arith.constant 1 : i32
    %dma_wait3A_159 = arith.constant 0 : i32
    %dma_wait3A_160 = tpu.memref_slice %arg13[%rem3A_144, %dma_wait3A_158, %dma_wait3A_159] : memref<2x3x2048xf32, #tpu.memory_space<vmem>> -> memref<1x1x2048xf32, #tpu.memory_space<vmem>>
    %dma_wait3A_161 = tpu.memref_squeeze %dma_wait3A_160 : memref<1x1x2048xf32, #tpu.memory_space<vmem>> -> memref<2048xf32, #tpu.memory_space<vmem>>
    %dma_wait3A_162 = tpu.memref_slice %arg8[%add3A_146] : memref<2097152xf32, #tpu.memory_space<hbm>> -> memref<2048xf32, #tpu.memory_space<hbm>>
    %dma_wait3A_163 = tpu.memref_slice %arg16[%rem3A_144] : memref<2x!tpu.dma_semaphore, #tpu.memory_space<semaphore_mem>> -> memref<1x!tpu.dma_semaphore, #tpu.memory_space<semaphore_mem>>
    %dma_wait3A_164 = tpu.memref_squeeze %dma_wait3A_163 : memref<1x!tpu.dma_semaphore, #tpu.memory_space<semaphore_mem>> -> memref<!tpu.dma_semaphore, #tpu.memory_space<semaphore_mem>>
    %dma_wait3A_165 = tpu.memref_slice %arg8[%add3A_146] : memref<2097152xf32, #tpu.memory_space<hbm>> -> memref<2048xf32, #tpu.memory_space<hbm>>
    %dma_wait3A_166 = arith.constant 0 : i32
    %dma_wait3A_167 = tpu.memref_slice %arg13[%rem3A_144, %dma_wait3A_158, %dma_wait3A_166] : memref<2x3x2048xf32, #tpu.memory_space<vmem>> -> memref<1x1x2048xf32, #tpu.memory_space<vmem>>
    %dma_wait3A_168 = tpu.memref_squeeze %dma_wait3A_167 : memref<1x1x2048xf32, #tpu.memory_space<vmem>> -> memref<2048xf32, #tpu.memory_space<vmem>>
    tpu.wait_dma2 semaphore(%dma_wait3A_164 : memref<!tpu.dma_semaphore, #tpu.memory_space<semaphore_mem>>) src(%dma_wait3A_168 : memref<2048xf32, #tpu.memory_space<vmem>>) dst(%dma_wait3A_165 : memref<2048xf32, #tpu.memory_space<hbm>>)
    %dma_wait3A_169 = arith.constant 2 : i32
    %dma_wait3A_170 = arith.constant 0 : i32
    %dma_wait3A_171 = tpu.memref_slice %arg13[%rem3A_144, %dma_wait3A_169, %dma_wait3A_170] : memref<2x3x2048xf32, #tpu.memory_space<vmem>> -> memref<1x1x2048xf32, #tpu.memory_space<vmem>>
    %dma_wait3A_172 = tpu.memref_squeeze %dma_wait3A_171 : memref<1x1x2048xf32, #tpu.memory_space<vmem>> -> memref<2048xf32, #tpu.memory_space<vmem>>
    %dma_wait3A_173 = tpu.memref_slice %arg9[%add3A_146] : memref<2097152xf32, #tpu.memory_space<hbm>> -> memref<2048xf32, #tpu.memory_space<hbm>>
    %dma_wait3A_174 = tpu.memref_slice %arg16[%rem3A_144] : memref<2x!tpu.dma_semaphore, #tpu.memory_space<semaphore_mem>> -> memref<1x!tpu.dma_semaphore, #tpu.memory_space<semaphore_mem>>
    %dma_wait3A_175 = tpu.memref_squeeze %dma_wait3A_174 : memref<1x!tpu.dma_semaphore, #tpu.memory_space<semaphore_mem>> -> memref<!tpu.dma_semaphore, #tpu.memory_space<semaphore_mem>>
    %dma_wait3A_176 = tpu.memref_slice %arg9[%add3A_146] : memref<2097152xf32, #tpu.memory_space<hbm>> -> memref<2048xf32, #tpu.memory_space<hbm>>
    %dma_wait3A_177 = arith.constant 0 : i32
    %dma_wait3A_178 = tpu.memref_slice %arg13[%rem3A_144, %dma_wait3A_169, %dma_wait3A_177] : memref<2x3x2048xf32, #tpu.memory_space<vmem>> -> memref<1x1x2048xf32, #tpu.memory_space<vmem>>
    %dma_wait3A_179 = tpu.memref_squeeze %dma_wait3A_178 : memref<1x1x2048xf32, #tpu.memory_space<vmem>> -> memref<2048xf32, #tpu.memory_space<vmem>>
    tpu.wait_dma2 semaphore(%dma_wait3A_175 : memref<!tpu.dma_semaphore, #tpu.memory_space<semaphore_mem>>) src(%dma_wait3A_179 : memref<2048xf32, #tpu.memory_space<vmem>>) dst(%dma_wait3A_176 : memref<2048xf32, #tpu.memory_space<hbm>>)
    return
  }
}

</mosaic_0001>

<sc_bundles>
// kernel: kernel.4.cloned.1.call-start
scs
__scs_entry_jumppad:
0x0: {  	(pc) =	sbr.rel $0x88, $3  }
0x1: {  	(tag) =	ssettag $0x0;
	lr =	simm.s32 $0x1  }
0x2: {  	[smem:$0x3F9F] =	sst lr;
	_ =	strace $0xD0000000  }
0x3: {  	_ = 	snop  }
0x4: {  	_ = 	snop  }
0x5: {  	_ = 	snop  }
0x6: {  	_ = 	snop  }
0x7: {  	_ = 	snop  }
__scs_overlays_trampoline_lowered:
0x8: {  	[smem:$0x3FAE] =	sst s0  }
0x9: {  	[smem:$0x3FAF] =	sst s1  }
0xa: {  	[smem:$0x3FB0] =	sst s2  }
0xb: {  	[smem:$0x3FB1] =	sst s3  }
0xc: {  	[smem:$0x3FB2] =	sst s4  }
0xd: {  	[smem:$0x3FB3] =	sst s5  }
0xe: {  	[smem:$0x3FB4] =	sst s6  }
0xf: {  	[smem:$0x3FB5] =	sst s7  }
0x10: {  	[smem:$0x3FB6] =	sst s8  }
0x11: {  	[smem:$0x3FB7] =	sst s9;
	s0 =	simm.s32 @!p0 $0x0  }
0x12: {  	s1 =	sld [smem:$0x3F9D];
	s0 =	simm.s32 @p0 $0x1  }
0x13: {  	[smem:$0x3FB8] =	sst s0;
	s0 =	simm.s32 @!p1 $0x0  }
0x14: {  	s2 =	sld [smem:$0x3F9C];
	s0 =	simm.s32 @p1 $0x1  }
0x15: {  	[smem:$0x3FB9] =	sst s0;
	s0 =	simm.s32 @!p2 $0x0  }
0x16: {  	s3 =	sld [smem:$0x3FDB];
	s0 =	simm.s32 @p2 $0x1  }
0x17: {  	s4 =	simm.s32 $0x1BF5;
	[smem:$0x3FBB] =	sst s0  }
0x18: {  	s0 =	sld [smem:$0x3F9E];
	_ =	swait.ge [sflag:s4], $0x0  }
0x19: {  	s7 =	sld [smem:$0x3F9F]  }
0x1a: {  	s8 =	sadd.s32 $0xFFFFE003, lr  }
0x1b: {  	s9 =	sadd.s32 $0xFFFFFEF7, lr;
	s5 =	simm.s32 $0xFFFFFFFF;
	p2 =	slt.u32 s8, $0xFFFFF086  }
0x1c: {  	p1 =	slt.u32 s9, $0xF7A;
	s5 =	simm.s32 @!p2 $0x0  }
0x1d: {  	s5 =	simm.s32 @p1 $0x1;
	p0 =	seq.s32 s7, s2  }
0x1e: {  	s7 =	smul.u32 @!p0 $0xF7A, s2;
	p2 =	seq.s32 @!p0 s5, $0x0  }
0x1f: {  	s9 =	smul.u32 $0xF7A, s1;
	s8 =	simm.s32 @!p0 $0x1BF5;
	p2 =	por !p2, p0  }
0x20: {  	[sflag:s8] =	ssyncset.s32 @!p0 $0xFFFFF086;
	s6 =	sadd.s32 @!p0 s3, s7;
	s7 =	simm.s32 @!p0 $0x108  }
0x21: {  	s3 =	sadd.s32 s3, s9;
	s6 =	sadd.s32 @!p0 $0x88, s6;
	s7 =	simm.s32 @p2 $0x1082  }
0x22: {  	[simem:s7], [sflag:s8] =	dma.local @!p0 [hbm:s6], $0xF7A  }
0x23: {  	s9 =	sor.u32 $0xD0000000, s2;
	s6 =	simm.s32 $0x108;
	_ =	swait.ge @!p0 [sflag:s8], $0x0  }
0x24: {  	s3 =	sadd.s32 $0x88, s3;
	s6 =	simm.s32 @!p1 $0x1082;
	[sflag:s4] =	ssyncset.s32 $0xFFFFF086  }
0x25: {  	[simem:s6], [sflag:s4] =	dma.local [hbm:s3], $0xF7A  }
0x26: {  	[smem:$0x3F9F] =	sst s1;
	(tag) =	ssettag s2;
	_ =	strace s9  }
0x27: {  	s1 =	sld [smem:$0x3FAF]  }
0x28: {  	s2 =	sld [smem:$0x3FB0]  }
0x29: {  	s4 =	sld [smem:$0x3FB2]  }
0x2a: {  	p0 =	seq.s32 s5, $0x0;
	s5 =	sld [smem:$0x3FB3]  }
0x2b: {  	s6 =	sld [smem:$0x3FB4]  }
0x2c: {  	s7 =	sld [smem:$0x3FB5]  }
0x2d: {  	s3 =	simm.s32 $0x108;
	s8 =	sld [smem:$0x3FB6]  }
0x2e: {  	s3 =	simm.s32 @!p0 $0x1082;
	s9 =	sld [smem:$0x3FB7]  }
0x2f: {  	lr =	sadd.s32 s0, s3;
	s0 =	sld [smem:$0x3FAE]  }
0x30: {  	s3 =	sld [smem:$0x3FB1]  }
0x31: {  	[smem:$0x3FBA] =	sst s10  }
0x32: {  	s10 =	sld [smem:$0x3FB8];
	_ =	sdelay $0x3  }
0x33: {  	p0 =	seq.s32 s10, $0x1;
	s10 =	sld [smem:$0x3FBA];
	_ =	sdelay $0x3  }
0x34: {  	[smem:$0x3FBA] =	sst s10  }
0x35: {  	s10 =	sld [smem:$0x3FB9];
	_ =	sdelay $0x3  }
0x36: {  	p1 =	seq.s32 s10, $0x1;
	s10 =	sld [smem:$0x3FBA];
	_ =	sdelay $0x3  }
0x37: {  	[smem:$0x3FBA] =	sst s10  }
0x38: {  	s10 =	sld [smem:$0x3FBB]  }
0x39: {  	_ = 	snop;
	(pc) =	sbr.ind lr, $3  }
0x3a: {  	_ = 	snop  }
0x3b: {  	_ = 	snop  }
0x3c: {  	p2 =	seq.s32 s10, $0x1;
	s10 =	sld [smem:$0x3FBA]  }
0x3d: {  	_ =	shalt  }
0x3e: {  	_ =	shalt  }
0x3f: {  	_ =	shalt  }
0x40: {  	_ =	shalt  }
0x41: {  	_ =	shalt  }
0x42: {  	_ =	shalt  }
0x43: {  	_ =	shalt  }
0x44: {  	_ =	shalt  }
0x45: {  	_ =	shalt  }
0x46: {  	_ =	shalt  }
0x47: {  	_ =	shalt  }
0x48: {  	_ =	shalt  }
0x49: {  	_ =	shalt  }
0x4a: {  	_ =	shalt  }
0x4b: {  	_ =	shalt  }
0x4c: {  	_ =	shalt  }
0x4d: {  	_ =	shalt  }
0x4e: {  	_ =	shalt  }
0x4f: {  	_ =	shalt  }
0x50: {  	_ =	shalt  }
0x51: {  	_ =	shalt  }
0x52: {  	_ =	shalt  }
0x53: {  	_ =	shalt  }
0x54: {  	_ =	shalt  }
0x55: {  	_ =	shalt  }
0x56: {  	_ =	shalt  }
0x57: {  	_ =	shalt  }
0x58: {  	_ =	shalt  }
0x59: {  	_ =	shalt  }
0x5a: {  	_ =	shalt  }
0x5b: {  	_ =	shalt  }
0x5c: {  	_ =	shalt  }
0x5d: {  	_ =	shalt  }
0x5e: {  	_ =	shalt  }
0x5f: {  	_ =	shalt  }
0x60: {  	_ =	shalt  }
0x61: {  	_ =	shalt  }
0x62: {  	_ =	shalt  }
0x63: {  	_ =	shalt  }
0x64: {  	_ =	shalt  }
0x65: {  	_ =	shalt  }
0x66: {  	_ =	shalt  }
0x67: {  	_ =	shalt  }
0x68: {  	_ =	shalt  }
0x69: {  	_ =	shalt  }
0x6a: {  	_ =	shalt  }
0x6b: {  	_ =	shalt  }
0x6c: {  	_ =	shalt  }
0x6d: {  	_ =	shalt  }
0x6e: {  	_ =	shalt  }
0x6f: {  	_ =	shalt  }
0x70: {  	_ =	shalt  }
0x71: {  	_ =	shalt  }
0x72: {  	_ =	shalt  }
0x73: {  	_ =	shalt  }
0x74: {  	_ =	shalt  }
0x75: {  	_ =	shalt  }
0x76: {  	_ =	shalt  }
0x77: {  	_ =	shalt  }
0x78: {  	_ =	shalt  }
0x79: {  	_ =	shalt  }
0x7a: {  	_ =	shalt  }
0x7b: {  	_ =	shalt  }
0x7c: {  	_ =	shalt  }
0x7d: {  	_ =	shalt  }
0x7e: {  	_ =	shalt  }
0x7f: {  	_ =	shalt  }
0x80: {  	_ =	shalt  }
0x81: {  	_ =	shalt  }
0x82: {  	_ =	shalt  }
0x83: {  	_ =	shalt  }
0x84: {  	_ =	shalt  }
0x85: {  	_ =	shalt  }
0x86: {  	_ =	shalt  }
0x87: {  	_ =	shalt  }
.Lfunc_end0:
.L_simem_size_0:
called_computation_lowered:
.L_overlay_start_0:
0x88: {  	s2 =	sld [smem:$0x3FD9]  }
0x89: {  	s3 =	sld [smem:$0x3FFE];
	_ =	sdelay $0x1  }
0x8a: {  	s1 =	srdreg.scid  }
0x8b: {  	s0 =	sand.u32 $0x1, s1  }
0x8c: {  	s16 =	sshll.u32 s0, $0xA;
	s2 =	sadd.s32 s3, s2  }
0x8d: {  	s2 =	sadd.s32 s2, s16  }
0x8e: {  	[smem:$0x3FC6] =	sst s2  }
0x8f: {  	_ = 	snop  }
0x90: {  	(tm) =	ssettm $0x1  }
0x91: {  	s17 =	sld [smem:$0x3FFB];
	_ =	sdelay $0x3  }
0x92: {  	_ =	strace s17  }
0x93: {  	s2 =	sld [smem:$0x3FFC];
	_ =	sdelay $0x3  }
0x94: {  	_ =	strace s2  }
0x95: {  	s2 =	sld [smem:$0x3FFD];
	_ =	sdelay $0x3  }
0x96: {  	_ =	strace s2  }
0x97: {  	_ =	strace $0x8FFFFFFF  }
0x98: {  	s18 =	sld [smem:$0x3FDB];
	_ =	sdelay $0x1  }
0x99: {  	s19 =	simm.s32 $_scs_section_size  }
0x9a: {  	s4 =	simm.s32 $_size__tile_overlayer_lowered;
	s5 =	simm.s32 $_tile_overlayer_lowered  }
0x9b: {  	s22 =	simm.s32 $0x1BFF;
	s21 =	sshll.u32 s5, $0x1;
	s2 =	sadd.s32 s19, s18  }
0x9c: {  	s6 =	simm.s32 $0x0;
	s20 =	sshll.u32 s4, $0x1;
	s4 =	sadd.s32 s21, s2  }
0x9d: {  	[timem:s6], [sflag:s22] =	dma.local [hbm:s4], s20  }
0x9e: {  	_ =	swait.ge [sflag:s22], s20  }
0x9f: {  	s3 =	ssub.s32 $0x0, s20;
	[sflag:s22] =	ssyncset.done $0x0  }
0xa0: {  	[sflag:s22] =	ssyncadd.s32 s3;
	_ =	sdelay $0x1  }
0xa1: {  	s23 =	simm.s32 $0x1B8B  }
0xa2: {  	_ =	swait.ge [sflag:s23], $0x1  }
0xa3: {  	[sflag:s23] =	ssyncset.done $0x0  }
0xa4: {  	s25 =	simm.s32 $0x1B8E;
	s24 =	sld [smem:$0x3FFE];
	[sflag:s23] =	ssyncadd.s32 $0xFFFFFFFF  }
0xa5: {  	s26 =	simm.s32 $execute0_lowered;
	[smem:$0x3FD2] =	sst s25  }
0xa6: {  	s4 =	sshll.u32 s26, $0x1;
	_ =	strace $0x80000046;
	[dreg:$0x1] =	wrdreg $0xFFFFFFFF  }
0xa7: {  	s28 =	simm.s32 $_size_execute0_lowered;
	s2 =	sadd.s32 s2, s4;
	[dreg:$0x0] =	wrdreg $0x0  }
0xa8: {  	s4 =	sshll.u32 s28, $0x1;
	[dreg:$0x2] =	wrdreg s2  }
0xa9: {  	[dreg:$0x3] =	wrdreg s4  }
0xaa: {  	[dreg:$0x4] =	wrdreg $0xC0  }
0xab: {  	_ =	task [dreg:s6], $0x5FFFF  }
0xac: {  	[dreg:$0x1] =	wrdreg $0xFFFFFFFF  }
0xad: {  	[dreg:$0x0] =	wrdreg $0x60  }
0xae: {  	[dreg:$0x2] =	wrdreg s24  }
0xaf: {  	[dreg:$0x3] =	wrdreg $0x9  }
0xb0: {  	_ =	task.clear_ibuf [dreg:s6], $0x4FFFF;
	_ =	strace $0x90000046  }
0xb1: {  	s29 =	simm.s32 $0x9;
	_ =	strace $0x80000048  }
0xb2: {  	_ =	swait.ge [sflag:s29], $0x1  }
0xb3: {  	[sflag:s29] =	ssyncadd.s32 $0xFFFFFFFF  }
0xb4: {  	_ =	strace $0x90000048  }
0xb5: {  	_ =	sfence  }
0xb6: {  	s30 =	sld [smem:$0x0];
	_ =	sdelay $0x2  }
0xb7: {  	s31 =	sshll.u32 s1, $0xD;
	s1 =	sshrl.u32 s1, $0x2  }
0xb8: {  	s3 =	sand.u32 $0x4000, s31;
	s1 =	sadd.s32 s1, s30  }
0xb9: {  	s0 =	sor.u32 s3, s0;
	s1 =	sshll.u32 s1, $0x11  }
0xba: {  	s0 =	sor.u32 s1, s0  }
0xbb: {  	s0 =	sadd.s32 $0x8F2B, s0  }
0xbc: {  	[sflag:s0] =	ssyncadd.remote.s32 $0x1  }
0xbd: {  	_ =	sfence.sel $0xFFFF  }
0xbe: {  	[dreg:$0x0] =	wrdreg $0xFFFFFFFF;
	(pc) =	sbr.abs _section_cstart, $3  }
0xbf: {  	[dreg:$0x1] =	wrdreg $0xFFFFFFFF  }
0xc0: {  	_ =	task.clear_ibuf [dreg:s6], $0x2FFFF;
	_ =	strace $0x9FFFFFFF  }
0xc1: {  	(tm) =	ssettm $0x7FFFFFFF  }
tec
execute0_lowered:
.L_overlay_start_1:
0x0: {  	(tag) =	ssettag $0x1  }
0x1: {  	s1 =	srdreg.scid  }
0x2: {  	s0 =	stileid.u32;
	s6 =	rddreg [dreg:$0x0]  }
0x3: {  	s3 =	simm.s32 $0x0;
	s13 =	simm.s32 $0x888;
	s14 =	simm.s32 $0x1110  }
0x4: {  	s15 =	simm.s32 $0x1998;
	s16 =	simm.s32 $0x2220;
	s5 =	sand.u32 $0x1, s1  }
0x5: {  	s17 =	simm.s32 $0x2AA8;
	s29 =	sshll.u32 s0, $0x11;
	s2 =	sshll.u32 s5, $0x10  }
0x6: {  	s18 =	simm.s32 $0x6660;
	s19 =	simm.s32 $0x3;
	s2 =	sor.u32 s2, s29  }
0x7: {  	s20 =	simm.s32 $0x4;
	s21 =	simm.s32 $0x0;
	s4 =	sshrl.u32 s2, $0xE  }
0x8: {  	[smem:$0x7FF] =	sst s3;
	s8 =	ssub.s32 $0x2, s5;
	s7 =	smul.u32 $0xC000, s4  }
0x9: {  	_ =	strace $0x80000047;
	s9 =	sshrl.u32 s8, $0x1;
	s31 =	sshll.u32 s2, $0x1  }
0xa: {  	s12 =	ssub.s32 s8, s9;
	s4 =	sadd.s32 $0x1000, s6;
	s30 =	sshrl.u32 s7, $0x3  }
0xb: {  	s11 =	sadd.s32 s31, s6;
	s12 =	smax.u32 s12, $0x1;
	s5 =	sadd.s32 s4, s30  }
0xc: {  	v0 =	vlaneseq.u32;
	s11 =	sadd.s32 $0xC1200, s11;
	s6 =	sadd.s32 $0x800, s5;
	s7 =	sadd.s32 $0x1000, s5  }
0xd: {  	v0 =	vmul.u32 $0x10, v0;
	s8 =	sadd.s32 $0x1800, s5;
	s9 =	sadd.s32 $0x2000, s5;
	s10 =	sadd.s32 $0x2800, s5  }
.LBB2_1:
0xe: {  	[tilespmem:s3], [sflag:$0x1] =	stream.linear.gather [hbm4b:s5+s3], $0x888, $0x38;
	[tilespmem:$0x16660] =	vst v63  }
0xf: {  	_ = 	snop  }
0x10: {  	[tilespmem:s13], [sflag:$0x1] =	stream.linear.gather [hbm4b:s6+s3], $0x888, $0x38;
	[tilespmem:$0x16660] =	vst v63  }
0x11: {  	_ = 	snop  }
0x12: {  	[tilespmem:s14], [sflag:$0x1] =	stream.linear.gather [hbm4b:s7+s3], $0x888, $0x38;
	[tilespmem:$0x16660] =	vst v63  }
0x13: {  	_ = 	snop  }
0x14: {  	[tilespmem:s15], [sflag:$0x1] =	stream.linear.gather [hbm4b:s8+s3], $0x888, $0x38;
	[tilespmem:$0x16660] =	vst v63  }
0x15: {  	_ = 	snop  }
0x16: {  	[tilespmem:s16], [sflag:$0x1] =	stream.linear.gather [hbm4b:s9+s3], $0x888, $0x38;
	[tilespmem:$0x16660] =	vst v63  }
0x17: {  	s23 =	simm.s32 $0x0  }
0x18: {  	[tilespmem:s17], [sflag:$0x1] =	stream.linear.gather [hbm4b:s10+s3], $0x888, $0x38;
	[tilespmem:$0x16660] =	vst v63  }
.LBB2_2:
0x19: {  	s22 =	sadd.s32 $0x1, s23;
	p0 =	seq.s32 s23, $0x1F  }
0x1a: {  	s24 =	sshll.u32 @!p0 s22, $0xB  }
0x1b: {  	s25 =	sadd.s32 @!p0 s2, s24  }
0x1c: {  	s25 =	sshrl.u32 @!p0 s25, $0xE  }
0x1d: {  	s26 =	smin.u32 @!p0 s25, $0x7F  }
0x1e: {  	s26 =	smul.u32 @!p0 $0xC000, s26  }
0x1f: {  	s28 =	sand.u32 @!p0 $0x1, s22;
	s24 =	sand.u32 @!p0 $0x3800, s24  }
0x20: {  	s29 =	smul.u32 @!p0 $0xCCC0, s28;
	s26 =	sor.u32 @!p0 s24, s26  }
0x21: {  	s31 =	simm.s32 @!p0 $0x0;
	s30 =	sshrl.u32 @!p0 s26, $0x3  }
0x22: {  	s28 =	sadd.s32 @!p0 $0x1, s28;
	s29 =	sshrl.u32 @!p0 s29, $0x2;
	s30 =	sadd.s32 @!p0 s4, s30  }
0x23: {  	[tilespmem:s29], [sflag:s28] =	stream.linear.gather @!p0 [hbm4b:s30+s31], $0x888, $0x38;
	[tilespmem:$0x16660] =	vst v63  }
0x24: {  	s30 =	sadd.s32 @!p0 $0x4000, s26  }
0x25: {  	s30 =	sshrl.u32 @!p0 s30, $0x3  }
0x26: {  	s1 =	sadd.s32 @!p0 $0x888, s29;
	s30 =	sadd.s32 @!p0 s4, s30  }
0x27: {  	[tilespmem:s1], [sflag:s28] =	stream.linear.gather @!p0 [hbm4b:s30+s31], $0x888, $0x38;
	[tilespmem:$0x16660] =	vst v63  }
0x28: {  	s1 =	sadd.s32 @!p0 $0x8000, s26  }
0x29: {  	s25 =	smin.u32 @!p0 s25, $0x7E;
	s1 =	sshrl.u32 @!p0 s1, $0x3  }
0x2a: {  	s25 =	smul.u32 @!p0 $0xC000, s25;
	s26 =	sadd.s32 @!p0 $0x1110, s29;
	s1 =	sadd.s32 @!p0 s4, s1  }
0x2b: {  	[tilespmem:s26], [sflag:s28] =	stream.linear.gather @!p0 [hbm4b:s1+s31], $0x888, $0x38;
	[tilespmem:$0x16660] =	vst v63  }
0x2c: {  	s1 =	sor.u32 @!p0 s24, s25  }
0x2d: {  	s24 =	sadd.s32 @!p0 $0xC000, s1  }
0x2e: {  	s24 =	sshrl.u32 @!p0 s24, $0x3  }
0x2f: {  	s25 =	sadd.s32 @!p0 $0x1998, s29;
	s24 =	sadd.s32 @!p0 s4, s24  }
0x30: {  	[tilespmem:s25], [sflag:s28] =	stream.linear.gather @!p0 [hbm4b:s24+s31], $0x888, $0x38;
	[tilespmem:$0x16660] =	vst v63  }
0x31: {  	s24 =	sadd.s32 @!p0 $0x10000, s1  }
0x32: {  	s24 =	sshrl.u32 @!p0 s24, $0x3  }
0x33: {  	s25 =	sadd.s32 @!p0 $0x2220, s29;
	s1 =	sadd.s32 @!p0 $0x14000, s1;
	s24 =	sadd.s32 @!p0 s4, s24  }
0x34: {  	[tilespmem:s25], [sflag:s28] =	stream.linear.gather @!p0 [hbm4b:s24+s31], $0x888, $0x38;
	[tilespmem:$0x16660] =	vst v63  }
0x35: {  	s1 =	sshrl.u32 @!p0 s1, $0x3;
	s24 =	sand.u32 $0x1, s23  }
0x36: {  	s1 =	sadd.s32 @!p0 s4, s1;
	s25 =	sadd.s32 @!p0 $0x2AA8, s29;
	s30 =	sadd.s32 $0x1, s24  }
0x37: {  	[tilespmem:s25], [sflag:s28] =	stream.linear.gather @!p0 [hbm4b:s1+s31], $0x888, $0x38;
	[tilespmem:$0x16660] =	vst v63  }
0x38: {  	_ =	swait.ge [sflag:s30], $0x888  }
0x39: {  	[sflag:s30] =	ssyncset.done $0x0  }
0x3a: {  	[sflag:s30] =	ssyncadd.s32 $0xFFFFF778  }
0x3b: {  	_ =	swait.ge [sflag:s30], $0x888  }
0x3c: {  	[sflag:s30] =	ssyncset.done $0x0  }
0x3d: {  	[sflag:s30] =	ssyncadd.s32 $0xFFFFF778  }
0x3e: {  	_ =	swait.ge [sflag:s30], $0x888  }
0x3f: {  	[sflag:s30] =	ssyncset.done $0x0  }
0x40: {  	[sflag:s30] =	ssyncadd.s32 $0xFFFFF778  }
0x41: {  	_ =	swait.ge [sflag:s30], $0x888  }
0x42: {  	[sflag:s30] =	ssyncset.done $0x0  }
0x43: {  	[sflag:s30] =	ssyncadd.s32 $0xFFFFF778  }
0x44: {  	_ =	swait.ge [sflag:s30], $0x888  }
0x45: {  	[sflag:s30] =	ssyncset.done $0x0  }
0x46: {  	s31 =	smul.u32 $0xCCC0, s24;
	[sflag:s30] =	ssyncadd.s32 $0xFFFFF778  }
0x47: {  	p0 =	slt.u32 s23, $0x2;
	_ =	swait.ge [sflag:s30], $0x888  }
0x48: {  	s25 =	sshll.u32 s24, $0xF;
	s26 =	sshrl.u32 s31, $0x2;
	[sflag:s30] =	ssyncset.done $0x0  }
0x49: {  	s1 =	sadd.s32 @!p0 $0x3, s24;
	s28 =	sadd.s32 $0x888, s26;
	[sflag:s30] =	ssyncadd.s32 $0xFFFFF778  }
0x4a: {  	s29 =	sadd.s32 $0x1110, s26;
	s31 =	sadd.s32 $0x2220, s26;
	v2 =	vmov s26;
	_ =	swait.ge @!p0 [sflag:s1], $0x8000  }
0x4b: {  	v1 =	vmov s25;
	s0 =	sadd.s32 $0x2AA8, s26;
	v3 =	vmov s28;
	v4 =	vmov s29;
	s30 =	sadd.s32 $0x1998, s26;
	[sflag:s1] =	ssyncset.done @!p0 $0x0  }
0x4c: {  	v6 =	vmov s31;
	v7 =	vmov s0;
	s26 =	simm.s32 $0x0;
	v5 =	vmov s30;
	[sflag:s1] =	ssyncadd.s32 @!p0 $0xFFFF8000  }
.LBB2_3:
0x4d: {  	s28 =	sshll.u32 s26, $0x7  }
0x4e: {  	v8 =	vmov s28  }
0x4f: {  	v9 =	vld.idx.msk [tilespmem:v2+s28+$0x0 ss:$0x1], $0xffff;
	v8 =	vshll.u32 v8, $0x4  }
0x50: {  	v10 =	vld.idx.msk [tilespmem:v2+s28+$0x1 ss:$0x1], $0xffff;
	v8 =	vor.u32 v0, v8  }
0x51: {  	v8 =	vadd.s32 v1, v8;
	_ =	sdelay $0x3  }
0x52: {  	s26 =	sadd.s32 $0x1, s26;
	v9 =	vpack.i.f32.bf16 v10, v9  }
0x53: {  	s29 =	sshll.u32 s26, $0x7;
	[tilespmem:v8+s18+$0x0] =	vst.idx.msk $0xffff, v9  }
0x54: {  	v9 =	vld.idx.msk [tilespmem:v2+s29+$0x0 ss:$0x1], $0xffff  }
0x55: {  	v46 =	vld.idx.msk [tilespmem:v2+s29+$0x1 ss:$0x1], $0xffff  }
0x56: {  	v11 =	vor.u32 $0x3, v8;
	_ =	sdelay $0x3  }
0x57: {  	v9 =	vpack.i.f32.bf16 v46, v9  }
0x58: {  	[tilespmem:v11+s18+$0x0] =	vst.idx.msk $0xffff, v9  }
0x59: {  	v9 =	vld.idx.msk [tilespmem:v3+s28+$0x0 ss:$0x1], $0xffff  }
0x5a: {  	v47 =	vld.idx.msk [tilespmem:v3+s28+$0x1 ss:$0x1], $0xffff  }
0x5b: {  	v48 =	vor.u32 $0x1, v8;
	_ =	sdelay $0x3  }
0x5c: {  	v9 =	vpack.i.f32.bf16 v47, v9  }
0x5d: {  	[tilespmem:v48+s18+$0x0] =	vst.idx.msk $0xffff, v9  }
0x5e: {  	v9 =	vld.idx.msk [tilespmem:v3+s29+$0x0 ss:$0x1], $0xffff  }
0x5f: {  	v49 =	vld.idx.msk [tilespmem:v3+s29+$0x1 ss:$0x1], $0xffff  }
0x60: {  	v50 =	vor.u32 $0x4, v8;
	_ =	sdelay $0x3  }
0x61: {  	v9 =	vpack.i.f32.bf16 v49, v9  }
0x62: {  	[tilespmem:v50+s18+$0x0] =	vst.idx.msk $0xffff, v9  }
0x63: {  	v9 =	vld.idx.msk [tilespmem:v4+s28+$0x0 ss:$0x1], $0xffff  }
0x64: {  	v51 =	vld.idx.msk [tilespmem:v4+s28+$0x1 ss:$0x1], $0xffff  }
0x65: {  	v52 =	vor.u32 $0x2, v8;
	_ =	sdelay $0x3  }
0x66: {  	v9 =	vpack.i.f32.bf16 v51, v9  }
0x67: {  	[tilespmem:v52+s18+$0x0] =	vst.idx.msk $0xffff, v9  }
0x68: {  	v9 =	vld.idx.msk [tilespmem:v4+s29+$0x0 ss:$0x1], $0xffff  }
0x69: {  	v53 =	vld.idx.msk [tilespmem:v4+s29+$0x1 ss:$0x1], $0xffff  }
0x6a: {  	v54 =	vor.u32 $0x5, v8;
	_ =	sdelay $0x3  }
0x6b: {  	v9 =	vpack.i.f32.bf16 v53, v9  }
0x6c: {  	[tilespmem:v54+s18+$0x0] =	vst.idx.msk $0xffff, v9  }
0x6d: {  	v9 =	vld.idx.msk [tilespmem:v5+s28+$0x0 ss:$0x1], $0xffff  }
0x6e: {  	v55 =	vld.idx.msk [tilespmem:v5+s28+$0x1 ss:$0x1], $0xffff  }
0x6f: {  	v56 =	vor.u32 $0x6, v8;
	_ =	sdelay $0x3  }
0x70: {  	v9 =	vpack.i.f32.bf16 v55, v9  }
0x71: {  	[tilespmem:v56+s18+$0x0] =	vst.idx.msk $0xffff, v9  }
0x72: {  	v9 =	vld.idx.msk [tilespmem:v5+s29+$0x0 ss:$0x1], $0xffff  }
0x73: {  	v57 =	vld.idx.msk [tilespmem:v5+s29+$0x1 ss:$0x1], $0xffff  }
0x74: {  	v58 =	vor.u32 $0x9, v8;
	_ =	sdelay $0x3  }
0x75: {  	v9 =	vpack.i.f32.bf16 v57, v9  }
0x76: {  	[tilespmem:v58+s18+$0x0] =	vst.idx.msk $0xffff, v9  }
0x77: {  	v9 =	vld.idx.msk [tilespmem:v6+s28+$0x0 ss:$0x1], $0xffff  }
0x78: {  	v59 =	vld.idx.msk [tilespmem:v6+s28+$0x1 ss:$0x1], $0xffff  }
0x79: {  	v60 =	vor.u32 $0x7, v8;
	_ =	sdelay $0x3  }
0x7a: {  	v9 =	vpack.i.f32.bf16 v59, v9  }
0x7b: {  	[tilespmem:v60+s18+$0x0] =	vst.idx.msk $0xffff, v9  }
0x7c: {  	v9 =	vld.idx.msk [tilespmem:v6+s29+$0x0 ss:$0x1], $0xffff  }
0x7d: {  	v61 =	vld.idx.msk [tilespmem:v6+s29+$0x1 ss:$0x1], $0xffff  }
0x7e: {  	v62 =	vor.u32 $0xA, v8;
	_ =	sdelay $0x3  }
0x7f: {  	v9 =	vpack.i.f32.bf16 v61, v9  }
0x80: {  	[tilespmem:v62+s18+$0x0] =	vst.idx.msk $0xffff, v9  }
0x81: {  	v9 =	vld.idx.msk [tilespmem:v7+s28+$0x0 ss:$0x1], $0xffff  }
0x82: {  	v63 =	vld.idx.msk [tilespmem:v7+s28+$0x1 ss:$0x1], $0xffff  }
0x83: {  	v12 =	vor.u32 $0x8, v8;
	_ =	sdelay $0x3  }
0x84: {  	v9 =	vpack.i.f32.bf16 v63, v9  }
0x85: {  	[tilespmem:v12+s18+$0x0] =	vst.idx.msk $0xffff, v9  }
0x86: {  	v9 =	vld.idx.msk [tilespmem:v7+s29+$0x0 ss:$0x1], $0xffff  }
0x87: {  	v13 =	vld.idx.msk [tilespmem:v7+s29+$0x1 ss:$0x1], $0xffff  }
0x88: {  	v8 =	vor.u32 $0xB, v8;
	_ =	sdelay $0x3  }
0x89: {  	s0 =	sor.u32 $0x10, s28;
	v9 =	vpack.i.f32.bf16 v13, v9  }
0x8a: {  	[tilespmem:v8+s18+$0x0] =	vst.idx.msk $0xffff, v9;
	v8 =	vmov s0  }
0x8b: {  	v8 =	vshll.u32 v8, $0x4;
	v9 =	vld.idx.msk [tilespmem:v2+s0+$0x0 ss:$0x1], $0xffff  }
0x8c: {  	v14 =	vld.idx.msk [tilespmem:v2+s0+$0x1 ss:$0x1], $0xffff;
	v8 =	vor.u32 v0, v8  }
0x8d: {  	v8 =	vadd.s32 v1, v8;
	_ =	sdelay $0x3  }
0x8e: {  	v9 =	vpack.i.f32.bf16 v14, v9  }
0x8f: {  	s1 =	sor.u32 $0x10, s29;
	[tilespmem:v8+s18+$0x0] =	vst.idx.msk $0xffff, v9  }
0x90: {  	v9 =	vld.idx.msk [tilespmem:v2+s1+$0x0 ss:$0x1], $0xffff  }
0x91: {  	v15 =	vld.idx.msk [tilespmem:v2+s1+$0x1 ss:$0x1], $0xffff  }
0x92: {  	v16 =	vor.u32 $0x3, v8;
	_ =	sdelay $0x3  }
0x93: {  	v9 =	vpack.i.f32.bf16 v15, v9  }
0x94: {  	[tilespmem:v16+s18+$0x0] =	vst.idx.msk $0xffff, v9  }
0x95: {  	v9 =	vld.idx.msk [tilespmem:v3+s0+$0x0 ss:$0x1], $0xffff  }
0x96: {  	v17 =	vld.idx.msk [tilespmem:v3+s0+$0x1 ss:$0x1], $0xffff  }
0x97: {  	v18 =	vor.u32 $0x1, v8;
	_ =	sdelay $0x3  }
0x98: {  	v9 =	vpack.i.f32.bf16 v17, v9  }
0x99: {  	[tilespmem:v18+s18+$0x0] =	vst.idx.msk $0xffff, v9  }
0x9a: {  	v9 =	vld.idx.msk [tilespmem:v3+s1+$0x0 ss:$0x1], $0xffff  }
0x9b: {  	v19 =	vld.idx.msk [tilespmem:v3+s1+$0x1 ss:$0x1], $0xffff  }
0x9c: {  	v20 =	vor.u32 $0x4, v8;
	_ =	sdelay $0x3  }
0x9d: {  	v9 =	vpack.i.f32.bf16 v19, v9  }
0x9e: {  	[tilespmem:v20+s18+$0x0] =	vst.idx.msk $0xffff, v9  }
0x9f: {  	v9 =	vld.idx.msk [tilespmem:v4+s0+$0x0 ss:$0x1], $0xffff  }
0xa0: {  	v21 =	vld.idx.msk [tilespmem:v4+s0+$0x1 ss:$0x1], $0xffff  }
0xa1: {  	v22 =	vor.u32 $0x2, v8;
	_ =	sdelay $0x3  }
0xa2: {  	v9 =	vpack.i.f32.bf16 v21, v9  }
0xa3: {  	[tilespmem:v22+s18+$0x0] =	vst.idx.msk $0xffff, v9  }
0xa4: {  	v9 =	vld.idx.msk [tilespmem:v4+s1+$0x0 ss:$0x1], $0xffff  }
0xa5: {  	v23 =	vld.idx.msk [tilespmem:v4+s1+$0x1 ss:$0x1], $0xffff  }
0xa6: {  	v24 =	vor.u32 $0x5, v8;
	_ =	sdelay $0x3  }
0xa7: {  	v9 =	vpack.i.f32.bf16 v23, v9  }
0xa8: {  	[tilespmem:v24+s18+$0x0] =	vst.idx.msk $0xffff, v9  }
0xa9: {  	v9 =	vld.idx.msk [tilespmem:v5+s0+$0x0 ss:$0x1], $0xffff  }
0xaa: {  	v25 =	vld.idx.msk [tilespmem:v5+s0+$0x1 ss:$0x1], $0xffff  }
0xab: {  	v26 =	vor.u32 $0x6, v8;
	_ =	sdelay $0x3  }
0xac: {  	v9 =	vpack.i.f32.bf16 v25, v9  }
0xad: {  	[tilespmem:v26+s18+$0x0] =	vst.idx.msk $0xffff, v9  }
0xae: {  	v9 =	vld.idx.msk [tilespmem:v5+s1+$0x0 ss:$0x1], $0xffff  }
0xaf: {  	v27 =	vld.idx.msk [tilespmem:v5+s1+$0x1 ss:$0x1], $0xffff  }
0xb0: {  	v28 =	vor.u32 $0x9, v8;
	_ =	sdelay $0x3  }
0xb1: {  	v9 =	vpack.i.f32.bf16 v27, v9  }
0xb2: {  	[tilespmem:v28+s18+$0x0] =	vst.idx.msk $0xffff, v9  }
0xb3: {  	v9 =	vld.idx.msk [tilespmem:v6+s0+$0x0 ss:$0x1], $0xffff  }
0xb4: {  	v29 =	vld.idx.msk [tilespmem:v6+s0+$0x1 ss:$0x1], $0xffff  }
0xb5: {  	v30 =	vor.u32 $0x7, v8;
	_ =	sdelay $0x3  }
0xb6: {  	v9 =	vpack.i.f32.bf16 v29, v9  }
0xb7: {  	[tilespmem:v30+s18+$0x0] =	vst.idx.msk $0xffff, v9  }
0xb8: {  	v9 =	vld.idx.msk [tilespmem:v6+s1+$0x0 ss:$0x1], $0xffff  }
0xb9: {  	v31 =	vld.idx.msk [tilespmem:v6+s1+$0x1 ss:$0x1], $0xffff  }
0xba: {  	v32 =	vor.u32 $0xA, v8;
	_ =	sdelay $0x3  }
0xbb: {  	v9 =	vpack.i.f32.bf16 v31, v9  }
0xbc: {  	[tilespmem:v32+s18+$0x0] =	vst.idx.msk $0xffff, v9  }
0xbd: {  	v9 =	vld.idx.msk [tilespmem:v7+s0+$0x0 ss:$0x1], $0xffff  }
0xbe: {  	v33 =	vld.idx.msk [tilespmem:v7+s0+$0x1 ss:$0x1], $0xffff  }
0xbf: {  	v34 =	vor.u32 $0x8, v8;
	_ =	sdelay $0x3  }
0xc0: {  	v9 =	vpack.i.f32.bf16 v33, v9  }
0xc1: {  	[tilespmem:v34+s18+$0x0] =	vst.idx.msk $0xffff, v9  }
0xc2: {  	v9 =	vld.idx.msk [tilespmem:v7+s1+$0x0 ss:$0x1], $0xffff  }
0xc3: {  	v35 =	vld.idx.msk [tilespmem:v7+s1+$0x1 ss:$0x1], $0xffff  }
0xc4: {  	v8 =	vor.u32 $0xB, v8;
	_ =	sdelay $0x3  }
0xc5: {  	s30 =	sor.u32 $0x20, s28;
	v9 =	vpack.i.f32.bf16 v35, v9  }
0xc6: {  	[tilespmem:v8+s18+$0x0] =	vst.idx.msk $0xffff, v9;
	v8 =	vmov s30  }
0xc7: {  	v8 =	vshll.u32 v8, $0x4;
	v9 =	vld.idx.msk [tilespmem:v2+s30+$0x0 ss:$0x1], $0xffff  }
0xc8: {  	v36 =	vld.idx.msk [tilespmem:v2+s30+$0x1 ss:$0x1], $0xffff;
	v8 =	vor.u32 v0, v8  }
0xc9: {  	v8 =	vadd.s32 v1, v8;
	_ =	sdelay $0x3  }
0xca: {  	v9 =	vpack.i.f32.bf16 v36, v9  }
0xcb: {  	s31 =	sor.u32 $0x20, s29;
	[tilespmem:v8+s18+$0x0] =	vst.idx.msk $0xffff, v9  }
0xcc: {  	v9 =	vld.idx.msk [tilespmem:v2+s31+$0x0 ss:$0x1], $0xffff  }
0xcd: {  	v37 =	vld.idx.msk [tilespmem:v2+s31+$0x1 ss:$0x1], $0xffff  }
0xce: {  	v38 =	vor.u32 $0x3, v8;
	_ =	sdelay $0x3  }
0xcf: {  	v9 =	vpack.i.f32.bf16 v37, v9  }
0xd0: {  	[tilespmem:v38+s18+$0x0] =	vst.idx.msk $0xffff, v9  }
0xd1: {  	v9 =	vld.idx.msk [tilespmem:v3+s30+$0x0 ss:$0x1], $0xffff  }
0xd2: {  	v39 =	vld.idx.msk [tilespmem:v3+s30+$0x1 ss:$0x1], $0xffff  }
0xd3: {  	v40 =	vor.u32 $0x1, v8;
	_ =	sdelay $0x3  }
0xd4: {  	v9 =	vpack.i.f32.bf16 v39, v9  }
0xd5: {  	[tilespmem:v40+s18+$0x0] =	vst.idx.msk $0xffff, v9  }
0xd6: {  	v9 =	vld.idx.msk [tilespmem:v3+s31+$0x0 ss:$0x1], $0xffff  }
0xd7: {  	v41 =	vld.idx.msk [tilespmem:v3+s31+$0x1 ss:$0x1], $0xffff  }
0xd8: {  	v42 =	vor.u32 $0x4, v8;
	_ =	sdelay $0x3  }
0xd9: {  	v9 =	vpack.i.f32.bf16 v41, v9  }
0xda: {  	[tilespmem:v42+s18+$0x0] =	vst.idx.msk $0xffff, v9  }
0xdb: {  	v9 =	vld.idx.msk [tilespmem:v4+s30+$0x0 ss:$0x1], $0xffff  }
0xdc: {  	v43 =	vld.idx.msk [tilespmem:v4+s30+$0x1 ss:$0x1], $0xffff  }
0xdd: {  	v44 =	vor.u32 $0x2, v8;
	_ =	sdelay $0x3  }
0xde: {  	v9 =	vpack.i.f32.bf16 v43, v9  }
0xdf: {  	[tilespmem:v44+s18+$0x0] =	vst.idx.msk $0xffff, v9  }
0xe0: {  	v9 =	vld.idx.msk [tilespmem:v4+s31+$0x0 ss:$0x1], $0xffff  }
0xe1: {  	v45 =	vld.idx.msk [tilespmem:v4+s31+$0x1 ss:$0x1], $0xffff  }
0xe2: {  	v46 =	vor.u32 $0x5, v8;
	_ =	sdelay $0x3  }
0xe3: {  	v9 =	vpack.i.f32.bf16 v45, v9  }
0xe4: {  	[tilespmem:v46+s18+$0x0] =	vst.idx.msk $0xffff, v9  }
0xe5: {  	v9 =	vld.idx.msk [tilespmem:v5+s30+$0x0 ss:$0x1], $0xffff  }
0xe6: {  	v47 =	vld.idx.msk [tilespmem:v5+s30+$0x1 ss:$0x1], $0xffff  }
0xe7: {  	v48 =	vor.u32 $0x6, v8;
	_ =	sdelay $0x3  }
0xe8: {  	v9 =	vpack.i.f32.bf16 v47, v9  }
0xe9: {  	[tilespmem:v48+s18+$0x0] =	vst.idx.msk $0xffff, v9  }
0xea: {  	v9 =	vld.idx.msk [tilespmem:v5+s31+$0x0 ss:$0x1], $0xffff  }
0xeb: {  	v49 =	vld.idx.msk [tilespmem:v5+s31+$0x1 ss:$0x1], $0xffff  }
0xec: {  	v50 =	vor.u32 $0x9, v8;
	_ =	sdelay $0x3  }
0xed: {  	v9 =	vpack.i.f32.bf16 v49, v9  }
0xee: {  	[tilespmem:v50+s18+$0x0] =	vst.idx.msk $0xffff, v9  }
0xef: {  	v9 =	vld.idx.msk [tilespmem:v6+s30+$0x0 ss:$0x1], $0xffff  }
0xf0: {  	v51 =	vld.idx.msk [tilespmem:v6+s30+$0x1 ss:$0x1], $0xffff  }
0xf1: {  	v52 =	vor.u32 $0x7, v8;
	_ =	sdelay $0x3  }
0xf2: {  	v9 =	vpack.i.f32.bf16 v51, v9  }
0xf3: {  	[tilespmem:v52+s18+$0x0] =	vst.idx.msk $0xffff, v9  }
0xf4: {  	v9 =	vld.idx.msk [tilespmem:v6+s31+$0x0 ss:$0x1], $0xffff  }
0xf5: {  	v53 =	vld.idx.msk [tilespmem:v6+s31+$0x1 ss:$0x1], $0xffff  }
0xf6: {  	v54 =	vor.u32 $0xA, v8;
	_ =	sdelay $0x3  }
0xf7: {  	v9 =	vpack.i.f32.bf16 v53, v9  }
0xf8: {  	[tilespmem:v54+s18+$0x0] =	vst.idx.msk $0xffff, v9  }
0xf9: {  	v9 =	vld.idx.msk [tilespmem:v7+s30+$0x0 ss:$0x1], $0xffff  }
0xfa: {  	v55 =	vld.idx.msk [tilespmem:v7+s30+$0x1 ss:$0x1], $0xffff  }
0xfb: {  	v56 =	vor.u32 $0x8, v8;
	_ =	sdelay $0x3  }
0xfc: {  	v9 =	vpack.i.f32.bf16 v55, v9  }
0xfd: {  	[tilespmem:v56+s18+$0x0] =	vst.idx.msk $0xffff, v9  }
0xfe: {  	v9 =	vld.idx.msk [tilespmem:v7+s31+$0x0 ss:$0x1], $0xffff  }
0xff: {  	v57 =	vld.idx.msk [tilespmem:v7+s31+$0x1 ss:$0x1], $0xffff  }
0x100: {  	v8 =	vor.u32 $0xB, v8;
	_ =	sdelay $0x3  }
0x101: {  	s30 =	sor.u32 $0x30, s28;
	v9 =	vpack.i.f32.bf16 v57, v9  }
0x102: {  	[tilespmem:v8+s18+$0x0] =	vst.idx.msk $0xffff, v9;
	v8 =	vmov s30  }
0x103: {  	v8 =	vshll.u32 v8, $0x4;
	v9 =	vld.idx.msk [tilespmem:v2+s30+$0x0 ss:$0x1], $0xffff  }
0x104: {  	v58 =	vld.idx.msk [tilespmem:v2+s30+$0x1 ss:$0x1], $0xffff;
	v8 =	vor.u32 v0, v8  }
0x105: {  	v8 =	vadd.s32 v1, v8;
	_ =	sdelay $0x3  }
0x106: {  	v9 =	vpack.i.f32.bf16 v58, v9  }
0x107: {  	s31 =	sor.u32 $0x30, s29;
	[tilespmem:v8+s18+$0x0] =	vst.idx.msk $0xffff, v9  }
0x108: {  	v9 =	vld.idx.msk [tilespmem:v2+s31+$0x0 ss:$0x1], $0xffff  }
0x109: {  	v59 =	vld.idx.msk [tilespmem:v2+s31+$0x1 ss:$0x1], $0xffff  }
0x10a: {  	v60 =	vor.u32 $0x3, v8;
	_ =	sdelay $0x3  }
0x10b: {  	v9 =	vpack.i.f32.bf16 v59, v9  }
0x10c: {  	[tilespmem:v60+s18+$0x0] =	vst.idx.msk $0xffff, v9  }
0x10d: {  	v9 =	vld.idx.msk [tilespmem:v3+s30+$0x0 ss:$0x1], $0xffff  }
0x10e: {  	v61 =	vld.idx.msk [tilespmem:v3+s30+$0x1 ss:$0x1], $0xffff  }
0x10f: {  	v62 =	vor.u32 $0x1, v8;
	_ =	sdelay $0x3  }
0x110: {  	v9 =	vpack.i.f32.bf16 v61, v9  }
0x111: {  	[tilespmem:v62+s18+$0x0] =	vst.idx.msk $0xffff, v9  }
0x112: {  	v9 =	vld.idx.msk [tilespmem:v3+s31+$0x0 ss:$0x1], $0xffff  }
0x113: {  	v63 =	vld.idx.msk [tilespmem:v3+s31+$0x1 ss:$0x1], $0xffff  }
0x114: {  	v12 =	vor.u32 $0x4, v8;
	_ =	sdelay $0x3  }
0x115: {  	v9 =	vpack.i.f32.bf16 v63, v9  }
0x116: {  	[tilespmem:v12+s18+$0x0] =	vst.idx.msk $0xffff, v9  }
0x117: {  	v9 =	vld.idx.msk [tilespmem:v4+s30+$0x0 ss:$0x1], $0xffff  }
0x118: {  	v13 =	vld.idx.msk [tilespmem:v4+s30+$0x1 ss:$0x1], $0xffff  }
0x119: {  	v14 =	vor.u32 $0x2, v8;
	_ =	sdelay $0x3  }
0x11a: {  	v9 =	vpack.i.f32.bf16 v13, v9  }
0x11b: {  	[tilespmem:v14+s18+$0x0] =	vst.idx.msk $0xffff, v9  }
0x11c: {  	v9 =	vld.idx.msk [tilespmem:v4+s31+$0x0 ss:$0x1], $0xffff  }
0x11d: {  	v15 =	vld.idx.msk [tilespmem:v4+s31+$0x1 ss:$0x1], $0xffff  }
0x11e: {  	v16 =	vor.u32 $0x5, v8;
	_ =	sdelay $0x3  }
0x11f: {  	v9 =	vpack.i.f32.bf16 v15, v9  }
0x120: {  	[tilespmem:v16+s18+$0x0] =	vst.idx.msk $0xffff, v9  }
0x121: {  	v9 =	vld.idx.msk [tilespmem:v5+s30+$0x0 ss:$0x1], $0xffff  }
0x122: {  	v17 =	vld.idx.msk [tilespmem:v5+s30+$0x1 ss:$0x1], $0xffff  }
0x123: {  	v18 =	vor.u32 $0x6, v8;
	_ =	sdelay $0x3  }
0x124: {  	v9 =	vpack.i.f32.bf16 v17, v9  }
0x125: {  	[tilespmem:v18+s18+$0x0] =	vst.idx.msk $0xffff, v9  }
0x126: {  	v9 =	vld.idx.msk [tilespmem:v5+s31+$0x0 ss:$0x1], $0xffff  }
0x127: {  	v19 =	vld.idx.msk [tilespmem:v5+s31+$0x1 ss:$0x1], $0xffff  }
0x128: {  	v20 =	vor.u32 $0x9, v8;
	_ =	sdelay $0x3  }
0x129: {  	v9 =	vpack.i.f32.bf16 v19, v9  }
0x12a: {  	[tilespmem:v20+s18+$0x0] =	vst.idx.msk $0xffff, v9  }
0x12b: {  	v9 =	vld.idx.msk [tilespmem:v6+s30+$0x0 ss:$0x1], $0xffff  }
0x12c: {  	v21 =	vld.idx.msk [tilespmem:v6+s30+$0x1 ss:$0x1], $0xffff  }
0x12d: {  	v22 =	vor.u32 $0x7, v8;
	_ =	sdelay $0x3  }
0x12e: {  	v9 =	vpack.i.f32.bf16 v21, v9  }
0x12f: {  	[tilespmem:v22+s18+$0x0] =	vst.idx.msk $0xffff, v9  }
0x130: {  	v9 =	vld.idx.msk [tilespmem:v6+s31+$0x0 ss:$0x1], $0xffff  }
0x131: {  	v23 =	vld.idx.msk [tilespmem:v6+s31+$0x1 ss:$0x1], $0xffff  }
0x132: {  	v24 =	vor.u32 $0xA, v8;
	_ =	sdelay $0x3  }
0x133: {  	v9 =	vpack.i.f32.bf16 v23, v9  }
0x134: {  	[tilespmem:v24+s18+$0x0] =	vst.idx.msk $0xffff, v9  }
0x135: {  	v9 =	vld.idx.msk [tilespmem:v7+s30+$0x0 ss:$0x1], $0xffff  }
0x136: {  	v25 =	vld.idx.msk [tilespmem:v7+s30+$0x1 ss:$0x1], $0xffff  }
0x137: {  	v26 =	vor.u32 $0x8, v8;
	_ =	sdelay $0x3  }
0x138: {  	v9 =	vpack.i.f32.bf16 v25, v9  }
0x139: {  	[tilespmem:v26+s18+$0x0] =	vst.idx.msk $0xffff, v9  }
0x13a: {  	v9 =	vld.idx.msk [tilespmem:v7+s31+$0x0 ss:$0x1], $0xffff  }
0x13b: {  	v27 =	vld.idx.msk [tilespmem:v7+s31+$0x1 ss:$0x1], $0xffff  }
0x13c: {  	v8 =	vor.u32 $0xB, v8;
	_ =	sdelay $0x3  }
0x13d: {  	s30 =	sor.u32 $0x40, s28;
	v9 =	vpack.i.f32.bf16 v27, v9  }
0x13e: {  	[tilespmem:v8+s18+$0x0] =	vst.idx.msk $0xffff, v9;
	v8 =	vmov s30  }
0x13f: {  	v8 =	vshll.u32 v8, $0x4;
	v9 =	vld.idx.msk [tilespmem:v2+s30+$0x0 ss:$0x1], $0xffff  }
0x140: {  	v28 =	vld.idx.msk [tilespmem:v2+s30+$0x1 ss:$0x1], $0xffff;
	v8 =	vor.u32 v0, v8  }
0x141: {  	v8 =	vadd.s32 v1, v8;
	_ =	sdelay $0x3  }
0x142: {  	v9 =	vpack.i.f32.bf16 v28, v9  }
0x143: {  	s31 =	sor.u32 $0x40, s29;
	[tilespmem:v8+s18+$0x0] =	vst.idx.msk $0xffff, v9  }
0x144: {  	v9 =	vld.idx.msk [tilespmem:v2+s31+$0x0 ss:$0x1], $0xffff  }
0x145: {  	v29 =	vld.idx.msk [tilespmem:v2+s31+$0x1 ss:$0x1], $0xffff  }
0x146: {  	v30 =	vor.u32 $0x3, v8;
	_ =	sdelay $0x3  }
0x147: {  	v9 =	vpack.i.f32.bf16 v29, v9  }
0x148: {  	[tilespmem:v30+s18+$0x0] =	vst.idx.msk $0xffff, v9  }
0x149: {  	v9 =	vld.idx.msk [tilespmem:v3+s30+$0x0 ss:$0x1], $0xffff  }
0x14a: {  	v31 =	vld.idx.msk [tilespmem:v3+s30+$0x1 ss:$0x1], $0xffff  }
0x14b: {  	v32 =	vor.u32 $0x1, v8;
	_ =	sdelay $0x3  }
0x14c: {  	v9 =	vpack.i.f32.bf16 v31, v9  }
0x14d: {  	[tilespmem:v32+s18+$0x0] =	vst.idx.msk $0xffff, v9  }
0x14e: {  	v9 =	vld.idx.msk [tilespmem:v3+s31+$0x0 ss:$0x1], $0xffff  }
0x14f: {  	v33 =	vld.idx.msk [tilespmem:v3+s31+$0x1 ss:$0x1], $0xffff  }
0x150: {  	v34 =	vor.u32 $0x4, v8;
	_ =	sdelay $0x3  }
0x151: {  	v9 =	vpack.i.f32.bf16 v33, v9  }
0x152: {  	[tilespmem:v34+s18+$0x0] =	vst.idx.msk $0xffff, v9  }
0x153: {  	v9 =	vld.idx.msk [tilespmem:v4+s30+$0x0 ss:$0x1], $0xffff  }
0x154: {  	v35 =	vld.idx.msk [tilespmem:v4+s30+$0x1 ss:$0x1], $0xffff  }
0x155: {  	v36 =	vor.u32 $0x2, v8;
	_ =	sdelay $0x3  }
0x156: {  	v9 =	vpack.i.f32.bf16 v35, v9  }
0x157: {  	[tilespmem:v36+s18+$0x0] =	vst.idx.msk $0xffff, v9  }
0x158: {  	v9 =	vld.idx.msk [tilespmem:v4+s31+$0x0 ss:$0x1], $0xffff  }
0x159: {  	v37 =	vld.idx.msk [tilespmem:v4+s31+$0x1 ss:$0x1], $0xffff  }
0x15a: {  	v38 =	vor.u32 $0x5, v8;
	_ =	sdelay $0x3  }
0x15b: {  	v9 =	vpack.i.f32.bf16 v37, v9  }
0x15c: {  	[tilespmem:v38+s18+$0x0] =	vst.idx.msk $0xffff, v9  }
0x15d: {  	v9 =	vld.idx.msk [tilespmem:v5+s30+$0x0 ss:$0x1], $0xffff  }
0x15e: {  	v39 =	vld.idx.msk [tilespmem:v5+s30+$0x1 ss:$0x1], $0xffff  }
0x15f: {  	v40 =	vor.u32 $0x6, v8;
	_ =	sdelay $0x3  }
0x160: {  	v9 =	vpack.i.f32.bf16 v39, v9  }
0x161: {  	[tilespmem:v40+s18+$0x0] =	vst.idx.msk $0xffff, v9  }
0x162: {  	v9 =	vld.idx.msk [tilespmem:v5+s31+$0x0 ss:$0x1], $0xffff  }
0x163: {  	v41 =	vld.idx.msk [tilespmem:v5+s31+$0x1 ss:$0x1], $0xffff  }
0x164: {  	v42 =	vor.u32 $0x9, v8;
	_ =	sdelay $0x3  }
0x165: {  	v9 =	vpack.i.f32.bf16 v41, v9  }
0x166: {  	[tilespmem:v42+s18+$0x0] =	vst.idx.msk $0xffff, v9  }
0x167: {  	v9 =	vld.idx.msk [tilespmem:v6+s30+$0x0 ss:$0x1], $0xffff  }
0x168: {  	v43 =	vld.idx.msk [tilespmem:v6+s30+$0x1 ss:$0x1], $0xffff  }
0x169: {  	v44 =	vor.u32 $0x7, v8;
	_ =	sdelay $0x3  }
0x16a: {  	v9 =	vpack.i.f32.bf16 v43, v9  }
0x16b: {  	[tilespmem:v44+s18+$0x0] =	vst.idx.msk $0xffff, v9  }
0x16c: {  	v9 =	vld.idx.msk [tilespmem:v6+s31+$0x0 ss:$0x1], $0xffff  }
0x16d: {  	v45 =	vld.idx.msk [tilespmem:v6+s31+$0x1 ss:$0x1], $0xffff  }
0x16e: {  	v46 =	vor.u32 $0xA, v8;
	_ =	sdelay $0x3  }
0x16f: {  	v9 =	vpack.i.f32.bf16 v45, v9  }
0x170: {  	[tilespmem:v46+s18+$0x0] =	vst.idx.msk $0xffff, v9  }
0x171: {  	v9 =	vld.idx.msk [tilespmem:v7+s30+$0x0 ss:$0x1], $0xffff  }
0x172: {  	v47 =	vld.idx.msk [tilespmem:v7+s30+$0x1 ss:$0x1], $0xffff  }
0x173: {  	v48 =	vor.u32 $0x8, v8;
	_ =	sdelay $0x3  }
0x174: {  	v9 =	vpack.i.f32.bf16 v47, v9  }
0x175: {  	[tilespmem:v48+s18+$0x0] =	vst.idx.msk $0xffff, v9  }
0x176: {  	v9 =	vld.idx.msk [tilespmem:v7+s31+$0x0 ss:$0x1], $0xffff  }
0x177: {  	v49 =	vld.idx.msk [tilespmem:v7+s31+$0x1 ss:$0x1], $0xffff  }
0x178: {  	v8 =	vor.u32 $0xB, v8;
	_ =	sdelay $0x3  }
0x179: {  	s30 =	sor.u32 $0x50, s28;
	v9 =	vpack.i.f32.bf16 v49, v9  }
0x17a: {  	[tilespmem:v8+s18+$0x0] =	vst.idx.msk $0xffff, v9;
	v8 =	vmov s30  }
0x17b: {  	v8 =	vshll.u32 v8, $0x4;
	v9 =	vld.idx.msk [tilespmem:v2+s30+$0x0 ss:$0x1], $0xffff  }
0x17c: {  	v50 =	vld.idx.msk [tilespmem:v2+s30+$0x1 ss:$0x1], $0xffff;
	v8 =	vor.u32 v0, v8  }
0x17d: {  	v8 =	vadd.s32 v1, v8;
	_ =	sdelay $0x3  }
0x17e: {  	v9 =	vpack.i.f32.bf16 v50, v9  }
0x17f: {  	s31 =	sor.u32 $0x50, s29;
	[tilespmem:v8+s18+$0x0] =	vst.idx.msk $0xffff, v9  }
0x180: {  	v9 =	vld.idx.msk [tilespmem:v2+s31+$0x0 ss:$0x1], $0xffff  }
0x181: {  	v51 =	vld.idx.msk [tilespmem:v2+s31+$0x1 ss:$0x1], $0xffff  }
0x182: {  	v52 =	vor.u32 $0x3, v8;
	_ =	sdelay $0x3  }
0x183: {  	v9 =	vpack.i.f32.bf16 v51, v9  }
0x184: {  	[tilespmem:v52+s18+$0x0] =	vst.idx.msk $0xffff, v9  }
0x185: {  	v9 =	vld.idx.msk [tilespmem:v3+s30+$0x0 ss:$0x1], $0xffff  }
0x186: {  	v53 =	vld.idx.msk [tilespmem:v3+s30+$0x1 ss:$0x1], $0xffff  }
0x187: {  	v54 =	vor.u32 $0x1, v8;
	_ =	sdelay $0x3  }
0x188: {  	v9 =	vpack.i.f32.bf16 v53, v9  }
0x189: {  	[tilespmem:v54+s18+$0x0] =	vst.idx.msk $0xffff, v9  }
0x18a: {  	v9 =	vld.idx.msk [tilespmem:v3+s31+$0x0 ss:$0x1], $0xffff  }
0x18b: {  	v55 =	vld.idx.msk [tilespmem:v3+s31+$0x1 ss:$0x1], $0xffff  }
0x18c: {  	v56 =	vor.u32 $0x4, v8;
	_ =	sdelay $0x3  }
0x18d: {  	v9 =	vpack.i.f32.bf16 v55, v9  }
0x18e: {  	[tilespmem:v56+s18+$0x0] =	vst.idx.msk $0xffff, v9  }
0x18f: {  	v9 =	vld.idx.msk [tilespmem:v4+s30+$0x0 ss:$0x1], $0xffff  }
0x190: {  	v57 =	vld.idx.msk [tilespmem:v4+s30+$0x1 ss:$0x1], $0xffff  }
0x191: {  	v58 =	vor.u32 $0x2, v8;
	_ =	sdelay $0x3  }
0x192: {  	v9 =	vpack.i.f32.bf16 v57, v9  }
0x193: {  	[tilespmem:v58+s18+$0x0] =	vst.idx.msk $0xffff, v9  }
0x194: {  	v9 =	vld.idx.msk [tilespmem:v4+s31+$0x0 ss:$0x1], $0xffff  }
0x195: {  	v59 =	vld.idx.msk [tilespmem:v4+s31+$0x1 ss:$0x1], $0xffff  }
0x196: {  	v60 =	vor.u32 $0x5, v8;
	_ =	sdelay $0x3  }
0x197: {  	v9 =	vpack.i.f32.bf16 v59, v9  }
0x198: {  	[tilespmem:v60+s18+$0x0] =	vst.idx.msk $0xffff, v9  }
0x199: {  	v9 =	vld.idx.msk [tilespmem:v5+s30+$0x0 ss:$0x1], $0xffff  }
0x19a: {  	v61 =	vld.idx.msk [tilespmem:v5+s30+$0x1 ss:$0x1], $0xffff  }
0x19b: {  	v62 =	vor.u32 $0x6, v8;
	_ =	sdelay $0x3  }
0x19c: {  	v9 =	vpack.i.f32.bf16 v61, v9  }
0x19d: {  	[tilespmem:v62+s18+$0x0] =	vst.idx.msk $0xffff, v9  }
0x19e: {  	v9 =	vld.idx.msk [tilespmem:v5+s31+$0x0 ss:$0x1], $0xffff  }
0x19f: {  	v63 =	vld.idx.msk [tilespmem:v5+s31+$0x1 ss:$0x1], $0xffff  }
0x1a0: {  	v12 =	vor.u32 $0x9, v8;
	_ =	sdelay $0x3  }
0x1a1: {  	v9 =	vpack.i.f32.bf16 v63, v9  }
0x1a2: {  	[tilespmem:v12+s18+$0x0] =	vst.idx.msk $0xffff, v9  }
0x1a3: {  	v9 =	vld.idx.msk [tilespmem:v6+s30+$0x0 ss:$0x1], $0xffff  }
0x1a4: {  	v13 =	vld.idx.msk [tilespmem:v6+s30+$0x1 ss:$0x1], $0xffff  }
0x1a5: {  	v14 =	vor.u32 $0x7, v8;
	_ =	sdelay $0x3  }
0x1a6: {  	v9 =	vpack.i.f32.bf16 v13, v9  }
0x1a7: {  	[tilespmem:v14+s18+$0x0] =	vst.idx.msk $0xffff, v9  }
0x1a8: {  	v9 =	vld.idx.msk [tilespmem:v6+s31+$0x0 ss:$0x1], $0xffff  }
0x1a9: {  	v15 =	vld.idx.msk [tilespmem:v6+s31+$0x1 ss:$0x1], $0xffff  }
0x1aa: {  	v16 =	vor.u32 $0xA, v8;
	_ =	sdelay $0x3  }
0x1ab: {  	v9 =	vpack.i.f32.bf16 v15, v9  }
0x1ac: {  	[tilespmem:v16+s18+$0x0] =	vst.idx.msk $0xffff, v9  }
0x1ad: {  	v9 =	vld.idx.msk [tilespmem:v7+s30+$0x0 ss:$0x1], $0xffff  }
0x1ae: {  	v17 =	vld.idx.msk [tilespmem:v7+s30+$0x1 ss:$0x1], $0xffff  }
0x1af: {  	v18 =	vor.u32 $0x8, v8;
	_ =	sdelay $0x3  }
0x1b0: {  	v9 =	vpack.i.f32.bf16 v17, v9  }
0x1b1: {  	[tilespmem:v18+s18+$0x0] =	vst.idx.msk $0xffff, v9  }
0x1b2: {  	v9 =	vld.idx.msk [tilespmem:v7+s31+$0x0 ss:$0x1], $0xffff  }
0x1b3: {  	v19 =	vld.idx.msk [tilespmem:v7+s31+$0x1 ss:$0x1], $0xffff  }
0x1b4: {  	v8 =	vor.u32 $0xB, v8;
	_ =	sdelay $0x3  }
0x1b5: {  	s30 =	sor.u32 $0x60, s28;
	v9 =	vpack.i.f32.bf16 v19, v9  }
0x1b6: {  	[tilespmem:v8+s18+$0x0] =	vst.idx.msk $0xffff, v9;
	v8 =	vmov s30  }
0x1b7: {  	v8 =	vshll.u32 v8, $0x4;
	v9 =	vld.idx.msk [tilespmem:v2+s30+$0x0 ss:$0x1], $0xffff  }
0x1b8: {  	v20 =	vld.idx.msk [tilespmem:v2+s30+$0x1 ss:$0x1], $0xffff;
	v8 =	vor.u32 v0, v8  }
0x1b9: {  	v8 =	vadd.s32 v1, v8;
	_ =	sdelay $0x3  }
0x1ba: {  	v9 =	vpack.i.f32.bf16 v20, v9  }
0x1bb: {  	s31 =	sor.u32 $0x60, s29;
	[tilespmem:v8+s18+$0x0] =	vst.idx.msk $0xffff, v9  }
0x1bc: {  	v9 =	vld.idx.msk [tilespmem:v2+s31+$0x0 ss:$0x1], $0xffff  }
0x1bd: {  	v21 =	vld.idx.msk [tilespmem:v2+s31+$0x1 ss:$0x1], $0xffff  }
0x1be: {  	v22 =	vor.u32 $0x3, v8;
	_ =	sdelay $0x3  }
0x1bf: {  	v9 =	vpack.i.f32.bf16 v21, v9  }
0x1c0: {  	[tilespmem:v22+s18+$0x0] =	vst.idx.msk $0xffff, v9  }
0x1c1: {  	v9 =	vld.idx.msk [tilespmem:v3+s30+$0x0 ss:$0x1], $0xffff  }
0x1c2: {  	v23 =	vld.idx.msk [tilespmem:v3+s30+$0x1 ss:$0x1], $0xffff  }
0x1c3: {  	v24 =	vor.u32 $0x1, v8;
	_ =	sdelay $0x3  }
0x1c4: {  	v9 =	vpack.i.f32.bf16 v23, v9  }
0x1c5: {  	[tilespmem:v24+s18+$0x0] =	vst.idx.msk $0xffff, v9  }
0x1c6: {  	v9 =	vld.idx.msk [tilespmem:v3+s31+$0x0 ss:$0x1], $0xffff  }
0x1c7: {  	v25 =	vld.idx.msk [tilespmem:v3+s31+$0x1 ss:$0x1], $0xffff  }
0x1c8: {  	v26 =	vor.u32 $0x4, v8;
	_ =	sdelay $0x3  }
0x1c9: {  	v9 =	vpack.i.f32.bf16 v25, v9  }
0x1ca: {  	[tilespmem:v26+s18+$0x0] =	vst.idx.msk $0xffff, v9  }
0x1cb: {  	v9 =	vld.idx.msk [tilespmem:v4+s30+$0x0 ss:$0x1], $0xffff  }
0x1cc: {  	v27 =	vld.idx.msk [tilespmem:v4+s30+$0x1 ss:$0x1], $0xffff  }
0x1cd: {  	v28 =	vor.u32 $0x2, v8;
	_ =	sdelay $0x3  }
0x1ce: {  	v9 =	vpack.i.f32.bf16 v27, v9  }
0x1cf: {  	[tilespmem:v28+s18+$0x0] =	vst.idx.msk $0xffff, v9  }
0x1d0: {  	v9 =	vld.idx.msk [tilespmem:v4+s31+$0x0 ss:$0x1], $0xffff  }
0x1d1: {  	v29 =	vld.idx.msk [tilespmem:v4+s31+$0x1 ss:$0x1], $0xffff  }
0x1d2: {  	v30 =	vor.u32 $0x5, v8;
	_ =	sdelay $0x3  }
0x1d3: {  	v9 =	vpack.i.f32.bf16 v29, v9  }
0x1d4: {  	[tilespmem:v30+s18+$0x0] =	vst.idx.msk $0xffff, v9  }
0x1d5: {  	v9 =	vld.idx.msk [tilespmem:v5+s30+$0x0 ss:$0x1], $0xffff  }
0x1d6: {  	v31 =	vld.idx.msk [tilespmem:v5+s30+$0x1 ss:$0x1], $0xffff  }
0x1d7: {  	v32 =	vor.u32 $0x6, v8;
	_ =	sdelay $0x3  }
0x1d8: {  	v9 =	vpack.i.f32.bf16 v31, v9  }
0x1d9: {  	[tilespmem:v32+s18+$0x0] =	vst.idx.msk $0xffff, v9  }
0x1da: {  	v9 =	vld.idx.msk [tilespmem:v5+s31+$0x0 ss:$0x1], $0xffff  }
0x1db: {  	v33 =	vld.idx.msk [tilespmem:v5+s31+$0x1 ss:$0x1], $0xffff  }
0x1dc: {  	v34 =	vor.u32 $0x9, v8;
	_ =	sdelay $0x3  }
0x1dd: {  	v9 =	vpack.i.f32.bf16 v33, v9  }
0x1de: {  	[tilespmem:v34+s18+$0x0] =	vst.idx.msk $0xffff, v9  }
0x1df: {  	v9 =	vld.idx.msk [tilespmem:v6+s30+$0x0 ss:$0x1], $0xffff  }
0x1e0: {  	v35 =	vld.idx.msk [tilespmem:v6+s30+$0x1 ss:$0x1], $0xffff  }
0x1e1: {  	v36 =	vor.u32 $0x7, v8;
	_ =	sdelay $0x3  }
0x1e2: {  	v9 =	vpack.i.f32.bf16 v35, v9  }
0x1e3: {  	[tilespmem:v36+s18+$0x0] =	vst.idx.msk $0xffff, v9  }
0x1e4: {  	v9 =	vld.idx.msk [tilespmem:v6+s31+$0x0 ss:$0x1], $0xffff  }
0x1e5: {  	v37 =	vld.idx.msk [tilespmem:v6+s31+$0x1 ss:$0x1], $0xffff  }
0x1e6: {  	v38 =	vor.u32 $0xA, v8;
	_ =	sdelay $0x3  }
0x1e7: {  	v9 =	vpack.i.f32.bf16 v37, v9  }
0x1e8: {  	[tilespmem:v38+s18+$0x0] =	vst.idx.msk $0xffff, v9  }
0x1e9: {  	v9 =	vld.idx.msk [tilespmem:v7+s30+$0x0 ss:$0x1], $0xffff  }
0x1ea: {  	v39 =	vld.idx.msk [tilespmem:v7+s30+$0x1 ss:$0x1], $0xffff  }
0x1eb: {  	v40 =	vor.u32 $0x8, v8;
	_ =	sdelay $0x3  }
0x1ec: {  	v9 =	vpack.i.f32.bf16 v39, v9  }
0x1ed: {  	[tilespmem:v40+s18+$0x0] =	vst.idx.msk $0xffff, v9  }
0x1ee: {  	v9 =	vld.idx.msk [tilespmem:v7+s31+$0x0 ss:$0x1], $0xffff  }
0x1ef: {  	v41 =	vld.idx.msk [tilespmem:v7+s31+$0x1 ss:$0x1], $0xffff  }
0x1f0: {  	v8 =	vor.u32 $0xB, v8;
	_ =	sdelay $0x3  }
0x1f1: {  	s30 =	sor.u32 $0x70, s28;
	v9 =	vpack.i.f32.bf16 v41, v9  }
0x1f2: {  	[tilespmem:v8+s18+$0x0] =	vst.idx.msk $0xffff, v9;
	v8 =	vmov s30  }
0x1f3: {  	v8 =	vshll.u32 v8, $0x4;
	v9 =	vld.idx.msk [tilespmem:v2+s30+$0x0 ss:$0x1], $0xffff  }
0x1f4: {  	v42 =	vld.idx.msk [tilespmem:v2+s30+$0x1 ss:$0x1], $0xffff;
	v8 =	vor.u32 v0, v8  }
0x1f5: {  	v8 =	vadd.s32 v1, v8;
	_ =	sdelay $0x3  }
0x1f6: {  	v9 =	vpack.i.f32.bf16 v42, v9  }
0x1f7: {  	s31 =	sor.u32 $0x70, s29;
	[tilespmem:v8+s18+$0x0] =	vst.idx.msk $0xffff, v9  }
0x1f8: {  	v9 =	vld.idx.msk [tilespmem:v2+s31+$0x0 ss:$0x1], $0xffff  }
0x1f9: {  	v43 =	vld.idx.msk [tilespmem:v2+s31+$0x1 ss:$0x1], $0xffff  }
0x1fa: {  	v44 =	vor.u32 $0x3, v8;
	_ =	sdelay $0x3  }
0x1fb: {  	v9 =	vpack.i.f32.bf16 v43, v9  }
0x1fc: {  	[tilespmem:v44+s18+$0x0] =	vst.idx.msk $0xffff, v9  }
0x1fd: {  	v9 =	vld.idx.msk [tilespmem:v3+s30+$0x0 ss:$0x1], $0xffff  }
0x1fe: {  	v45 =	vld.idx.msk [tilespmem:v3+s30+$0x1 ss:$0x1], $0xffff  }
0x1ff: {  	v46 =	vor.u32 $0x1, v8;
	_ =	sdelay $0x3  }
0x200: {  	v9 =	vpack.i.f32.bf16 v45, v9  }
0x201: {  	[tilespmem:v46+s18+$0x0] =	vst.idx.msk $0xffff, v9  }
0x202: {  	v9 =	vld.idx.msk [tilespmem:v3+s31+$0x0 ss:$0x1], $0xffff  }
0x203: {  	v47 =	vld.idx.msk [tilespmem:v3+s31+$0x1 ss:$0x1], $0xffff  }
0x204: {  	v48 =	vor.u32 $0x4, v8;
	_ =	sdelay $0x3  }
0x205: {  	v9 =	vpack.i.f32.bf16 v47, v9  }
0x206: {  	[tilespmem:v48+s18+$0x0] =	vst.idx.msk $0xffff, v9  }
0x207: {  	v9 =	vld.idx.msk [tilespmem:v4+s30+$0x0 ss:$0x1], $0xffff  }
0x208: {  	v49 =	vld.idx.msk [tilespmem:v4+s30+$0x1 ss:$0x1], $0xffff  }
0x209: {  	v50 =	vor.u32 $0x2, v8;
	_ =	sdelay $0x3  }
0x20a: {  	v9 =	vpack.i.f32.bf16 v49, v9  }
0x20b: {  	[tilespmem:v50+s18+$0x0] =	vst.idx.msk $0xffff, v9  }
0x20c: {  	v9 =	vld.idx.msk [tilespmem:v4+s31+$0x0 ss:$0x1], $0xffff  }
0x20d: {  	v51 =	vld.idx.msk [tilespmem:v4+s31+$0x1 ss:$0x1], $0xffff  }
0x20e: {  	v52 =	vor.u32 $0x5, v8;
	_ =	sdelay $0x3  }
0x20f: {  	v9 =	vpack.i.f32.bf16 v51, v9  }
0x210: {  	[tilespmem:v52+s18+$0x0] =	vst.idx.msk $0xffff, v9  }
0x211: {  	v9 =	vld.idx.msk [tilespmem:v5+s30+$0x0 ss:$0x1], $0xffff  }
0x212: {  	v53 =	vld.idx.msk [tilespmem:v5+s30+$0x1 ss:$0x1], $0xffff  }
0x213: {  	v54 =	vor.u32 $0x6, v8;
	_ =	sdelay $0x3  }
0x214: {  	v9 =	vpack.i.f32.bf16 v53, v9  }
0x215: {  	[tilespmem:v54+s18+$0x0] =	vst.idx.msk $0xffff, v9  }
0x216: {  	v9 =	vld.idx.msk [tilespmem:v5+s31+$0x0 ss:$0x1], $0xffff  }
0x217: {  	v55 =	vld.idx.msk [tilespmem:v5+s31+$0x1 ss:$0x1], $0xffff  }
0x218: {  	v56 =	vor.u32 $0x9, v8;
	_ =	sdelay $0x3  }
0x219: {  	v9 =	vpack.i.f32.bf16 v55, v9  }
0x21a: {  	[tilespmem:v56+s18+$0x0] =	vst.idx.msk $0xffff, v9  }
0x21b: {  	v9 =	vld.idx.msk [tilespmem:v6+s30+$0x0 ss:$0x1], $0xffff  }
0x21c: {  	v57 =	vld.idx.msk [tilespmem:v6+s30+$0x1 ss:$0x1], $0xffff  }
0x21d: {  	v58 =	vor.u32 $0x7, v8;
	_ =	sdelay $0x3  }
0x21e: {  	v9 =	vpack.i.f32.bf16 v57, v9  }
0x21f: {  	[tilespmem:v58+s18+$0x0] =	vst.idx.msk $0xffff, v9  }
0x220: {  	v9 =	vld.idx.msk [tilespmem:v6+s31+$0x0 ss:$0x1], $0xffff  }
0x221: {  	v59 =	vld.idx.msk [tilespmem:v6+s31+$0x1 ss:$0x1], $0xffff  }
0x222: {  	v60 =	vor.u32 $0xA, v8;
	_ =	sdelay $0x3  }
0x223: {  	v9 =	vpack.i.f32.bf16 v59, v9  }
0x224: {  	[tilespmem:v60+s18+$0x0] =	vst.idx.msk $0xffff, v9  }
0x225: {  	v9 =	vld.idx.msk [tilespmem:v7+s30+$0x0 ss:$0x1], $0xffff  }
0x226: {  	v61 =	vld.idx.msk [tilespmem:v7+s30+$0x1 ss:$0x1], $0xffff  }
0x227: {  	v62 =	vor.u32 $0x8, v8;
	_ =	sdelay $0x3  }
0x228: {  	v9 =	vpack.i.f32.bf16 v61, v9  }
0x229: {  	[tilespmem:v62+s18+$0x0] =	vst.idx.msk $0xffff, v9  }
0x22a: {  	v9 =	vld.idx.msk [tilespmem:v7+s31+$0x0 ss:$0x1], $0xffff  }
0x22b: {  	v63 =	vld.idx.msk [tilespmem:v7+s31+$0x1 ss:$0x1], $0xffff  }
0x22c: {  	p0 =	sne.s32 s26, $0x10;
	v8 =	vor.u32 $0xB, v8  }
.Ltmp0:
0x22d: {  	_ = 	snop;
	(pc) =	sbr.rel @p0 .LBB2_3-.Ltmp0, $3  }
0x22e: {  	_ =	sdelay $0x1  }
0x22f: {  	v9 =	vpack.i.f32.bf16 v63, v9  }
0x230: {  	[tilespmem:v8+s18+$0x0] =	vst.idx.msk $0xffff, v9  }
0x231: {  	p0 =	sne.s32 s22, $0x20  }
.Ltmp1:
0x232: {  	_ = 	snop;
	(pc) =	sbr.rel @p0 .LBB2_2-.Ltmp1, $4  }
0x233: {  	_ = 	snop  }
0x234: {  	s0 =	sshll.u32 s23, $0xC;
	s1 =	sadd.s32 $0x3, s24  }
0x235: {  	s31 =	sor.u32 $0x6660, s25;
	s23 =	smov.u32 s22;
	s0 =	sadd.s32 s0, s11  }
0x236: {  	[hbm4b:s0+s3] =	stream.linear.scatter [tilespmem:s31], [sflag:s1], $0x8000, $0x38;
	[tilespmem:$0x16660] =	vst v63  }
0x237: {  	s21 =	sadd.s32 $0x1, s21  }
0x238: {  	_ =	swait.ge [sflag:s19], $0x8000;
	p0 =	sne.s32 s21, s12  }
.Ltmp2:
0x239: {  	[sflag:s19] =	ssyncset.done $0x0;
	(pc) =	sbr.rel @p0 .LBB2_1-.Ltmp2, $4  }
0x23a: {  	[sflag:s19] =	ssyncadd.s32 $0xFFFF8000  }
0x23b: {  	_ =	swait.ge [sflag:s20], $0x8000  }
0x23c: {  	[sflag:s20] =	ssyncset.done $0x0  }
0x23d: {  	[sflag:s20] =	ssyncadd.s32 $0xFFFF8000  }
0x23e: {  	_ =	sfence.sel $0x180000  }
0x23f: {  	[bflag:$0x0] =	sbarrier.arrive $0xFFFF  }
0x240: {  	_ =	strace $0x90000047  }
0x241: {  	s0 =	stileid.u32;
	[bflag:$0x2] =	sbarrier.arrive $0xFFFF  }
0x242: {  	p0 =	sne.s32 s0, $0x0;
	s0 =	rddreg [dreg:$0x1]  }
0x243: {  	s0 =	sadd.s32 @!p0 $0x100000, s0  }
0x244: {  	[sflag:s0] =	ssyncadd.tile.s32 @!p0 $0x1;
	_ =	shalt  }
.Lfunc_end2:
_tile_overlayer_lowered:
.L_overlay_start_2:
0x245: {  	(tag) =	ssettag $0x2  }
0x246: {  	s0 =	rddreg [dreg:$0x0];
	s2 =	stileid.u32  }
0x247: {  	s1 =	rddreg [dreg:$0x1];
	p0 =	sne.s32 s2, $0x0  }
0x248: {  	s3 =	rddreg [dreg:$0x2];
	[bflag:$0x3] =	sbarrier.arrive $0xFFFF;
	s2 =	simm.s32 @!p0 $0x1C05  }
0x249: {  	[timem:s3], [sflag:s2] =	dma.local @!p0 [hbm:s0], s1  }
0x24a: {  	s0 =	simm.s32 @!p0 $0x5  }
0x24b: {  	_ =	swait.ge @!p0 [sflag:s0], s1  }
0x24c: {  	s1 =	ssub.s32 @!p0 $0x0, s1;
	[sflag:s0] =	ssyncset.done @!p0 $0x0  }
0x24d: {  	[sflag:s0] =	ssyncadd.s32 @!p0 s1  }
0x24e: {  	[bflag:$0x3] =	sbarrier.arrive $0xFFFF  }
0x24f: {  	_ =	shalt  }

// kernel: kernel.7.cloned.1.call-start
scs
__scs_entry_jumppad:
0x0: {  	(pc) =	sbr.rel $0x88, $3  }
0x1: {  	(tag) =	ssettag $0x0;
	lr =	simm.s32 $0x1  }
0x2: {  	[smem:$0x3F9F] =	sst lr;
	_ =	strace $0xD0000000  }
0x3: {  	_ = 	snop  }
0x4: {  	_ = 	snop  }
0x5: {  	_ = 	snop  }
0x6: {  	_ = 	snop  }
0x7: {  	_ = 	snop  }
__scs_overlays_trampoline_lowered:
0x8: {  	[smem:$0x3FAE] =	sst s0  }
0x9: {  	[smem:$0x3FAF] =	sst s1  }
0xa: {  	[smem:$0x3FB0] =	sst s2  }
0xb: {  	[smem:$0x3FB1] =	sst s3  }
0xc: {  	[smem:$0x3FB2] =	sst s4  }
0xd: {  	[smem:$0x3FB3] =	sst s5  }
0xe: {  	[smem:$0x3FB4] =	sst s6  }
0xf: {  	[smem:$0x3FB5] =	sst s7  }
0x10: {  	[smem:$0x3FB6] =	sst s8  }
0x11: {  	[smem:$0x3FB7] =	sst s9;
	s0 =	simm.s32 @!p0 $0x0  }
0x12: {  	s1 =	sld [smem:$0x3F9D];
	s0 =	simm.s32 @p0 $0x1  }
0x13: {  	[smem:$0x3FB8] =	sst s0;
	s0 =	simm.s32 @!p1 $0x0  }
0x14: {  	s2 =	sld [smem:$0x3F9C];
	s0 =	simm.s32 @p1 $0x1  }
0x15: {  	[smem:$0x3FB9] =	sst s0;
	s0 =	simm.s32 @!p2 $0x0  }
0x16: {  	s3 =	sld [smem:$0x3FDB];
	s0 =	simm.s32 @p2 $0x1  }
0x17: {  	s4 =	simm.s32 $0x1BF5;
	[smem:$0x3FBB] =	sst s0  }
0x18: {  	s0 =	sld [smem:$0x3F9E];
	_ =	swait.ge [sflag:s4], $0x0  }
0x19: {  	s7 =	sld [smem:$0x3F9F]  }
0x1a: {  	s8 =	sadd.s32 $0xFFFFE003, lr  }
0x1b: {  	s9 =	sadd.s32 $0xFFFFFEF7, lr;
	s5 =	simm.s32 $0xFFFFFFFF;
	p2 =	slt.u32 s8, $0xFFFFF086  }
0x1c: {  	p1 =	slt.u32 s9, $0xF7A;
	s5 =	simm.s32 @!p2 $0x0  }
0x1d: {  	s5 =	simm.s32 @p1 $0x1;
	p0 =	seq.s32 s7, s2  }
0x1e: {  	s7 =	smul.u32 @!p0 $0xF7A, s2;
	p2 =	seq.s32 @!p0 s5, $0x0  }
0x1f: {  	s9 =	smul.u32 $0xF7A, s1;
	s8 =	simm.s32 @!p0 $0x1BF5;
	p2 =	por !p2, p0  }
0x20: {  	[sflag:s8] =	ssyncset.s32 @!p0 $0xFFFFF086;
	s6 =	sadd.s32 @!p0 s3, s7;
	s7 =	simm.s32 @!p0 $0x108  }
0x21: {  	s3 =	sadd.s32 s3, s9;
	s6 =	sadd.s32 @!p0 $0x88, s6;
	s7 =	simm.s32 @p2 $0x1082  }
0x22: {  	[simem:s7], [sflag:s8] =	dma.local @!p0 [hbm:s6], $0xF7A  }
0x23: {  	s9 =	sor.u32 $0xD0000000, s2;
	s6 =	simm.s32 $0x108;
	_ =	swait.ge @!p0 [sflag:s8], $0x0  }
0x24: {  	s3 =	sadd.s32 $0x88, s3;
	s6 =	simm.s32 @!p1 $0x1082;
	[sflag:s4] =	ssyncset.s32 $0xFFFFF086  }
0x25: {  	[simem:s6], [sflag:s4] =	dma.local [hbm:s3], $0xF7A  }
0x26: {  	[smem:$0x3F9F] =	sst s1;
	(tag) =	ssettag s2;
	_ =	strace s9  }
0x27: {  	s1 =	sld [smem:$0x3FAF]  }
0x28: {  	s2 =	sld [smem:$0x3FB0]  }
0x29: {  	s4 =	sld [smem:$0x3FB2]  }
0x2a: {  	p0 =	seq.s32 s5, $0x0;
	s5 =	sld [smem:$0x3FB3]  }
0x2b: {  	s6 =	sld [smem:$0x3FB4]  }
0x2c: {  	s7 =	sld [smem:$0x3FB5]  }
0x2d: {  	s3 =	simm.s32 $0x108;
	s8 =	sld [smem:$0x3FB6]  }
0x2e: {  	s3 =	simm.s32 @!p0 $0x1082;
	s9 =	sld [smem:$0x3FB7]  }
0x2f: {  	lr =	sadd.s32 s0, s3;
	s0 =	sld [smem:$0x3FAE]  }
0x30: {  	s3 =	sld [smem:$0x3FB1]  }
0x31: {  	[smem:$0x3FBA] =	sst s10  }
0x32: {  	s10 =	sld [smem:$0x3FB8];
	_ =	sdelay $0x3  }
0x33: {  	p0 =	seq.s32 s10, $0x1;
	s10 =	sld [smem:$0x3FBA];
	_ =	sdelay $0x3  }
0x34: {  	[smem:$0x3FBA] =	sst s10  }
0x35: {  	s10 =	sld [smem:$0x3FB9];
	_ =	sdelay $0x3  }
0x36: {  	p1 =	seq.s32 s10, $0x1;
	s10 =	sld [smem:$0x3FBA];
	_ =	sdelay $0x3  }
0x37: {  	[smem:$0x3FBA] =	sst s10  }
0x38: {  	s10 =	sld [smem:$0x3FBB]  }
0x39: {  	_ = 	snop;
	(pc) =	sbr.ind lr, $3  }
0x3a: {  	_ = 	snop  }
0x3b: {  	_ = 	snop  }
0x3c: {  	p2 =	seq.s32 s10, $0x1;
	s10 =	sld [smem:$0x3FBA]  }
0x3d: {  	_ =	shalt  }
0x3e: {  	_ =	shalt  }
0x3f: {  	_ =	shalt  }
0x40: {  	_ =	shalt  }
0x41: {  	_ =	shalt  }
0x42: {  	_ =	shalt  }
0x43: {  	_ =	shalt  }
0x44: {  	_ =	shalt  }
0x45: {  	_ =	shalt  }
0x46: {  	_ =	shalt  }
0x47: {  	_ =	shalt  }
0x48: {  	_ =	shalt  }
0x49: {  	_ =	shalt  }
0x4a: {  	_ =	shalt  }
0x4b: {  	_ =	shalt  }
0x4c: {  	_ =	shalt  }
0x4d: {  	_ =	shalt  }
0x4e: {  	_ =	shalt  }
0x4f: {  	_ =	shalt  }
0x50: {  	_ =	shalt  }
0x51: {  	_ =	shalt  }
0x52: {  	_ =	shalt  }
0x53: {  	_ =	shalt  }
0x54: {  	_ =	shalt  }
0x55: {  	_ =	shalt  }
0x56: {  	_ =	shalt  }
0x57: {  	_ =	shalt  }
0x58: {  	_ =	shalt  }
0x59: {  	_ =	shalt  }
0x5a: {  	_ =	shalt  }
0x5b: {  	_ =	shalt  }
0x5c: {  	_ =	shalt  }
0x5d: {  	_ =	shalt  }
0x5e: {  	_ =	shalt  }
0x5f: {  	_ =	shalt  }
0x60: {  	_ =	shalt  }
0x61: {  	_ =	shalt  }
0x62: {  	_ =	shalt  }
0x63: {  	_ =	shalt  }
0x64: {  	_ =	shalt  }
0x65: {  	_ =	shalt  }
0x66: {  	_ =	shalt  }
0x67: {  	_ =	shalt  }
0x68: {  	_ =	shalt  }
0x69: {  	_ =	shalt  }
0x6a: {  	_ =	shalt  }
0x6b: {  	_ =	shalt  }
0x6c: {  	_ =	shalt  }
0x6d: {  	_ =	shalt  }
0x6e: {  	_ =	shalt  }
0x6f: {  	_ =	shalt  }
0x70: {  	_ =	shalt  }
0x71: {  	_ =	shalt  }
0x72: {  	_ =	shalt  }
0x73: {  	_ =	shalt  }
0x74: {  	_ =	shalt  }
0x75: {  	_ =	shalt  }
0x76: {  	_ =	shalt  }
0x77: {  	_ =	shalt  }
0x78: {  	_ =	shalt  }
0x79: {  	_ =	shalt  }
0x7a: {  	_ =	shalt  }
0x7b: {  	_ =	shalt  }
0x7c: {  	_ =	shalt  }
0x7d: {  	_ =	shalt  }
0x7e: {  	_ =	shalt  }
0x7f: {  	_ =	shalt  }
0x80: {  	_ =	shalt  }
0x81: {  	_ =	shalt  }
0x82: {  	_ =	shalt  }
0x83: {  	_ =	shalt  }
0x84: {  	_ =	shalt  }
0x85: {  	_ =	shalt  }
0x86: {  	_ =	shalt  }
0x87: {  	_ =	shalt  }
.Lfunc_end0:
.L_simem_size_0:
called_computation.1_lowered:
.L_overlay_start_0:
0x88: {  	s2 =	sld [smem:$0x3FD9]  }
0x89: {  	s3 =	sld [smem:$0x3FFE];
	_ =	sdelay $0x1  }
0x8a: {  	s1 =	srdreg.scid  }
0x8b: {  	s0 =	sand.u32 $0x1, s1  }
0x8c: {  	s17 =	sshll.u32 s0, $0xA;
	s2 =	sadd.s32 s3, s2  }
0x8d: {  	s2 =	sadd.s32 s2, s17  }
0x8e: {  	[smem:$0x3FC6] =	sst s2  }
0x8f: {  	_ = 	snop  }
0x90: {  	s2 =	sld [smem:$0x3FD0];
	(tm) =	ssettm $0x1  }
0x91: {  	s18 =	sld [smem:$0x3FFB];
	_ =	sdelay $0x3  }
0x92: {  	_ =	strace s18  }
0x93: {  	s3 =	sld [smem:$0x3FFC];
	_ =	sdelay $0x3  }
0x94: {  	_ =	strace s3  }
0x95: {  	s3 =	sld [smem:$0x3FFD];
	_ =	sdelay $0x3  }
0x96: {  	_ =	strace s3  }
0x97: {  	_ =	strace $0x8FFFFFFF  }
0x98: {  	s19 =	sld [smem:$0x3FDB];
	_ =	sdelay $0x1  }
0x99: {  	s4 =	simm.s32 $_scs_section_size  }
0x9a: {  	s5 =	simm.s32 $_size__tile_overlayer_lowered;
	s6 =	simm.s32 $_tile_overlayer_lowered  }
0x9b: {  	s22 =	simm.s32 $0x1BFF;
	s21 =	sshll.u32 s6, $0x1;
	s3 =	sadd.s32 s4, s19  }
0x9c: {  	s7 =	simm.s32 $0x0;
	s20 =	sshll.u32 s5, $0x1;
	s5 =	sadd.s32 s21, s3  }
0x9d: {  	[timem:s7], [sflag:s22] =	dma.local [hbm:s5], s20  }
0x9e: {  	_ =	swait.ge [sflag:s22], s20  }
0x9f: {  	s4 =	ssub.s32 $0x0, s20;
	[sflag:s22] =	ssyncset.done $0x0  }
0xa0: {  	[sflag:s22] =	ssyncadd.s32 s4;
	_ =	sdelay $0x1  }
0xa1: {  	s23 =	simm.s32 $0x1B8B  }
0xa2: {  	_ =	swait.ge [sflag:s23], $0x1  }
0xa3: {  	[sflag:s23] =	ssyncset.done $0x0  }
0xa4: {  	s25 =	simm.s32 $0x1B8E;
	s24 =	sld [smem:$0x3FFE];
	[sflag:s23] =	ssyncadd.s32 $0xFFFFFFFF  }
0xa5: {  	s26 =	simm.s32 $execute0_lowered;
	[smem:$0x3FD2] =	sst s25  }
0xa6: {  	s5 =	sshll.u32 s26, $0x1;
	_ =	strace $0x80000049;
	[dreg:$0x1] =	wrdreg $0xFFFFFFFF  }
0xa7: {  	s28 =	simm.s32 $_size_execute0_lowered;
	s3 =	sadd.s32 s3, s5;
	[dreg:$0x0] =	wrdreg $0x0  }
0xa8: {  	s5 =	sshll.u32 s28, $0x1;
	[dreg:$0x2] =	wrdreg s3  }
0xa9: {  	[dreg:$0x3] =	wrdreg s5  }
0xaa: {  	[dreg:$0x4] =	wrdreg $0xC0  }
0xab: {  	_ =	task [dreg:s7], $0x5FFFF  }
0xac: {  	[dreg:$0x1] =	wrdreg $0xFFFFFFFF  }
0xad: {  	[dreg:$0x0] =	wrdreg $0x60  }
0xae: {  	[dreg:$0x2] =	wrdreg s24  }
0xaf: {  	[dreg:$0x3] =	wrdreg s2  }
0xb0: {  	[dreg:$0x4] =	wrdreg $0x9  }
0xb1: {  	_ =	task.clear_ibuf [dreg:s7], $0x5FFFF;
	_ =	strace $0x90000049  }
0xb2: {  	s29 =	simm.s32 $0x9;
	_ =	strace $0x8000004B  }
0xb3: {  	_ =	swait.ge [sflag:s29], $0x1  }
0xb4: {  	[sflag:s29] =	ssyncadd.s32 $0xFFFFFFFF  }
0xb5: {  	_ =	strace $0x9000004B  }
0xb6: {  	_ =	sfence  }
0xb7: {  	s30 =	sld [smem:$0x0];
	_ =	sdelay $0x2  }
0xb8: {  	s31 =	sshll.u32 s1, $0xD;
	s1 =	sshrl.u32 s1, $0x2  }
0xb9: {  	s3 =	sand.u32 $0x4000, s31;
	s1 =	sadd.s32 s1, s30  }
0xba: {  	s0 =	sor.u32 s3, s0;
	s1 =	sshll.u32 s1, $0x11  }
0xbb: {  	s0 =	sor.u32 s1, s0  }
0xbc: {  	s0 =	sadd.s32 $0x8F2B, s0  }
0xbd: {  	[sflag:s0] =	ssyncadd.remote.s32 $0x1  }
0xbe: {  	_ =	sfence.sel $0xFFFF  }
0xbf: {  	[dreg:$0x0] =	wrdreg $0xFFFFFFFF;
	(pc) =	sbr.abs _section_cstart, $3  }
0xc0: {  	[dreg:$0x1] =	wrdreg $0xFFFFFFFF  }
0xc1: {  	_ =	task.clear_ibuf [dreg:s7], $0x2FFFF;
	_ =	strace $0x9FFFFFFF  }
0xc2: {  	(tm) =	ssettm $0x7FFFFFFF  }
0xc3: {  	_ =	shalt  }
tec
execute0_lowered:
.L_overlay_start_1:
0x0: {  	(tag) =	ssettag $0x1  }
0x1: {  	s0 =	rddreg [dreg:$0x0]  }
0x2: {  	s1 =	rddreg [dreg:$0x1];
	s2 =	simm.s32 $0x0;
	s3 =	srdreg.scid  }
0x3: {  	s8 =	stileid.u32;
	s20 =	simm.s32 $0x7;
	s21 =	simm.s32 $0x4000  }
0x4: {  	s25 =	simm.s32 $0x5;
	s26 =	simm.s32 $0x6;
	[smem:$0x7FF] =	sst s2  }
0x5: {  	s28 =	simm.s32 $0x0;
	s4 =	sadd.s32 $0x4C1200, s0;
	s5 =	sadd.s32 $0x541200, s0  }
0x6: {  	s6 =	sadd.s32 $0x501200, s0;
	s3 =	sand.u32 $0x1, s3;
	s7 =	sadd.s32 $0xC1200, s0  }
0x7: {  	s9 =	sshll.u32 s8, $0x11;
	s8 =	sadd.s32 $0x1000, s0;
	s11 =	sadd.s32 $0x81000, s0  }
0x8: {  	_ =	strace $0x8000004A;
	s10 =	sshll.u32 s3, $0x10;
	s3 =	ssub.s32 $0x2, s3  }
0x9: {  	s9 =	sor.u32 s10, s9;
	s10 =	sadd.s32 $0x41000, s0;
	s12 =	sshrl.u32 s3, $0x1  }
0xa: {  	s16 =	sshrl.u32 s9, $0x3;
	s31 =	ssub.s32 s3, s12;
	s17 =	sor.u32 $0x1000, s9  }
0xb: {  	v0 =	vlaneseq.u32;
	s12 =	sadd.s32 s4, s16;
	s14 =	sadd.s32 s5, s16;
	s15 =	sadd.s32 s6, s16  }
0xc: {  	v0 =	vmul.u32 $0x10, v0;
	s16 =	sadd.s32 s1, s16;
	s18 =	smax.u32 s31, $0x1;
	s13 =	sadd.s32 $0x100, s12  }
.LBB2_1:
0xd: {  	[tilespmem:s2], [sflag:$0x7] =	stream.linear.gather [hbm4b:s12+s2], $0x800, $0x38;
	[tilespmem:$0x17000] =	vst v63  }
0xe: {  	s0 =	simm.s32 $0x800  }
0xf: {  	[tilespmem:s0], [sflag:$0x8] =	stream.linear.gather [hbm4b:s13+s2], $0x800, $0x38;
	[tilespmem:$0x17000] =	vst v63  }
0x10: {  	_ =	swait.ge [sflag:s20], $0x800  }
0x11: {  	[sflag:s20] =	ssyncset.done $0x0  }
0x12: {  	[sflag:s20] =	ssyncadd.s32 $0xFFFFF800  }
0x13: {  	[tilespmem:s21], [sflag:$0x1] =	stream.indirect.gather [hbm4b:s7+s0], $0x10, s2, s0, $0xb8;
	[tilespmem:$0x17000] =	vst v63  }
0x14: {  	s24 =	simm.s32 $0x1000  }
0x15: {  	[tilespmem:s24], [sflag:$0x3] =	stream.linear.gather [hbm4b:s14+s2], $0x800, $0x38;
	[tilespmem:$0x17000] =	vst v63  }
0x16: {  	s30 =	simm.s32 $0x1800  }
0x17: {  	[tilespmem:s30], [sflag:$0x3] =	stream.linear.gather [hbm4b:s15+s2], $0x800, $0x38;
	[tilespmem:$0x17000] =	vst v63  }
0x18: {  	s31 =	simm.s32 $0x2000;
	p0 =	por $0x0, $0x0;
	s29 =	simm.s32 $0x0  }
0x19: {  	[tilespmem:s31], [sflag:$0x3] =	stream.linear.gather [hbm4b:s16+s2], $0x800, $0x38;
	[tilespmem:$0x17000] =	vst v63  }
.LBB2_2:
0x1a: {  	s30 =	sand.u32 $0x1, s29  }
0x1b: {  	s3 =	sadd.s32 $0x1, s30  }
0x1c: {  	_ =	swait.ge [sflag:s3], $0x8000  }
0x1d: {  	[sflag:s3] =	ssyncset.done $0x0  }
0x1e: {  	s24 =	sadd.s32 $0x3, s30;
	[sflag:s3] =	ssyncadd.s32 $0xFFFF8000  }
0x1f: {  	_ =	swait.ge [sflag:s24], $0x800  }
0x20: {  	[sflag:s24] =	ssyncset.done $0x0  }
0x21: {  	[sflag:s24] =	ssyncadd.s32 $0xFFFFF800  }
0x22: {  	_ =	swait.ge [sflag:s24], $0x800  }
0x23: {  	[sflag:s24] =	ssyncset.done $0x0  }
0x24: {  	s0 =	smov.u32 s29;
	[sflag:s24] =	ssyncadd.s32 $0xFFFFF800  }
0x25: {  	s29 =	sadd.s32 $0x1, s29;
	p1 =	seq.s32 s0, $0x1F;
	_ =	swait.ge [sflag:s24], $0x800  }
0x26: {  	s22 =	sand.u32 @!p1 $0x1, s29;
	[sflag:s24] =	ssyncset.done $0x0  }
0x27: {  	s3 =	sadd.s32 @!p1 $0x7, s22;
	[sflag:s24] =	ssyncadd.s32 $0xFFFFF800  }
0x28: {  	_ =	swait.ge @!p1 [sflag:s3], $0x800  }
0x29: {  	[sflag:s3] =	ssyncset.done @!p1 $0x0  }
0x2a: {  	s31 =	simm.s32 @!p1 $0x800;
	[sflag:s3] =	ssyncadd.s32 @!p1 $0xFFFFF800;
	s3 =	sshll.u32 @!p1 s22, $0xF  }
0x2b: {  	s23 =	sshll.u32 @!p1 s22, $0xB;
	s24 =	sadd.s32 @!p1 $0x1, s22;
	s3 =	sor.u32 @!p1 $0x4000, s3  }
0x2c: {  	[tilespmem:s3], [sflag:s24] =	stream.indirect.gather @!p1 [hbm4b:s7+s31], $0x10, s23, s31, $0xb8;
	[tilespmem:$0x17000] =	vst v63  }
0x2d: {  	s3 =	smul.u32 @!p1 $0x6000, s22;
	s23 =	sshll.u32 @!p1 s29, $0xB  }
0x2e: {  	s23 =	sadd.s32 @!p1 s9, s23  }
0x2f: {  	s19 =	simm.s32 @!p1 $0x0;
	s3 =	sshrl.u32 @!p1 s3, $0x2;
	s23 =	sshrl.u32 @!p1 s23, $0x3  }
0x30: {  	s22 =	sadd.s32 @!p1 $0x3, s22;
	s24 =	sadd.s32 @!p1 $0x1000, s3;
	s31 =	sadd.s32 @!p1 s5, s23  }
0x31: {  	[tilespmem:s24], [sflag:s22] =	stream.linear.gather @!p1 [hbm4b:s31+s19], $0x800, $0x38;
	[tilespmem:$0x17000] =	vst v63  }
0x32: {  	s24 =	sadd.s32 @!p1 $0x1800, s3;
	s31 =	sadd.s32 @!p1 s6, s23  }
0x33: {  	[tilespmem:s24], [sflag:s22] =	stream.linear.gather @!p1 [hbm4b:s31+s19], $0x800, $0x38;
	[tilespmem:$0x17000] =	vst v63  }
0x34: {  	p2 =	sgt.u32 @!p1 s0, $0x1D;
	s3 =	sor.u32 @!p1 $0x2000, s3;
	s23 =	sadd.s32 @!p1 s1, s23  }
0x35: {  	[tilespmem:s3], [sflag:s22] =	stream.linear.gather @!p1 [hbm4b:s23+s19], $0x800, $0x38;
	[tilespmem:$0x17000] =	vst v63  }
0x36: {  	s22 =	sshll.u32 s0, $0xB;
	p1 =	por p1, p2  }
0x37: {  	s3 =	sadd.s32 @!p1 s22, s17  }
0x38: {  	s19 =	sshll.u32 @!p1 s30, $0xB;
	s23 =	sadd.s32 @!p1 $0x7, s30;
	s3 =	sshrl.u32 @!p1 s3, $0x3  }
0x39: {  	s24 =	simm.s32 @!p1 $0x0;
	p2 =	slt.u32 @!p1 s0, $0x2;
	s3 =	sadd.s32 @!p1 s4, s3  }
0x3a: {  	[tilespmem:s19], [sflag:s23] =	stream.linear.gather @!p1 [hbm4b:s3+s24], $0x800, $0x38;
	[tilespmem:$0x17000] =	vst v63  }
0x3b: {  	s31 =	sadd.s32 $0x5, s30;
	p1 =	por p1, !p2  }
0x3c: {  	_ =	swait.ge @p1 [sflag:s31], $0x800  }
0x3d: {  	s19 =	simm.s32 $0x0;
	[sflag:s31] =	ssyncset.done @p1 $0x0  }
0x3e: {  	v1 =	vmov s19;
	[sflag:s31] =	ssyncadd.s32 @p1 $0xFFFFF800  }
0x3f: {  	s0 =	simm.s32 $0x1;
	s23 =	sshll.u32 s30, $0xF;
	v2 =	vshll.u32 v1, $0x4;
	_ =	swait.ge @p1 [sflag:s31], $0x800  }
0x40: {  	s0 =	simm.s32 @!p0 $0x0;
	v1 =	vmov s23;
	v2 =	vor.u32 v0, v2;
	[sflag:s31] =	ssyncset.done @p1 $0x0  }
0x41: {  	s0 =	smul.u32 $0x6000, s0;
	v8 =	vadd.s32 v1, v2;
	[sflag:s31] =	ssyncadd.s32 @p1 $0xFFFFF800  }
0x42: {  	v3 =	vor.u32 $0x9, v8;
	_ =	swait.ge @p1 [sflag:s31], $0x800  }
0x43: {  	s24 =	sshrl.u32 s0, $0x2;
	v5 =	vor.u32 $0x6, v8;
	[sflag:s31] =	ssyncset.done @p1 $0x0  }
0x44: {  	s0 =	sadd.s32 $0x1800, s24;
	v4 =	vor.u32 $0x3, v8;
	[sflag:s31] =	ssyncadd.s32 @p1 $0xFFFFF800  }
0x45: {  	v2 =	vld [tilespmem:s0+$0x800]  }
0x46: {  	v6 =	vld.idx.msk [tilespmem:v8+s21+$0x0], $0xffff  }
0x47: {  	v7 =	vld.idx.msk [tilespmem:v3+s21+$0x0], $0xffff  }
0x48: {  	v5 =	vld.idx.msk [tilespmem:v5+s21+$0x0], $0xffff  }
0x49: {  	v9 =	vld.idx.msk [tilespmem:v4+s21+$0x0], $0xffff;
	_ =	sdelay $0x2  }
0x4a: {  	v4 =	vsub.f32 $1.000000000e+00, v2;
	v10 =	vunpack.i.u.bf16.f32 v6;
	v6 =	vunpack.i.l.bf16.f32 v6  }
0x4b: {  	v3 =	vld [tilespmem:s0+$0x0];
	v11 =	vunpack.i.u.bf16.f32 v7;
	v7 =	vunpack.i.l.bf16.f32 v7;
	v13 =	vunpack.i.u.bf16.f32 v5  }
0x4c: {  	v12 =	vunpack.i.u.bf16.f32 v9;
	v10 =	vmul.f32 v10, v2;
	v13 =	vmul.f32 v13, v2  }
0x4d: {  	v9 =	vunpack.i.l.bf16.f32 v9;
	v12 =	vmul.f32 v12, v2;
	v6 =	vmul.f32 v6, v4  }
0x4e: {  	v5 =	vunpack.i.l.bf16.f32 v5;
	v11 =	vmul.f32 v11, v2;
	v9 =	vmul.f32 v9, v4  }
0x4f: {  	v7 =	vmul.f32 v7, v4;
	v14 =	vmul.f32 v5, v4;
	v5 =	vld [tilespmem:s0+$0xFFFFF800];
	v10 =	vadd.f32 v6, v10  }
0x50: {  	v6 =	vsub.f32 $1.000000000e+00, v3;
	v9 =	vadd.f32 v9, v12  }
0x51: {  	v12 =	vadd.f32 v14, v13;
	v7 =	vadd.f32 v7, v11  }
0x52: {  	v10 =	vmul.f32 v10, v6;
	v9 =	vmul.f32 v9, v3  }
0x53: {  	v11 =	vmul.f32 v12, v6;
	v12 =	vmul.f32 v7, v3  }
0x54: {  	v7 =	vsub.f32 $1.000000000e+00, v5  }
0x55: {  	v9 =	vadd.f32 v9, v10;
	v10 =	vadd.f32 v12, v11;
	_ =	sdelay $0x1  }
0x56: {  	v11 =	vor.u32 $0xA, v8;
	v9 =	vmul.f32 v9, v7;
	v10 =	vmul.f32 v10, v5  }
0x57: {  	v12 =	vor.u32 $0x4, v8  }
0x58: {  	v13 =	vor.u32 $0x7, v8;
	v9 =	vadd.f32 v10, v9  }
0x59: {  	s3 =	sadd.s32 $0x14800, s24  }
0x5a: {  	[tilespmem:s3+$0xFFFFF800] =	vst v9  }
0x5b: {  	v10 =	vor.u32 $0x1, v8;
	v9 =	vld.idx.msk [tilespmem:v11+s21+$0x0], $0xffff  }
0x5c: {  	v11 =	vld.idx.msk [tilespmem:v12+s21+$0x0], $0xffff  }
0x5d: {  	v12 =	vld.idx.msk [tilespmem:v13+s21+$0x0], $0xffff;
	_ =	sdelay $0x2  }
0x5e: {  	v10 =	vld.idx.msk [tilespmem:v10+s21+$0x0], $0xffff  }
0x5f: {  	v13 =	vunpack.i.u.bf16.f32 v9;
	v9 =	vunpack.i.l.bf16.f32 v9;
	v14 =	vunpack.i.u.bf16.f32 v11  }
0x60: {  	v11 =	vunpack.i.l.bf16.f32 v11;
	v16 =	vunpack.i.u.bf16.f32 v12;
	v13 =	vmul.f32 v13, v2  }
0x61: {  	v12 =	vunpack.i.l.bf16.f32 v12;
	v11 =	vmul.f32 v11, v4;
	v14 =	vmul.f32 v14, v2  }
0x62: {  	v9 =	vmul.f32 v9, v4;
	v12 =	vmul.f32 v12, v4  }
0x63: {  	v16 =	vmul.f32 v16, v2;
	v15 =	vunpack.i.u.bf16.f32 v10;
	v10 =	vunpack.i.l.bf16.f32 v10  }
0x64: {  	v15 =	vmul.f32 v15, v2;
	v10 =	vmul.f32 v10, v4  }
0x65: {  	v11 =	vadd.f32 v11, v14;
	v12 =	vadd.f32 v12, v16  }
0x66: {  	v9 =	vadd.f32 v9, v13;
	v10 =	vadd.f32 v10, v15  }
0x67: {  	v11 =	vmul.f32 v11, v3;
	v12 =	vmul.f32 v12, v6  }
0x68: {  	v9 =	vmul.f32 v9, v3;
	v10 =	vmul.f32 v10, v6;
	_ =	sdelay $0x1  }
0x69: {  	v9 =	vadd.f32 v9, v12;
	v10 =	vadd.f32 v11, v10;
	_ =	sdelay $0x1  }
0x6a: {  	v9 =	vmul.f32 v9, v5;
	v11 =	vor.u32 $0x2, v8;
	v10 =	vmul.f32 v10, v7;
	_ =	sdelay $0x1  }
0x6b: {  	v12 =	vor.u32 $0xB, v8;
	v9 =	vadd.f32 v9, v10  }
0x6c: {  	v13 =	vor.u32 $0x8, v8  }
0x6d: {  	[tilespmem:s3+$0x0] =	vst v9  }
0x6e: {  	v9 =	vld.idx.msk [tilespmem:v11+s21+$0x0], $0xffff;
	v11 =	vor.u32 $0x5, v8;
	_ =	sdelay $0x1  }
0x6f: {  	v10 =	vld.idx.msk [tilespmem:v12+s21+$0x0], $0xffff  }
0x70: {  	v12 =	vld.idx.msk [tilespmem:v13+s21+$0x0], $0xffff;
	_ =	sdelay $0x1  }
0x71: {  	v11 =	vld.idx.msk [tilespmem:v11+s21+$0x0], $0xffff  }
0x72: {  	v13 =	vunpack.i.u.bf16.f32 v9;
	v8 =	vunpack.i.l.bf16.f32 v9  }
0x73: {  	v14 =	vunpack.i.u.bf16.f32 v10;
	v9 =	vunpack.i.l.bf16.f32 v10;
	v8 =	vmul.f32 v8, v4  }
0x74: {  	v15 =	vunpack.i.u.bf16.f32 v12;
	v9 =	vmul.f32 v9, v4;
	v10 =	vmul.f32 v14, v2  }
0x75: {  	s22 =	sor.u32 s9, s22;
	s24 =	simm.s32 $0x10;
	s23 =	smov.u32 s3;
	v13 =	vmul.f32 v13, v2;
	v14 =	vunpack.i.l.bf16.f32 v12;
	v12 =	vmul.f32 v15, v2  }
.LBB2_3:
0x76: {  	p1 =	sne.s32 s24, $0x7F0;
	v15 =	vunpack.i.u.bf16.f32 v11;
	v11 =	vunpack.i.l.bf16.f32 v11;
	v14 =	vmul.f32 v14, v4;
	s3 =	sadd.s32 $0x10, s3;
	s0 =	sadd.s32 $0x10, s0  }
0x77: {  	s19 =	smov.u32 s24;
	s24 =	sadd.s32 $0x10, s24;
	v8 =	vadd.f32 v8, v13;
	v4 =	vmul.f32 v11, v4;
	v2 =	vmul.f32 v15, v2  }
0x78: {  	v9 =	vadd.f32 v9, v10;
	v11 =	vadd.f32 v14, v12  }
0x79: {  	v8 =	vmul.f32 v8, v6;
	v2 =	vadd.f32 v4, v2  }
0x7a: {  	v4 =	vmul.f32 v11, v6;
	v6 =	vmul.f32 v9, v3  }
0x7b: {  	v2 =	vmul.f32 v2, v3  }
0x7c: {  	v3 =	vadd.f32 v6, v4  }
0x7d: {  	v2 =	vadd.f32 v2, v8  }
0x7e: {  	v4 =	vmov s19;
	v3 =	vmul.f32 v3, v5  }
0x7f: {  	v4 =	vshll.u32 v4, $0x4;
	v2 =	vmul.f32 v2, v7  }
0x80: {  	v4 =	vor.u32 v0, v4  }
0x81: {  	v8 =	vadd.s32 v1, v4;
	v2 =	vadd.f32 v3, v2  }
0x82: {  	v4 =	vor.u32 $0x6, v8;
	v5 =	vor.u32 $0x9, v8;
	v3 =	vor.u32 $0x3, v8  }
0x83: {  	[tilespmem:s23+$0x800] =	vst v2;
	s23 =	smov.u32 s3;
	_ =	sdelay $0x1  }
0x84: {  	v2 =	vld [tilespmem:s0+$0x800]  }
0x85: {  	v6 =	vld.idx.msk [tilespmem:v8+s21+$0x0], $0xffff  }
0x86: {  	v5 =	vld.idx.msk [tilespmem:v5+s21+$0x0], $0xffff  }
0x87: {  	v7 =	vld.idx.msk [tilespmem:v3+s21+$0x0], $0xffff  }
0x88: {  	v9 =	vld.idx.msk [tilespmem:v4+s21+$0x0], $0xffff;
	_ =	sdelay $0x1  }
0x89: {  	v4 =	vsub.f32 $1.000000000e+00, v2  }
0x8a: {  	v10 =	vunpack.i.u.bf16.f32 v6;
	v6 =	vunpack.i.l.bf16.f32 v6;
	v3 =	vld [tilespmem:s0+$0x0]  }
0x8b: {  	v6 =	vmul.f32 v6, v4;
	v11 =	vunpack.i.u.bf16.f32 v5;
	v5 =	vunpack.i.l.bf16.f32 v5  }
0x8c: {  	v10 =	vmul.f32 v10, v2;
	v12 =	vunpack.i.u.bf16.f32 v7;
	v7 =	vunpack.i.l.bf16.f32 v7  }
0x8d: {  	v14 =	vmul.f32 v5, v4;
	v7 =	vmul.f32 v7, v4;
	v13 =	vunpack.i.u.bf16.f32 v9  }
0x8e: {  	v10 =	vadd.f32 v6, v10;
	v5 =	vunpack.i.l.bf16.f32 v9;
	v9 =	vmul.f32 v13, v2  }
0x8f: {  	v12 =	vmul.f32 v12, v2;
	v13 =	vmul.f32 v5, v4;
	v6 =	vsub.f32 $1.000000000e+00, v3  }
0x90: {  	v11 =	vmul.f32 v11, v2;
	v5 =	vld [tilespmem:s0+$0xFFFFF800]  }
0x91: {  	v7 =	vadd.f32 v7, v12;
	v9 =	vadd.f32 v13, v9;
	v10 =	vmul.f32 v10, v6  }
0x92: {  	v11 =	vadd.f32 v14, v11  }
0x93: {  	v12 =	vmul.f32 v7, v3;
	v9 =	vmul.f32 v9, v6  }
0x94: {  	v11 =	vmul.f32 v11, v3  }
0x95: {  	v10 =	vadd.f32 v12, v10;
	v7 =	vsub.f32 $1.000000000e+00, v5  }
0x96: {  	v9 =	vadd.f32 v11, v9  }
0x97: {  	v10 =	vmul.f32 v10, v7  }
0x98: {  	v11 =	vor.u32 $0xA, v8;
	v9 =	vmul.f32 v9, v5  }
0x99: {  	v12 =	vor.u32 $0x4, v8  }
0x9a: {  	v9 =	vadd.f32 v9, v10;
	v10 =	vor.u32 $0x1, v8  }
0x9b: {  	v13 =	vor.u32 $0x7, v8  }
0x9c: {  	[tilespmem:s3+$0xFFFFF800] =	vst v9  }
0x9d: {  	v9 =	vld.idx.msk [tilespmem:v11+s21+$0x0], $0xffff  }
0x9e: {  	v11 =	vld.idx.msk [tilespmem:v12+s21+$0x0], $0xffff  }
0x9f: {  	v10 =	vld.idx.msk [tilespmem:v10+s21+$0x0], $0xffff  }
0xa0: {  	v12 =	vld.idx.msk [tilespmem:v13+s21+$0x0], $0xffff;
	_ =	sdelay $0x2  }
0xa1: {  	v13 =	vunpack.i.u.bf16.f32 v9;
	v9 =	vunpack.i.l.bf16.f32 v9  }
0xa2: {  	v14 =	vunpack.i.u.bf16.f32 v11;
	v11 =	vunpack.i.l.bf16.f32 v11;
	v13 =	vmul.f32 v13, v2  }
0xa3: {  	v15 =	vunpack.i.u.bf16.f32 v10;
	v11 =	vmul.f32 v11, v4;
	v14 =	vmul.f32 v14, v2  }
0xa4: {  	v9 =	vmul.f32 v9, v4;
	v16 =	vunpack.i.u.bf16.f32 v12;
	v12 =	vunpack.i.l.bf16.f32 v12  }
0xa5: {  	v11 =	vadd.f32 v11, v14;
	v12 =	vmul.f32 v12, v4;
	v14 =	vmul.f32 v16, v2  }
0xa6: {  	v10 =	vunpack.i.l.bf16.f32 v10;
	v15 =	vmul.f32 v15, v2;
	v9 =	vadd.f32 v9, v13  }
0xa7: {  	v10 =	vmul.f32 v10, v4;
	v12 =	vadd.f32 v12, v14  }
0xa8: {  	v11 =	vmul.f32 v11, v3  }
0xa9: {  	v10 =	vadd.f32 v10, v15;
	v9 =	vmul.f32 v9, v3;
	v12 =	vmul.f32 v12, v6;
	_ =	sdelay $0x1  }
0xaa: {  	v10 =	vmul.f32 v10, v6;
	v9 =	vadd.f32 v9, v12;
	_ =	sdelay $0x1  }
0xab: {  	v10 =	vadd.f32 v11, v10;
	v9 =	vmul.f32 v9, v5;
	_ =	sdelay $0x1  }
0xac: {  	v11 =	vor.u32 $0x2, v8;
	v10 =	vmul.f32 v10, v7  }
0xad: {  	v12 =	vor.u32 $0xB, v8  }
0xae: {  	v13 =	vor.u32 $0x8, v8;
	v9 =	vadd.f32 v9, v10  }
0xaf: {  	v8 =	vor.u32 $0x5, v8  }
0xb0: {  	[tilespmem:s3+$0x0] =	vst v9  }
0xb1: {  	v9 =	vld.idx.msk [tilespmem:v11+s21+$0x0], $0xffff  }
0xb2: {  	v10 =	vld.idx.msk [tilespmem:v12+s21+$0x0], $0xffff  }
0xb3: {  	v12 =	vld.idx.msk [tilespmem:v13+s21+$0x0], $0xffff  }
0xb4: {  	v11 =	vld.idx.msk [tilespmem:v8+s21+$0x0], $0xffff;
	_ =	sdelay $0x1  }
.Ltmp0:
0xb5: {  	(pc) =	sbr.rel @p1 .LBB2_3-.Ltmp0, $4  }
0xb6: {  	v13 =	vunpack.i.u.bf16.f32 v9;
	v8 =	vunpack.i.l.bf16.f32 v9  }
0xb7: {  	v8 =	vmul.f32 v8, v4;
	v14 =	vunpack.i.u.bf16.f32 v10;
	v9 =	vunpack.i.l.bf16.f32 v10  }
0xb8: {  	v15 =	vunpack.i.u.bf16.f32 v12;
	v9 =	vmul.f32 v9, v4;
	v10 =	vmul.f32 v14, v2  }
0xb9: {  	v13 =	vmul.f32 v13, v2;
	v14 =	vunpack.i.l.bf16.f32 v12;
	v12 =	vmul.f32 v15, v2  }
0xba: {  	v1 =	vunpack.i.u.bf16.f32 v11;
	v59 =	vunpack.i.l.bf16.f32 v11;
	v14 =	vmul.f32 v14, v4  }
0xbb: {  	v60 =	vmul.f32 v59, v4;
	v1 =	vmul.f32 v1, v2  }
0xbc: {  	v9 =	vadd.f32 v9, v10;
	v2 =	vadd.f32 v8, v13  }
0xbd: {  	v61 =	vadd.f32 v14, v12;
	v1 =	vadd.f32 v60, v1  }
0xbe: {  	v63 =	vmul.f32 v9, v3;
	v2 =	vmul.f32 v2, v6  }
0xbf: {  	v62 =	vmul.f32 v61, v6;
	v1 =	vmul.f32 v1, v3;
	_ =	sdelay $0x1  }
0xc0: {  	v3 =	vadd.f32 v63, v62;
	v1 =	vadd.f32 v1, v2;
	_ =	sdelay $0x1  }
0xc1: {  	v2 =	vmul.f32 v3, v5;
	v1 =	vmul.f32 v1, v7  }
0xc2: {  	s0 =	smul.u32 $0x6000, s30  }
0xc3: {  	v1 =	vadd.f32 v2, v1  }
0xc4: {  	s3 =	sshrl.u32 s22, $0x3;
	s0 =	sshrl.u32 s0, $0x2  }
0xc5: {  	p1 =	sne.s32 s29, $0x20;
	s19 =	sadd.s32 s8, s3;
	[tilespmem:s23+$0x800] =	vst v1;
	s23 =	sor.u32 $0x14000, s0  }
0xc6: {  	[hbm4b:s19+s2] =	stream.linear.scatter [tilespmem:s23], [sflag:s31], $0x800, $0x38;
	[tilespmem:$0x17000] =	vst v63  }
.Ltmp1:
0xc7: {  	_ = 	snop;
	(pc) =	sbr.rel @p1 .LBB2_2-.Ltmp1, $4  }
0xc8: {  	s24 =	sadd.s32 s10, s3;
	s30 =	sadd.s32 $0x14800, s0  }
0xc9: {  	[hbm4b:s24+s2] =	stream.linear.scatter [tilespmem:s30], [sflag:s31], $0x800, $0x38;
	[tilespmem:$0x17000] =	vst v63  }
0xca: {  	p0 =	por !p0, !p0;
	s3 =	sadd.s32 s11, s3;
	s0 =	sadd.s32 $0x15000, s0  }
0xcb: {  	[hbm4b:s3+s2] =	stream.linear.scatter [tilespmem:s0], [sflag:s31], $0x800, $0x38;
	[tilespmem:$0x17000] =	vst v63  }
0xcc: {  	_ =	swait.ge [sflag:s25], $0x800  }
0xcd: {  	[sflag:s25] =	ssyncset.done $0x0  }
0xce: {  	[sflag:s25] =	ssyncadd.s32 $0xFFFFF800  }
0xcf: {  	_ =	swait.ge [sflag:s25], $0x800  }
0xd0: {  	[sflag:s25] =	ssyncset.done $0x0  }
0xd1: {  	[sflag:s25] =	ssyncadd.s32 $0xFFFFF800  }
0xd2: {  	_ =	swait.ge [sflag:s25], $0x800  }
0xd3: {  	[sflag:s25] =	ssyncset.done $0x0  }
0xd4: {  	[sflag:s25] =	ssyncadd.s32 $0xFFFFF800  }
0xd5: {  	_ =	swait.ge [sflag:s26], $0x800  }
0xd6: {  	[sflag:s26] =	ssyncset.done $0x0  }
0xd7: {  	s28 =	sadd.s32 $0x1, s28;
	[sflag:s26] =	ssyncadd.s32 $0xFFFFF800  }
0xd8: {  	p0 =	sne.s32 s28, s18;
	_ =	swait.ge [sflag:s26], $0x800  }
.Ltmp2:
0xd9: {  	[sflag:s26] =	ssyncset.done $0x0;
	(pc) =	sbr.rel @p0 .LBB2_1-.Ltmp2, $4  }
0xda: {  	[sflag:s26] =	ssyncadd.s32 $0xFFFFF800  }
0xdb: {  	_ =	swait.ge [sflag:s26], $0x800  }
0xdc: {  	[sflag:s26] =	ssyncset.done $0x0  }
0xdd: {  	[sflag:s26] =	ssyncadd.s32 $0xFFFFF800  }
0xde: {  	_ =	sfence.sel $0x180000  }
0xdf: {  	[bflag:$0x0] =	sbarrier.arrive $0xFFFF  }
0xe0: {  	_ =	strace $0x9000004A  }
0xe1: {  	s0 =	stileid.u32;
	[bflag:$0x2] =	sbarrier.arrive $0xFFFF  }
0xe2: {  	p0 =	sne.s32 s0, $0x0;
	s0 =	rddreg [dreg:$0x2]  }
0xe3: {  	s0 =	sadd.s32 @!p0 $0x100000, s0  }
0xe4: {  	[sflag:s0] =	ssyncadd.tile.s32 @!p0 $0x1;
	_ =	shalt  }
.Lfunc_end2:
_tile_overlayer_lowered:
.L_overlay_start_2:
0xe5: {  	(tag) =	ssettag $0x2  }
0xe6: {  	s0 =	rddreg [dreg:$0x0];
	s2 =	stileid.u32  }
0xe7: {  	s1 =	rddreg [dreg:$0x1];
	p0 =	sne.s32 s2, $0x0  }
0xe8: {  	s3 =	rddreg [dreg:$0x2];
	[bflag:$0x3] =	sbarrier.arrive $0xFFFF;
	s2 =	simm.s32 @!p0 $0x1C09  }
0xe9: {  	[timem:s3], [sflag:s2] =	dma.local @!p0 [hbm:s0], s1  }
0xea: {  	s0 =	simm.s32 @!p0 $0x9  }
0xeb: {  	_ =	swait.ge @!p0 [sflag:s0], s1  }
0xec: {  	s1 =	ssub.s32 @!p0 $0x0, s1;
	[sflag:s0] =	ssyncset.done @!p0 $0x0  }
0xed: {  	[sflag:s0] =	ssyncadd.s32 @!p0 s1  }
0xee: {  	[bflag:$0x3] =	sbarrier.arrive $0xFFFF  }
0xef: {  	_ =	shalt  }

</sc_bundles>
